<compile_context>
chip_gen: v7x
topology: tpu7x:2x2x1
jax: 0.10.2.dev20260603
libtpu: 0.0.44.dev20260713+nightly
codegen_flags: <defaults>
</compile_context>

<pallas_src>
import functools

import jax
import jax.numpy as jnp
from jax import lax
from jax.experimental import pallas as pl
from jax.experimental.pallas import tpu as pltpu
from jax.experimental.pallas import tpu_sc as plsc

N = 10000
E = 160000
D = 256
N_PAD = 10240
N_PAD2 = 10496
E_PAD = 163840
NHALF = N_PAD // 2
EHALF = E_PAD // 2
CHUNK = 128
EDGES_PER_TILE = EHALF // 16
CHUNKS_PER_TILE = EDGES_PER_TILE // CHUNK
ROWS_PER_TILE = N_PAD // 16
ZBLK = 64
DEG_W = 8
DEG_EPT = E_PAD // 16
DEG_CHUNKS = DEG_EPT // CHUNK
DEG_ROWS = NHALF // 16
DEG_ACC_ROWS = NHALF + 8

_mesh = plsc.VectorSubcoreMesh(core_axis_name="c", subcore_axis_name="s")


@functools.partial(
    pl.kernel,
    out_type=jax.ShapeDtypeStruct((N_PAD, DEG_W), jnp.float32),
    mesh=_mesh,
    scratch_types=[
        pltpu.VMEM((DEG_EPT,), jnp.int32),
        pltpu.VMEM((DEG_CHUNKS, CHUNK), jnp.int32),
        pltpu.VMEM((CHUNK, DEG_W), jnp.float32),
        pltpu.VMEM((DEG_ROWS, DEG_W), jnp.float32),
        pltpu.VMEM_SHARED((DEG_ACC_ROWS, DEG_W), jnp.float32),
    ],
)
def _deg_kernel(dst_hbm, deg_hbm, dst_v, loc_v, ones_v, zero_v, acc):
    c = lax.axis_index("c")
    s = lax.axis_index("s")
    node_base = c * NHALF
    edge_base = s * DEG_EPT

    pltpu.sync_copy(dst_hbm.at[pl.ds(edge_base, DEG_EPT)], dst_v)

    @pl.loop(0, CHUNK)
    def _ones(i):
        ones_v[i] = jnp.full((DEG_W,), 1.0, jnp.float32)

    @pl.loop(0, DEG_ROWS)
    def _zeros(i):
        zero_v[i] = jnp.zeros((DEG_W,), jnp.float32)

    pltpu.sync_copy(zero_v, acc.at[pl.ds(s * DEG_ROWS, DEG_ROWS)])

    @pl.loop(0, DEG_CHUNKS)
    def _idx(j):
        @pl.loop(0, CHUNK // 16)
        def _idx16(i):
            v = dst_v[pl.ds(j * CHUNK + i * 16, 16)]
            loc = v - node_base
            ok = (loc >= 0) & (loc < NHALF)
            loc_v[j, pl.ds(i * 16, 16)] = jnp.where(ok, loc, NHALF)

    plsc.subcore_barrier()

    @pl.loop(0, DEG_CHUNKS)
    def _hist(j):
        pltpu.sync_copy(ones_v, acc.at[loc_v.at[j]], add=True)

    plsc.subcore_barrier()

    pltpu.sync_copy(
        acc.at[pl.ds(s * DEG_ROWS, DEG_ROWS)],
        deg_hbm.at[pl.ds(node_base + s * DEG_ROWS, DEG_ROWS)])


@functools.partial(
    pl.kernel,
    out_type=jax.ShapeDtypeStruct((2 * N_PAD2, D), jnp.float32),
    mesh=_mesh,
    scratch_types=[
        pltpu.VMEM((EDGES_PER_TILE,), jnp.int32),
        pltpu.VMEM((EDGES_PER_TILE,), jnp.int32),
        pltpu.VMEM((CHUNKS_PER_TILE, CHUNK), jnp.int32),
        pltpu.VMEM((CHUNK, D), jnp.float32),
        pltpu.VMEM((CHUNK, D), jnp.float32),
        pltpu.VMEM((ZBLK, D), jnp.float32),
        pltpu.SemaphoreType.DMA,
        pltpu.SemaphoreType.DMA,
        pltpu.SemaphoreType.DMA,
        pltpu.SemaphoreType.DMA,
    ],
)
def _agg_kernel(h_hbm, src_hbm, dst_hbm, o_hbm,
                src_v, dst_v, loc_v, msg0, msg1, zeros_v,
                g0, g1, s0, s1):
    c = lax.axis_index("c")
    s = lax.axis_index("s")
    edge_base = c * EHALF + s * EDGES_PER_TILE
    half_base = c * N_PAD2
    row0 = s * ROWS_PER_TILE

    pltpu.sync_copy(src_hbm.at[pl.ds(edge_base, EDGES_PER_TILE)], src_v)
    pltpu.sync_copy(dst_hbm.at[pl.ds(edge_base, EDGES_PER_TILE)], dst_v)

    @pl.loop(0, CHUNKS_PER_TILE)
    def _idx(j):
        @pl.loop(0, CHUNK // 16)
        def _idx16(i):
            v = dst_v[pl.ds(j * CHUNK + i * 16, 16)]
            loc_v[j, pl.ds(i * 16, 16)] = v + half_base

    @pl.when(c == 0)
    def _init_h():
        pltpu.sync_copy(
            h_hbm.at[pl.ds(row0, ROWS_PER_TILE)],
            o_hbm.at[pl.ds(row0, ROWS_PER_TILE)])

    @pl.when(c == 1)
    def _init_zero():
        @pl.loop(0, ZBLK)
        def _z(i):
            zeros_v[i] = jnp.zeros((D,), jnp.float32)

        @pl.loop(0, ROWS_PER_TILE // ZBLK)
        def _zi(i):
            pltpu.sync_copy(
                zeros_v, o_hbm.at[pl.ds(N_PAD2 + row0 + i * ZBLK, ZBLK)])

    plsc.subcore_barrier()

    NBUF = 2
    bufs = (msg0, msg1)
    gsems = (g0, g1)
    ssems = (s0, s1)

    def _gather(j, buf, sem):
        return pltpu.async_copy(
            h_hbm.at[src_v.at[pl.ds(j * CHUNK, CHUNK)]], buf, sem)

    def _wait_gather(j, buf, sem):
        pltpu.make_async_copy(
            h_hbm.at[src_v.at[pl.ds(j * CHUNK, CHUNK)]], buf, sem).wait()

    def _scatter(j, buf, sem):
        pltpu.async_copy(buf, o_hbm.at[loc_v.at[j]], sem, add=True)

    def _wait_scatter(j, buf, sem):
        pltpu.make_async_copy(buf, o_hbm.at[loc_v.at[j]], sem).wait()

    for b in range(NBUF):
        _gather(b, bufs[b], gsems[b])

    @pl.loop(0, CHUNKS_PER_TILE, step=NBUF)
    def _main(j):
        for b in range(NBUF):
            k = j + b
            _wait_gather(k, bufs[b], gsems[b])
            _scatter(k, bufs[b], ssems[b])

        for b in range(NBUF):
            k = j + b

            @pl.when(k + NBUF < CHUNKS_PER_TILE)
            def _next():
                _wait_scatter(k, bufs[b], ssems[b])
                _gather(k + NBUF, bufs[b], gsems[b])

    for b in range(NBUF):
        _wait_scatter(CHUNKS_PER_TILE - NBUF + b, bufs[b], ssems[b])


def _mm_first_body(x_ref, w_ref, deg_ref, o_ref):
    dis = lax.rsqrt(deg_ref[...] + 1.0)
    o_ref[...] = jnp.dot(x_ref[...], w_ref[...],
                         preferred_element_type=jnp.float32) * dis


def _mm_mid_body(a0_ref, a1_ref, w_ref, deg_ref, b_ref, o_ref):
    dis = lax.rsqrt(deg_ref[...] + 1.0)
    h = jnp.maximum(
        (a0_ref[...] + a1_ref[...]) * dis + b_ref[...], 0.0)
    o_ref[...] = jnp.dot(h, w_ref[...],
                         preferred_element_type=jnp.float32) * dis


def _epi_body(a0_ref, a1_ref, deg_ref, b_ref, o_ref):
    dis = lax.rsqrt(deg_ref[...] + 1.0)
    o_ref[...] = (a0_ref[...] + a1_ref[...]) * dis + b_ref[...]


_ROWS_BLK = 256
_GRID = (N_PAD // _ROWS_BLK,)
_HALF_BLKS = N_PAD2 // _ROWS_BLK
_xspec = pl.BlockSpec((_ROWS_BLK, D), lambda i: (i, 0))
_a0spec = pl.BlockSpec((_ROWS_BLK, D), lambda i: (i, 0))
_a1spec = pl.BlockSpec((_ROWS_BLK, D), lambda i: (i + _HALF_BLKS, 0))
_wspec = pl.BlockSpec((D, D), lambda i: (0, 0))
_dspec = pl.BlockSpec((_ROWS_BLK, 1), lambda i: (i, 0))
_bspec = pl.BlockSpec((1, D), lambda i: (0, 0))
_oshape = jax.ShapeDtypeStruct((N_PAD, D), jnp.float32)

_mm_first = pl.pallas_call(
    _mm_first_body, grid=_GRID,
    in_specs=[_xspec, _wspec, _dspec],
    out_specs=_xspec, out_shape=_oshape)

_mm_mid = pl.pallas_call(
    _mm_mid_body, grid=_GRID,
    in_specs=[_a0spec, _a1spec, _wspec, _dspec, _bspec],
    out_specs=_xspec, out_shape=_oshape)

_epi = pl.pallas_call(
    _epi_body, grid=_GRID,
    in_specs=[_a0spec, _a1spec, _dspec, _bspec],
    out_specs=_xspec, out_shape=_oshape)


def kernel(x, edge_index, W1, b1, W2, b2, W3, b3):
    src = edge_index[0]
    dst = edge_index[1]
    pad = E_PAD - E
    src_p = jnp.concatenate([src, jnp.zeros((pad,), src.dtype)])
    dst_p = jnp.concatenate(
        [dst, N_PAD + (jnp.arange(pad, dtype=dst.dtype) % 256)])
    x_p = jnp.pad(x, ((0, N_PAD - N), (0, 0)))

    deg = _deg_kernel(dst_p)[:, :1]
    b1r = b1.reshape(1, D)
    b2r = b2.reshape(1, D)
    b3r = b3.reshape(1, D)

    h = _mm_first(x_p, W1, deg)
    a = _agg_kernel(h, src_p, dst_p)
    h = _mm_mid(a, a, W2, deg, b1r)
    a = _agg_kernel(h, src_p, dst_p)
    h = _mm_mid(a, a, W3, deg, b2r)
    a = _agg_kernel(h, src_p, dst_p)
    out = _epi(a, a, deg, b3r)
    return out[:N]

# --- scband reference (transcript-rebuilt; emitter-appended) ---
"""Pipeline reference for scband-gcn-20667382629164 (READ-ONLY COPY).

The authoritative reference and input builder live on the scoring server;
editing this copy changes nothing except your own understanding.
"""

import jax, jax.numpy as jnp
import numpy as np

N = 10000
E = 160000
D_IN = 256
D_HID = 256
D_OUT = 256


def gcn_conv(x, src, dst, W, b, n):
    # GCNConv with normalize=True, self-loops already appended to (src, dst)
    h = x @ W
    deg = jnp.zeros((n,), dtype=h.dtype).at[dst].add(1.0)
    dis = jnp.where(deg > 0, jax.lax.rsqrt(jnp.where(deg > 0, deg, 1.0)), 0.0)
    norm = dis[src] * dis[dst]
    msgs = h[src] * norm[:, None]
    out = jnp.zeros((n, h.shape[1]), dtype=h.dtype).at[dst].add(msgs)
    return out + b


def setup_inputs(seed: int = 0):
    key = jax.random.key(seed)
    ks = jax.random.split(key, 8)
    x = jax.random.normal(ks[0], (N, D_IN), dtype=jnp.float32)
    edge_index = jax.random.randint(ks[1], (2, E), 0, N, dtype=jnp.int32)
    W1 = jax.random.normal(ks[2], (D_IN, D_HID), dtype=jnp.float32) * (1.0 / np.sqrt(D_IN))
    b1 = jnp.zeros((D_HID,), dtype=jnp.float32)
    W2 = jax.random.normal(ks[3], (D_HID, D_HID), dtype=jnp.float32) * (1.0 / np.sqrt(D_HID))
    b2 = jnp.zeros((D_HID,), dtype=jnp.float32)
    W3 = jax.random.normal(ks[4], (D_HID, D_OUT), dtype=jnp.float32) * (1.0 / np.sqrt(D_HID))
    b3 = jnp.zeros((D_OUT,), dtype=jnp.float32)
    return {"x": x, "edge_index": edge_index, "W1": W1, "b1": b1, "W2": W2, "b2": b2, "W3": W3, "b3": b3}


def reference(x, edge_index, W1, b1, W2, b2, W3, b3):
    # add self loops once; same graph reused by every layer
    loop = jnp.arange(N, dtype=edge_index.dtype)
    src = jnp.concatenate([edge_index[0], loop])
    dst = jnp.concatenate([edge_index[1], loop])
    # layer 1 (in -> hidden) + relu; dropout is identity in eval mode
    h = jax.nn.relu(gcn_conv(x, src, dst, W1, b1, N))
    # layer 2 (hidden -> hidden) + relu
    h = jax.nn.relu(gcn_conv(h, src, dst, W2, b2, N))
    # out_conv (hidden -> out), no activation
    out = gcn_conv(h, src, dst, W3, b3, N)
    return out

if __name__ == "__main__":
    import jax
    _d = setup_inputs()
    print(jax.jit(kernel)(*tuple(_d.values())))

</pallas_src>

<mosaic_0001>
#map = affine_map<(d0, d1) -> (0)>
#map1 = affine_map<(d0, d1) -> (0, 0)>
module attributes {stable_mosaic.version = 14 : i64} {
  func.func @_deg_kernel(%arg0: i32, %arg1: i32, %arg2: memref<163840xi32, #tpu.memory_space<hbm>>, %arg3: memref<10240x8xf32, #tpu.memory_space<hbm>>, %arg4: memref<10240xi32, #tpu.memory_space<vmem>>, %arg5: memref<80x128xi32, #tpu.memory_space<vmem>>, %arg6: memref<128x8xf32, #tpu.memory_space<vmem>>, %arg7: memref<320x8xf32, #tpu.memory_space<vmem>>, %arg8: memref<5128x8xf32, #tpu.memory_space<vmem_shared>>) attributes {dimension_semantics = [#tpu.dimension_semantics<core_parallel>, #tpu.dimension_semantics<subcore_parallel>], iteration_bounds = array<i64: 2, 16>, scalar_prefetch = 0 : i64, scratch_operands = 5 : i64, tpu.core_type = #tpu.core_type<sc_vector_subcore>, window_params = [{transform_indices = #map}, {transform_indices = #map1}]} {
    %mul3A = arith.constant 5120 : i32
    %mul3A_0 = arith.muli %arg0, %mul3A : i32
    %mul3A_1 = arith.constant 10240 : i32
    %mul3A_2 = arith.muli %arg1, %mul3A_1 : i32
    "tpu.region"() ({
      %run_scoped3A = tpu.sem_alloc : memref<!tpu.dma_semaphore, #tpu.memory_space<semaphore_mem>>
      %dma_start3A = tpu.memref_slice %arg2[%mul3A_2] : memref<163840xi32, #tpu.memory_space<hbm>> -> memref<10240xi32, #tpu.memory_space<hbm>>
      %dma_start3A_29 = tpu.memref_slice %arg2[%mul3A_2] : memref<163840xi32, #tpu.memory_space<hbm>> -> memref<10240xi32, #tpu.memory_space<hbm>>
      tpu.enqueue_dma source(%dma_start3A_29 : memref<10240xi32, #tpu.memory_space<hbm>>) target(%arg4 : memref<10240xi32, #tpu.memory_space<vmem>>) target_semaphore(%run_scoped3A : memref<!tpu.dma_semaphore, #tpu.memory_space<semaphore_mem>>)
      %dma_wait3A = tpu.memref_slice %arg2[%mul3A_2] : memref<163840xi32, #tpu.memory_space<hbm>> -> memref<10240xi32, #tpu.memory_space<hbm>>
      %dma_wait3A_30 = tpu.memref_slice %arg2[%mul3A_2] : memref<163840xi32, #tpu.memory_space<hbm>> -> memref<10240xi32, #tpu.memory_space<hbm>>
      tpu.wait_dma2 semaphore(%run_scoped3A : memref<!tpu.dma_semaphore, #tpu.memory_space<semaphore_mem>>) src(%dma_wait3A_30 : memref<10240xi32, #tpu.memory_space<hbm>>) dst(%arg4 : memref<10240xi32, #tpu.memory_space<vmem>>)
      tpu.yield
    }) : () -> ()
    %scan3A = arith.constant 0 : i32
    %scan3A_3 = arith.constant 128 : i32
    %scan3A_4 = arith.addi %scan3A, %scan3A_3 : i32
    %scan3A_5 = arith.constant 1 : i32
    scf.for %scan3A_29 = %scan3A to %scan3A_4 step %scan3A_5  : i32 {
      %mul3A_30 = arith.constant 1 : i32
      %mul3A_31 = arith.muli %scan3A_29, %mul3A_30 : i32
      %add3A_32 = arith.constant 0 : i32
      %add3A_33 = arith.addi %add3A_32, %mul3A_31 : i32
      %broadcast_in_dim3A = arith.constant 1.000000e+00 : f32
      %broadcast_in_dim3A_34 = vector.broadcast %broadcast_in_dim3A : f32 to vector<8xf32>
      %swap3A = arith.index_cast %add3A_33 : i32 to index
      %swap3A_35 = arith.constant 0 : index
      %swap3A_36 = tpu.vector_load %arg6[%swap3A, %swap3A_35] {strides = array<i32>} : memref<128x8xf32, #tpu.memory_space<vmem>>, vector<1x8xf32>,
      %swap3A_37 = vector.shape_cast %swap3A_36 : vector<1x8xf32> to vector<8xf32>
      %swap3A_38 = vector.shape_cast %broadcast_in_dim3A_34 : vector<8xf32> to vector<1x8xf32>
      tpu.vector_store %arg6[%swap3A, %swap3A_35], %swap3A_38 {strides = array<i32>} : memref<128x8xf32, #tpu.memory_space<vmem>>, vector<1x8xf32>,
    }
    %scan3A_6 = arith.constant 128 : i32
    %scan3A_7 = arith.constant 0 : i32
    %scan3A_8 = arith.constant 320 : i32
    %scan3A_9 = arith.addi %scan3A_7, %scan3A_8 : i32
    %scan3A_10 = arith.constant 1 : i32
    scf.for %scan3A_29 = %scan3A_7 to %scan3A_9 step %scan3A_10  : i32 {
      %mul3A_30 = arith.constant 1 : i32
      %mul3A_31 = arith.muli %scan3A_29, %mul3A_30 : i32
      %add3A_32 = arith.constant 0 : i32
      %add3A_33 = arith.addi %add3A_32, %mul3A_31 : i32
      %broadcast_in_dim3A = arith.constant 0.000000e+00 : f32
      %broadcast_in_dim3A_34 = vector.broadcast %broadcast_in_dim3A : f32 to vector<8xf32>
      %swap3A = arith.index_cast %add3A_33 : i32 to index
      %swap3A_35 = arith.constant 0 : index
      %swap3A_36 = tpu.vector_load %arg7[%swap3A, %swap3A_35] {strides = array<i32>} : memref<320x8xf32, #tpu.memory_space<vmem>>, vector<1x8xf32>,
      %swap3A_37 = vector.shape_cast %swap3A_36 : vector<1x8xf32> to vector<8xf32>
      %swap3A_38 = vector.shape_cast %broadcast_in_dim3A_34 : vector<8xf32> to vector<1x8xf32>
      tpu.vector_store %arg7[%swap3A, %swap3A_35], %swap3A_38 {strides = array<i32>} : memref<320x8xf32, #tpu.memory_space<vmem>>, vector<1x8xf32>,
    }
    %scan3A_11 = arith.constant 320 : i32
    %mul3A_12 = arith.constant 320 : i32
    %mul3A_13 = arith.muli %arg1, %mul3A_12 : i32
    "tpu.region"() ({
      %run_scoped3A = tpu.sem_alloc : memref<!tpu.dma_semaphore, #tpu.memory_space<semaphore_mem>>
      %dma_start3A = arith.constant 0 : i32
      %dma_start3A_29 = tpu.memref_slice %arg8[%mul3A_13, %dma_start3A] : memref<5128x8xf32, #tpu.memory_space<vmem_shared>> -> memref<320x8xf32, #tpu.memory_space<vmem_shared>>
      %dma_start3A_30 = arith.constant 0 : i32
      %dma_start3A_31 = tpu.memref_slice %arg8[%mul3A_13, %dma_start3A_30] : memref<5128x8xf32, #tpu.memory_space<vmem_shared>> -> memref<320x8xf32, #tpu.memory_space<vmem_shared>>
      tpu.enqueue_dma source(%arg7 : memref<320x8xf32, #tpu.memory_space<vmem>>) target(%dma_start3A_31 : memref<320x8xf32, #tpu.memory_space<vmem_shared>>) target_semaphore(%run_scoped3A : memref<!tpu.dma_semaphore, #tpu.memory_space<semaphore_mem>>)
      %dma_wait3A = arith.constant 0 : i32
      %dma_wait3A_32 = tpu.memref_slice %arg8[%mul3A_13, %dma_wait3A] : memref<5128x8xf32, #tpu.memory_space<vmem_shared>> -> memref<320x8xf32, #tpu.memory_space<vmem_shared>>
      %dma_wait3A_33 = arith.constant 0 : i32
      %dma_wait3A_34 = tpu.memref_slice %arg8[%mul3A_13, %dma_wait3A_33] : memref<5128x8xf32, #tpu.memory_space<vmem_shared>> -> memref<320x8xf32, #tpu.memory_space<vmem_shared>>
      tpu.wait_dma2 semaphore(%run_scoped3A : memref<!tpu.dma_semaphore, #tpu.memory_space<semaphore_mem>>) src(%arg7 : memref<320x8xf32, #tpu.memory_space<vmem>>) dst(%dma_wait3A_34 : memref<320x8xf32, #tpu.memory_space<vmem_shared>>)
      tpu.yield
    }) : () -> ()
    %scan3A_14 = arith.constant 0 : i32
    %scan3A_15 = arith.constant 80 : i32
    %scan3A_16 = arith.addi %scan3A_14, %scan3A_15 : i32
    %scan3A_17 = arith.constant 1 : i32
    scf.for %scan3A_29 = %scan3A_14 to %scan3A_16 step %scan3A_17  : i32 {
      %mul3A_30 = arith.constant 1 : i32
      %mul3A_31 = arith.muli %scan3A_29, %mul3A_30 : i32
      %add3A_32 = arith.constant 0 : i32
      %add3A_33 = arith.addi %add3A_32, %mul3A_31 : i32
      %scan3A_34 = arith.constant 0 : i32
      %scan3A_35 = arith.constant 8 : i32
      %scan3A_36 = arith.addi %scan3A_34, %scan3A_35 : i32
      %scan3A_37 = arith.constant 1 : i32
      scf.for %scan3A_39 = %scan3A_34 to %scan3A_36 step %scan3A_37  : i32 {
        %mul3A_40 = arith.constant 1 : i32
        %mul3A_41 = arith.muli %scan3A_39, %mul3A_40 : i32
        %add3A_42 = arith.constant 0 : i32
        %add3A_43 = arith.addi %add3A_42, %mul3A_41 : i32
        %mul3A_44 = arith.constant 128 : i32
        %mul3A_45 = arith.muli %add3A_33, %mul3A_44 : i32
        %mul3A_46 = arith.constant 16 : i32
        %mul3A_47 = arith.muli %add3A_43, %mul3A_46 : i32
        %add3A_48 = arith.addi %mul3A_45, %mul3A_47 : i32
        %get3A = arith.index_cast %add3A_48 : i32 to index
        %get3A_49 = tpu.vector_load %arg4[%get3A] {strides = array<i32>} : memref<10240xi32, #tpu.memory_space<vmem>>, vector<16xi32>,
        %get3A_50 = vector.shape_cast %get3A_49 : vector<16xi32> to vector<16xi32>
        %sub3A = vector.broadcast %mul3A_0 : i32 to vector<16xi32>
        %sub3A_51 = arith.subi %get3A_50, %sub3A : vector<16xi32>
        %ge3A = arith.constant 0 : i32
        %ge3A_52 = vector.broadcast %ge3A : i32 to vector<16xi32>
        %ge3A_53 = arith.cmpi sge, %sub3A_51, %ge3A_52 : vector<16xi32>
        %lt3A = arith.constant 5120 : i32
        %lt3A_54 = vector.broadcast %lt3A : i32 to vector<16xi32>
        %lt3A_55 = arith.cmpi slt, %sub3A_51, %lt3A_54 : vector<16xi32>
        %and3A = arith.andi %ge3A_53, %lt3A_55 : vector<16xi1>
        %jit3A = arith.constant 5120 : i32
        %broadcast_in_dim3A = vector.broadcast %jit3A : i32 to vector<16xi32>
        %select_n3A = arith.select %and3A, %sub3A_51, %broadcast_in_dim3A : vector<16xi1>, vector<16xi32>
        %mul3A_56 = arith.constant 16 : i32
        %mul3A_57 = arith.muli %add3A_43, %mul3A_56 : i32
        %swap3A = arith.index_cast %add3A_33 : i32 to index
        %swap3A_58 = arith.index_cast %mul3A_57 : i32 to index
        %swap3A_59 = tpu.vector_load %arg5[%swap3A, %swap3A_58] {strides = array<i32>} : memref<80x128xi32, #tpu.memory_space<vmem>>, vector<1x16xi32>,
        %swap3A_60 = vector.shape_cast %swap3A_59 : vector<1x16xi32> to vector<16xi32>
        %swap3A_61 = vector.shape_cast %select_n3A : vector<16xi32> to vector<1x16xi32>
        tpu.vector_store %arg5[%swap3A, %swap3A_58], %swap3A_61 {strides = array<i32>} : memref<80x128xi32, #tpu.memory_space<vmem>>, vector<1x16xi32>,
      }
      %scan3A_38 = arith.constant 8 : i32
    }
    %scan3A_18 = arith.constant 80 : i32
    %barrier3A = arith.constant 0 : index
    tpu.barrier barrier_id(%barrier3A)
    %scan3A_19 = arith.constant 0 : i32
    %scan3A_20 = arith.constant 80 : i32
    %scan3A_21 = arith.addi %scan3A_19, %scan3A_20 : i32
    %scan3A_22 = arith.constant 1 : i32
    scf.for %scan3A_29 = %scan3A_19 to %scan3A_21 step %scan3A_22  : i32 {
      %mul3A_30 = arith.constant 1 : i32
      %mul3A_31 = arith.muli %scan3A_29, %mul3A_30 : i32
      %add3A_32 = arith.constant 0 : i32
      %add3A_33 = arith.addi %add3A_32, %mul3A_31 : i32
      "tpu.region"() ({
        %run_scoped3A = tpu.sem_alloc : memref<!tpu.dma_semaphore, #tpu.memory_space<semaphore_mem>>
        %dma_start3A = arith.constant 0 : i32
        %dma_start3A_34 = tpu.memref_slice %arg5[%add3A_33, %dma_start3A] : memref<80x128xi32, #tpu.memory_space<vmem>> -> memref<1x128xi32, #tpu.memory_space<vmem>>
        %dma_start3A_35 = tpu.memref_squeeze %dma_start3A_34 : memref<1x128xi32, #tpu.memory_space<vmem>> -> memref<128xi32, #tpu.memory_space<vmem>>
        %dma_start3A_36 = arith.constant 0 : i32
        %dma_start3A_37 = arith.constant 0 : i32
        %dma_start3A_38 = tpu.memref_slice %arg8[%dma_start3A_36, %dma_start3A_37] : memref<5128x8xf32, #tpu.memory_space<vmem_shared>> -> memref<5128x8xf32, #tpu.memory_space<vmem_shared>>
        tpu.enqueue_indirect_dma source(%arg6 : memref<128x8xf32, #tpu.memory_space<vmem>>) target(%dma_start3A_38 : memref<5128x8xf32, #tpu.memory_space<vmem_shared>>) offsets(%dma_start3A_35 : memref<128xi32, #tpu.memory_space<vmem>>) semaphore(%run_scoped3A : memref<!tpu.dma_semaphore, #tpu.memory_space<semaphore_mem>>) {add = true}
        %dma_wait3A = arith.constant 0 : i32
        %dma_wait3A_39 = tpu.memref_slice %arg5[%add3A_33, %dma_wait3A] : memref<80x128xi32, #tpu.memory_space<vmem>> -> memref<1x128xi32, #tpu.memory_space<vmem>>
        %dma_wait3A_40 = tpu.memref_squeeze %dma_wait3A_39 : memref<1x128xi32, #tpu.memory_space<vmem>> -> memref<128xi32, #tpu.memory_space<vmem>>
        %dma_wait3A_41 = arith.constant 0 : i32
        %dma_wait3A_42 = arith.constant 0 : i32
        %dma_wait3A_43 = tpu.memref_slice %arg8[%dma_wait3A_41, %dma_wait3A_42] : memref<5128x8xf32, #tpu.memory_space<vmem_shared>> -> memref<5128x8xf32, #tpu.memory_space<vmem_shared>>
        tpu.wait_indirect_dma semaphore(%run_scoped3A : memref<!tpu.dma_semaphore, #tpu.memory_space<semaphore_mem>>) src(%arg6 : memref<128x8xf32, #tpu.memory_space<vmem>>) dst(%dma_wait3A_43 : memref<5128x8xf32, #tpu.memory_space<vmem_shared>>)
        tpu.yield
      }) : () -> ()
    }
    %scan3A_23 = arith.constant 80 : i32
    %barrier3A_24 = arith.constant 0 : index
    tpu.barrier barrier_id(%barrier3A_24)
    %mul3A_25 = arith.constant 320 : i32
    %mul3A_26 = arith.muli %arg1, %mul3A_25 : i32
    %mul3A_27 = arith.constant 320 : i32
    %mul3A_28 = arith.muli %arg1, %mul3A_27 : i32
    %add3A = arith.addi %mul3A_0, %mul3A_28 : i32
    "tpu.region"() ({
      %run_scoped3A = tpu.sem_alloc : memref<!tpu.dma_semaphore, #tpu.memory_space<semaphore_mem>>
      %dma_start3A = arith.constant 0 : i32
      %dma_start3A_29 = tpu.memref_slice %arg3[%add3A, %dma_start3A] : memref<10240x8xf32, #tpu.memory_space<hbm>> -> memref<320x8xf32, #tpu.memory_space<hbm>>
      %dma_start3A_30 = arith.constant 0 : i32
      %dma_start3A_31 = tpu.memref_slice %arg8[%mul3A_26, %dma_start3A_30] : memref<5128x8xf32, #tpu.memory_space<vmem_shared>> -> memref<320x8xf32, #tpu.memory_space<vmem_shared>>
      tpu.enqueue_dma source(%dma_start3A_31 : memref<320x8xf32, #tpu.memory_space<vmem_shared>>) target(%dma_start3A_29 : memref<320x8xf32, #tpu.memory_space<hbm>>) target_semaphore(%run_scoped3A : memref<!tpu.dma_semaphore, #tpu.memory_space<semaphore_mem>>)
      %dma_wait3A = arith.constant 0 : i32
      %dma_wait3A_32 = tpu.memref_slice %arg3[%add3A, %dma_wait3A] : memref<10240x8xf32, #tpu.memory_space<hbm>> -> memref<320x8xf32, #tpu.memory_space<hbm>>
      %dma_wait3A_33 = arith.constant 0 : i32
      %dma_wait3A_34 = tpu.memref_slice %arg8[%mul3A_26, %dma_wait3A_33] : memref<5128x8xf32, #tpu.memory_space<vmem_shared>> -> memref<320x8xf32, #tpu.memory_space<vmem_shared>>
      tpu.wait_dma2 semaphore(%run_scoped3A : memref<!tpu.dma_semaphore, #tpu.memory_space<semaphore_mem>>) src(%dma_wait3A_34 : memref<320x8xf32, #tpu.memory_space<vmem_shared>>) dst(%dma_wait3A_32 : memref<320x8xf32, #tpu.memory_space<hbm>>)
      tpu.yield
    }) : () -> ()
    return
  }
}

#map = affine_map<(d0, d1) -> (0, 0)>
#map1 = affine_map<(d0, d1) -> (0)>
module attributes {stable_mosaic.version = 14 : i64} {
  func.func @_agg_kernel(%arg0: i32, %arg1: i32, %arg2: memref<10240x256xf32, #tpu.memory_space<hbm>>, %arg3: memref<163840xi32, #tpu.memory_space<hbm>>, %arg4: memref<163840xi32, #tpu.memory_space<hbm>>, %arg5: memref<20992x256xf32, #tpu.memory_space<hbm>>, %arg6: memref<5120xi32, #tpu.memory_space<vmem>>, %arg7: memref<5120xi32, #tpu.memory_space<vmem>>, %arg8: memref<40x128xi32, #tpu.memory_space<vmem>>, %arg9: memref<128x256xf32, #tpu.memory_space<vmem>>, %arg10: memref<128x256xf32, #tpu.memory_space<vmem>>, %arg11: memref<64x256xf32, #tpu.memory_space<vmem>>, %arg12: memref<!tpu.dma_semaphore, #tpu.memory_space<semaphore_mem>>, %arg13: memref<!tpu.dma_semaphore, #tpu.memory_space<semaphore_mem>>, %arg14: memref<!tpu.dma_semaphore, #tpu.memory_space<semaphore_mem>>, %arg15: memref<!tpu.dma_semaphore, #tpu.memory_space<semaphore_mem>>) attributes {dimension_semantics = [#tpu.dimension_semantics<core_parallel>, #tpu.dimension_semantics<subcore_parallel>], iteration_bounds = array<i64: 2, 16>, scalar_prefetch = 0 : i64, scratch_operands = 10 : i64, tpu.core_type = #tpu.core_type<sc_vector_subcore>, window_params = [{transform_indices = #map}, {transform_indices = #map1}, {transform_indices = #map1}, {transform_indices = #map}]} {
    %mul3A = arith.constant 81920 : i32
    %mul3A_0 = arith.muli %arg0, %mul3A : i32
    %mul3A_1 = arith.constant 5120 : i32
    %mul3A_2 = arith.muli %arg1, %mul3A_1 : i32
    %add3A = arith.addi %mul3A_0, %mul3A_2 : i32
    %mul3A_3 = arith.constant 10496 : i32
    %mul3A_4 = arith.muli %arg0, %mul3A_3 : i32
    %mul3A_5 = arith.constant 640 : i32
    %mul3A_6 = arith.muli %arg1, %mul3A_5 : i32
    "tpu.region"() ({
      %run_scoped3A = tpu.sem_alloc : memref<!tpu.dma_semaphore, #tpu.memory_space<semaphore_mem>>
      %dma_start3A_45 = tpu.memref_slice %arg3[%add3A] : memref<163840xi32, #tpu.memory_space<hbm>> -> memref<5120xi32, #tpu.memory_space<hbm>>
      %dma_start3A_46 = tpu.memref_slice %arg3[%add3A] : memref<163840xi32, #tpu.memory_space<hbm>> -> memref<5120xi32, #tpu.memory_space<hbm>>
      tpu.enqueue_dma source(%dma_start3A_46 : memref<5120xi32, #tpu.memory_space<hbm>>) target(%arg6 : memref<5120xi32, #tpu.memory_space<vmem>>) target_semaphore(%run_scoped3A : memref<!tpu.dma_semaphore, #tpu.memory_space<semaphore_mem>>)
      %dma_wait3A_47 = tpu.memref_slice %arg3[%add3A] : memref<163840xi32, #tpu.memory_space<hbm>> -> memref<5120xi32, #tpu.memory_space<hbm>>
      %dma_wait3A_48 = tpu.memref_slice %arg3[%add3A] : memref<163840xi32, #tpu.memory_space<hbm>> -> memref<5120xi32, #tpu.memory_space<hbm>>
      tpu.wait_dma2 semaphore(%run_scoped3A : memref<!tpu.dma_semaphore, #tpu.memory_space<semaphore_mem>>) src(%dma_wait3A_48 : memref<5120xi32, #tpu.memory_space<hbm>>) dst(%arg6 : memref<5120xi32, #tpu.memory_space<vmem>>)
      tpu.yield
    }) : () -> ()
    "tpu.region"() ({
      %run_scoped3A = tpu.sem_alloc : memref<!tpu.dma_semaphore, #tpu.memory_space<semaphore_mem>>
      %dma_start3A_45 = tpu.memref_slice %arg4[%add3A] : memref<163840xi32, #tpu.memory_space<hbm>> -> memref<5120xi32, #tpu.memory_space<hbm>>
      %dma_start3A_46 = tpu.memref_slice %arg4[%add3A] : memref<163840xi32, #tpu.memory_space<hbm>> -> memref<5120xi32, #tpu.memory_space<hbm>>
      tpu.enqueue_dma source(%dma_start3A_46 : memref<5120xi32, #tpu.memory_space<hbm>>) target(%arg7 : memref<5120xi32, #tpu.memory_space<vmem>>) target_semaphore(%run_scoped3A : memref<!tpu.dma_semaphore, #tpu.memory_space<semaphore_mem>>)
      %dma_wait3A_47 = tpu.memref_slice %arg4[%add3A] : memref<163840xi32, #tpu.memory_space<hbm>> -> memref<5120xi32, #tpu.memory_space<hbm>>
      %dma_wait3A_48 = tpu.memref_slice %arg4[%add3A] : memref<163840xi32, #tpu.memory_space<hbm>> -> memref<5120xi32, #tpu.memory_space<hbm>>
      tpu.wait_dma2 semaphore(%run_scoped3A : memref<!tpu.dma_semaphore, #tpu.memory_space<semaphore_mem>>) src(%dma_wait3A_48 : memref<5120xi32, #tpu.memory_space<hbm>>) dst(%arg7 : memref<5120xi32, #tpu.memory_space<vmem>>)
      tpu.yield
    }) : () -> ()
    %scan3A = arith.constant 0 : i32
    %scan3A_7 = arith.constant 40 : i32
    %scan3A_8 = arith.addi %scan3A, %scan3A_7 : i32
    %scan3A_9 = arith.constant 1 : i32
    scf.for %scan3A_45 = %scan3A to %scan3A_8 step %scan3A_9  : i32 {
      %mul3A_46 = arith.constant 1 : i32
      %mul3A_47 = arith.muli %scan3A_45, %mul3A_46 : i32
      %add3A_48 = arith.constant 0 : i32
      %add3A_49 = arith.addi %add3A_48, %mul3A_47 : i32
      %scan3A_50 = arith.constant 0 : i32
      %scan3A_51 = arith.constant 8 : i32
      %scan3A_52 = arith.addi %scan3A_50, %scan3A_51 : i32
      %scan3A_53 = arith.constant 1 : i32
      scf.for %scan3A_55 = %scan3A_50 to %scan3A_52 step %scan3A_53  : i32 {
        %mul3A_56 = arith.constant 1 : i32
        %mul3A_57 = arith.muli %scan3A_55, %mul3A_56 : i32
        %add3A_58 = arith.constant 0 : i32
        %add3A_59 = arith.addi %add3A_58, %mul3A_57 : i32
        %mul3A_60 = arith.constant 128 : i32
        %mul3A_61 = arith.muli %add3A_49, %mul3A_60 : i32
        %mul3A_62 = arith.constant 16 : i32
        %mul3A_63 = arith.muli %add3A_59, %mul3A_62 : i32
        %add3A_64 = arith.addi %mul3A_61, %mul3A_63 : i32
        %get3A = arith.index_cast %add3A_64 : i32 to index
        %get3A_65 = tpu.vector_load %arg7[%get3A] {strides = array<i32>} : memref<5120xi32, #tpu.memory_space<vmem>>, vector<16xi32>,
        %get3A_66 = vector.shape_cast %get3A_65 : vector<16xi32> to vector<16xi32>
        %add3A_67 = vector.broadcast %mul3A_4 : i32 to vector<16xi32>
        %add3A_68 = arith.addi %get3A_66, %add3A_67 : vector<16xi32>
        %mul3A_69 = arith.constant 16 : i32
        %mul3A_70 = arith.muli %add3A_59, %mul3A_69 : i32
        %swap3A = arith.index_cast %add3A_49 : i32 to index
        %swap3A_71 = arith.index_cast %mul3A_70 : i32 to index
        %swap3A_72 = tpu.vector_load %arg8[%swap3A, %swap3A_71] {strides = array<i32>} : memref<40x128xi32, #tpu.memory_space<vmem>>, vector<1x16xi32>,
        %swap3A_73 = vector.shape_cast %swap3A_72 : vector<1x16xi32> to vector<16xi32>
        %swap3A_74 = vector.shape_cast %add3A_68 : vector<16xi32> to vector<1x16xi32>
        tpu.vector_store %arg8[%swap3A, %swap3A_71], %swap3A_74 {strides = array<i32>} : memref<40x128xi32, #tpu.memory_space<vmem>>, vector<1x16xi32>,
      }
      %scan3A_54 = arith.constant 8 : i32
    }
    %scan3A_10 = arith.constant 40 : i32
    %eq3A = arith.constant 0 : i32
    %eq3A_11 = arith.cmpi eq, %arg0, %eq3A : i32
    %convert_element_type3A = arith.extui %eq3A_11 : i1 to i32
    %cond3A = arith.constant 0 : i32
    %cond3A_12 = arith.cmpi ne, %convert_element_type3A, %cond3A : i32
    scf.if %cond3A_12 {
      "tpu.region"() ({
        %run_scoped3A = tpu.sem_alloc : memref<!tpu.dma_semaphore, #tpu.memory_space<semaphore_mem>>
        %dma_start3A_45 = arith.constant 0 : i32
        %dma_start3A_46 = tpu.memref_slice %arg5[%mul3A_6, %dma_start3A_45] : memref<20992x256xf32, #tpu.memory_space<hbm>> -> memref<640x256xf32, #tpu.memory_space<hbm>>
        %dma_start3A_47 = arith.constant 0 : i32
        %dma_start3A_48 = tpu.memref_slice %arg2[%mul3A_6, %dma_start3A_47] : memref<10240x256xf32, #tpu.memory_space<hbm>> -> memref<640x256xf32, #tpu.memory_space<hbm>>
        tpu.enqueue_dma source(%dma_start3A_48 : memref<640x256xf32, #tpu.memory_space<hbm>>) target(%dma_start3A_46 : memref<640x256xf32, #tpu.memory_space<hbm>>) target_semaphore(%run_scoped3A : memref<!tpu.dma_semaphore, #tpu.memory_space<semaphore_mem>>)
        %dma_wait3A_49 = arith.constant 0 : i32
        %dma_wait3A_50 = tpu.memref_slice %arg5[%mul3A_6, %dma_wait3A_49] : memref<20992x256xf32, #tpu.memory_space<hbm>> -> memref<640x256xf32, #tpu.memory_space<hbm>>
        %dma_wait3A_51 = arith.constant 0 : i32
        %dma_wait3A_52 = tpu.memref_slice %arg2[%mul3A_6, %dma_wait3A_51] : memref<10240x256xf32, #tpu.memory_space<hbm>> -> memref<640x256xf32, #tpu.memory_space<hbm>>
        tpu.wait_dma2 semaphore(%run_scoped3A : memref<!tpu.dma_semaphore, #tpu.memory_space<semaphore_mem>>) src(%dma_wait3A_52 : memref<640x256xf32, #tpu.memory_space<hbm>>) dst(%dma_wait3A_50 : memref<640x256xf32, #tpu.memory_space<hbm>>)
        tpu.yield
      }) : () -> ()
    } else {
    }
    %eq3A_13 = arith.constant 1 : i32
    %eq3A_14 = arith.cmpi eq, %arg0, %eq3A_13 : i32
    %convert_element_type3A_15 = arith.extui %eq3A_14 : i1 to i32
    %cond3A_16 = arith.constant 0 : i32
    %cond3A_17 = arith.cmpi ne, %convert_element_type3A_15, %cond3A_16 : i32
    scf.if %cond3A_17 {
      %scan3A_45 = arith.constant 0 : i32
      %scan3A_46 = arith.constant 64 : i32
      %scan3A_47 = arith.addi %scan3A_45, %scan3A_46 : i32
      %scan3A_48 = arith.constant 1 : i32
      scf.for %scan3A_55 = %scan3A_45 to %scan3A_47 step %scan3A_48  : i32 {
        %mul3A_56 = arith.constant 1 : i32
        %mul3A_57 = arith.muli %scan3A_55, %mul3A_56 : i32
        %add3A_58 = arith.constant 0 : i32
        %add3A_59 = arith.addi %add3A_58, %mul3A_57 : i32
        %broadcast_in_dim3A = arith.constant 0.000000e+00 : f32
        %broadcast_in_dim3A_60 = vector.broadcast %broadcast_in_dim3A : f32 to vector<256xf32>
        %swap3A = arith.index_cast %add3A_59 : i32 to index
        %swap3A_61 = arith.constant 0 : index
        %swap3A_62 = tpu.vector_load %arg11[%swap3A, %swap3A_61] {strides = array<i32>} : memref<64x256xf32, #tpu.memory_space<vmem>>, vector<1x256xf32>,
        %swap3A_63 = vector.shape_cast %swap3A_62 : vector<1x256xf32> to vector<256xf32>
        %swap3A_64 = vector.shape_cast %broadcast_in_dim3A_60 : vector<256xf32> to vector<1x256xf32>
        tpu.vector_store %arg11[%swap3A, %swap3A_61], %swap3A_64 {strides = array<i32>} : memref<64x256xf32, #tpu.memory_space<vmem>>, vector<1x256xf32>,
      }
      %scan3A_49 = arith.constant 64 : i32
      %scan3A_50 = arith.constant 0 : i32
      %scan3A_51 = arith.constant 10 : i32
      %scan3A_52 = arith.addi %scan3A_50, %scan3A_51 : i32
      %scan3A_53 = arith.constant 1 : i32
      scf.for %scan3A_55 = %scan3A_50 to %scan3A_52 step %scan3A_53  : i32 {
        %mul3A_56 = arith.constant 1 : i32
        %mul3A_57 = arith.muli %scan3A_55, %mul3A_56 : i32
        %add3A_58 = arith.constant 0 : i32
        %add3A_59 = arith.addi %add3A_58, %mul3A_57 : i32
        %add3A_60 = arith.constant 10496 : i32
        %add3A_61 = arith.addi %add3A_60, %mul3A_6 : i32
        %mul3A_62 = arith.constant 64 : i32
        %mul3A_63 = arith.muli %add3A_59, %mul3A_62 : i32
        %add3A_64 = arith.addi %add3A_61, %mul3A_63 : i32
        "tpu.region"() ({
          %run_scoped3A = tpu.sem_alloc : memref<!tpu.dma_semaphore, #tpu.memory_space<semaphore_mem>>
          %dma_start3A_65 = arith.constant 0 : i32
          %dma_start3A_66 = tpu.memref_slice %arg5[%add3A_64, %dma_start3A_65] : memref<20992x256xf32, #tpu.memory_space<hbm>> -> memref<64x256xf32, #tpu.memory_space<hbm>>
          %dma_start3A_67 = arith.constant 0 : i32
          %dma_start3A_68 = tpu.memref_slice %arg5[%add3A_64, %dma_start3A_67] : memref<20992x256xf32, #tpu.memory_space<hbm>> -> memref<64x256xf32, #tpu.memory_space<hbm>>
          tpu.enqueue_dma source(%arg11 : memref<64x256xf32, #tpu.memory_space<vmem>>) target(%dma_start3A_68 : memref<64x256xf32, #tpu.memory_space<hbm>>) target_semaphore(%run_scoped3A : memref<!tpu.dma_semaphore, #tpu.memory_space<semaphore_mem>>)
          %dma_wait3A_69 = arith.constant 0 : i32
          %dma_wait3A_70 = tpu.memref_slice %arg5[%add3A_64, %dma_wait3A_69] : memref<20992x256xf32, #tpu.memory_space<hbm>> -> memref<64x256xf32, #tpu.memory_space<hbm>>
          %dma_wait3A_71 = arith.constant 0 : i32
          %dma_wait3A_72 = tpu.memref_slice %arg5[%add3A_64, %dma_wait3A_71] : memref<20992x256xf32, #tpu.memory_space<hbm>> -> memref<64x256xf32, #tpu.memory_space<hbm>>
          tpu.wait_dma2 semaphore(%run_scoped3A : memref<!tpu.dma_semaphore, #tpu.memory_space<semaphore_mem>>) src(%arg11 : memref<64x256xf32, #tpu.memory_space<vmem>>) dst(%dma_wait3A_72 : memref<64x256xf32, #tpu.memory_space<hbm>>)
          tpu.yield
        }) : () -> ()
      }
      %scan3A_54 = arith.constant 10 : i32
    } else {
    }
    %barrier3A = arith.constant 0 : index
    tpu.barrier barrier_id(%barrier3A)
    %dma_start3A = arith.constant 0 : i32
    %dma_start3A_18 = tpu.memref_slice %arg6[%dma_start3A] : memref<5120xi32, #tpu.memory_space<vmem>> -> memref<128xi32, #tpu.memory_space<vmem>>
    %dma_start3A_19 = arith.constant 0 : i32
    %dma_start3A_20 = arith.constant 0 : i32
    %dma_start3A_21 = tpu.memref_slice %arg2[%dma_start3A_19, %dma_start3A_20] : memref<10240x256xf32, #tpu.memory_space<hbm>> -> memref<10240x256xf32, #tpu.memory_space<hbm>>
    tpu.enqueue_indirect_dma source(%dma_start3A_21 : memref<10240x256xf32, #tpu.memory_space<hbm>>) target(%arg9 : memref<128x256xf32, #tpu.memory_space<vmem>>) offsets(%dma_start3A_18 : memref<128xi32, #tpu.memory_space<vmem>>) semaphore(%arg12 : memref<!tpu.dma_semaphore, #tpu.memory_space<semaphore_mem>>)
    %dma_start3A_22 = arith.constant 128 : i32
    %dma_start3A_23 = tpu.memref_slice %arg6[%dma_start3A_22] : memref<5120xi32, #tpu.memory_space<vmem>> -> memref<128xi32, #tpu.memory_space<vmem>>
    %dma_start3A_24 = arith.constant 0 : i32
    %dma_start3A_25 = arith.constant 0 : i32
    %dma_start3A_26 = tpu.memref_slice %arg2[%dma_start3A_24, %dma_start3A_25] : memref<10240x256xf32, #tpu.memory_space<hbm>> -> memref<10240x256xf32, #tpu.memory_space<hbm>>
    tpu.enqueue_indirect_dma source(%dma_start3A_26 : memref<10240x256xf32, #tpu.memory_space<hbm>>) target(%arg10 : memref<128x256xf32, #tpu.memory_space<vmem>>) offsets(%dma_start3A_23 : memref<128xi32, #tpu.memory_space<vmem>>) semaphore(%arg13 : memref<!tpu.dma_semaphore, #tpu.memory_space<semaphore_mem>>)
    %scan3A_27 = arith.constant 0 : i32
    %scan3A_28 = arith.constant 20 : i32
    %scan3A_29 = arith.addi %scan3A_27, %scan3A_28 : i32
    %scan3A_30 = arith.constant 1 : i32
    scf.for %scan3A_45 = %scan3A_27 to %scan3A_29 step %scan3A_30  : i32 {
      %mul3A_46 = arith.constant 2 : i32
      %mul3A_47 = arith.muli %scan3A_45, %mul3A_46 : i32
      %add3A_48 = arith.constant 0 : i32
      %add3A_49 = arith.addi %add3A_48, %mul3A_47 : i32
      %add3A_50 = arith.constant 0 : i32
      %add3A_51 = arith.addi %add3A_49, %add3A_50 : i32
      %mul3A_52 = arith.constant 128 : i32
      %mul3A_53 = arith.muli %add3A_51, %mul3A_52 : i32
      %dma_wait3A_54 = tpu.memref_slice %arg6[%mul3A_53] : memref<5120xi32, #tpu.memory_space<vmem>> -> memref<128xi32, #tpu.memory_space<vmem>>
      %dma_wait3A_55 = arith.constant 0 : i32
      %dma_wait3A_56 = arith.constant 0 : i32
      %dma_wait3A_57 = tpu.memref_slice %arg2[%dma_wait3A_55, %dma_wait3A_56] : memref<10240x256xf32, #tpu.memory_space<hbm>> -> memref<10240x256xf32, #tpu.memory_space<hbm>>
      tpu.wait_indirect_dma semaphore(%arg12 : memref<!tpu.dma_semaphore, #tpu.memory_space<semaphore_mem>>) src(%dma_wait3A_57 : memref<10240x256xf32, #tpu.memory_space<hbm>>) dst(%arg9 : memref<128x256xf32, #tpu.memory_space<vmem>>)
      %dma_start3A_58 = arith.constant 0 : i32
      %dma_start3A_59 = tpu.memref_slice %arg8[%add3A_51, %dma_start3A_58] : memref<40x128xi32, #tpu.memory_space<vmem>> -> memref<1x128xi32, #tpu.memory_space<vmem>>
      %dma_start3A_60 = tpu.memref_squeeze %dma_start3A_59 : memref<1x128xi32, #tpu.memory_space<vmem>> -> memref<128xi32, #tpu.memory_space<vmem>>
      %dma_start3A_61 = arith.constant 0 : i32
      %dma_start3A_62 = arith.constant 0 : i32
      %dma_start3A_63 = tpu.memref_slice %arg5[%dma_start3A_61, %dma_start3A_62] : memref<20992x256xf32, #tpu.memory_space<hbm>> -> memref<20992x256xf32, #tpu.memory_space<hbm>>
      tpu.enqueue_indirect_dma source(%arg9 : memref<128x256xf32, #tpu.memory_space<vmem>>) target(%dma_start3A_63 : memref<20992x256xf32, #tpu.memory_space<hbm>>) offsets(%dma_start3A_60 : memref<128xi32, #tpu.memory_space<vmem>>) semaphore(%arg14 : memref<!tpu.dma_semaphore, #tpu.memory_space<semaphore_mem>>) {add = true}
      %add3A_64 = arith.constant 1 : i32
      %add3A_65 = arith.addi %add3A_49, %add3A_64 : i32
      %mul3A_66 = arith.constant 128 : i32
      %mul3A_67 = arith.muli %add3A_65, %mul3A_66 : i32
      %dma_wait3A_68 = tpu.memref_slice %arg6[%mul3A_67] : memref<5120xi32, #tpu.memory_space<vmem>> -> memref<128xi32, #tpu.memory_space<vmem>>
      %dma_wait3A_69 = arith.constant 0 : i32
      %dma_wait3A_70 = arith.constant 0 : i32
      %dma_wait3A_71 = tpu.memref_slice %arg2[%dma_wait3A_69, %dma_wait3A_70] : memref<10240x256xf32, #tpu.memory_space<hbm>> -> memref<10240x256xf32, #tpu.memory_space<hbm>>
      tpu.wait_indirect_dma semaphore(%arg13 : memref<!tpu.dma_semaphore, #tpu.memory_space<semaphore_mem>>) src(%dma_wait3A_71 : memref<10240x256xf32, #tpu.memory_space<hbm>>) dst(%arg10 : memref<128x256xf32, #tpu.memory_space<vmem>>)
      %dma_start3A_72 = arith.constant 0 : i32
      %dma_start3A_73 = tpu.memref_slice %arg8[%add3A_65, %dma_start3A_72] : memref<40x128xi32, #tpu.memory_space<vmem>> -> memref<1x128xi32, #tpu.memory_space<vmem>>
      %dma_start3A_74 = tpu.memref_squeeze %dma_start3A_73 : memref<1x128xi32, #tpu.memory_space<vmem>> -> memref<128xi32, #tpu.memory_space<vmem>>
      %dma_start3A_75 = arith.constant 0 : i32
      %dma_start3A_76 = arith.constant 0 : i32
      %dma_start3A_77 = tpu.memref_slice %arg5[%dma_start3A_75, %dma_start3A_76] : memref<20992x256xf32, #tpu.memory_space<hbm>> -> memref<20992x256xf32, #tpu.memory_space<hbm>>
      tpu.enqueue_indirect_dma source(%arg10 : memref<128x256xf32, #tpu.memory_space<vmem>>) target(%dma_start3A_77 : memref<20992x256xf32, #tpu.memory_space<hbm>>) offsets(%dma_start3A_74 : memref<128xi32, #tpu.memory_space<vmem>>) semaphore(%arg15 : memref<!tpu.dma_semaphore, #tpu.memory_space<semaphore_mem>>) {add = true}
      %add3A_78 = arith.constant 0 : i32
      %add3A_79 = arith.addi %add3A_49, %add3A_78 : i32
      %add3A_80 = arith.constant 2 : i32
      %add3A_81 = arith.addi %add3A_79, %add3A_80 : i32
      %lt3A = arith.constant 40 : i32
      %lt3A_82 = arith.cmpi slt, %add3A_81, %lt3A : i32
      %convert_element_type3A_83 = arith.extui %lt3A_82 : i1 to i32
      %cond3A_84 = arith.constant 0 : i32
      %cond3A_85 = arith.cmpi ne, %convert_element_type3A_83, %cond3A_84 : i32
      scf.if %cond3A_85 {
        %dma_wait3A_95 = arith.constant 0 : i32
        %dma_wait3A_96 = tpu.memref_slice %arg8[%add3A_79, %dma_wait3A_95] : memref<40x128xi32, #tpu.memory_space<vmem>> -> memref<1x128xi32, #tpu.memory_space<vmem>>
        %dma_wait3A_97 = tpu.memref_squeeze %dma_wait3A_96 : memref<1x128xi32, #tpu.memory_space<vmem>> -> memref<128xi32, #tpu.memory_space<vmem>>
        %dma_wait3A_98 = arith.constant 0 : i32
        %dma_wait3A_99 = arith.constant 0 : i32
        %dma_wait3A_100 = tpu.memref_slice %arg5[%dma_wait3A_98, %dma_wait3A_99] : memref<20992x256xf32, #tpu.memory_space<hbm>> -> memref<20992x256xf32, #tpu.memory_space<hbm>>
        tpu.wait_indirect_dma semaphore(%arg14 : memref<!tpu.dma_semaphore, #tpu.memory_space<semaphore_mem>>) src(%arg9 : memref<128x256xf32, #tpu.memory_space<vmem>>) dst(%dma_wait3A_100 : memref<20992x256xf32, #tpu.memory_space<hbm>>)
        %add3A_101 = arith.constant 2 : i32
        %add3A_102 = arith.addi %add3A_79, %add3A_101 : i32
        %mul3A_103 = arith.constant 128 : i32
        %mul3A_104 = arith.muli %add3A_102, %mul3A_103 : i32
        %dma_start3A_105 = tpu.memref_slice %arg6[%mul3A_104] : memref<5120xi32, #tpu.memory_space<vmem>> -> memref<128xi32, #tpu.memory_space<vmem>>
        %dma_start3A_106 = arith.constant 0 : i32
        %dma_start3A_107 = arith.constant 0 : i32
        %dma_start3A_108 = tpu.memref_slice %arg2[%dma_start3A_106, %dma_start3A_107] : memref<10240x256xf32, #tpu.memory_space<hbm>> -> memref<10240x256xf32, #tpu.memory_space<hbm>>
        tpu.enqueue_indirect_dma source(%dma_start3A_108 : memref<10240x256xf32, #tpu.memory_space<hbm>>) target(%arg9 : memref<128x256xf32, #tpu.memory_space<vmem>>) offsets(%dma_start3A_105 : memref<128xi32, #tpu.memory_space<vmem>>) semaphore(%arg12 : memref<!tpu.dma_semaphore, #tpu.memory_space<semaphore_mem>>)
      } else {
      }
      %add3A_86 = arith.constant 1 : i32
      %add3A_87 = arith.addi %add3A_49, %add3A_86 : i32
      %add3A_88 = arith.constant 2 : i32
      %add3A_89 = arith.addi %add3A_87, %add3A_88 : i32
      %lt3A_90 = arith.constant 40 : i32
      %lt3A_91 = arith.cmpi slt, %add3A_89, %lt3A_90 : i32
      %convert_element_type3A_92 = arith.extui %lt3A_91 : i1 to i32
      %cond3A_93 = arith.constant 0 : i32
      %cond3A_94 = arith.cmpi ne, %convert_element_type3A_92, %cond3A_93 : i32
      scf.if %cond3A_94 {
        %dma_wait3A_95 = arith.constant 0 : i32
        %dma_wait3A_96 = tpu.memref_slice %arg8[%add3A_87, %dma_wait3A_95] : memref<40x128xi32, #tpu.memory_space<vmem>> -> memref<1x128xi32, #tpu.memory_space<vmem>>
        %dma_wait3A_97 = tpu.memref_squeeze %dma_wait3A_96 : memref<1x128xi32, #tpu.memory_space<vmem>> -> memref<128xi32, #tpu.memory_space<vmem>>
        %dma_wait3A_98 = arith.constant 0 : i32
        %dma_wait3A_99 = arith.constant 0 : i32
        %dma_wait3A_100 = tpu.memref_slice %arg5[%dma_wait3A_98, %dma_wait3A_99] : memref<20992x256xf32, #tpu.memory_space<hbm>> -> memref<20992x256xf32, #tpu.memory_space<hbm>>
        tpu.wait_indirect_dma semaphore(%arg15 : memref<!tpu.dma_semaphore, #tpu.memory_space<semaphore_mem>>) src(%arg10 : memref<128x256xf32, #tpu.memory_space<vmem>>) dst(%dma_wait3A_100 : memref<20992x256xf32, #tpu.memory_space<hbm>>)
        %add3A_101 = arith.constant 2 : i32
        %add3A_102 = arith.addi %add3A_87, %add3A_101 : i32
        %mul3A_103 = arith.constant 128 : i32
        %mul3A_104 = arith.muli %add3A_102, %mul3A_103 : i32
        %dma_start3A_105 = tpu.memref_slice %arg6[%mul3A_104] : memref<5120xi32, #tpu.memory_space<vmem>> -> memref<128xi32, #tpu.memory_space<vmem>>
        %dma_start3A_106 = arith.constant 0 : i32
        %dma_start3A_107 = arith.constant 0 : i32
        %dma_start3A_108 = tpu.memref_slice %arg2[%dma_start3A_106, %dma_start3A_107] : memref<10240x256xf32, #tpu.memory_space<hbm>> -> memref<10240x256xf32, #tpu.memory_space<hbm>>
        tpu.enqueue_indirect_dma source(%dma_start3A_108 : memref<10240x256xf32, #tpu.memory_space<hbm>>) target(%arg10 : memref<128x256xf32, #tpu.memory_space<vmem>>) offsets(%dma_start3A_105 : memref<128xi32, #tpu.memory_space<vmem>>) semaphore(%arg13 : memref<!tpu.dma_semaphore, #tpu.memory_space<semaphore_mem>>)
      } else {
      }
    }
    %scan3A_31 = arith.constant 20 : i32
    %dma_wait3A = arith.constant 38 : i32
    %dma_wait3A_32 = arith.constant 0 : i32
    %dma_wait3A_33 = tpu.memref_slice %arg8[%dma_wait3A, %dma_wait3A_32] : memref<40x128xi32, #tpu.memory_space<vmem>> -> memref<1x128xi32, #tpu.memory_space<vmem>>
    %dma_wait3A_34 = tpu.memref_squeeze %dma_wait3A_33 : memref<1x128xi32, #tpu.memory_space<vmem>> -> memref<128xi32, #tpu.memory_space<vmem>>
    %dma_wait3A_35 = arith.constant 0 : i32
    %dma_wait3A_36 = arith.constant 0 : i32
    %dma_wait3A_37 = tpu.memref_slice %arg5[%dma_wait3A_35, %dma_wait3A_36] : memref<20992x256xf32, #tpu.memory_space<hbm>> -> memref<20992x256xf32, #tpu.memory_space<hbm>>
    tpu.wait_indirect_dma semaphore(%arg14 : memref<!tpu.dma_semaphore, #tpu.memory_space<semaphore_mem>>) src(%arg9 : memref<128x256xf32, #tpu.memory_space<vmem>>) dst(%dma_wait3A_37 : memref<20992x256xf32, #tpu.memory_space<hbm>>)
    %dma_wait3A_38 = arith.constant 39 : i32
    %dma_wait3A_39 = arith.constant 0 : i32
    %dma_wait3A_40 = tpu.memref_slice %arg8[%dma_wait3A_38, %dma_wait3A_39] : memref<40x128xi32, #tpu.memory_space<vmem>> -> memref<1x128xi32, #tpu.memory_space<vmem>>
    %dma_wait3A_41 = tpu.memref_squeeze %dma_wait3A_40 : memref<1x128xi32, #tpu.memory_space<vmem>> -> memref<128xi32, #tpu.memory_space<vmem>>
    %dma_wait3A_42 = arith.constant 0 : i32
    %dma_wait3A_43 = arith.constant 0 : i32
    %dma_wait3A_44 = tpu.memref_slice %arg5[%dma_wait3A_42, %dma_wait3A_43] : memref<20992x256xf32, #tpu.memory_space<hbm>> -> memref<20992x256xf32, #tpu.memory_space<hbm>>
    tpu.wait_indirect_dma semaphore(%arg15 : memref<!tpu.dma_semaphore, #tpu.memory_space<semaphore_mem>>) src(%arg10 : memref<128x256xf32, #tpu.memory_space<vmem>>) dst(%dma_wait3A_44 : memref<20992x256xf32, #tpu.memory_space<hbm>>)
    return
  }
}

#map = affine_map<(d0, d1) -> (0, 0)>
#map1 = affine_map<(d0, d1) -> (0)>
module attributes {stable_mosaic.version = 14 : i64} {
  func.func @_agg_kernel(%arg0: i32, %arg1: i32, %arg2: memref<10240x256xf32, #tpu.memory_space<hbm>>, %arg3: memref<163840xi32, #tpu.memory_space<hbm>>, %arg4: memref<163840xi32, #tpu.memory_space<hbm>>, %arg5: memref<20992x256xf32, #tpu.memory_space<hbm>>, %arg6: memref<5120xi32, #tpu.memory_space<vmem>>, %arg7: memref<5120xi32, #tpu.memory_space<vmem>>, %arg8: memref<40x128xi32, #tpu.memory_space<vmem>>, %arg9: memref<128x256xf32, #tpu.memory_space<vmem>>, %arg10: memref<128x256xf32, #tpu.memory_space<vmem>>, %arg11: memref<64x256xf32, #tpu.memory_space<vmem>>, %arg12: memref<!tpu.dma_semaphore, #tpu.memory_space<semaphore_mem>>, %arg13: memref<!tpu.dma_semaphore, #tpu.memory_space<semaphore_mem>>, %arg14: memref<!tpu.dma_semaphore, #tpu.memory_space<semaphore_mem>>, %arg15: memref<!tpu.dma_semaphore, #tpu.memory_space<semaphore_mem>>) attributes {dimension_semantics = [#tpu.dimension_semantics<core_parallel>, #tpu.dimension_semantics<subcore_parallel>], iteration_bounds = array<i64: 2, 16>, scalar_prefetch = 0 : i64, scratch_operands = 10 : i64, tpu.core_type = #tpu.core_type<sc_vector_subcore>, window_params = [{transform_indices = #map}, {transform_indices = #map1}, {transform_indices = #map1}, {transform_indices = #map}]} {
    %mul3A = arith.constant 81920 : i32
    %mul3A_0 = arith.muli %arg0, %mul3A : i32
    %mul3A_1 = arith.constant 5120 : i32
    %mul3A_2 = arith.muli %arg1, %mul3A_1 : i32
    %add3A = arith.addi %mul3A_0, %mul3A_2 : i32
    %mul3A_3 = arith.constant 10496 : i32
    %mul3A_4 = arith.muli %arg0, %mul3A_3 : i32
    %mul3A_5 = arith.constant 640 : i32
    %mul3A_6 = arith.muli %arg1, %mul3A_5 : i32
    "tpu.region"() ({
      %run_scoped3A = tpu.sem_alloc : memref<!tpu.dma_semaphore, #tpu.memory_space<semaphore_mem>>
      %dma_start3A_45 = tpu.memref_slice %arg3[%add3A] : memref<163840xi32, #tpu.memory_space<hbm>> -> memref<5120xi32, #tpu.memory_space<hbm>>
      %dma_start3A_46 = tpu.memref_slice %arg3[%add3A] : memref<163840xi32, #tpu.memory_space<hbm>> -> memref<5120xi32, #tpu.memory_space<hbm>>
      tpu.enqueue_dma source(%dma_start3A_46 : memref<5120xi32, #tpu.memory_space<hbm>>) target(%arg6 : memref<5120xi32, #tpu.memory_space<vmem>>) target_semaphore(%run_scoped3A : memref<!tpu.dma_semaphore, #tpu.memory_space<semaphore_mem>>)
      %dma_wait3A_47 = tpu.memref_slice %arg3[%add3A] : memref<163840xi32, #tpu.memory_space<hbm>> -> memref<5120xi32, #tpu.memory_space<hbm>>
      %dma_wait3A_48 = tpu.memref_slice %arg3[%add3A] : memref<163840xi32, #tpu.memory_space<hbm>> -> memref<5120xi32, #tpu.memory_space<hbm>>
      tpu.wait_dma2 semaphore(%run_scoped3A : memref<!tpu.dma_semaphore, #tpu.memory_space<semaphore_mem>>) src(%dma_wait3A_48 : memref<5120xi32, #tpu.memory_space<hbm>>) dst(%arg6 : memref<5120xi32, #tpu.memory_space<vmem>>)
      tpu.yield
    }) : () -> ()
    "tpu.region"() ({
      %run_scoped3A = tpu.sem_alloc : memref<!tpu.dma_semaphore, #tpu.memory_space<semaphore_mem>>
      %dma_start3A_45 = tpu.memref_slice %arg4[%add3A] : memref<163840xi32, #tpu.memory_space<hbm>> -> memref<5120xi32, #tpu.memory_space<hbm>>
      %dma_start3A_46 = tpu.memref_slice %arg4[%add3A] : memref<163840xi32, #tpu.memory_space<hbm>> -> memref<5120xi32, #tpu.memory_space<hbm>>
      tpu.enqueue_dma source(%dma_start3A_46 : memref<5120xi32, #tpu.memory_space<hbm>>) target(%arg7 : memref<5120xi32, #tpu.memory_space<vmem>>) target_semaphore(%run_scoped3A : memref<!tpu.dma_semaphore, #tpu.memory_space<semaphore_mem>>)
      %dma_wait3A_47 = tpu.memref_slice %arg4[%add3A] : memref<163840xi32, #tpu.memory_space<hbm>> -> memref<5120xi32, #tpu.memory_space<hbm>>
      %dma_wait3A_48 = tpu.memref_slice %arg4[%add3A] : memref<163840xi32, #tpu.memory_space<hbm>> -> memref<5120xi32, #tpu.memory_space<hbm>>
      tpu.wait_dma2 semaphore(%run_scoped3A : memref<!tpu.dma_semaphore, #tpu.memory_space<semaphore_mem>>) src(%dma_wait3A_48 : memref<5120xi32, #tpu.memory_space<hbm>>) dst(%arg7 : memref<5120xi32, #tpu.memory_space<vmem>>)
      tpu.yield
    }) : () -> ()
    %scan3A = arith.constant 0 : i32
    %scan3A_7 = arith.constant 40 : i32
    %scan3A_8 = arith.addi %scan3A, %scan3A_7 : i32
    %scan3A_9 = arith.constant 1 : i32
    scf.for %scan3A_45 = %scan3A to %scan3A_8 step %scan3A_9  : i32 {
      %mul3A_46 = arith.constant 1 : i32
      %mul3A_47 = arith.muli %scan3A_45, %mul3A_46 : i32
      %add3A_48 = arith.constant 0 : i32
      %add3A_49 = arith.addi %add3A_48, %mul3A_47 : i32
      %scan3A_50 = arith.constant 0 : i32
      %scan3A_51 = arith.constant 8 : i32
      %scan3A_52 = arith.addi %scan3A_50, %scan3A_51 : i32
      %scan3A_53 = arith.constant 1 : i32
      scf.for %scan3A_55 = %scan3A_50 to %scan3A_52 step %scan3A_53  : i32 {
        %mul3A_56 = arith.constant 1 : i32
        %mul3A_57 = arith.muli %scan3A_55, %mul3A_56 : i32
        %add3A_58 = arith.constant 0 : i32
        %add3A_59 = arith.addi %add3A_58, %mul3A_57 : i32
        %mul3A_60 = arith.constant 128 : i32
        %mul3A_61 = arith.muli %add3A_49, %mul3A_60 : i32
        %mul3A_62 = arith.constant 16 : i32
        %mul3A_63 = arith.muli %add3A_59, %mul3A_62 : i32
        %add3A_64 = arith.addi %mul3A_61, %mul3A_63 : i32
        %get3A = arith.index_cast %add3A_64 : i32 to index
        %get3A_65 = tpu.vector_load %arg7[%get3A] {strides = array<i32>} : memref<5120xi32, #tpu.memory_space<vmem>>, vector<16xi32>,
        %get3A_66 = vector.shape_cast %get3A_65 : vector<16xi32> to vector<16xi32>
        %add3A_67 = vector.broadcast %mul3A_4 : i32 to vector<16xi32>
        %add3A_68 = arith.addi %get3A_66, %add3A_67 : vector<16xi32>
        %mul3A_69 = arith.constant 16 : i32
        %mul3A_70 = arith.muli %add3A_59, %mul3A_69 : i32
        %swap3A = arith.index_cast %add3A_49 : i32 to index
        %swap3A_71 = arith.index_cast %mul3A_70 : i32 to index
        %swap3A_72 = tpu.vector_load %arg8[%swap3A, %swap3A_71] {strides = array<i32>} : memref<40x128xi32, #tpu.memory_space<vmem>>, vector<1x16xi32>,
        %swap3A_73 = vector.shape_cast %swap3A_72 : vector<1x16xi32> to vector<16xi32>
        %swap3A_74 = vector.shape_cast %add3A_68 : vector<16xi32> to vector<1x16xi32>
        tpu.vector_store %arg8[%swap3A, %swap3A_71], %swap3A_74 {strides = array<i32>} : memref<40x128xi32, #tpu.memory_space<vmem>>, vector<1x16xi32>,
      }
      %scan3A_54 = arith.constant 8 : i32
    }
    %scan3A_10 = arith.constant 40 : i32
    %eq3A = arith.constant 0 : i32
    %eq3A_11 = arith.cmpi eq, %arg0, %eq3A : i32
    %convert_element_type3A = arith.extui %eq3A_11 : i1 to i32
    %cond3A = arith.constant 0 : i32
    %cond3A_12 = arith.cmpi ne, %convert_element_type3A, %cond3A : i32
    scf.if %cond3A_12 {
      "tpu.region"() ({
        %run_scoped3A = tpu.sem_alloc : memref<!tpu.dma_semaphore, #tpu.memory_space<semaphore_mem>>
        %dma_start3A_45 = arith.constant 0 : i32
        %dma_start3A_46 = tpu.memref_slice %arg5[%mul3A_6, %dma_start3A_45] : memref<20992x256xf32, #tpu.memory_space<hbm>> -> memref<640x256xf32, #tpu.memory_space<hbm>>
        %dma_start3A_47 = arith.constant 0 : i32
        %dma_start3A_48 = tpu.memref_slice %arg2[%mul3A_6, %dma_start3A_47] : memref<10240x256xf32, #tpu.memory_space<hbm>> -> memref<640x256xf32, #tpu.memory_space<hbm>>
        tpu.enqueue_dma source(%dma_start3A_48 : memref<640x256xf32, #tpu.memory_space<hbm>>) target(%dma_start3A_46 : memref<640x256xf32, #tpu.memory_space<hbm>>) target_semaphore(%run_scoped3A : memref<!tpu.dma_semaphore, #tpu.memory_space<semaphore_mem>>)
        %dma_wait3A_49 = arith.constant 0 : i32
        %dma_wait3A_50 = tpu.memref_slice %arg5[%mul3A_6, %dma_wait3A_49] : memref<20992x256xf32, #tpu.memory_space<hbm>> -> memref<640x256xf32, #tpu.memory_space<hbm>>
        %dma_wait3A_51 = arith.constant 0 : i32
        %dma_wait3A_52 = tpu.memref_slice %arg2[%mul3A_6, %dma_wait3A_51] : memref<10240x256xf32, #tpu.memory_space<hbm>> -> memref<640x256xf32, #tpu.memory_space<hbm>>
        tpu.wait_dma2 semaphore(%run_scoped3A : memref<!tpu.dma_semaphore, #tpu.memory_space<semaphore_mem>>) src(%dma_wait3A_52 : memref<640x256xf32, #tpu.memory_space<hbm>>) dst(%dma_wait3A_50 : memref<640x256xf32, #tpu.memory_space<hbm>>)
        tpu.yield
      }) : () -> ()
    } else {
    }
    %eq3A_13 = arith.constant 1 : i32
    %eq3A_14 = arith.cmpi eq, %arg0, %eq3A_13 : i32
    %convert_element_type3A_15 = arith.extui %eq3A_14 : i1 to i32
    %cond3A_16 = arith.constant 0 : i32
    %cond3A_17 = arith.cmpi ne, %convert_element_type3A_15, %cond3A_16 : i32
    scf.if %cond3A_17 {
      %scan3A_45 = arith.constant 0 : i32
      %scan3A_46 = arith.constant 64 : i32
      %scan3A_47 = arith.addi %scan3A_45, %scan3A_46 : i32
      %scan3A_48 = arith.constant 1 : i32
      scf.for %scan3A_55 = %scan3A_45 to %scan3A_47 step %scan3A_48  : i32 {
        %mul3A_56 = arith.constant 1 : i32
        %mul3A_57 = arith.muli %scan3A_55, %mul3A_56 : i32
        %add3A_58 = arith.constant 0 : i32
        %add3A_59 = arith.addi %add3A_58, %mul3A_57 : i32
        %broadcast_in_dim3A = arith.constant 0.000000e+00 : f32
        %broadcast_in_dim3A_60 = vector.broadcast %broadcast_in_dim3A : f32 to vector<256xf32>
        %swap3A = arith.index_cast %add3A_59 : i32 to index
        %swap3A_61 = arith.constant 0 : index
        %swap3A_62 = tpu.vector_load %arg11[%swap3A, %swap3A_61] {strides = array<i32>} : memref<64x256xf32, #tpu.memory_space<vmem>>, vector<1x256xf32>,
        %swap3A_63 = vector.shape_cast %swap3A_62 : vector<1x256xf32> to vector<256xf32>
        %swap3A_64 = vector.shape_cast %broadcast_in_dim3A_60 : vector<256xf32> to vector<1x256xf32>
        tpu.vector_store %arg11[%swap3A, %swap3A_61], %swap3A_64 {strides = array<i32>} : memref<64x256xf32, #tpu.memory_space<vmem>>, vector<1x256xf32>,
      }
      %scan3A_49 = arith.constant 64 : i32
      %scan3A_50 = arith.constant 0 : i32
      %scan3A_51 = arith.constant 10 : i32
      %scan3A_52 = arith.addi %scan3A_50, %scan3A_51 : i32
      %scan3A_53 = arith.constant 1 : i32
      scf.for %scan3A_55 = %scan3A_50 to %scan3A_52 step %scan3A_53  : i32 {
        %mul3A_56 = arith.constant 1 : i32
        %mul3A_57 = arith.muli %scan3A_55, %mul3A_56 : i32
        %add3A_58 = arith.constant 0 : i32
        %add3A_59 = arith.addi %add3A_58, %mul3A_57 : i32
        %add3A_60 = arith.constant 10496 : i32
        %add3A_61 = arith.addi %add3A_60, %mul3A_6 : i32
        %mul3A_62 = arith.constant 64 : i32
        %mul3A_63 = arith.muli %add3A_59, %mul3A_62 : i32
        %add3A_64 = arith.addi %add3A_61, %mul3A_63 : i32
        "tpu.region"() ({
          %run_scoped3A = tpu.sem_alloc : memref<!tpu.dma_semaphore, #tpu.memory_space<semaphore_mem>>
          %dma_start3A_65 = arith.constant 0 : i32
          %dma_start3A_66 = tpu.memref_slice %arg5[%add3A_64, %dma_start3A_65] : memref<20992x256xf32, #tpu.memory_space<hbm>> -> memref<64x256xf32, #tpu.memory_space<hbm>>
          %dma_start3A_67 = arith.constant 0 : i32
          %dma_start3A_68 = tpu.memref_slice %arg5[%add3A_64, %dma_start3A_67] : memref<20992x256xf32, #tpu.memory_space<hbm>> -> memref<64x256xf32, #tpu.memory_space<hbm>>
          tpu.enqueue_dma source(%arg11 : memref<64x256xf32, #tpu.memory_space<vmem>>) target(%dma_start3A_68 : memref<64x256xf32, #tpu.memory_space<hbm>>) target_semaphore(%run_scoped3A : memref<!tpu.dma_semaphore, #tpu.memory_space<semaphore_mem>>)
          %dma_wait3A_69 = arith.constant 0 : i32
          %dma_wait3A_70 = tpu.memref_slice %arg5[%add3A_64, %dma_wait3A_69] : memref<20992x256xf32, #tpu.memory_space<hbm>> -> memref<64x256xf32, #tpu.memory_space<hbm>>
          %dma_wait3A_71 = arith.constant 0 : i32
          %dma_wait3A_72 = tpu.memref_slice %arg5[%add3A_64, %dma_wait3A_71] : memref<20992x256xf32, #tpu.memory_space<hbm>> -> memref<64x256xf32, #tpu.memory_space<hbm>>
          tpu.wait_dma2 semaphore(%run_scoped3A : memref<!tpu.dma_semaphore, #tpu.memory_space<semaphore_mem>>) src(%arg11 : memref<64x256xf32, #tpu.memory_space<vmem>>) dst(%dma_wait3A_72 : memref<64x256xf32, #tpu.memory_space<hbm>>)
          tpu.yield
        }) : () -> ()
      }
      %scan3A_54 = arith.constant 10 : i32
    } else {
    }
    %barrier3A = arith.constant 0 : index
    tpu.barrier barrier_id(%barrier3A)
    %dma_start3A = arith.constant 0 : i32
    %dma_start3A_18 = tpu.memref_slice %arg6[%dma_start3A] : memref<5120xi32, #tpu.memory_space<vmem>> -> memref<128xi32, #tpu.memory_space<vmem>>
    %dma_start3A_19 = arith.constant 0 : i32
    %dma_start3A_20 = arith.constant 0 : i32
    %dma_start3A_21 = tpu.memref_slice %arg2[%dma_start3A_19, %dma_start3A_20] : memref<10240x256xf32, #tpu.memory_space<hbm>> -> memref<10240x256xf32, #tpu.memory_space<hbm>>
    tpu.enqueue_indirect_dma source(%dma_start3A_21 : memref<10240x256xf32, #tpu.memory_space<hbm>>) target(%arg9 : memref<128x256xf32, #tpu.memory_space<vmem>>) offsets(%dma_start3A_18 : memref<128xi32, #tpu.memory_space<vmem>>) semaphore(%arg12 : memref<!tpu.dma_semaphore, #tpu.memory_space<semaphore_mem>>)
    %dma_start3A_22 = arith.constant 128 : i32
    %dma_start3A_23 = tpu.memref_slice %arg6[%dma_start3A_22] : memref<5120xi32, #tpu.memory_space<vmem>> -> memref<128xi32, #tpu.memory_space<vmem>>
    %dma_start3A_24 = arith.constant 0 : i32
    %dma_start3A_25 = arith.constant 0 : i32
    %dma_start3A_26 = tpu.memref_slice %arg2[%dma_start3A_24, %dma_start3A_25] : memref<10240x256xf32, #tpu.memory_space<hbm>> -> memref<10240x256xf32, #tpu.memory_space<hbm>>
    tpu.enqueue_indirect_dma source(%dma_start3A_26 : memref<10240x256xf32, #tpu.memory_space<hbm>>) target(%arg10 : memref<128x256xf32, #tpu.memory_space<vmem>>) offsets(%dma_start3A_23 : memref<128xi32, #tpu.memory_space<vmem>>) semaphore(%arg13 : memref<!tpu.dma_semaphore, #tpu.memory_space<semaphore_mem>>)
    %scan3A_27 = arith.constant 0 : i32
    %scan3A_28 = arith.constant 20 : i32
    %scan3A_29 = arith.addi %scan3A_27, %scan3A_28 : i32
    %scan3A_30 = arith.constant 1 : i32
    scf.for %scan3A_45 = %scan3A_27 to %scan3A_29 step %scan3A_30  : i32 {
      %mul3A_46 = arith.constant 2 : i32
      %mul3A_47 = arith.muli %scan3A_45, %mul3A_46 : i32
      %add3A_48 = arith.constant 0 : i32
      %add3A_49 = arith.addi %add3A_48, %mul3A_47 : i32
      %add3A_50 = arith.constant 0 : i32
      %add3A_51 = arith.addi %add3A_49, %add3A_50 : i32
      %mul3A_52 = arith.constant 128 : i32
      %mul3A_53 = arith.muli %add3A_51, %mul3A_52 : i32
      %dma_wait3A_54 = tpu.memref_slice %arg6[%mul3A_53] : memref<5120xi32, #tpu.memory_space<vmem>> -> memref<128xi32, #tpu.memory_space<vmem>>
      %dma_wait3A_55 = arith.constant 0 : i32
      %dma_wait3A_56 = arith.constant 0 : i32
      %dma_wait3A_57 = tpu.memref_slice %arg2[%dma_wait3A_55, %dma_wait3A_56] : memref<10240x256xf32, #tpu.memory_space<hbm>> -> memref<10240x256xf32, #tpu.memory_space<hbm>>
      tpu.wait_indirect_dma semaphore(%arg12 : memref<!tpu.dma_semaphore, #tpu.memory_space<semaphore_mem>>) src(%dma_wait3A_57 : memref<10240x256xf32, #tpu.memory_space<hbm>>) dst(%arg9 : memref<128x256xf32, #tpu.memory_space<vmem>>)
      %dma_start3A_58 = arith.constant 0 : i32
      %dma_start3A_59 = tpu.memref_slice %arg8[%add3A_51, %dma_start3A_58] : memref<40x128xi32, #tpu.memory_space<vmem>> -> memref<1x128xi32, #tpu.memory_space<vmem>>
      %dma_start3A_60 = tpu.memref_squeeze %dma_start3A_59 : memref<1x128xi32, #tpu.memory_space<vmem>> -> memref<128xi32, #tpu.memory_space<vmem>>
      %dma_start3A_61 = arith.constant 0 : i32
      %dma_start3A_62 = arith.constant 0 : i32
      %dma_start3A_63 = tpu.memref_slice %arg5[%dma_start3A_61, %dma_start3A_62] : memref<20992x256xf32, #tpu.memory_space<hbm>> -> memref<20992x256xf32, #tpu.memory_space<hbm>>
      tpu.enqueue_indirect_dma source(%arg9 : memref<128x256xf32, #tpu.memory_space<vmem>>) target(%dma_start3A_63 : memref<20992x256xf32, #tpu.memory_space<hbm>>) offsets(%dma_start3A_60 : memref<128xi32, #tpu.memory_space<vmem>>) semaphore(%arg14 : memref<!tpu.dma_semaphore, #tpu.memory_space<semaphore_mem>>) {add = true}
      %add3A_64 = arith.constant 1 : i32
      %add3A_65 = arith.addi %add3A_49, %add3A_64 : i32
      %mul3A_66 = arith.constant 128 : i32
      %mul3A_67 = arith.muli %add3A_65, %mul3A_66 : i32
      %dma_wait3A_68 = tpu.memref_slice %arg6[%mul3A_67] : memref<5120xi32, #tpu.memory_space<vmem>> -> memref<128xi32, #tpu.memory_space<vmem>>
      %dma_wait3A_69 = arith.constant 0 : i32
      %dma_wait3A_70 = arith.constant 0 : i32
      %dma_wait3A_71 = tpu.memref_slice %arg2[%dma_wait3A_69, %dma_wait3A_70] : memref<10240x256xf32, #tpu.memory_space<hbm>> -> memref<10240x256xf32, #tpu.memory_space<hbm>>
      tpu.wait_indirect_dma semaphore(%arg13 : memref<!tpu.dma_semaphore, #tpu.memory_space<semaphore_mem>>) src(%dma_wait3A_71 : memref<10240x256xf32, #tpu.memory_space<hbm>>) dst(%arg10 : memref<128x256xf32, #tpu.memory_space<vmem>>)
      %dma_start3A_72 = arith.constant 0 : i32
      %dma_start3A_73 = tpu.memref_slice %arg8[%add3A_65, %dma_start3A_72] : memref<40x128xi32, #tpu.memory_space<vmem>> -> memref<1x128xi32, #tpu.memory_space<vmem>>
      %dma_start3A_74 = tpu.memref_squeeze %dma_start3A_73 : memref<1x128xi32, #tpu.memory_space<vmem>> -> memref<128xi32, #tpu.memory_space<vmem>>
      %dma_start3A_75 = arith.constant 0 : i32
      %dma_start3A_76 = arith.constant 0 : i32
      %dma_start3A_77 = tpu.memref_slice %arg5[%dma_start3A_75, %dma_start3A_76] : memref<20992x256xf32, #tpu.memory_space<hbm>> -> memref<20992x256xf32, #tpu.memory_space<hbm>>
      tpu.enqueue_indirect_dma source(%arg10 : memref<128x256xf32, #tpu.memory_space<vmem>>) target(%dma_start3A_77 : memref<20992x256xf32, #tpu.memory_space<hbm>>) offsets(%dma_start3A_74 : memref<128xi32, #tpu.memory_space<vmem>>) semaphore(%arg15 : memref<!tpu.dma_semaphore, #tpu.memory_space<semaphore_mem>>) {add = true}
      %add3A_78 = arith.constant 0 : i32
      %add3A_79 = arith.addi %add3A_49, %add3A_78 : i32
      %add3A_80 = arith.constant 2 : i32
      %add3A_81 = arith.addi %add3A_79, %add3A_80 : i32
      %lt3A = arith.constant 40 : i32
      %lt3A_82 = arith.cmpi slt, %add3A_81, %lt3A : i32
      %convert_element_type3A_83 = arith.extui %lt3A_82 : i1 to i32
      %cond3A_84 = arith.constant 0 : i32
      %cond3A_85 = arith.cmpi ne, %convert_element_type3A_83, %cond3A_84 : i32
      scf.if %cond3A_85 {
        %dma_wait3A_95 = arith.constant 0 : i32
        %dma_wait3A_96 = tpu.memref_slice %arg8[%add3A_79, %dma_wait3A_95] : memref<40x128xi32, #tpu.memory_space<vmem>> -> memref<1x128xi32, #tpu.memory_space<vmem>>
        %dma_wait3A_97 = tpu.memref_squeeze %dma_wait3A_96 : memref<1x128xi32, #tpu.memory_space<vmem>> -> memref<128xi32, #tpu.memory_space<vmem>>
        %dma_wait3A_98 = arith.constant 0 : i32
        %dma_wait3A_99 = arith.constant 0 : i32
        %dma_wait3A_100 = tpu.memref_slice %arg5[%dma_wait3A_98, %dma_wait3A_99] : memref<20992x256xf32, #tpu.memory_space<hbm>> -> memref<20992x256xf32, #tpu.memory_space<hbm>>
        tpu.wait_indirect_dma semaphore(%arg14 : memref<!tpu.dma_semaphore, #tpu.memory_space<semaphore_mem>>) src(%arg9 : memref<128x256xf32, #tpu.memory_space<vmem>>) dst(%dma_wait3A_100 : memref<20992x256xf32, #tpu.memory_space<hbm>>)
        %add3A_101 = arith.constant 2 : i32
        %add3A_102 = arith.addi %add3A_79, %add3A_101 : i32
        %mul3A_103 = arith.constant 128 : i32
        %mul3A_104 = arith.muli %add3A_102, %mul3A_103 : i32
        %dma_start3A_105 = tpu.memref_slice %arg6[%mul3A_104] : memref<5120xi32, #tpu.memory_space<vmem>> -> memref<128xi32, #tpu.memory_space<vmem>>
        %dma_start3A_106 = arith.constant 0 : i32
        %dma_start3A_107 = arith.constant 0 : i32
        %dma_start3A_108 = tpu.memref_slice %arg2[%dma_start3A_106, %dma_start3A_107] : memref<10240x256xf32, #tpu.memory_space<hbm>> -> memref<10240x256xf32, #tpu.memory_space<hbm>>
        tpu.enqueue_indirect_dma source(%dma_start3A_108 : memref<10240x256xf32, #tpu.memory_space<hbm>>) target(%arg9 : memref<128x256xf32, #tpu.memory_space<vmem>>) offsets(%dma_start3A_105 : memref<128xi32, #tpu.memory_space<vmem>>) semaphore(%arg12 : memref<!tpu.dma_semaphore, #tpu.memory_space<semaphore_mem>>)
      } else {
      }
      %add3A_86 = arith.constant 1 : i32
      %add3A_87 = arith.addi %add3A_49, %add3A_86 : i32
      %add3A_88 = arith.constant 2 : i32
      %add3A_89 = arith.addi %add3A_87, %add3A_88 : i32
      %lt3A_90 = arith.constant 40 : i32
      %lt3A_91 = arith.cmpi slt, %add3A_89, %lt3A_90 : i32
      %convert_element_type3A_92 = arith.extui %lt3A_91 : i1 to i32
      %cond3A_93 = arith.constant 0 : i32
      %cond3A_94 = arith.cmpi ne, %convert_element_type3A_92, %cond3A_93 : i32
      scf.if %cond3A_94 {
        %dma_wait3A_95 = arith.constant 0 : i32
        %dma_wait3A_96 = tpu.memref_slice %arg8[%add3A_87, %dma_wait3A_95] : memref<40x128xi32, #tpu.memory_space<vmem>> -> memref<1x128xi32, #tpu.memory_space<vmem>>
        %dma_wait3A_97 = tpu.memref_squeeze %dma_wait3A_96 : memref<1x128xi32, #tpu.memory_space<vmem>> -> memref<128xi32, #tpu.memory_space<vmem>>
        %dma_wait3A_98 = arith.constant 0 : i32
        %dma_wait3A_99 = arith.constant 0 : i32
        %dma_wait3A_100 = tpu.memref_slice %arg5[%dma_wait3A_98, %dma_wait3A_99] : memref<20992x256xf32, #tpu.memory_space<hbm>> -> memref<20992x256xf32, #tpu.memory_space<hbm>>
        tpu.wait_indirect_dma semaphore(%arg15 : memref<!tpu.dma_semaphore, #tpu.memory_space<semaphore_mem>>) src(%arg10 : memref<128x256xf32, #tpu.memory_space<vmem>>) dst(%dma_wait3A_100 : memref<20992x256xf32, #tpu.memory_space<hbm>>)
        %add3A_101 = arith.constant 2 : i32
        %add3A_102 = arith.addi %add3A_87, %add3A_101 : i32
        %mul3A_103 = arith.constant 128 : i32
        %mul3A_104 = arith.muli %add3A_102, %mul3A_103 : i32
        %dma_start3A_105 = tpu.memref_slice %arg6[%mul3A_104] : memref<5120xi32, #tpu.memory_space<vmem>> -> memref<128xi32, #tpu.memory_space<vmem>>
        %dma_start3A_106 = arith.constant 0 : i32
        %dma_start3A_107 = arith.constant 0 : i32
        %dma_start3A_108 = tpu.memref_slice %arg2[%dma_start3A_106, %dma_start3A_107] : memref<10240x256xf32, #tpu.memory_space<hbm>> -> memref<10240x256xf32, #tpu.memory_space<hbm>>
        tpu.enqueue_indirect_dma source(%dma_start3A_108 : memref<10240x256xf32, #tpu.memory_space<hbm>>) target(%arg10 : memref<128x256xf32, #tpu.memory_space<vmem>>) offsets(%dma_start3A_105 : memref<128xi32, #tpu.memory_space<vmem>>) semaphore(%arg13 : memref<!tpu.dma_semaphore, #tpu.memory_space<semaphore_mem>>)
      } else {
      }
    }
    %scan3A_31 = arith.constant 20 : i32
    %dma_wait3A = arith.constant 38 : i32
    %dma_wait3A_32 = arith.constant 0 : i32
    %dma_wait3A_33 = tpu.memref_slice %arg8[%dma_wait3A, %dma_wait3A_32] : memref<40x128xi32, #tpu.memory_space<vmem>> -> memref<1x128xi32, #tpu.memory_space<vmem>>
    %dma_wait3A_34 = tpu.memref_squeeze %dma_wait3A_33 : memref<1x128xi32, #tpu.memory_space<vmem>> -> memref<128xi32, #tpu.memory_space<vmem>>
    %dma_wait3A_35 = arith.constant 0 : i32
    %dma_wait3A_36 = arith.constant 0 : i32
    %dma_wait3A_37 = tpu.memref_slice %arg5[%dma_wait3A_35, %dma_wait3A_36] : memref<20992x256xf32, #tpu.memory_space<hbm>> -> memref<20992x256xf32, #tpu.memory_space<hbm>>
    tpu.wait_indirect_dma semaphore(%arg14 : memref<!tpu.dma_semaphore, #tpu.memory_space<semaphore_mem>>) src(%arg9 : memref<128x256xf32, #tpu.memory_space<vmem>>) dst(%dma_wait3A_37 : memref<20992x256xf32, #tpu.memory_space<hbm>>)
    %dma_wait3A_38 = arith.constant 39 : i32
    %dma_wait3A_39 = arith.constant 0 : i32
    %dma_wait3A_40 = tpu.memref_slice %arg8[%dma_wait3A_38, %dma_wait3A_39] : memref<40x128xi32, #tpu.memory_space<vmem>> -> memref<1x128xi32, #tpu.memory_space<vmem>>
    %dma_wait3A_41 = tpu.memref_squeeze %dma_wait3A_40 : memref<1x128xi32, #tpu.memory_space<vmem>> -> memref<128xi32, #tpu.memory_space<vmem>>
    %dma_wait3A_42 = arith.constant 0 : i32
    %dma_wait3A_43 = arith.constant 0 : i32
    %dma_wait3A_44 = tpu.memref_slice %arg5[%dma_wait3A_42, %dma_wait3A_43] : memref<20992x256xf32, #tpu.memory_space<hbm>> -> memref<20992x256xf32, #tpu.memory_space<hbm>>
    tpu.wait_indirect_dma semaphore(%arg15 : memref<!tpu.dma_semaphore, #tpu.memory_space<semaphore_mem>>) src(%arg10 : memref<128x256xf32, #tpu.memory_space<vmem>>) dst(%dma_wait3A_44 : memref<20992x256xf32, #tpu.memory_space<hbm>>)
    return
  }
}

#map = affine_map<(d0, d1) -> (0, 0)>
#map1 = affine_map<(d0, d1) -> (0)>
module attributes {stable_mosaic.version = 14 : i64} {
  func.func @_agg_kernel(%arg0: i32, %arg1: i32, %arg2: memref<10240x256xf32, #tpu.memory_space<hbm>>, %arg3: memref<163840xi32, #tpu.memory_space<hbm>>, %arg4: memref<163840xi32, #tpu.memory_space<hbm>>, %arg5: memref<20992x256xf32, #tpu.memory_space<hbm>>, %arg6: memref<5120xi32, #tpu.memory_space<vmem>>, %arg7: memref<5120xi32, #tpu.memory_space<vmem>>, %arg8: memref<40x128xi32, #tpu.memory_space<vmem>>, %arg9: memref<128x256xf32, #tpu.memory_space<vmem>>, %arg10: memref<128x256xf32, #tpu.memory_space<vmem>>, %arg11: memref<64x256xf32, #tpu.memory_space<vmem>>, %arg12: memref<!tpu.dma_semaphore, #tpu.memory_space<semaphore_mem>>, %arg13: memref<!tpu.dma_semaphore, #tpu.memory_space<semaphore_mem>>, %arg14: memref<!tpu.dma_semaphore, #tpu.memory_space<semaphore_mem>>, %arg15: memref<!tpu.dma_semaphore, #tpu.memory_space<semaphore_mem>>) attributes {dimension_semantics = [#tpu.dimension_semantics<core_parallel>, #tpu.dimension_semantics<subcore_parallel>], iteration_bounds = array<i64: 2, 16>, scalar_prefetch = 0 : i64, scratch_operands = 10 : i64, tpu.core_type = #tpu.core_type<sc_vector_subcore>, window_params = [{transform_indices = #map}, {transform_indices = #map1}, {transform_indices = #map1}, {transform_indices = #map}]} {
    %mul3A = arith.constant 81920 : i32
    %mul3A_0 = arith.muli %arg0, %mul3A : i32
    %mul3A_1 = arith.constant 5120 : i32
    %mul3A_2 = arith.muli %arg1, %mul3A_1 : i32
    %add3A = arith.addi %mul3A_0, %mul3A_2 : i32
    %mul3A_3 = arith.constant 10496 : i32
    %mul3A_4 = arith.muli %arg0, %mul3A_3 : i32
    %mul3A_5 = arith.constant 640 : i32
    %mul3A_6 = arith.muli %arg1, %mul3A_5 : i32
    "tpu.region"() ({
      %run_scoped3A = tpu.sem_alloc : memref<!tpu.dma_semaphore, #tpu.memory_space<semaphore_mem>>
      %dma_start3A_45 = tpu.memref_slice %arg3[%add3A] : memref<163840xi32, #tpu.memory_space<hbm>> -> memref<5120xi32, #tpu.memory_space<hbm>>
      %dma_start3A_46 = tpu.memref_slice %arg3[%add3A] : memref<163840xi32, #tpu.memory_space<hbm>> -> memref<5120xi32, #tpu.memory_space<hbm>>
      tpu.enqueue_dma source(%dma_start3A_46 : memref<5120xi32, #tpu.memory_space<hbm>>) target(%arg6 : memref<5120xi32, #tpu.memory_space<vmem>>) target_semaphore(%run_scoped3A : memref<!tpu.dma_semaphore, #tpu.memory_space<semaphore_mem>>)
      %dma_wait3A_47 = tpu.memref_slice %arg3[%add3A] : memref<163840xi32, #tpu.memory_space<hbm>> -> memref<5120xi32, #tpu.memory_space<hbm>>
      %dma_wait3A_48 = tpu.memref_slice %arg3[%add3A] : memref<163840xi32, #tpu.memory_space<hbm>> -> memref<5120xi32, #tpu.memory_space<hbm>>
      tpu.wait_dma2 semaphore(%run_scoped3A : memref<!tpu.dma_semaphore, #tpu.memory_space<semaphore_mem>>) src(%dma_wait3A_48 : memref<5120xi32, #tpu.memory_space<hbm>>) dst(%arg6 : memref<5120xi32, #tpu.memory_space<vmem>>)
      tpu.yield
    }) : () -> ()
    "tpu.region"() ({
      %run_scoped3A = tpu.sem_alloc : memref<!tpu.dma_semaphore, #tpu.memory_space<semaphore_mem>>
      %dma_start3A_45 = tpu.memref_slice %arg4[%add3A] : memref<163840xi32, #tpu.memory_space<hbm>> -> memref<5120xi32, #tpu.memory_space<hbm>>
      %dma_start3A_46 = tpu.memref_slice %arg4[%add3A] : memref<163840xi32, #tpu.memory_space<hbm>> -> memref<5120xi32, #tpu.memory_space<hbm>>
      tpu.enqueue_dma source(%dma_start3A_46 : memref<5120xi32, #tpu.memory_space<hbm>>) target(%arg7 : memref<5120xi32, #tpu.memory_space<vmem>>) target_semaphore(%run_scoped3A : memref<!tpu.dma_semaphore, #tpu.memory_space<semaphore_mem>>)
      %dma_wait3A_47 = tpu.memref_slice %arg4[%add3A] : memref<163840xi32, #tpu.memory_space<hbm>> -> memref<5120xi32, #tpu.memory_space<hbm>>
      %dma_wait3A_48 = tpu.memref_slice %arg4[%add3A] : memref<163840xi32, #tpu.memory_space<hbm>> -> memref<5120xi32, #tpu.memory_space<hbm>>
      tpu.wait_dma2 semaphore(%run_scoped3A : memref<!tpu.dma_semaphore, #tpu.memory_space<semaphore_mem>>) src(%dma_wait3A_48 : memref<5120xi32, #tpu.memory_space<hbm>>) dst(%arg7 : memref<5120xi32, #tpu.memory_space<vmem>>)
      tpu.yield
    }) : () -> ()
    %scan3A = arith.constant 0 : i32
    %scan3A_7 = arith.constant 40 : i32
    %scan3A_8 = arith.addi %scan3A, %scan3A_7 : i32
    %scan3A_9 = arith.constant 1 : i32
    scf.for %scan3A_45 = %scan3A to %scan3A_8 step %scan3A_9  : i32 {
      %mul3A_46 = arith.constant 1 : i32
      %mul3A_47 = arith.muli %scan3A_45, %mul3A_46 : i32
      %add3A_48 = arith.constant 0 : i32
      %add3A_49 = arith.addi %add3A_48, %mul3A_47 : i32
      %scan3A_50 = arith.constant 0 : i32
      %scan3A_51 = arith.constant 8 : i32
      %scan3A_52 = arith.addi %scan3A_50, %scan3A_51 : i32
      %scan3A_53 = arith.constant 1 : i32
      scf.for %scan3A_55 = %scan3A_50 to %scan3A_52 step %scan3A_53  : i32 {
        %mul3A_56 = arith.constant 1 : i32
        %mul3A_57 = arith.muli %scan3A_55, %mul3A_56 : i32
        %add3A_58 = arith.constant 0 : i32
        %add3A_59 = arith.addi %add3A_58, %mul3A_57 : i32
        %mul3A_60 = arith.constant 128 : i32
        %mul3A_61 = arith.muli %add3A_49, %mul3A_60 : i32
        %mul3A_62 = arith.constant 16 : i32
        %mul3A_63 = arith.muli %add3A_59, %mul3A_62 : i32
        %add3A_64 = arith.addi %mul3A_61, %mul3A_63 : i32
        %get3A = arith.index_cast %add3A_64 : i32 to index
        %get3A_65 = tpu.vector_load %arg7[%get3A] {strides = array<i32>} : memref<5120xi32, #tpu.memory_space<vmem>>, vector<16xi32>,
        %get3A_66 = vector.shape_cast %get3A_65 : vector<16xi32> to vector<16xi32>
        %add3A_67 = vector.broadcast %mul3A_4 : i32 to vector<16xi32>
        %add3A_68 = arith.addi %get3A_66, %add3A_67 : vector<16xi32>
        %mul3A_69 = arith.constant 16 : i32
        %mul3A_70 = arith.muli %add3A_59, %mul3A_69 : i32
        %swap3A = arith.index_cast %add3A_49 : i32 to index
        %swap3A_71 = arith.index_cast %mul3A_70 : i32 to index
        %swap3A_72 = tpu.vector_load %arg8[%swap3A, %swap3A_71] {strides = array<i32>} : memref<40x128xi32, #tpu.memory_space<vmem>>, vector<1x16xi32>,
        %swap3A_73 = vector.shape_cast %swap3A_72 : vector<1x16xi32> to vector<16xi32>
        %swap3A_74 = vector.shape_cast %add3A_68 : vector<16xi32> to vector<1x16xi32>
        tpu.vector_store %arg8[%swap3A, %swap3A_71], %swap3A_74 {strides = array<i32>} : memref<40x128xi32, #tpu.memory_space<vmem>>, vector<1x16xi32>,
      }
      %scan3A_54 = arith.constant 8 : i32
    }
    %scan3A_10 = arith.constant 40 : i32
    %eq3A = arith.constant 0 : i32
    %eq3A_11 = arith.cmpi eq, %arg0, %eq3A : i32
    %convert_element_type3A = arith.extui %eq3A_11 : i1 to i32
    %cond3A = arith.constant 0 : i32
    %cond3A_12 = arith.cmpi ne, %convert_element_type3A, %cond3A : i32
    scf.if %cond3A_12 {
      "tpu.region"() ({
        %run_scoped3A = tpu.sem_alloc : memref<!tpu.dma_semaphore, #tpu.memory_space<semaphore_mem>>
        %dma_start3A_45 = arith.constant 0 : i32
        %dma_start3A_46 = tpu.memref_slice %arg5[%mul3A_6, %dma_start3A_45] : memref<20992x256xf32, #tpu.memory_space<hbm>> -> memref<640x256xf32, #tpu.memory_space<hbm>>
        %dma_start3A_47 = arith.constant 0 : i32
        %dma_start3A_48 = tpu.memref_slice %arg2[%mul3A_6, %dma_start3A_47] : memref<10240x256xf32, #tpu.memory_space<hbm>> -> memref<640x256xf32, #tpu.memory_space<hbm>>
        tpu.enqueue_dma source(%dma_start3A_48 : memref<640x256xf32, #tpu.memory_space<hbm>>) target(%dma_start3A_46 : memref<640x256xf32, #tpu.memory_space<hbm>>) target_semaphore(%run_scoped3A : memref<!tpu.dma_semaphore, #tpu.memory_space<semaphore_mem>>)
        %dma_wait3A_49 = arith.constant 0 : i32
        %dma_wait3A_50 = tpu.memref_slice %arg5[%mul3A_6, %dma_wait3A_49] : memref<20992x256xf32, #tpu.memory_space<hbm>> -> memref<640x256xf32, #tpu.memory_space<hbm>>
        %dma_wait3A_51 = arith.constant 0 : i32
        %dma_wait3A_52 = tpu.memref_slice %arg2[%mul3A_6, %dma_wait3A_51] : memref<10240x256xf32, #tpu.memory_space<hbm>> -> memref<640x256xf32, #tpu.memory_space<hbm>>
        tpu.wait_dma2 semaphore(%run_scoped3A : memref<!tpu.dma_semaphore, #tpu.memory_space<semaphore_mem>>) src(%dma_wait3A_52 : memref<640x256xf32, #tpu.memory_space<hbm>>) dst(%dma_wait3A_50 : memref<640x256xf32, #tpu.memory_space<hbm>>)
        tpu.yield
      }) : () -> ()
    } else {
    }
    %eq3A_13 = arith.constant 1 : i32
    %eq3A_14 = arith.cmpi eq, %arg0, %eq3A_13 : i32
    %convert_element_type3A_15 = arith.extui %eq3A_14 : i1 to i32
    %cond3A_16 = arith.constant 0 : i32
    %cond3A_17 = arith.cmpi ne, %convert_element_type3A_15, %cond3A_16 : i32
    scf.if %cond3A_17 {
      %scan3A_45 = arith.constant 0 : i32
      %scan3A_46 = arith.constant 64 : i32
      %scan3A_47 = arith.addi %scan3A_45, %scan3A_46 : i32
      %scan3A_48 = arith.constant 1 : i32
      scf.for %scan3A_55 = %scan3A_45 to %scan3A_47 step %scan3A_48  : i32 {
        %mul3A_56 = arith.constant 1 : i32
        %mul3A_57 = arith.muli %scan3A_55, %mul3A_56 : i32
        %add3A_58 = arith.constant 0 : i32
        %add3A_59 = arith.addi %add3A_58, %mul3A_57 : i32
        %broadcast_in_dim3A = arith.constant 0.000000e+00 : f32
        %broadcast_in_dim3A_60 = vector.broadcast %broadcast_in_dim3A : f32 to vector<256xf32>
        %swap3A = arith.index_cast %add3A_59 : i32 to index
        %swap3A_61 = arith.constant 0 : index
        %swap3A_62 = tpu.vector_load %arg11[%swap3A, %swap3A_61] {strides = array<i32>} : memref<64x256xf32, #tpu.memory_space<vmem>>, vector<1x256xf32>,
        %swap3A_63 = vector.shape_cast %swap3A_62 : vector<1x256xf32> to vector<256xf32>
        %swap3A_64 = vector.shape_cast %broadcast_in_dim3A_60 : vector<256xf32> to vector<1x256xf32>
        tpu.vector_store %arg11[%swap3A, %swap3A_61], %swap3A_64 {strides = array<i32>} : memref<64x256xf32, #tpu.memory_space<vmem>>, vector<1x256xf32>,
      }
      %scan3A_49 = arith.constant 64 : i32
      %scan3A_50 = arith.constant 0 : i32
      %scan3A_51 = arith.constant 10 : i32
      %scan3A_52 = arith.addi %scan3A_50, %scan3A_51 : i32
      %scan3A_53 = arith.constant 1 : i32
      scf.for %scan3A_55 = %scan3A_50 to %scan3A_52 step %scan3A_53  : i32 {
        %mul3A_56 = arith.constant 1 : i32
        %mul3A_57 = arith.muli %scan3A_55, %mul3A_56 : i32
        %add3A_58 = arith.constant 0 : i32
        %add3A_59 = arith.addi %add3A_58, %mul3A_57 : i32
        %add3A_60 = arith.constant 10496 : i32
        %add3A_61 = arith.addi %add3A_60, %mul3A_6 : i32
        %mul3A_62 = arith.constant 64 : i32
        %mul3A_63 = arith.muli %add3A_59, %mul3A_62 : i32
        %add3A_64 = arith.addi %add3A_61, %mul3A_63 : i32
        "tpu.region"() ({
          %run_scoped3A = tpu.sem_alloc : memref<!tpu.dma_semaphore, #tpu.memory_space<semaphore_mem>>
          %dma_start3A_65 = arith.constant 0 : i32
          %dma_start3A_66 = tpu.memref_slice %arg5[%add3A_64, %dma_start3A_65] : memref<20992x256xf32, #tpu.memory_space<hbm>> -> memref<64x256xf32, #tpu.memory_space<hbm>>
          %dma_start3A_67 = arith.constant 0 : i32
          %dma_start3A_68 = tpu.memref_slice %arg5[%add3A_64, %dma_start3A_67] : memref<20992x256xf32, #tpu.memory_space<hbm>> -> memref<64x256xf32, #tpu.memory_space<hbm>>
          tpu.enqueue_dma source(%arg11 : memref<64x256xf32, #tpu.memory_space<vmem>>) target(%dma_start3A_68 : memref<64x256xf32, #tpu.memory_space<hbm>>) target_semaphore(%run_scoped3A : memref<!tpu.dma_semaphore, #tpu.memory_space<semaphore_mem>>)
          %dma_wait3A_69 = arith.constant 0 : i32
          %dma_wait3A_70 = tpu.memref_slice %arg5[%add3A_64, %dma_wait3A_69] : memref<20992x256xf32, #tpu.memory_space<hbm>> -> memref<64x256xf32, #tpu.memory_space<hbm>>
          %dma_wait3A_71 = arith.constant 0 : i32
          %dma_wait3A_72 = tpu.memref_slice %arg5[%add3A_64, %dma_wait3A_71] : memref<20992x256xf32, #tpu.memory_space<hbm>> -> memref<64x256xf32, #tpu.memory_space<hbm>>
          tpu.wait_dma2 semaphore(%run_scoped3A : memref<!tpu.dma_semaphore, #tpu.memory_space<semaphore_mem>>) src(%arg11 : memref<64x256xf32, #tpu.memory_space<vmem>>) dst(%dma_wait3A_72 : memref<64x256xf32, #tpu.memory_space<hbm>>)
          tpu.yield
        }) : () -> ()
      }
      %scan3A_54 = arith.constant 10 : i32
    } else {
    }
    %barrier3A = arith.constant 0 : index
    tpu.barrier barrier_id(%barrier3A)
    %dma_start3A = arith.constant 0 : i32
    %dma_start3A_18 = tpu.memref_slice %arg6[%dma_start3A] : memref<5120xi32, #tpu.memory_space<vmem>> -> memref<128xi32, #tpu.memory_space<vmem>>
    %dma_start3A_19 = arith.constant 0 : i32
    %dma_start3A_20 = arith.constant 0 : i32
    %dma_start3A_21 = tpu.memref_slice %arg2[%dma_start3A_19, %dma_start3A_20] : memref<10240x256xf32, #tpu.memory_space<hbm>> -> memref<10240x256xf32, #tpu.memory_space<hbm>>
    tpu.enqueue_indirect_dma source(%dma_start3A_21 : memref<10240x256xf32, #tpu.memory_space<hbm>>) target(%arg9 : memref<128x256xf32, #tpu.memory_space<vmem>>) offsets(%dma_start3A_18 : memref<128xi32, #tpu.memory_space<vmem>>) semaphore(%arg12 : memref<!tpu.dma_semaphore, #tpu.memory_space<semaphore_mem>>)
    %dma_start3A_22 = arith.constant 128 : i32
    %dma_start3A_23 = tpu.memref_slice %arg6[%dma_start3A_22] : memref<5120xi32, #tpu.memory_space<vmem>> -> memref<128xi32, #tpu.memory_space<vmem>>
    %dma_start3A_24 = arith.constant 0 : i32
    %dma_start3A_25 = arith.constant 0 : i32
    %dma_start3A_26 = tpu.memref_slice %arg2[%dma_start3A_24, %dma_start3A_25] : memref<10240x256xf32, #tpu.memory_space<hbm>> -> memref<10240x256xf32, #tpu.memory_space<hbm>>
    tpu.enqueue_indirect_dma source(%dma_start3A_26 : memref<10240x256xf32, #tpu.memory_space<hbm>>) target(%arg10 : memref<128x256xf32, #tpu.memory_space<vmem>>) offsets(%dma_start3A_23 : memref<128xi32, #tpu.memory_space<vmem>>) semaphore(%arg13 : memref<!tpu.dma_semaphore, #tpu.memory_space<semaphore_mem>>)
    %scan3A_27 = arith.constant 0 : i32
    %scan3A_28 = arith.constant 20 : i32
    %scan3A_29 = arith.addi %scan3A_27, %scan3A_28 : i32
    %scan3A_30 = arith.constant 1 : i32
    scf.for %scan3A_45 = %scan3A_27 to %scan3A_29 step %scan3A_30  : i32 {
      %mul3A_46 = arith.constant 2 : i32
      %mul3A_47 = arith.muli %scan3A_45, %mul3A_46 : i32
      %add3A_48 = arith.constant 0 : i32
      %add3A_49 = arith.addi %add3A_48, %mul3A_47 : i32
      %add3A_50 = arith.constant 0 : i32
      %add3A_51 = arith.addi %add3A_49, %add3A_50 : i32
      %mul3A_52 = arith.constant 128 : i32
      %mul3A_53 = arith.muli %add3A_51, %mul3A_52 : i32
      %dma_wait3A_54 = tpu.memref_slice %arg6[%mul3A_53] : memref<5120xi32, #tpu.memory_space<vmem>> -> memref<128xi32, #tpu.memory_space<vmem>>
      %dma_wait3A_55 = arith.constant 0 : i32
      %dma_wait3A_56 = arith.constant 0 : i32
      %dma_wait3A_57 = tpu.memref_slice %arg2[%dma_wait3A_55, %dma_wait3A_56] : memref<10240x256xf32, #tpu.memory_space<hbm>> -> memref<10240x256xf32, #tpu.memory_space<hbm>>
      tpu.wait_indirect_dma semaphore(%arg12 : memref<!tpu.dma_semaphore, #tpu.memory_space<semaphore_mem>>) src(%dma_wait3A_57 : memref<10240x256xf32, #tpu.memory_space<hbm>>) dst(%arg9 : memref<128x256xf32, #tpu.memory_space<vmem>>)
      %dma_start3A_58 = arith.constant 0 : i32
      %dma_start3A_59 = tpu.memref_slice %arg8[%add3A_51, %dma_start3A_58] : memref<40x128xi32, #tpu.memory_space<vmem>> -> memref<1x128xi32, #tpu.memory_space<vmem>>
      %dma_start3A_60 = tpu.memref_squeeze %dma_start3A_59 : memref<1x128xi32, #tpu.memory_space<vmem>> -> memref<128xi32, #tpu.memory_space<vmem>>
      %dma_start3A_61 = arith.constant 0 : i32
      %dma_start3A_62 = arith.constant 0 : i32
      %dma_start3A_63 = tpu.memref_slice %arg5[%dma_start3A_61, %dma_start3A_62] : memref<20992x256xf32, #tpu.memory_space<hbm>> -> memref<20992x256xf32, #tpu.memory_space<hbm>>
      tpu.enqueue_indirect_dma source(%arg9 : memref<128x256xf32, #tpu.memory_space<vmem>>) target(%dma_start3A_63 : memref<20992x256xf32, #tpu.memory_space<hbm>>) offsets(%dma_start3A_60 : memref<128xi32, #tpu.memory_space<vmem>>) semaphore(%arg14 : memref<!tpu.dma_semaphore, #tpu.memory_space<semaphore_mem>>) {add = true}
      %add3A_64 = arith.constant 1 : i32
      %add3A_65 = arith.addi %add3A_49, %add3A_64 : i32
      %mul3A_66 = arith.constant 128 : i32
      %mul3A_67 = arith.muli %add3A_65, %mul3A_66 : i32
      %dma_wait3A_68 = tpu.memref_slice %arg6[%mul3A_67] : memref<5120xi32, #tpu.memory_space<vmem>> -> memref<128xi32, #tpu.memory_space<vmem>>
      %dma_wait3A_69 = arith.constant 0 : i32
      %dma_wait3A_70 = arith.constant 0 : i32
      %dma_wait3A_71 = tpu.memref_slice %arg2[%dma_wait3A_69, %dma_wait3A_70] : memref<10240x256xf32, #tpu.memory_space<hbm>> -> memref<10240x256xf32, #tpu.memory_space<hbm>>
      tpu.wait_indirect_dma semaphore(%arg13 : memref<!tpu.dma_semaphore, #tpu.memory_space<semaphore_mem>>) src(%dma_wait3A_71 : memref<10240x256xf32, #tpu.memory_space<hbm>>) dst(%arg10 : memref<128x256xf32, #tpu.memory_space<vmem>>)
      %dma_start3A_72 = arith.constant 0 : i32
      %dma_start3A_73 = tpu.memref_slice %arg8[%add3A_65, %dma_start3A_72] : memref<40x128xi32, #tpu.memory_space<vmem>> -> memref<1x128xi32, #tpu.memory_space<vmem>>
      %dma_start3A_74 = tpu.memref_squeeze %dma_start3A_73 : memref<1x128xi32, #tpu.memory_space<vmem>> -> memref<128xi32, #tpu.memory_space<vmem>>
      %dma_start3A_75 = arith.constant 0 : i32
      %dma_start3A_76 = arith.constant 0 : i32
      %dma_start3A_77 = tpu.memref_slice %arg5[%dma_start3A_75, %dma_start3A_76] : memref<20992x256xf32, #tpu.memory_space<hbm>> -> memref<20992x256xf32, #tpu.memory_space<hbm>>
      tpu.enqueue_indirect_dma source(%arg10 : memref<128x256xf32, #tpu.memory_space<vmem>>) target(%dma_start3A_77 : memref<20992x256xf32, #tpu.memory_space<hbm>>) offsets(%dma_start3A_74 : memref<128xi32, #tpu.memory_space<vmem>>) semaphore(%arg15 : memref<!tpu.dma_semaphore, #tpu.memory_space<semaphore_mem>>) {add = true}
      %add3A_78 = arith.constant 0 : i32
      %add3A_79 = arith.addi %add3A_49, %add3A_78 : i32
      %add3A_80 = arith.constant 2 : i32
      %add3A_81 = arith.addi %add3A_79, %add3A_80 : i32
      %lt3A = arith.constant 40 : i32
      %lt3A_82 = arith.cmpi slt, %add3A_81, %lt3A : i32
      %convert_element_type3A_83 = arith.extui %lt3A_82 : i1 to i32
      %cond3A_84 = arith.constant 0 : i32
      %cond3A_85 = arith.cmpi ne, %convert_element_type3A_83, %cond3A_84 : i32
      scf.if %cond3A_85 {
        %dma_wait3A_95 = arith.constant 0 : i32
        %dma_wait3A_96 = tpu.memref_slice %arg8[%add3A_79, %dma_wait3A_95] : memref<40x128xi32, #tpu.memory_space<vmem>> -> memref<1x128xi32, #tpu.memory_space<vmem>>
        %dma_wait3A_97 = tpu.memref_squeeze %dma_wait3A_96 : memref<1x128xi32, #tpu.memory_space<vmem>> -> memref<128xi32, #tpu.memory_space<vmem>>
        %dma_wait3A_98 = arith.constant 0 : i32
        %dma_wait3A_99 = arith.constant 0 : i32
        %dma_wait3A_100 = tpu.memref_slice %arg5[%dma_wait3A_98, %dma_wait3A_99] : memref<20992x256xf32, #tpu.memory_space<hbm>> -> memref<20992x256xf32, #tpu.memory_space<hbm>>
        tpu.wait_indirect_dma semaphore(%arg14 : memref<!tpu.dma_semaphore, #tpu.memory_space<semaphore_mem>>) src(%arg9 : memref<128x256xf32, #tpu.memory_space<vmem>>) dst(%dma_wait3A_100 : memref<20992x256xf32, #tpu.memory_space<hbm>>)
        %add3A_101 = arith.constant 2 : i32
        %add3A_102 = arith.addi %add3A_79, %add3A_101 : i32
        %mul3A_103 = arith.constant 128 : i32
        %mul3A_104 = arith.muli %add3A_102, %mul3A_103 : i32
        %dma_start3A_105 = tpu.memref_slice %arg6[%mul3A_104] : memref<5120xi32, #tpu.memory_space<vmem>> -> memref<128xi32, #tpu.memory_space<vmem>>
        %dma_start3A_106 = arith.constant 0 : i32
        %dma_start3A_107 = arith.constant 0 : i32
        %dma_start3A_108 = tpu.memref_slice %arg2[%dma_start3A_106, %dma_start3A_107] : memref<10240x256xf32, #tpu.memory_space<hbm>> -> memref<10240x256xf32, #tpu.memory_space<hbm>>
        tpu.enqueue_indirect_dma source(%dma_start3A_108 : memref<10240x256xf32, #tpu.memory_space<hbm>>) target(%arg9 : memref<128x256xf32, #tpu.memory_space<vmem>>) offsets(%dma_start3A_105 : memref<128xi32, #tpu.memory_space<vmem>>) semaphore(%arg12 : memref<!tpu.dma_semaphore, #tpu.memory_space<semaphore_mem>>)
      } else {
      }
      %add3A_86 = arith.constant 1 : i32
      %add3A_87 = arith.addi %add3A_49, %add3A_86 : i32
      %add3A_88 = arith.constant 2 : i32
      %add3A_89 = arith.addi %add3A_87, %add3A_88 : i32
      %lt3A_90 = arith.constant 40 : i32
      %lt3A_91 = arith.cmpi slt, %add3A_89, %lt3A_90 : i32
      %convert_element_type3A_92 = arith.extui %lt3A_91 : i1 to i32
      %cond3A_93 = arith.constant 0 : i32
      %cond3A_94 = arith.cmpi ne, %convert_element_type3A_92, %cond3A_93 : i32
      scf.if %cond3A_94 {
        %dma_wait3A_95 = arith.constant 0 : i32
        %dma_wait3A_96 = tpu.memref_slice %arg8[%add3A_87, %dma_wait3A_95] : memref<40x128xi32, #tpu.memory_space<vmem>> -> memref<1x128xi32, #tpu.memory_space<vmem>>
        %dma_wait3A_97 = tpu.memref_squeeze %dma_wait3A_96 : memref<1x128xi32, #tpu.memory_space<vmem>> -> memref<128xi32, #tpu.memory_space<vmem>>
        %dma_wait3A_98 = arith.constant 0 : i32
        %dma_wait3A_99 = arith.constant 0 : i32
        %dma_wait3A_100 = tpu.memref_slice %arg5[%dma_wait3A_98, %dma_wait3A_99] : memref<20992x256xf32, #tpu.memory_space<hbm>> -> memref<20992x256xf32, #tpu.memory_space<hbm>>
        tpu.wait_indirect_dma semaphore(%arg15 : memref<!tpu.dma_semaphore, #tpu.memory_space<semaphore_mem>>) src(%arg10 : memref<128x256xf32, #tpu.memory_space<vmem>>) dst(%dma_wait3A_100 : memref<20992x256xf32, #tpu.memory_space<hbm>>)
        %add3A_101 = arith.constant 2 : i32
        %add3A_102 = arith.addi %add3A_87, %add3A_101 : i32
        %mul3A_103 = arith.constant 128 : i32
        %mul3A_104 = arith.muli %add3A_102, %mul3A_103 : i32
        %dma_start3A_105 = tpu.memref_slice %arg6[%mul3A_104] : memref<5120xi32, #tpu.memory_space<vmem>> -> memref<128xi32, #tpu.memory_space<vmem>>
        %dma_start3A_106 = arith.constant 0 : i32
        %dma_start3A_107 = arith.constant 0 : i32
        %dma_start3A_108 = tpu.memref_slice %arg2[%dma_start3A_106, %dma_start3A_107] : memref<10240x256xf32, #tpu.memory_space<hbm>> -> memref<10240x256xf32, #tpu.memory_space<hbm>>
        tpu.enqueue_indirect_dma source(%dma_start3A_108 : memref<10240x256xf32, #tpu.memory_space<hbm>>) target(%arg10 : memref<128x256xf32, #tpu.memory_space<vmem>>) offsets(%dma_start3A_105 : memref<128xi32, #tpu.memory_space<vmem>>) semaphore(%arg13 : memref<!tpu.dma_semaphore, #tpu.memory_space<semaphore_mem>>)
      } else {
      }
    }
    %scan3A_31 = arith.constant 20 : i32
    %dma_wait3A = arith.constant 38 : i32
    %dma_wait3A_32 = arith.constant 0 : i32
    %dma_wait3A_33 = tpu.memref_slice %arg8[%dma_wait3A, %dma_wait3A_32] : memref<40x128xi32, #tpu.memory_space<vmem>> -> memref<1x128xi32, #tpu.memory_space<vmem>>
    %dma_wait3A_34 = tpu.memref_squeeze %dma_wait3A_33 : memref<1x128xi32, #tpu.memory_space<vmem>> -> memref<128xi32, #tpu.memory_space<vmem>>
    %dma_wait3A_35 = arith.constant 0 : i32
    %dma_wait3A_36 = arith.constant 0 : i32
    %dma_wait3A_37 = tpu.memref_slice %arg5[%dma_wait3A_35, %dma_wait3A_36] : memref<20992x256xf32, #tpu.memory_space<hbm>> -> memref<20992x256xf32, #tpu.memory_space<hbm>>
    tpu.wait_indirect_dma semaphore(%arg14 : memref<!tpu.dma_semaphore, #tpu.memory_space<semaphore_mem>>) src(%arg9 : memref<128x256xf32, #tpu.memory_space<vmem>>) dst(%dma_wait3A_37 : memref<20992x256xf32, #tpu.memory_space<hbm>>)
    %dma_wait3A_38 = arith.constant 39 : i32
    %dma_wait3A_39 = arith.constant 0 : i32
    %dma_wait3A_40 = tpu.memref_slice %arg8[%dma_wait3A_38, %dma_wait3A_39] : memref<40x128xi32, #tpu.memory_space<vmem>> -> memref<1x128xi32, #tpu.memory_space<vmem>>
    %dma_wait3A_41 = tpu.memref_squeeze %dma_wait3A_40 : memref<1x128xi32, #tpu.memory_space<vmem>> -> memref<128xi32, #tpu.memory_space<vmem>>
    %dma_wait3A_42 = arith.constant 0 : i32
    %dma_wait3A_43 = arith.constant 0 : i32
    %dma_wait3A_44 = tpu.memref_slice %arg5[%dma_wait3A_42, %dma_wait3A_43] : memref<20992x256xf32, #tpu.memory_space<hbm>> -> memref<20992x256xf32, #tpu.memory_space<hbm>>
    tpu.wait_indirect_dma semaphore(%arg15 : memref<!tpu.dma_semaphore, #tpu.memory_space<semaphore_mem>>) src(%arg10 : memref<128x256xf32, #tpu.memory_space<vmem>>) dst(%dma_wait3A_44 : memref<20992x256xf32, #tpu.memory_space<hbm>>)
    return
  }
}

module attributes {stable_mosaic.version = 14 : i64} {
  func.func @_mm_first_body(%arg0: i32, %arg1: memref<256x256xf32, #tpu.memory_space<vmem>>, %arg2: memref<256x256xf32, #tpu.memory_space<vmem>>, %arg3: memref<256x1xf32, #tpu.memory_space<vmem>>, %arg4: memref<256x256xf32, #tpu.memory_space<vmem>>) attributes {dimension_semantics = [#tpu.dimension_semantics<arbitrary>], iteration_bounds = array<i64: 40>, scalar_prefetch = 0 : i64, scratch_operands = 0 : i64, tpu.core_type = #tpu.core_type<tc>, window_params = [{transform_indices = @transform_0, window_bounds = array<i64: 256, 256>}, {pipeline_mode = #tpu.pipeline_mode<synchronous>, transform_indices = @transform_1, window_bounds = array<i64: 256, 256>}, {transform_indices = @transform_2, window_bounds = array<i64: 256, 1>}, {transform_indices = @transform_3, window_bounds = array<i64: 256, 256>}]} {
    %get3A = arith.constant 0 : index
    %get3A_0 = arith.constant 0 : index
    %get3A_1 = vector.load %arg3[%get3A, %get3A_0] : memref<256x1xf32, #tpu.memory_space<vmem>>, vector<256x1xf32>
    %add3A = arith.constant 1.000000e+00 : f32
    %add3A_2 = vector.broadcast %add3A : f32 to vector<256x1xf32>
    %add3A_3 = arith.addf %get3A_1, %add3A_2 : vector<256x1xf32>
    %rsqrt3A = math.rsqrt %add3A_3 : vector<256x1xf32>
    %get3A_4 = arith.constant 0 : index
    %get3A_5 = arith.constant 0 : index
    %get3A_6 = vector.load %arg1[%get3A_4, %get3A_5] : memref<256x256xf32, #tpu.memory_space<vmem>>, vector<256x256xf32>
    %get3A_7 = arith.constant 0 : index
    %get3A_8 = arith.constant 0 : index
    %get3A_9 = vector.load %arg2[%get3A_7, %get3A_8] : memref<256x256xf32, #tpu.memory_space<vmem>>, vector<256x256xf32>
    %dot_general3A = arith.constant dense<0.000000e+00> : vector<256x256xf32>
    %dot_general3A_10 = tpu.matmul %get3A_6, %get3A_9, %dot_general3A {dimension_numbers = #tpu.dot_dimension_numbers<[1], [0], [0], [1], [0, 0, 1, 1], [], []>, transpose_lhs_hint = false} : vector<256x256xf32>, vector<256x256xf32>, vector<256x256xf32> -> vector<256x256xf32>
    %mul3A = vector.broadcast %rsqrt3A : vector<256x1xf32> to vector<256x256xf32>
    %mul3A_11 = arith.mulf %dot_general3A_10, %mul3A : vector<256x256xf32>
    %swap3A = arith.constant 0 : index
    %swap3A_12 = arith.constant 0 : index
    %swap3A_13 = vector.load %arg4[%swap3A, %swap3A_12] : memref<256x256xf32, #tpu.memory_space<vmem>>, vector<256x256xf32>
    tpu.vector_store %arg4[%swap3A, %swap3A_12], %mul3A_11 {strides = array<i32>} : memref<256x256xf32, #tpu.memory_space<vmem>>, vector<256x256xf32>,
    return
  }
  func.func @transform_0(%arg0: i32) -> (i32, i32) {
    %c0_i32 = arith.constant 0 : i32
    %c0_i32_0 = arith.constant 0 : i32
    return %arg0, %c0_i32 : i32, i32
  }
  func.func @transform_1(%arg0: i32) -> (i32, i32) {
    %c0_i32 = arith.constant 0 : i32
    %c0_i32_0 = arith.constant 0 : i32
    %c0_i32_1 = arith.constant 0 : i32
    return %c0_i32, %c0_i32_0 : i32, i32
  }
  func.func @transform_2(%arg0: i32) -> (i32, i32) {
    %c0_i32 = arith.constant 0 : i32
    %c0_i32_0 = arith.constant 0 : i32
    return %arg0, %c0_i32 : i32, i32
  }
  func.func @transform_3(%arg0: i32) -> (i32, i32) {
    %c0_i32 = arith.constant 0 : i32
    %c0_i32_0 = arith.constant 0 : i32
    return %arg0, %c0_i32 : i32, i32
  }
}

module attributes {stable_mosaic.version = 14 : i64} {
  func.func @_mm_mid_body(%arg0: i32, %arg1: memref<256x256xf32, #tpu.memory_space<vmem>>, %arg2: memref<256x256xf32, #tpu.memory_space<vmem>>, %arg3: memref<256x256xf32, #tpu.memory_space<vmem>>, %arg4: memref<256x1xf32, #tpu.memory_space<vmem>>, %arg5: memref<1x256xf32, #tpu.memory_space<vmem>>, %arg6: memref<256x256xf32, #tpu.memory_space<vmem>>) attributes {dimension_semantics = [#tpu.dimension_semantics<arbitrary>], iteration_bounds = array<i64: 40>, scalar_prefetch = 0 : i64, scratch_operands = 0 : i64, tpu.core_type = #tpu.core_type<tc>, window_params = [{transform_indices = @transform_0, window_bounds = array<i64: 256, 256>}, {transform_indices = @transform_1, window_bounds = array<i64: 256, 256>}, {pipeline_mode = #tpu.pipeline_mode<synchronous>, transform_indices = @transform_2, window_bounds = array<i64: 256, 256>}, {transform_indices = @transform_3, window_bounds = array<i64: 256, 1>}, {pipeline_mode = #tpu.pipeline_mode<synchronous>, transform_indices = @transform_4, window_bounds = array<i64: 1, 256>}, {transform_indices = @transform_5, window_bounds = array<i64: 256, 256>}]} {
    %get3A = arith.constant 0 : index
    %get3A_0 = arith.constant 0 : index
    %get3A_1 = vector.load %arg4[%get3A, %get3A_0] : memref<256x1xf32, #tpu.memory_space<vmem>>, vector<256x1xf32>
    %add3A = arith.constant 1.000000e+00 : f32
    %add3A_2 = vector.broadcast %add3A : f32 to vector<256x1xf32>
    %add3A_3 = arith.addf %get3A_1, %add3A_2 : vector<256x1xf32>
    %rsqrt3A = math.rsqrt %add3A_3 : vector<256x1xf32>
    %get3A_4 = arith.constant 0 : index
    %get3A_5 = arith.constant 0 : index
    %get3A_6 = vector.load %arg1[%get3A_4, %get3A_5] : memref<256x256xf32, #tpu.memory_space<vmem>>, vector<256x256xf32>
    %get3A_7 = arith.constant 0 : index
    %get3A_8 = arith.constant 0 : index
    %get3A_9 = vector.load %arg2[%get3A_7, %get3A_8] : memref<256x256xf32, #tpu.memory_space<vmem>>, vector<256x256xf32>
    %add3A_10 = arith.addf %get3A_6, %get3A_9 : vector<256x256xf32>
    %mul3A = vector.broadcast %rsqrt3A : vector<256x1xf32> to vector<256x256xf32>
    %mul3A_11 = arith.mulf %add3A_10, %mul3A : vector<256x256xf32>
    %get3A_12 = arith.constant 0 : index
    %get3A_13 = arith.constant 0 : index
    %get3A_14 = vector.load %arg5[%get3A_12, %get3A_13] : memref<1x256xf32, #tpu.memory_space<vmem>>, vector<1x256xf32>
    %add3A_15 = vector.broadcast %get3A_14 : vector<1x256xf32> to vector<256x256xf32>
    %add3A_16 = arith.addf %mul3A_11, %add3A_15 : vector<256x256xf32>
    %max3A = arith.constant 0.000000e+00 : f32
    %max3A_17 = vector.broadcast %max3A : f32 to vector<256x256xf32>
    %max3A_18 = arith.maximumf %add3A_16, %max3A_17 : vector<256x256xf32>
    %get3A_19 = arith.constant 0 : index
    %get3A_20 = arith.constant 0 : index
    %get3A_21 = vector.load %arg3[%get3A_19, %get3A_20] : memref<256x256xf32, #tpu.memory_space<vmem>>, vector<256x256xf32>
    %dot_general3A = arith.constant dense<0.000000e+00> : vector<256x256xf32>
    %dot_general3A_22 = tpu.matmul %max3A_18, %get3A_21, %dot_general3A {dimension_numbers = #tpu.dot_dimension_numbers<[1], [0], [0], [1], [0, 0, 1, 1], [], []>, transpose_lhs_hint = false} : vector<256x256xf32>, vector<256x256xf32>, vector<256x256xf32> -> vector<256x256xf32>
    %mul3A_23 = vector.broadcast %rsqrt3A : vector<256x1xf32> to vector<256x256xf32>
    %mul3A_24 = arith.mulf %dot_general3A_22, %mul3A_23 : vector<256x256xf32>
    %swap3A = arith.constant 0 : index
    %swap3A_25 = arith.constant 0 : index
    %swap3A_26 = vector.load %arg6[%swap3A, %swap3A_25] : memref<256x256xf32, #tpu.memory_space<vmem>>, vector<256x256xf32>
    tpu.vector_store %arg6[%swap3A, %swap3A_25], %mul3A_24 {strides = array<i32>} : memref<256x256xf32, #tpu.memory_space<vmem>>, vector<256x256xf32>,
    return
  }
  func.func @transform_0(%arg0: i32) -> (i32, i32) {
    %c0_i32 = arith.constant 0 : i32
    %c0_i32_0 = arith.constant 0 : i32
    return %arg0, %c0_i32 : i32, i32
  }
  func.func @transform_1(%arg0: i32) -> (i32, i32) {
    %add3A = arith.constant 41 : i32
    %add3A_0 = arith.addi %arg0, %add3A : i32
    %c0_i32 = arith.constant 0 : i32
    %c0_i32_1 = arith.constant 0 : i32
    return %add3A_0, %c0_i32 : i32, i32
  }
  func.func @transform_2(%arg0: i32) -> (i32, i32) {
    %c0_i32 = arith.constant 0 : i32
    %c0_i32_0 = arith.constant 0 : i32
    %c0_i32_1 = arith.constant 0 : i32
    return %c0_i32, %c0_i32_0 : i32, i32
  }
  func.func @transform_3(%arg0: i32) -> (i32, i32) {
    %c0_i32 = arith.constant 0 : i32
    %c0_i32_0 = arith.constant 0 : i32
    return %arg0, %c0_i32 : i32, i32
  }
  func.func @transform_4(%arg0: i32) -> (i32, i32) {
    %c0_i32 = arith.constant 0 : i32
    %c0_i32_0 = arith.constant 0 : i32
    %c0_i32_1 = arith.constant 0 : i32
    return %c0_i32, %c0_i32_0 : i32, i32
  }
  func.func @transform_5(%arg0: i32) -> (i32, i32) {
    %c0_i32 = arith.constant 0 : i32
    %c0_i32_0 = arith.constant 0 : i32
    return %arg0, %c0_i32 : i32, i32
  }
}

module attributes {stable_mosaic.version = 14 : i64} {
  func.func @_epi_body(%arg0: i32, %arg1: memref<256x256xf32, #tpu.memory_space<vmem>>, %arg2: memref<256x256xf32, #tpu.memory_space<vmem>>, %arg3: memref<256x1xf32, #tpu.memory_space<vmem>>, %arg4: memref<1x256xf32, #tpu.memory_space<vmem>>, %arg5: memref<256x256xf32, #tpu.memory_space<vmem>>) attributes {dimension_semantics = [#tpu.dimension_semantics<arbitrary>], iteration_bounds = array<i64: 40>, scalar_prefetch = 0 : i64, scratch_operands = 0 : i64, tpu.core_type = #tpu.core_type<tc>, window_params = [{transform_indices = @transform_0, window_bounds = array<i64: 256, 256>}, {transform_indices = @transform_1, window_bounds = array<i64: 256, 256>}, {transform_indices = @transform_2, window_bounds = array<i64: 256, 1>}, {pipeline_mode = #tpu.pipeline_mode<synchronous>, transform_indices = @transform_3, window_bounds = array<i64: 1, 256>}, {transform_indices = @transform_4, window_bounds = array<i64: 256, 256>}]} {
    %get3A = arith.constant 0 : index
    %get3A_0 = arith.constant 0 : index
    %get3A_1 = vector.load %arg3[%get3A, %get3A_0] : memref<256x1xf32, #tpu.memory_space<vmem>>, vector<256x1xf32>
    %add3A = arith.constant 1.000000e+00 : f32
    %add3A_2 = vector.broadcast %add3A : f32 to vector<256x1xf32>
    %add3A_3 = arith.addf %get3A_1, %add3A_2 : vector<256x1xf32>
    %rsqrt3A = math.rsqrt %add3A_3 : vector<256x1xf32>
    %get3A_4 = arith.constant 0 : index
    %get3A_5 = arith.constant 0 : index
    %get3A_6 = vector.load %arg1[%get3A_4, %get3A_5] : memref<256x256xf32, #tpu.memory_space<vmem>>, vector<256x256xf32>
    %get3A_7 = arith.constant 0 : index
    %get3A_8 = arith.constant 0 : index
    %get3A_9 = vector.load %arg2[%get3A_7, %get3A_8] : memref<256x256xf32, #tpu.memory_space<vmem>>, vector<256x256xf32>
    %add3A_10 = arith.addf %get3A_6, %get3A_9 : vector<256x256xf32>
    %mul3A = vector.broadcast %rsqrt3A : vector<256x1xf32> to vector<256x256xf32>
    %mul3A_11 = arith.mulf %add3A_10, %mul3A : vector<256x256xf32>
    %get3A_12 = arith.constant 0 : index
    %get3A_13 = arith.constant 0 : index
    %get3A_14 = vector.load %arg4[%get3A_12, %get3A_13] : memref<1x256xf32, #tpu.memory_space<vmem>>, vector<1x256xf32>
    %add3A_15 = vector.broadcast %get3A_14 : vector<1x256xf32> to vector<256x256xf32>
    %add3A_16 = arith.addf %mul3A_11, %add3A_15 : vector<256x256xf32>
    %swap3A = arith.constant 0 : index
    %swap3A_17 = arith.constant 0 : index
    %swap3A_18 = vector.load %arg5[%swap3A, %swap3A_17] : memref<256x256xf32, #tpu.memory_space<vmem>>, vector<256x256xf32>
    tpu.vector_store %arg5[%swap3A, %swap3A_17], %add3A_16 {strides = array<i32>} : memref<256x256xf32, #tpu.memory_space<vmem>>, vector<256x256xf32>,
    return
  }
  func.func @transform_0(%arg0: i32) -> (i32, i32) {
    %c0_i32 = arith.constant 0 : i32
    %c0_i32_0 = arith.constant 0 : i32
    return %arg0, %c0_i32 : i32, i32
  }
  func.func @transform_1(%arg0: i32) -> (i32, i32) {
    %add3A = arith.constant 41 : i32
    %add3A_0 = arith.addi %arg0, %add3A : i32
    %c0_i32 = arith.constant 0 : i32
    %c0_i32_1 = arith.constant 0 : i32
    return %add3A_0, %c0_i32 : i32, i32
  }
  func.func @transform_2(%arg0: i32) -> (i32, i32) {
    %c0_i32 = arith.constant 0 : i32
    %c0_i32_0 = arith.constant 0 : i32
    return %arg0, %c0_i32 : i32, i32
  }
  func.func @transform_3(%arg0: i32) -> (i32, i32) {
    %c0_i32 = arith.constant 0 : i32
    %c0_i32_0 = arith.constant 0 : i32
    %c0_i32_1 = arith.constant 0 : i32
    return %c0_i32, %c0_i32_0 : i32, i32
  }
  func.func @transform_4(%arg0: i32) -> (i32, i32) {
    %c0_i32 = arith.constant 0 : i32
    %c0_i32_0 = arith.constant 0 : i32
    return %arg0, %c0_i32 : i32, i32
  }
}

</mosaic_0001>

<sc_bundles>
// kernel: kernel.10.cloned.1.call-start
scs
__scs_entry_jumppad:
0x0: {  	(pc) =	sbr.rel $0x88, $3  }
0x1: {  	(tag) =	ssettag $0x0;
	lr =	simm.s32 $0x1  }
0x2: {  	[smem:$0x3F99] =	sst lr;
	_ =	strace $0xD0000000  }
0x3: {  	_ = 	snop  }
0x4: {  	_ = 	snop  }
0x5: {  	_ = 	snop  }
0x6: {  	_ = 	snop  }
0x7: {  	_ = 	snop  }
__scs_overlays_trampoline_lowered:
0x8: {  	[smem:$0x3FA8] =	sst s0  }
0x9: {  	[smem:$0x3FA9] =	sst s1  }
0xa: {  	[smem:$0x3FAA] =	sst s2  }
0xb: {  	[smem:$0x3FAB] =	sst s3  }
0xc: {  	[smem:$0x3FAC] =	sst s4  }
0xd: {  	[smem:$0x3FAD] =	sst s5  }
0xe: {  	[smem:$0x3FAE] =	sst s6  }
0xf: {  	[smem:$0x3FAF] =	sst s7  }
0x10: {  	[smem:$0x3FB0] =	sst s8  }
0x11: {  	[smem:$0x3FB1] =	sst s9;
	s0 =	simm.s32 @!p0 $0x0  }
0x12: {  	s1 =	sld [smem:$0x3F97];
	s0 =	simm.s32 @p0 $0x1  }
0x13: {  	[smem:$0x3FB2] =	sst s0;
	s0 =	simm.s32 @!p1 $0x0  }
0x14: {  	s2 =	sld [smem:$0x3F96];
	s0 =	simm.s32 @p1 $0x1  }
0x15: {  	[smem:$0x3FB3] =	sst s0;
	s0 =	simm.s32 @!p2 $0x0  }
0x16: {  	s3 =	sld [smem:$0x3FDB];
	s0 =	simm.s32 @p2 $0x1  }
0x17: {  	s4 =	simm.s32 $0x1BF5;
	[smem:$0x3FB5] =	sst s0  }
0x18: {  	s0 =	sld [smem:$0x3F98];
	_ =	swait.ge [sflag:s4], $0x0  }
0x19: {  	s7 =	sld [smem:$0x3F99]  }
0x1a: {  	s8 =	sadd.s32 $0xFFFFE003, lr  }
0x1b: {  	s9 =	sadd.s32 $0xFFFFFEF7, lr;
	s5 =	simm.s32 $0xFFFFFFFF;
	p2 =	slt.u32 s8, $0xFFFFF086  }
0x1c: {  	p1 =	slt.u32 s9, $0xF7A;
	s5 =	simm.s32 @!p2 $0x0  }
0x1d: {  	s5 =	simm.s32 @p1 $0x1;
	p0 =	seq.s32 s7, s2  }
0x1e: {  	s7 =	smul.u32 @!p0 $0xF7A, s2;
	p2 =	seq.s32 @!p0 s5, $0x0  }
0x1f: {  	s9 =	smul.u32 $0xF7A, s1;
	s8 =	simm.s32 @!p0 $0x1BF5;
	p2 =	por !p2, p0  }
0x20: {  	[sflag:s8] =	ssyncset.s32 @!p0 $0xFFFFF086;
	s6 =	sadd.s32 @!p0 s3, s7;
	s7 =	simm.s32 @!p0 $0x108  }
0x21: {  	s3 =	sadd.s32 s3, s9;
	s6 =	sadd.s32 @!p0 $0x88, s6;
	s7 =	simm.s32 @p2 $0x1082  }
0x22: {  	[simem:s7], [sflag:s8] =	dma.local @!p0 [hbm:s6], $0xF7A  }
0x23: {  	s9 =	sor.u32 $0xD0000000, s2;
	s6 =	simm.s32 $0x108;
	_ =	swait.ge @!p0 [sflag:s8], $0x0  }
0x24: {  	s3 =	sadd.s32 $0x88, s3;
	s6 =	simm.s32 @!p1 $0x1082;
	[sflag:s4] =	ssyncset.s32 $0xFFFFF086  }
0x25: {  	[simem:s6], [sflag:s4] =	dma.local [hbm:s3], $0xF7A  }
0x26: {  	[smem:$0x3F99] =	sst s1;
	(tag) =	ssettag s2;
	_ =	strace s9  }
0x27: {  	s1 =	sld [smem:$0x3FA9]  }
0x28: {  	s2 =	sld [smem:$0x3FAA]  }
0x29: {  	s4 =	sld [smem:$0x3FAC]  }
0x2a: {  	p0 =	seq.s32 s5, $0x0;
	s5 =	sld [smem:$0x3FAD]  }
0x2b: {  	s6 =	sld [smem:$0x3FAE]  }
0x2c: {  	s7 =	sld [smem:$0x3FAF]  }
0x2d: {  	s3 =	simm.s32 $0x108;
	s8 =	sld [smem:$0x3FB0]  }
0x2e: {  	s3 =	simm.s32 @!p0 $0x1082;
	s9 =	sld [smem:$0x3FB1]  }
0x2f: {  	lr =	sadd.s32 s0, s3;
	s0 =	sld [smem:$0x3FA8]  }
0x30: {  	s3 =	sld [smem:$0x3FAB]  }
0x31: {  	[smem:$0x3FB4] =	sst s10  }
0x32: {  	s10 =	sld [smem:$0x3FB2];
	_ =	sdelay $0x3  }
0x33: {  	p0 =	seq.s32 s10, $0x1;
	s10 =	sld [smem:$0x3FB4];
	_ =	sdelay $0x3  }
0x34: {  	[smem:$0x3FB4] =	sst s10  }
0x35: {  	s10 =	sld [smem:$0x3FB3];
	_ =	sdelay $0x3  }
0x36: {  	p1 =	seq.s32 s10, $0x1;
	s10 =	sld [smem:$0x3FB4];
	_ =	sdelay $0x3  }
0x37: {  	[smem:$0x3FB4] =	sst s10  }
0x38: {  	s10 =	sld [smem:$0x3FB5]  }
0x39: {  	_ = 	snop;
	(pc) =	sbr.ind lr, $3  }
0x3a: {  	_ = 	snop  }
0x3b: {  	_ = 	snop  }
0x3c: {  	p2 =	seq.s32 s10, $0x1;
	s10 =	sld [smem:$0x3FB4]  }
0x3d: {  	_ =	shalt  }
0x3e: {  	_ =	shalt  }
0x3f: {  	_ =	shalt  }
0x40: {  	_ =	shalt  }
0x41: {  	_ =	shalt  }
0x42: {  	_ =	shalt  }
0x43: {  	_ =	shalt  }
0x44: {  	_ =	shalt  }
0x45: {  	_ =	shalt  }
0x46: {  	_ =	shalt  }
0x47: {  	_ =	shalt  }
0x48: {  	_ =	shalt  }
0x49: {  	_ =	shalt  }
0x4a: {  	_ =	shalt  }
0x4b: {  	_ =	shalt  }
0x4c: {  	_ =	shalt  }
0x4d: {  	_ =	shalt  }
0x4e: {  	_ =	shalt  }
0x4f: {  	_ =	shalt  }
0x50: {  	_ =	shalt  }
0x51: {  	_ =	shalt  }
0x52: {  	_ =	shalt  }
0x53: {  	_ =	shalt  }
0x54: {  	_ =	shalt  }
0x55: {  	_ =	shalt  }
0x56: {  	_ =	shalt  }
0x57: {  	_ =	shalt  }
0x58: {  	_ =	shalt  }
0x59: {  	_ =	shalt  }
0x5a: {  	_ =	shalt  }
0x5b: {  	_ =	shalt  }
0x5c: {  	_ =	shalt  }
0x5d: {  	_ =	shalt  }
0x5e: {  	_ =	shalt  }
0x5f: {  	_ =	shalt  }
0x60: {  	_ =	shalt  }
0x61: {  	_ =	shalt  }
0x62: {  	_ =	shalt  }
0x63: {  	_ =	shalt  }
0x64: {  	_ =	shalt  }
0x65: {  	_ =	shalt  }
0x66: {  	_ =	shalt  }
0x67: {  	_ =	shalt  }
0x68: {  	_ =	shalt  }
0x69: {  	_ =	shalt  }
0x6a: {  	_ =	shalt  }
0x6b: {  	_ =	shalt  }
0x6c: {  	_ =	shalt  }
0x6d: {  	_ =	shalt  }
0x6e: {  	_ =	shalt  }
0x6f: {  	_ =	shalt  }
0x70: {  	_ =	shalt  }
0x71: {  	_ =	shalt  }
0x72: {  	_ =	shalt  }
0x73: {  	_ =	shalt  }
0x74: {  	_ =	shalt  }
0x75: {  	_ =	shalt  }
0x76: {  	_ =	shalt  }
0x77: {  	_ =	shalt  }
0x78: {  	_ =	shalt  }
0x79: {  	_ =	shalt  }
0x7a: {  	_ =	shalt  }
0x7b: {  	_ =	shalt  }
0x7c: {  	_ =	shalt  }
0x7d: {  	_ =	shalt  }
0x7e: {  	_ =	shalt  }
0x7f: {  	_ =	shalt  }
0x80: {  	_ =	shalt  }
0x81: {  	_ =	shalt  }
0x82: {  	_ =	shalt  }
0x83: {  	_ =	shalt  }
0x84: {  	_ =	shalt  }
0x85: {  	_ =	shalt  }
0x86: {  	_ =	shalt  }
0x87: {  	_ =	shalt  }
.Lfunc_end0:
.L_simem_size_0:
called_computation_lowered:
.L_overlay_start_0:
0x88: {  	s2 =	sld [smem:$0x3FD9]  }
0x89: {  	s3 =	sld [smem:$0x3FFE];
	_ =	sdelay $0x1  }
0x8a: {  	s1 =	srdreg.scid  }
0x8b: {  	s0 =	sand.u32 $0x1, s1  }
0x8c: {  	s17 =	sshll.u32 s0, $0xA;
	s2 =	sadd.s32 s3, s2  }
0x8d: {  	s2 =	sadd.s32 s2, s17  }
0x8e: {  	[smem:$0x3FC0] =	sst s2  }
0x8f: {  	_ = 	snop  }
0x90: {  	s2 =	sld [smem:$0x3FD0];
	(tm) =	ssettm $0x1  }
0x91: {  	s18 =	sld [smem:$0x3FFB];
	_ =	sdelay $0x3  }
0x92: {  	_ =	strace s18  }
0x93: {  	s3 =	sld [smem:$0x3FFC];
	_ =	sdelay $0x3  }
0x94: {  	_ =	strace s3  }
0x95: {  	s3 =	sld [smem:$0x3FFD];
	_ =	sdelay $0x3  }
0x96: {  	_ =	strace s3  }
0x97: {  	_ =	strace $0x8FFFFFFF  }
0x98: {  	s19 =	sld [smem:$0x3FDB];
	_ =	sdelay $0x1  }
0x99: {  	s4 =	simm.s32 $_scs_section_size  }
0x9a: {  	s5 =	simm.s32 $_size__tile_overlayer_lowered;
	s6 =	simm.s32 $_tile_overlayer_lowered  }
0x9b: {  	s22 =	simm.s32 $0x1BFF;
	s21 =	sshll.u32 s6, $0x1;
	s3 =	sadd.s32 s4, s19  }
0x9c: {  	s7 =	simm.s32 $0x0;
	s20 =	sshll.u32 s5, $0x1;
	s5 =	sadd.s32 s21, s3  }
0x9d: {  	[timem:s7], [sflag:s22] =	dma.local [hbm:s5], s20  }
0x9e: {  	_ =	swait.ge [sflag:s22], s20  }
0x9f: {  	s4 =	ssub.s32 $0x0, s20;
	[sflag:s22] =	ssyncset.done $0x0  }
0xa0: {  	[sflag:s22] =	ssyncadd.s32 s4;
	_ =	sdelay $0x1  }
0xa1: {  	s23 =	simm.s32 $0x1B8B  }
0xa2: {  	_ =	swait.ge [sflag:s23], $0x1  }
0xa3: {  	[sflag:s23] =	ssyncset.done $0x0  }
0xa4: {  	s25 =	simm.s32 $0x1B8E;
	s24 =	sld [smem:$0x3FFE];
	[sflag:s23] =	ssyncadd.s32 $0xFFFFFFFF  }
0xa5: {  	s26 =	simm.s32 $execute0_lowered;
	[smem:$0x3FD2] =	sst s25  }
0xa6: {  	s5 =	sshll.u32 s26, $0x1;
	_ =	strace $0x80000046;
	[dreg:$0x1] =	wrdreg $0xFFFFFFFF  }
0xa7: {  	s28 =	simm.s32 $_size_execute0_lowered;
	s3 =	sadd.s32 s3, s5;
	[dreg:$0x0] =	wrdreg $0x0  }
0xa8: {  	s5 =	sshll.u32 s28, $0x1;
	[dreg:$0x2] =	wrdreg s3  }
0xa9: {  	[dreg:$0x3] =	wrdreg s5  }
0xaa: {  	[dreg:$0x4] =	wrdreg $0xC0  }
0xab: {  	_ =	task [dreg:s7], $0x5FFFF  }
0xac: {  	[dreg:$0x1] =	wrdreg $0xFFFFFFFF  }
0xad: {  	[dreg:$0x0] =	wrdreg $0x60  }
0xae: {  	[dreg:$0x2] =	wrdreg s24  }
0xaf: {  	[dreg:$0x3] =	wrdreg s2  }
0xb0: {  	[dreg:$0x4] =	wrdreg $0x130000  }
0xb1: {  	[dreg:$0x5] =	wrdreg $0x9  }
0xb2: {  	_ =	task.clear_ibuf [dreg:s7], $0x6FFFF;
	_ =	strace $0x90000046  }
0xb3: {  	s29 =	simm.s32 $0x9;
	_ =	strace $0x80000048  }
0xb4: {  	_ =	swait.ge [sflag:s29], $0x1  }
0xb5: {  	[sflag:s29] =	ssyncadd.s32 $0xFFFFFFFF  }
0xb6: {  	_ =	strace $0x90000048  }
0xb7: {  	_ =	sfence  }
0xb8: {  	s30 =	sld [smem:$0x0];
	_ =	sdelay $0x2  }
0xb9: {  	s31 =	sshll.u32 s1, $0xD;
	s1 =	sshrl.u32 s1, $0x2  }
0xba: {  	s3 =	sand.u32 $0x4000, s31;
	s1 =	sadd.s32 s1, s30  }
0xbb: {  	s0 =	sor.u32 s3, s0;
	s1 =	sshll.u32 s1, $0x11  }
0xbc: {  	s0 =	sor.u32 s1, s0  }
0xbd: {  	s0 =	sadd.s32 $0x8F2B, s0  }
0xbe: {  	[sflag:s0] =	ssyncadd.remote.s32 $0x1  }
0xbf: {  	_ =	sfence.sel $0xFFFF  }
0xc0: {  	[dreg:$0x0] =	wrdreg $0xFFFFFFFF;
	(pc) =	sbr.abs _section_cstart, $3  }
0xc1: {  	[dreg:$0x1] =	wrdreg $0xFFFFFFFF  }
0xc2: {  	_ =	task.clear_ibuf [dreg:s7], $0x2FFFF;
	_ =	strace $0x9FFFFFFF  }
0xc3: {  	(tm) =	ssettm $0x7FFFFFFF  }
tec
execute0_lowered:
.L_overlay_start_1:
0x0: {  	(tag) =	ssettag $0x1  }
0x1: {  	s4 =	rddreg [dreg:$0x0]  }
0x2: {  	s6 =	rddreg [dreg:$0x1];
	s0 =	stileid.u32  }
0x3: {  	s1 =	srdreg.scid;
	s2 =	rddreg [dreg:$0x2];
	s3 =	simm.s32 $0x0  }
0x4: {  	s10 =	simm.s32 $0x80;
	s11 =	simm.s32 $0x5000;
	s5 =	smul.u32 $0x500, s0  }
0x5: {  	s7 =	sand.u32 $0x1, s1;
	s1 =	rddreg [dreg:$0x3];
	s8 =	smul.u32 $0x140, s0  }
0x6: {  	s14 =	simm.s32 $0x0;
	[smem:$0x7FF] =	sst s3;
	s9 =	smul.u32 $0x28000, s0  }
0x7: {  	s13 =	sshll.u32 s0, $0x6;
	s12 =	smul.u32 $0x1400, s7;
	s7 =	ssub.s32 $0x2, s7  }
0x8: {  	_ =	strace $0x80000047;
	s4 =	sadd.s32 s5, s4;
	s30 =	sshrl.u32 s7, $0x1  }
0x9: {  	s31 =	sshrl.u32 s9, $0x2;
	s9 =	simm.s32 $0x9000;
	s8 =	sadd.s32 s8, s12  }
0xa: {  	s7 =	ssub.s32 s7, s30;
	s4 =	sadd.s32 $0x2800, s4;
	s5 =	sadd.s32 s31, s2  }
0xb: {  	v0 =	vmov s12;
	s12 =	sor.u32 $0x1C01, s13;
	s8 =	sshll.u32 s8, $0x4;
	s7 =	smax.u32 s7, $0x1  }
0xc: {  	v1 =	vimm.f32 $1.000000000e+00;
	v2 =	vimm.f32 $0.0e+00;
	s13 =	sshrl.u32 s5, $0x3;
	s6 =	sadd.s32 s6, s8;
	s8 =	simm.s32 $0x1  }
.LBB2_1:
0xd: {  	[tilespmem:s3], [sflag:$0x1] =	stream.linear.gather [hbm4b:s4+s3], $0x2800, $0x38;
	[tilespmem:$0x13A08] =	vst v63  }
0xe: {  	_ =	swait.ge [sflag:s8], $0x2800  }
0xf: {  	[sflag:s8] =	ssyncset.done $0x0  }
0x10: {  	s15 =	simm.s32 $0x0;
	[sflag:s8] =	ssyncadd.s32 $0xFFFFD800  }
.LBB2_2:
0x11: {  	p0 =	sne.s32 s15, $0xFE00  }
.Ltmp0:
0x12: {  	_ = 	snop;
	(pc) =	sbr.rel @p0 .LBB2_2-.Ltmp0, $3  }
0x13: {  	_ =	sdelay $0x1  }
0x14: {  	s16 =	sshra.s32 s15, $0x2  }
0x15: {  	s15 =	sadd.s32 $0x200, s15;
	[tilespmem:s16+$0x5000] =	vst.msk $0xff, v1  }
0x16: {  	s15 =	simm.s32 $0x200;
	s16 =	simm.s32 $0x0  }
.LBB2_4:
0x17: {  	p0 =	sne.s32 s15, $0x27E00;
	[tilespmem:s16+$0x9000] =	vst.msk $0xff, v2;
	s16 =	smov.u32 s15;
	s15 =	sadd.s32 $0x200, s15  }
.Ltmp1:
0x18: {  	(pc) =	sbr.rel @p0 .LBB2_4-.Ltmp1, $2  }
0x19: {  	_ =	sdelay $0x2  }
0x1a: {  	s16 =	sshra.s32 s16, $0x2  }
0x1b: {  	[tilespmem:s16+$0x9000] =	vst.msk $0xff, v2  }
0x1c: {  	[spmem:s5] =	stream.linear.scatter [tilespmem:s9], [sflag:$0x1], $0xA000, $0x38;
	[tilespmem:$0x13A08] =	vst v63  }
0x1d: {  	_ =	swait.ge [sflag:s8], $0xA000  }
0x1e: {  	[sflag:s8] =	ssyncset.done $0x0  }
0x1f: {  	s16 =	simm.s32 $0x0;
	[sflag:s8] =	ssyncadd.s32 $0xFFFF6000  }
0x20: {  	v3 =	vld [tilespmem:s16+$0x70]  }
0x21: {  	v5 =	vld [tilespmem:s16+$0x0]  }
0x22: {  	v9 =	vld [tilespmem:s16+$0x10]  }
0x23: {  	v7 =	vld [tilespmem:s16+$0x20]  }
0x24: {  	v6 =	vld [tilespmem:s16+$0x30]  }
0x25: {  	v4 =	vld [tilespmem:s16+$0x40];
	v8 =	vsub.s32 v3, v0  }
0x26: {  	v3 =	vld [tilespmem:s16+$0x50];
	v10 =	vsub.s32 v5, v0;
	v11 =	vmin.u32 v8, $0x1400  }
0x27: {  	s15 =	simm.s32 $0x80;
	s17 =	simm.s32 $0x400;
	v5 =	vld [tilespmem:s16+$0x60];
	v9 =	vsub.s32 v9, v0;
	v8 =	vmin.u32 v10, $0x1400;
	[tilespmem:s16+$0x2870] =	vst v11  }
.LBB2_6:
0x28: {  	p0 =	sne.s32 s17, $0x9E00;
	v10 =	vld [tilespmem:s15+$0x70];
	[tilespmem:s16+$0x2800] =	vst v8;
	v8 =	vmin.u32 v9, $0x1400;
	v7 =	vsub.s32 v7, v0  }
0x29: {  	v9 =	vld [tilespmem:s15+$0x0];
	[tilespmem:s16+$0x2810] =	vst v8;
	v7 =	vmin.u32 v7, $0x1400;
	v6 =	vsub.s32 v6, v0  }
0x2a: {  	v11 =	vld [tilespmem:s15+$0x10];
	[tilespmem:s16+$0x2820] =	vst v7;
	v6 =	vmin.u32 v6, $0x1400;
	v4 =	vsub.s32 v4, v0  }
.Ltmp2:
0x2b: {  	v7 =	vld [tilespmem:s15+$0x20];
	[tilespmem:s16+$0x2830] =	vst v6;
	v4 =	vmin.u32 v4, $0x1400;
	v3 =	vsub.s32 v3, v0;
	(pc) =	sbr.rel @p0 .LBB2_6-.Ltmp2, $4  }
0x2c: {  	v6 =	vld [tilespmem:s15+$0x30];
	[tilespmem:s16+$0x2840] =	vst v4;
	v3 =	vmin.u32 v3, $0x1400;
	v5 =	vsub.s32 v5, v0  }
0x2d: {  	v4 =	vld [tilespmem:s15+$0x40];
	v8 =	vsub.s32 v10, v0;
	[tilespmem:s16+$0x2850] =	vst v3;
	v5 =	vmin.u32 v5, $0x1400  }
0x2e: {  	v9 =	vsub.s32 v9, v0;
	v3 =	vld [tilespmem:s15+$0x50];
	v10 =	vmin.u32 v8, $0x1400;
	[tilespmem:s16+$0x2860] =	vst v5;
	s16 =	smov.u32 s15  }
0x2f: {  	s15 =	sshra.s32 s17, $0x2;
	s17 =	sadd.s32 $0x200, s17;
	v8 =	vmin.u32 v9, $0x1400;
	v9 =	vsub.s32 v11, v0;
	v5 =	vld [tilespmem:s16+$0x60];
	[tilespmem:s16+$0x2870] =	vst v10  }
0x30: {  	v10 =	vld [tilespmem:s15+$0x70];
	[tilespmem:s16+$0x2800] =	vst v8;
	v57 =	vmin.u32 v9, $0x1400;
	v7 =	vsub.s32 v7, v0  }
0x31: {  	v58 =	vld [tilespmem:s15+$0x0];
	[tilespmem:s16+$0x2810] =	vst v57;
	v7 =	vmin.u32 v7, $0x1400;
	v6 =	vsub.s32 v6, v0  }
0x32: {  	v8 =	vld [tilespmem:s15+$0x10];
	[tilespmem:s16+$0x2820] =	vst v7;
	v6 =	vmin.u32 v6, $0x1400;
	v4 =	vsub.s32 v4, v0  }
0x33: {  	v7 =	vld [tilespmem:s15+$0x20];
	[tilespmem:s16+$0x2830] =	vst v6;
	v4 =	vmin.u32 v4, $0x1400;
	v3 =	vsub.s32 v3, v0  }
0x34: {  	v6 =	vld [tilespmem:s15+$0x30];
	[tilespmem:s16+$0x2840] =	vst v4;
	v3 =	vmin.u32 v3, $0x1400;
	v5 =	vsub.s32 v5, v0  }
0x35: {  	v4 =	vld [tilespmem:s15+$0x40];
	[tilespmem:s16+$0x2850] =	vst v3;
	v3 =	vmin.u32 v5, $0x1400;
	v10 =	vsub.s32 v10, v0  }
0x36: {  	v59 =	vld [tilespmem:s15+$0x50];
	[tilespmem:s16+$0x2860] =	vst v3;
	v3 =	vsub.s32 v58, v0;
	v60 =	vmin.u32 v10, $0x1400  }
0x37: {  	v61 =	vld [tilespmem:s15+$0x60];
	v3 =	vmin.u32 v3, $0x1400;
	v8 =	vsub.s32 v8, v0;
	[tilespmem:s15+$0x2870] =	vst v60  }
0x38: {  	[tilespmem:s15+$0x2800] =	vst v3;
	v3 =	vmin.u32 v8, $0x1400;
	v7 =	vsub.s32 v7, v0  }
0x39: {  	[tilespmem:s15+$0x2810] =	vst v3;
	v3 =	vmin.u32 v7, $0x1400;
	v6 =	vsub.s32 v6, v0  }
0x3a: {  	[tilespmem:s15+$0x2820] =	vst v3;
	v3 =	vmin.u32 v6, $0x1400;
	v4 =	vsub.s32 v4, v0  }
0x3b: {  	[tilespmem:s15+$0x2830] =	vst v3;
	v3 =	vmin.u32 v4, $0x1400;
	v62 =	vsub.s32 v59, v0  }
0x3c: {  	[tilespmem:s15+$0x2840] =	vst v3;
	v3 =	vmin.u32 v62, $0x1400;
	v63 =	vsub.s32 v61, v0  }
0x3d: {  	[tilespmem:s15+$0x2850] =	vst v3;
	v3 =	vmin.u32 v63, $0x1400  }
0x3e: {  	[tilespmem:s15+$0x2860] =	vst v3  }
0x3f: {  	s31 =	simm.s32 $0x2800;
	[bflag:$0x0] =	sbarrier.arrive $0xFFFF  }
0x40: {  	[spmem:s2] =	stream.indirect.scatter.add.f32 [tilespmem:s11], [sflag:$0x1], $0x8, s31, s10, $0xb8;
	[tilespmem:$0x13A08] =	vst v63  }
0x41: {  	s15 =	simm.s32 $0x200;
	_ =	swait.ge [sflag:s8], $0x400  }
.LBB2_8:
0x42: {  	s16 =	sshra.s32 s15, $0x2;
	[sflag:s8] =	ssyncset.done $0x0;
	p0 =	sne.s32 s15, $0x9E00  }
.Ltmp3:
0x43: {  	s16 =	sadd.s32 $0x2800, s16;
	[sflag:s8] =	ssyncadd.s32 $0xFFFFFC00;
	(pc) =	sbr.rel @p0 .LBB2_8-.Ltmp3, $3  }
0x44: {  	[spmem:s2] =	stream.indirect.scatter.add.f32 [tilespmem:s11], [sflag:$0x1], $0x8, s16, s10, $0xb8;
	[tilespmem:$0x13A08] =	vst v63  }
0x45: {  	s15 =	sadd.s32 $0x200, s15;
	_ =	sdelay $0x1  }
0x46: {  	_ =	swait.ge [sflag:s8], $0x400  }
0x47: {  	[sflag:s8] =	ssyncset.done $0x0;
	s14 =	sadd.s32 $0x1, s14  }
0x48: {  	[sflag:s8] =	ssyncadd.s32 $0xFFFFFC00;
	p0 =	sne.s32 s14, s7  }
.Ltmp4:
0x49: {  	[bflag:$0x0] =	sbarrier.arrive $0xFFFF;
	(pc) =	sbr.rel @p0 .LBB2_1-.Ltmp4, $4  }
0x4a: {  	[hbm:s6], [sflag:s12] =	dma.local [spmem:s13], $0x1400  }
0x4b: {  	_ =	swait.ge [sflag:s8], $0x1400  }
0x4c: {  	[sflag:s8] =	ssyncset.done $0x0  }
0x4d: {  	[sflag:s8] =	ssyncadd.s32 $0xFFFFEC00  }
0x4e: {  	_ =	sfence.sel $0x180000  }
0x4f: {  	[bflag:$0x0] =	sbarrier.arrive $0xFFFF  }
0x50: {  	p0 =	sne.s32 s0, $0x0;
	_ =	strace $0x90000047  }
0x51: {  	s0 =	sadd.s32 @!p0 $0x100000, s1;
	[bflag:$0x2] =	sbarrier.arrive $0xFFFF  }
0x52: {  	[sflag:s0] =	ssyncadd.tile.s32 @!p0 $0x1;
	_ =	shalt  }
.Lfunc_end2:
_tile_overlayer_lowered:
.L_overlay_start_2:
0x53: {  	(tag) =	ssettag $0x2  }
0x54: {  	s0 =	rddreg [dreg:$0x0];
	s2 =	stileid.u32  }
0x55: {  	s1 =	rddreg [dreg:$0x1];
	p0 =	sne.s32 s2, $0x0  }
0x56: {  	s3 =	rddreg [dreg:$0x2];
	[bflag:$0x3] =	sbarrier.arrive $0xFFFF;
	s2 =	simm.s32 @!p0 $0x1C01  }
0x57: {  	[timem:s3], [sflag:s2] =	dma.local @!p0 [hbm:s0], s1  }
0x58: {  	s0 =	simm.s32 @!p0 $0x1  }
0x59: {  	_ =	swait.ge @!p0 [sflag:s0], s1  }
0x5a: {  	s1 =	ssub.s32 @!p0 $0x0, s1;
	[sflag:s0] =	ssyncset.done @!p0 $0x0  }
0x5b: {  	[sflag:s0] =	ssyncadd.s32 @!p0 s1  }
0x5c: {  	[bflag:$0x3] =	sbarrier.arrive $0xFFFF  }
0x5d: {  	_ =	shalt  }

// kernel: kernel.13.cloned.1.call-start
scs
__scs_entry_jumppad:
0x0: {  	(pc) =	sbr.rel $0x88, $3  }
0x1: {  	(tag) =	ssettag $0x0;
	lr =	simm.s32 $0x1  }
0x2: {  	[smem:$0x3F99] =	sst lr;
	_ =	strace $0xD0000000  }
0x3: {  	_ = 	snop  }
0x4: {  	_ = 	snop  }
0x5: {  	_ = 	snop  }
0x6: {  	_ = 	snop  }
0x7: {  	_ = 	snop  }
__scs_overlays_trampoline_lowered:
0x8: {  	[smem:$0x3FA8] =	sst s0  }
0x9: {  	[smem:$0x3FA9] =	sst s1  }
0xa: {  	[smem:$0x3FAA] =	sst s2  }
0xb: {  	[smem:$0x3FAB] =	sst s3  }
0xc: {  	[smem:$0x3FAC] =	sst s4  }
0xd: {  	[smem:$0x3FAD] =	sst s5  }
0xe: {  	[smem:$0x3FAE] =	sst s6  }
0xf: {  	[smem:$0x3FAF] =	sst s7  }
0x10: {  	[smem:$0x3FB0] =	sst s8  }
0x11: {  	[smem:$0x3FB1] =	sst s9;
	s0 =	simm.s32 @!p0 $0x0  }
0x12: {  	s1 =	sld [smem:$0x3F97];
	s0 =	simm.s32 @p0 $0x1  }
0x13: {  	[smem:$0x3FB2] =	sst s0;
	s0 =	simm.s32 @!p1 $0x0  }
0x14: {  	s2 =	sld [smem:$0x3F96];
	s0 =	simm.s32 @p1 $0x1  }
0x15: {  	[smem:$0x3FB3] =	sst s0;
	s0 =	simm.s32 @!p2 $0x0  }
0x16: {  	s3 =	sld [smem:$0x3FDB];
	s0 =	simm.s32 @p2 $0x1  }
0x17: {  	s4 =	simm.s32 $0x1BF5;
	[smem:$0x3FB5] =	sst s0  }
0x18: {  	s0 =	sld [smem:$0x3F98];
	_ =	swait.ge [sflag:s4], $0x0  }
0x19: {  	s7 =	sld [smem:$0x3F99]  }
0x1a: {  	s8 =	sadd.s32 $0xFFFFE003, lr  }
0x1b: {  	s9 =	sadd.s32 $0xFFFFFEF7, lr;
	s5 =	simm.s32 $0xFFFFFFFF;
	p2 =	slt.u32 s8, $0xFFFFF086  }
0x1c: {  	p1 =	slt.u32 s9, $0xF7A;
	s5 =	simm.s32 @!p2 $0x0  }
0x1d: {  	s5 =	simm.s32 @p1 $0x1;
	p0 =	seq.s32 s7, s2  }
0x1e: {  	s7 =	smul.u32 @!p0 $0xF7A, s2;
	p2 =	seq.s32 @!p0 s5, $0x0  }
0x1f: {  	s9 =	smul.u32 $0xF7A, s1;
	s8 =	simm.s32 @!p0 $0x1BF5;
	p2 =	por !p2, p0  }
0x20: {  	[sflag:s8] =	ssyncset.s32 @!p0 $0xFFFFF086;
	s6 =	sadd.s32 @!p0 s3, s7;
	s7 =	simm.s32 @!p0 $0x108  }
0x21: {  	s3 =	sadd.s32 s3, s9;
	s6 =	sadd.s32 @!p0 $0x88, s6;
	s7 =	simm.s32 @p2 $0x1082  }
0x22: {  	[simem:s7], [sflag:s8] =	dma.local @!p0 [hbm:s6], $0xF7A  }
0x23: {  	s9 =	sor.u32 $0xD0000000, s2;
	s6 =	simm.s32 $0x108;
	_ =	swait.ge @!p0 [sflag:s8], $0x0  }
0x24: {  	s3 =	sadd.s32 $0x88, s3;
	s6 =	simm.s32 @!p1 $0x1082;
	[sflag:s4] =	ssyncset.s32 $0xFFFFF086  }
0x25: {  	[simem:s6], [sflag:s4] =	dma.local [hbm:s3], $0xF7A  }
0x26: {  	[smem:$0x3F99] =	sst s1;
	(tag) =	ssettag s2;
	_ =	strace s9  }
0x27: {  	s1 =	sld [smem:$0x3FA9]  }
0x28: {  	s2 =	sld [smem:$0x3FAA]  }
0x29: {  	s4 =	sld [smem:$0x3FAC]  }
0x2a: {  	p0 =	seq.s32 s5, $0x0;
	s5 =	sld [smem:$0x3FAD]  }
0x2b: {  	s6 =	sld [smem:$0x3FAE]  }
0x2c: {  	s7 =	sld [smem:$0x3FAF]  }
0x2d: {  	s3 =	simm.s32 $0x108;
	s8 =	sld [smem:$0x3FB0]  }
0x2e: {  	s3 =	simm.s32 @!p0 $0x1082;
	s9 =	sld [smem:$0x3FB1]  }
0x2f: {  	lr =	sadd.s32 s0, s3;
	s0 =	sld [smem:$0x3FA8]  }
0x30: {  	s3 =	sld [smem:$0x3FAB]  }
0x31: {  	[smem:$0x3FB4] =	sst s10  }
0x32: {  	s10 =	sld [smem:$0x3FB2];
	_ =	sdelay $0x3  }
0x33: {  	p0 =	seq.s32 s10, $0x1;
	s10 =	sld [smem:$0x3FB4];
	_ =	sdelay $0x3  }
0x34: {  	[smem:$0x3FB4] =	sst s10  }
0x35: {  	s10 =	sld [smem:$0x3FB3];
	_ =	sdelay $0x3  }
0x36: {  	p1 =	seq.s32 s10, $0x1;
	s10 =	sld [smem:$0x3FB4];
	_ =	sdelay $0x3  }
0x37: {  	[smem:$0x3FB4] =	sst s10  }
0x38: {  	s10 =	sld [smem:$0x3FB5]  }
0x39: {  	_ = 	snop;
	(pc) =	sbr.ind lr, $3  }
0x3a: {  	_ = 	snop  }
0x3b: {  	_ = 	snop  }
0x3c: {  	p2 =	seq.s32 s10, $0x1;
	s10 =	sld [smem:$0x3FB4]  }
0x3d: {  	_ =	shalt  }
0x3e: {  	_ =	shalt  }
0x3f: {  	_ =	shalt  }
0x40: {  	_ =	shalt  }
0x41: {  	_ =	shalt  }
0x42: {  	_ =	shalt  }
0x43: {  	_ =	shalt  }
0x44: {  	_ =	shalt  }
0x45: {  	_ =	shalt  }
0x46: {  	_ =	shalt  }
0x47: {  	_ =	shalt  }
0x48: {  	_ =	shalt  }
0x49: {  	_ =	shalt  }
0x4a: {  	_ =	shalt  }
0x4b: {  	_ =	shalt  }
0x4c: {  	_ =	shalt  }
0x4d: {  	_ =	shalt  }
0x4e: {  	_ =	shalt  }
0x4f: {  	_ =	shalt  }
0x50: {  	_ =	shalt  }
0x51: {  	_ =	shalt  }
0x52: {  	_ =	shalt  }
0x53: {  	_ =	shalt  }
0x54: {  	_ =	shalt  }
0x55: {  	_ =	shalt  }
0x56: {  	_ =	shalt  }
0x57: {  	_ =	shalt  }
0x58: {  	_ =	shalt  }
0x59: {  	_ =	shalt  }
0x5a: {  	_ =	shalt  }
0x5b: {  	_ =	shalt  }
0x5c: {  	_ =	shalt  }
0x5d: {  	_ =	shalt  }
0x5e: {  	_ =	shalt  }
0x5f: {  	_ =	shalt  }
0x60: {  	_ =	shalt  }
0x61: {  	_ =	shalt  }
0x62: {  	_ =	shalt  }
0x63: {  	_ =	shalt  }
0x64: {  	_ =	shalt  }
0x65: {  	_ =	shalt  }
0x66: {  	_ =	shalt  }
0x67: {  	_ =	shalt  }
0x68: {  	_ =	shalt  }
0x69: {  	_ =	shalt  }
0x6a: {  	_ =	shalt  }
0x6b: {  	_ =	shalt  }
0x6c: {  	_ =	shalt  }
0x6d: {  	_ =	shalt  }
0x6e: {  	_ =	shalt  }
0x6f: {  	_ =	shalt  }
0x70: {  	_ =	shalt  }
0x71: {  	_ =	shalt  }
0x72: {  	_ =	shalt  }
0x73: {  	_ =	shalt  }
0x74: {  	_ =	shalt  }
0x75: {  	_ =	shalt  }
0x76: {  	_ =	shalt  }
0x77: {  	_ =	shalt  }
0x78: {  	_ =	shalt  }
0x79: {  	_ =	shalt  }
0x7a: {  	_ =	shalt  }
0x7b: {  	_ =	shalt  }
0x7c: {  	_ =	shalt  }
0x7d: {  	_ =	shalt  }
0x7e: {  	_ =	shalt  }
0x7f: {  	_ =	shalt  }
0x80: {  	_ =	shalt  }
0x81: {  	_ =	shalt  }
0x82: {  	_ =	shalt  }
0x83: {  	_ =	shalt  }
0x84: {  	_ =	shalt  }
0x85: {  	_ =	shalt  }
0x86: {  	_ =	shalt  }
0x87: {  	_ =	shalt  }
.Lfunc_end0:
.L_simem_size_0:
called_computation.1_lowered:
.L_overlay_start_0:
0x88: {  	s2 =	sld [smem:$0x3FD9]  }
0x89: {  	s3 =	sld [smem:$0x3FFE];
	_ =	sdelay $0x1  }
0x8a: {  	s1 =	srdreg.scid  }
0x8b: {  	s0 =	sand.u32 $0x1, s1  }
0x8c: {  	s16 =	sshll.u32 s0, $0xA;
	s2 =	sadd.s32 s3, s2  }
0x8d: {  	s2 =	sadd.s32 s2, s16  }
0x8e: {  	[smem:$0x3FC0] =	sst s2  }
0x8f: {  	_ = 	snop  }
0x90: {  	(tm) =	ssettm $0x1  }
0x91: {  	s17 =	sld [smem:$0x3FFB];
	_ =	sdelay $0x3  }
0x92: {  	_ =	strace s17  }
0x93: {  	s2 =	sld [smem:$0x3FFC];
	_ =	sdelay $0x3  }
0x94: {  	_ =	strace s2  }
0x95: {  	s2 =	sld [smem:$0x3FFD];
	_ =	sdelay $0x3  }
0x96: {  	_ =	strace s2  }
0x97: {  	_ =	strace $0x8FFFFFFF  }
0x98: {  	s18 =	sld [smem:$0x3FDB];
	_ =	sdelay $0x1  }
0x99: {  	s19 =	simm.s32 $_scs_section_size  }
0x9a: {  	s4 =	simm.s32 $_size__tile_overlayer_lowered;
	s5 =	simm.s32 $_tile_overlayer_lowered  }
0x9b: {  	s22 =	simm.s32 $0x1BFF;
	s21 =	sshll.u32 s5, $0x1;
	s2 =	sadd.s32 s19, s18  }
0x9c: {  	s6 =	simm.s32 $0x0;
	s20 =	sshll.u32 s4, $0x1;
	s4 =	sadd.s32 s21, s2  }
0x9d: {  	[timem:s6], [sflag:s22] =	dma.local [hbm:s4], s20  }
0x9e: {  	_ =	swait.ge [sflag:s22], s20  }
0x9f: {  	s3 =	ssub.s32 $0x0, s20;
	[sflag:s22] =	ssyncset.done $0x0  }
0xa0: {  	[sflag:s22] =	ssyncadd.s32 s3;
	_ =	sdelay $0x1  }
0xa1: {  	s23 =	simm.s32 $0x1B8B  }
0xa2: {  	_ =	swait.ge [sflag:s23], $0x1  }
0xa3: {  	[sflag:s23] =	ssyncset.done $0x0  }
0xa4: {  	s25 =	simm.s32 $0x1B8E;
	s24 =	sld [smem:$0x3FFE];
	[sflag:s23] =	ssyncadd.s32 $0xFFFFFFFF  }
0xa5: {  	s26 =	simm.s32 $execute0_lowered;
	[smem:$0x3FD2] =	sst s25  }
0xa6: {  	s4 =	sshll.u32 s26, $0x1;
	_ =	strace $0x80000049;
	[dreg:$0x1] =	wrdreg $0xFFFFFFFF  }
0xa7: {  	s28 =	simm.s32 $_size_execute0_lowered;
	s2 =	sadd.s32 s2, s4;
	[dreg:$0x0] =	wrdreg $0x0  }
0xa8: {  	s4 =	sshll.u32 s28, $0x1;
	[dreg:$0x2] =	wrdreg s2  }
0xa9: {  	[dreg:$0x3] =	wrdreg s4  }
0xaa: {  	[dreg:$0x4] =	wrdreg $0xC0  }
0xab: {  	_ =	task [dreg:s6], $0x5FFFF  }
0xac: {  	[dreg:$0x1] =	wrdreg $0xFFFFFFFF  }
0xad: {  	[dreg:$0x0] =	wrdreg $0x60  }
0xae: {  	[dreg:$0x2] =	wrdreg s24  }
0xaf: {  	[dreg:$0x3] =	wrdreg $0x9  }
0xb0: {  	_ =	task.clear_ibuf [dreg:s6], $0x4FFFF;
	_ =	strace $0x90000049  }
0xb1: {  	s29 =	simm.s32 $0x9;
	_ =	strace $0x8000004B  }
0xb2: {  	_ =	swait.ge [sflag:s29], $0x1  }
0xb3: {  	[sflag:s29] =	ssyncadd.s32 $0xFFFFFFFF  }
0xb4: {  	_ =	strace $0x9000004B  }
0xb5: {  	_ =	sfence  }
0xb6: {  	s30 =	sld [smem:$0x0];
	_ =	sdelay $0x2  }
0xb7: {  	s31 =	sshll.u32 s1, $0xD;
	s1 =	sshrl.u32 s1, $0x2  }
0xb8: {  	s3 =	sand.u32 $0x4000, s31;
	s1 =	sadd.s32 s1, s30  }
0xb9: {  	s0 =	sor.u32 s3, s0;
	s1 =	sshll.u32 s1, $0x11  }
0xba: {  	s0 =	sor.u32 s1, s0  }
0xbb: {  	s0 =	sadd.s32 $0x8F2B, s0  }
0xbc: {  	[sflag:s0] =	ssyncadd.remote.s32 $0x1  }
0xbd: {  	_ =	sfence.sel $0xFFFF  }
0xbe: {  	[dreg:$0x0] =	wrdreg $0xFFFFFFFF;
	(pc) =	sbr.abs _section_cstart, $3  }
0xbf: {  	[dreg:$0x1] =	wrdreg $0xFFFFFFFF  }
0xc0: {  	_ =	task.clear_ibuf [dreg:s6], $0x2FFFF;
	_ =	strace $0x9FFFFFFF  }
0xc1: {  	(tm) =	ssettm $0x7FFFFFFF  }
tec
execute0_lowered:
.L_overlay_start_1:
0x0: {  	(tag) =	ssettag $0x1  }
0x1: {  	s0 =	srdreg.scid  }
0x2: {  	s9 =	stileid.u32;
	s4 =	rddreg [dreg:$0x0];
	s2 =	simm.s32 $0x0  }
0x3: {  	s28 =	simm.s32 $0xFC00;
	s29 =	simm.s32 $0x10400;
	s3 =	smul.u32 $0x1400, s9  }
0x4: {  	s30 =	simm.s32 $0x10C00;
	s31 =	simm.s32 $0x11400;
	s8 =	smul.u32 $0x28000, s9  }
0x5: {  	s0 =	sand.u32 $0x1, s0;
	[smem:$0x7FF] =	sst s2;
	s14 =	smul.u32 $0x5000, s9  }
0x6: {  	s10 =	simm.s32 $0x12400;
	s1 =	smul.u32 $0x14000, s0;
	_ =	strace $0x8000004A  }
0x7: {  	s5 =	ssub.s32 $0x2, s0;
	s7 =	smul.u32 $0x2900, s0;
	p0 =	seq.s32 s0, $0x1  }
0x8: {  	s6 =	sshrl.u32 s5, $0x1;
	s1 =	sadd.s32 s3, s1;
	s3 =	sadd.s32 $0xC800, s4  }
0x9: {  	s5 =	ssub.s32 s5, s6;
	s1 =	sshrl.u32 s1, $0x3;
	s16 =	sadd.s32 s3, s14  }
0xa: {  	s5 =	smax.u32 s5, $0x1;
	s1 =	sadd.s32 s1, s4;
	[dreg:$0x4] =	wrdreg s16  }
0xb: {  	s15 =	sshrl.u32 s8, $0x3;
	[dreg:$0x6] =	wrdreg s5;
	s13 =	sadd.s32 $0x7800, s1  }
0xc: {  	s4 =	sadd.s32 $0x5C800, s4;
	s1 =	sadd.s32 $0x2800, s1;
	[dreg:$0x2] =	wrdreg s13  }
0xd: {  	s17 =	sadd.s32 s4, s14;
	s0 =	sadd.s32 s4, s15;
	[dreg:$0x3] =	wrdreg s1  }
0xe: {  	s11 =	simm.s32 $0x12C00;
	[dreg:$0x5] =	wrdreg s17;
	s18 =	sadd.s32 $0x52000, s0  }
0xf: {  	s12 =	simm.s32 $0x13400;
	s19 =	sadd.s32 $0x52800, s0;
	[dreg:$0x7] =	wrdreg s18  }
0x10: {  	s9 =	simm.s32 $0xB400;
	s20 =	sadd.s32 $0x53000, s0;
	[dreg:$0x8] =	wrdreg s19  }
0x11: {  	s6 =	simm.s32 $0x5;
	s21 =	sadd.s32 $0x53800, s0;
	[dreg:$0x9] =	wrdreg s20  }
0x12: {  	s16 =	simm.s32 $0x8400;
	s22 =	sadd.s32 $0x54000, s0;
	[dreg:$0xa] =	wrdreg s21  }
0x13: {  	s14 =	simm.s32 $0x7400;
	s23 =	sadd.s32 $0x54800, s0;
	[dreg:$0xb] =	wrdreg s22  }
0x14: {  	s15 =	simm.s32 $0x7C00;
	s24 =	sadd.s32 $0x55000, s0;
	[dreg:$0xc] =	wrdreg s23  }
0x15: {  	s25 =	sadd.s32 $0x55800, s0;
	s26 =	sadd.s32 $0x56000, s0;
	[dreg:$0xd] =	wrdreg s24  }
.Ltmp0:
0x16: {  	s0 =	sadd.s32 $0x56800, s0;
	[dreg:$0xe] =	wrdreg s25;
	(pc) =	sbr.rel .LBB2_1-.Ltmp0, $4  }
0x17: {  	s1 =	simm.s32 $0x0;
	s17 =	simm.s32 $0x8C00;
	[dreg:$0xf] =	wrdreg s26  }
0x18: {  	v4 =	vlaneseq.u32;
	v1 =	vimm.f32 $0.0e+00;
	[dreg:$0x10] =	wrdreg s0;
	s18 =	simm.s32 $0x9400;
	s19 =	simm.s32 $0x9C00  }
0x19: {  	vm0 =	vmmov $0xffff;
	v2 =	vand.u32 $0x7, v4;
	v3 =	vshrl.u32 v4, $0x3;
	s22 =	simm.s32 $0xBC00;
	s20 =	simm.s32 $0xC400;
	s23 =	simm.s32 $0xCC00  }
0x1a: {  	v4 =	vor.u32 $0x8, v4;
	v3 =	vmul.u32 $0x8, v3;
	v0 =	vmov s7;
	s24 =	simm.s32 $0xD400;
	s25 =	simm.s32 $0xDC00;
	s26 =	simm.s32 $0xE400  }
.LBB2_11:
0x1b: {  	s0 =	simm.s32 $0x4  }
0x1c: {  	_ =	swait.ge [sflag:s0], $0x8000  }
0x1d: {  	s1 =	rddreg [dreg:$0x11]  }
0x1e: {  	s5 =	rddreg [dreg:$0x6];
	s1 =	sadd.s32 $0x1, s1  }
0x1f: {  	p1 =	sne.s32 s1, s5  }
.Ltmp1:
0x20: {  	_ = 	snop;
	(pc) =	sbr.rel @!p1 .LBB2_12-.Ltmp1, $3  }
0x21: {  	_ =	sdelay $0x1  }
0x22: {  	[sflag:s0] =	ssyncset.done $0x0  }
0x23: {  	s6 =	simm.s32 $0x5;
	[sflag:s0] =	ssyncadd.s32 $0xFFFF8000  }
.LBB2_1:
0x24: {  	[dreg:$0x11] =	wrdreg s1  }
0x25: {  	s0 =	rddreg [dreg:$0x2]  }
0x26: {  	[tilespmem:s2], [sflag:$0x5] =	stream.linear.gather [hbm4b:s0+s2], $0x1400, $0x38;
	[tilespmem:$0x17C00] =	vst v63  }
0x27: {  	_ =	swait.ge [sflag:s6], $0x1400  }
0x28: {  	[sflag:s6] =	ssyncset.done $0x0  }
0x29: {  	s21 =	simm.s32 $0x1400;
	s13 =	rddreg [dreg:$0x3];
	[sflag:s6] =	ssyncadd.s32 $0xFFFFEC00  }
0x2a: {  	[tilespmem:s21], [sflag:$0x5] =	stream.linear.gather [hbm4b:s13+s2], $0x1400, $0x38;
	[tilespmem:$0x17C00] =	vst v63  }
0x2b: {  	_ =	swait.ge [sflag:s6], $0x1400  }
0x2c: {  	[sflag:s6] =	ssyncset.done $0x0  }
0x2d: {  	s1 =	simm.s32 $0x0;
	[sflag:s6] =	ssyncadd.s32 $0xFFFFEC00  }
0x2e: {  	v6 =	vld [tilespmem:s1+$0x1470]  }
0x2f: {  	v9 =	vld [tilespmem:s1+$0x1400]  }
0x30: {  	v10 =	vld [tilespmem:s1+$0x1410]  }
0x31: {  	v8 =	vld [tilespmem:s1+$0x1420]  }
0x32: {  	v7 =	vld [tilespmem:s1+$0x1430]  }
0x33: {  	v5 =	vld [tilespmem:s1+$0x1440];
	v11 =	vadd.s32 v0, v6  }
0x34: {  	v6 =	vld [tilespmem:s1+$0x1450];
	v9 =	vadd.s32 v0, v9;
	[tilespmem:s1+$0x2870] =	vst v11  }
0x35: {  	s0 =	simm.s32 $0x80;
	s21 =	simm.s32 $0x400;
	v10 =	vadd.s32 v0, v10;
	[tilespmem:s1+$0x2800] =	vst v9;
	v9 =	vld [tilespmem:s1+$0x1460]  }
.LBB2_2:
0x36: {  	p1 =	sne.s32 s21, $0x4E00;
	v11 =	vld [tilespmem:s0+$0x1470];
	[tilespmem:s1+$0x2810] =	vst v10;
	v8 =	vadd.s32 v0, v8  }
0x37: {  	v10 =	vld [tilespmem:s0+$0x1400];
	[tilespmem:s1+$0x2820] =	vst v8;
	v7 =	vadd.s32 v0, v7  }
0x38: {  	v12 =	vld [tilespmem:s0+$0x1410];
	[tilespmem:s1+$0x2830] =	vst v7;
	v5 =	vadd.s32 v0, v5  }
.Ltmp2:
0x39: {  	v8 =	vld [tilespmem:s0+$0x1420];
	[tilespmem:s1+$0x2840] =	vst v5;
	v5 =	vadd.s32 v0, v6;
	(pc) =	sbr.rel @p1 .LBB2_2-.Ltmp2, $4  }
0x3a: {  	v7 =	vld [tilespmem:s0+$0x1430];
	[tilespmem:s1+$0x2850] =	vst v5;
	v6 =	vadd.s32 v0, v9  }
0x3b: {  	v5 =	vld [tilespmem:s0+$0x1440];
	v9 =	vadd.s32 v0, v11;
	[tilespmem:s1+$0x2860] =	vst v6;
	s1 =	smov.u32 s0  }
0x3c: {  	v10 =	vadd.s32 v0, v10;
	v6 =	vld [tilespmem:s1+$0x1450];
	[tilespmem:s1+$0x2870] =	vst v9  }
0x3d: {  	s0 =	sshra.s32 s21, $0x2;
	s21 =	sadd.s32 $0x200, s21;
	[tilespmem:s1+$0x2800] =	vst v10;
	v10 =	vadd.s32 v0, v12;
	v9 =	vld [tilespmem:s1+$0x1460]  }
0x3e: {  	v11 =	vld [tilespmem:s0+$0x1470];
	[tilespmem:s1+$0x2810] =	vst v10;
	v8 =	vadd.s32 v0, v8  }
0x3f: {  	v10 =	vld [tilespmem:s0+$0x1400];
	[tilespmem:s1+$0x2820] =	vst v8;
	v7 =	vadd.s32 v0, v7  }
0x40: {  	v8 =	vld [tilespmem:s0+$0x1410];
	[tilespmem:s1+$0x2830] =	vst v7;
	v5 =	vadd.s32 v0, v5  }
0x41: {  	v7 =	vld [tilespmem:s0+$0x1420];
	[tilespmem:s1+$0x2840] =	vst v5;
	v5 =	vadd.s32 v0, v6  }
0x42: {  	v6 =	vld [tilespmem:s0+$0x1430];
	[tilespmem:s1+$0x2850] =	vst v5;
	v5 =	vadd.s32 v0, v9  }
0x43: {  	v61 =	vld [tilespmem:s0+$0x1440];
	[tilespmem:s1+$0x2860] =	vst v5;
	v5 =	vadd.s32 v0, v11  }
0x44: {  	v62 =	vld [tilespmem:s0+$0x1450];
	v10 =	vadd.s32 v0, v10;
	[tilespmem:s0+$0x2870] =	vst v5  }
0x45: {  	v63 =	vld [tilespmem:s0+$0x1460];
	[tilespmem:s0+$0x2800] =	vst v10;
	v5 =	vadd.s32 v0, v8  }
0x46: {  	[tilespmem:s0+$0x2810] =	vst v5;
	v5 =	vadd.s32 v0, v7  }
.Ltmp3:
0x47: {  	[tilespmem:s0+$0x2820] =	vst v5;
	v5 =	vadd.s32 v0, v6;
	(pc) =	sbr.rel @!p0 .LBB2_4-.Ltmp3, $4  }
0x48: {  	[tilespmem:s0+$0x2830] =	vst v5;
	v5 =	vadd.s32 v0, v61  }
0x49: {  	[tilespmem:s0+$0x2840] =	vst v5;
	v5 =	vadd.s32 v0, v62  }
0x4a: {  	[tilespmem:s0+$0x2850] =	vst v5;
	v5 =	vadd.s32 v0, v63  }
0x4b: {  	s1 =	simm.s32 $0x0;
	[tilespmem:s0+$0x2860] =	vst v5  }
0x4c: {  	s0 =	sand.u32 $0x3800, s1;
	s7 =	sand.u32 $0x380, s1  }
0x4d: {  	s7 =	sor.u32 s7, s0  }
0x4e: {  	s0 =	sadd.s32 $0x13C00, s7;
	[tilespmem:s7+$0x13C00] =	vst v1  }
0x4f: {  	[tilespmem:s0+$0x10] =	vst v1  }
0x50: {  	[tilespmem:s0+$0x20] =	vst v1  }
0x51: {  	[tilespmem:s0+$0x30] =	vst v1  }
0x52: {  	[tilespmem:s0+$0x40] =	vst v1  }
0x53: {  	[tilespmem:s0+$0x50] =	vst v1  }
0x54: {  	[tilespmem:s0+$0x60] =	vst v1  }
0x55: {  	[tilespmem:s0+$0x70] =	vst v1  }
0x56: {  	[tilespmem:s0+$0x400] =	vst v1  }
0x57: {  	[tilespmem:s0+$0x410] =	vst v1  }
0x58: {  	[tilespmem:s0+$0x420] =	vst v1  }
0x59: {  	[tilespmem:s0+$0x430] =	vst v1  }
0x5a: {  	[tilespmem:s0+$0x440] =	vst v1  }
0x5b: {  	s21 =	sadd.s32 $0x100, s1;
	s1 =	sadd.s32 $0x80, s1;
	[tilespmem:s0+$0x450] =	vst v1  }
0x5c: {  	s8 =	sand.u32 $0x380, s1;
	s7 =	sand.u32 $0x3800, s21;
	s21 =	sadd.s32 $0x100, s21;
	[tilespmem:s0+$0x460] =	vst v1  }
.LBB2_6:
0x5d: {  	p1 =	sne.s32 s21, $0x3F00;
	s7 =	sor.u32 s8, s7;
	[tilespmem:s0+$0x470] =	vst v1  }
0x5e: {  	s0 =	sadd.s32 $0x13C00, s7;
	[tilespmem:s7+$0x13C00] =	vst v1  }
0x5f: {  	[tilespmem:s0+$0x10] =	vst v1  }
0x60: {  	[tilespmem:s0+$0x20] =	vst v1  }
0x61: {  	[tilespmem:s0+$0x30] =	vst v1  }
0x62: {  	[tilespmem:s0+$0x40] =	vst v1  }
0x63: {  	[tilespmem:s0+$0x50] =	vst v1  }
0x64: {  	[tilespmem:s0+$0x60] =	vst v1  }
0x65: {  	[tilespmem:s0+$0x70] =	vst v1  }
0x66: {  	[tilespmem:s0+$0x400] =	vst v1  }
0x67: {  	[tilespmem:s0+$0x410] =	vst v1  }
.Ltmp4:
0x68: {  	[tilespmem:s0+$0x420] =	vst v1;
	(pc) =	sbr.rel @p1 .LBB2_6-.Ltmp4, $4  }
0x69: {  	[tilespmem:s0+$0x430] =	vst v1  }
0x6a: {  	[tilespmem:s0+$0x440] =	vst v1  }
0x6b: {  	s1 =	sadd.s32 $0x80, s1;
	[tilespmem:s0+$0x450] =	vst v1  }
0x6c: {  	s7 =	sand.u32 $0x3800, s21;
	s8 =	sand.u32 $0x380, s1;
	s21 =	sadd.s32 $0x100, s21;
	[tilespmem:s0+$0x460] =	vst v1  }
0x6d: {  	s1 =	sor.u32 s8, s7;
	[tilespmem:s0+$0x470] =	vst v1  }
0x6e: {  	s5 =	sadd.s32 $0x13C00, s1;
	[tilespmem:s1+$0x13C00] =	vst v1  }
0x6f: {  	[tilespmem:s5+$0x10] =	vst v1  }
0x70: {  	[tilespmem:s5+$0x20] =	vst v1  }
0x71: {  	[tilespmem:s5+$0x30] =	vst v1  }
0x72: {  	[tilespmem:s5+$0x40] =	vst v1  }
0x73: {  	[tilespmem:s5+$0x50] =	vst v1  }
0x74: {  	[tilespmem:s5+$0x60] =	vst v1  }
0x75: {  	[tilespmem:s5+$0x70] =	vst v1  }
0x76: {  	[tilespmem:s5+$0x400] =	vst v1  }
0x77: {  	[tilespmem:s5+$0x410] =	vst v1  }
0x78: {  	[tilespmem:s5+$0x420] =	vst v1  }
0x79: {  	[tilespmem:s5+$0x430] =	vst v1  }
0x7a: {  	[tilespmem:s5+$0x440] =	vst v1  }
0x7b: {  	[tilespmem:s5+$0x450] =	vst v1  }
0x7c: {  	[tilespmem:s5+$0x460] =	vst v1  }
0x7d: {  	s6 =	rddreg [dreg:$0x7];
	s1 =	simm.s32 $0x13C00;
	[tilespmem:s5+$0x470] =	vst v1;
	s5 =	simm.s32 $0x5  }
0x7e: {  	[hbm4b:s6+s2] =	stream.linear.scatter [tilespmem:s1], [sflag:$0x5], $0x4000, $0x38;
	[tilespmem:$0x17C00] =	vst v63  }
0x7f: {  	_ =	swait.ge [sflag:s5], $0x4000  }
0x80: {  	[sflag:s5] =	ssyncset.done $0x0  }
0x81: {  	s7 =	rddreg [dreg:$0x8];
	[sflag:s5] =	ssyncadd.s32 $0xFFFFC000  }
0x82: {  	[hbm4b:s7+s2] =	stream.linear.scatter [tilespmem:s1], [sflag:$0x5], $0x4000, $0x38;
	[tilespmem:$0x17C00] =	vst v63  }
0x83: {  	_ =	swait.ge [sflag:s5], $0x4000  }
0x84: {  	[sflag:s5] =	ssyncset.done $0x0  }
0x85: {  	s8 =	rddreg [dreg:$0x9];
	[sflag:s5] =	ssyncadd.s32 $0xFFFFC000  }
0x86: {  	[hbm4b:s8+s2] =	stream.linear.scatter [tilespmem:s1], [sflag:$0x5], $0x4000, $0x38;
	[tilespmem:$0x17C00] =	vst v63  }
0x87: {  	_ =	swait.ge [sflag:s5], $0x4000  }
0x88: {  	[sflag:s5] =	ssyncset.done $0x0  }
0x89: {  	s13 =	rddreg [dreg:$0xa];
	[sflag:s5] =	ssyncadd.s32 $0xFFFFC000  }
0x8a: {  	[hbm4b:s13+s2] =	stream.linear.scatter [tilespmem:s1], [sflag:$0x5], $0x4000, $0x38;
	[tilespmem:$0x17C00] =	vst v63  }
0x8b: {  	_ =	swait.ge [sflag:s5], $0x4000  }
0x8c: {  	[sflag:s5] =	ssyncset.done $0x0  }
0x8d: {  	s21 =	rddreg [dreg:$0xb];
	[sflag:s5] =	ssyncadd.s32 $0xFFFFC000  }
0x8e: {  	[hbm4b:s21+s2] =	stream.linear.scatter [tilespmem:s1], [sflag:$0x5], $0x4000, $0x38;
	[tilespmem:$0x17C00] =	vst v63  }
0x8f: {  	_ =	swait.ge [sflag:s5], $0x4000  }
0x90: {  	[sflag:s5] =	ssyncset.done $0x0  }
0x91: {  	s6 =	rddreg [dreg:$0xc];
	[sflag:s5] =	ssyncadd.s32 $0xFFFFC000  }
0x92: {  	[hbm4b:s6+s2] =	stream.linear.scatter [tilespmem:s1], [sflag:$0x5], $0x4000, $0x38;
	[tilespmem:$0x17C00] =	vst v63  }
0x93: {  	_ =	swait.ge [sflag:s5], $0x4000  }
0x94: {  	[sflag:s5] =	ssyncset.done $0x0  }
0x95: {  	s7 =	rddreg [dreg:$0xd];
	[sflag:s5] =	ssyncadd.s32 $0xFFFFC000  }
0x96: {  	[hbm4b:s7+s2] =	stream.linear.scatter [tilespmem:s1], [sflag:$0x5], $0x4000, $0x38;
	[tilespmem:$0x17C00] =	vst v63  }
0x97: {  	_ =	swait.ge [sflag:s5], $0x4000  }
0x98: {  	[sflag:s5] =	ssyncset.done $0x0  }
0x99: {  	s8 =	rddreg [dreg:$0xe];
	[sflag:s5] =	ssyncadd.s32 $0xFFFFC000  }
0x9a: {  	[hbm4b:s8+s2] =	stream.linear.scatter [tilespmem:s1], [sflag:$0x5], $0x4000, $0x38;
	[tilespmem:$0x17C00] =	vst v63  }
0x9b: {  	_ =	swait.ge [sflag:s5], $0x4000  }
0x9c: {  	[sflag:s5] =	ssyncset.done $0x0  }
0x9d: {  	s13 =	rddreg [dreg:$0xf];
	[sflag:s5] =	ssyncadd.s32 $0xFFFFC000  }
0x9e: {  	[hbm4b:s13+s2] =	stream.linear.scatter [tilespmem:s1], [sflag:$0x5], $0x4000, $0x38;
	[tilespmem:$0x17C00] =	vst v63  }
0x9f: {  	_ =	swait.ge [sflag:s5], $0x4000  }
0xa0: {  	[sflag:s5] =	ssyncset.done $0x0  }
.Ltmp5:
0xa1: {  	s21 =	rddreg [dreg:$0x10];
	[sflag:s5] =	ssyncadd.s32 $0xFFFFC000;
	(pc) =	sbr.rel .LBB2_8-.Ltmp5, $4  }
0xa2: {  	[hbm4b:s21+s2] =	stream.linear.scatter [tilespmem:s1], [sflag:$0x5], $0x4000, $0x38;
	[tilespmem:$0x17C00] =	vst v63  }
0xa3: {  	_ =	swait.ge [sflag:s5], $0x4000  }
0xa4: {  	[sflag:s5] =	ssyncset.done $0x0  }
0xa5: {  	[sflag:s5] =	ssyncadd.s32 $0xFFFFC000  }
.LBB2_4:
0xa6: {  	s0 =	stileid.u32  }
0xa7: {  	s1 =	rddreg [dreg:$0x4];
	s0 =	sshll.u32 s0, $0x6  }
0xa8: {  	s7 =	rddreg [dreg:$0x5];
	s21 =	simm.s32 $0x5;
	s0 =	sor.u32 $0x1C05, s0  }
0xa9: {  	[hbm:s7], [sflag:s0] =	dma.local [hbm:s1], $0x5000  }
0xaa: {  	_ =	swait.ge [sflag:s21], $0x5000  }
0xab: {  	[sflag:s21] =	ssyncset.done $0x0  }
0xac: {  	[sflag:s21] =	ssyncadd.s32 $0xFFFFB000  }
.LBB2_8:
0xad: {  	[bflag:$0x0] =	sbarrier.arrive $0xFFFF  }
0xae: {  	v5 =	vld [tilespmem:$0x0];
	_ =	sdelay $0x4  }
0xaf: {  	v6 =	vshll.u32 v5, $0x1  }
0xb0: {  	v5 =	vand.u32 $0x7, v5;
	v6 =	vand.u32 $0xFFFFFFF0, v6  }
0xb1: {  	v5 =	vor.u32 v5, v6  }
0xb2: {  	v6 =	vperm.xlane v5, v2;
	_ =	sdelay $0x1  }
0xb3: {  	v5 =	vperm.xlane v5, v4;
	v6 =	vadd.s32 v3, v6;
	_ =	sdelay $0x1  }
0xb4: {  	v5 =	vadd.s32 v3, v5;
	_ =	sdelay $0x1  }
0xb5: {  	s1 =	simm.s32 $0x0;
	s0 =	simm.s32 $0x3C00  }
0xb6: {  	[tilespmem:s0], [sflag:$0x1] =	stream.indirect_vreg.gather [hbm4b:s3+s1], $0x80, v6, vm0, $0xb8;
	[tilespmem:$0x17C00] =	vst v63  }
0xb7: {  	s5 =	simm.s32 $0x4400  }
0xb8: {  	[tilespmem:s5], [sflag:$0x1] =	stream.indirect_vreg.gather [hbm4b:s3+s1], $0x80, v5, vm0, $0xb8;
	[tilespmem:$0x17C00] =	vst v63  }
0xb9: {  	v5 =	vld [tilespmem:$0x10];
	_ =	sdelay $0x4  }
0xba: {  	v6 =	vshll.u32 v5, $0x1  }
0xbb: {  	v5 =	vand.u32 $0x7, v5;
	v6 =	vand.u32 $0xFFFFFFF0, v6  }
0xbc: {  	v5 =	vor.u32 v5, v6  }
0xbd: {  	v6 =	vperm.xlane v5, v2;
	_ =	sdelay $0x1  }
0xbe: {  	v5 =	vperm.xlane v5, v4;
	v6 =	vadd.s32 v3, v6;
	_ =	sdelay $0x1  }
0xbf: {  	v5 =	vadd.s32 v3, v5;
	_ =	sdelay $0x1  }
0xc0: {  	s6 =	simm.s32 $0x4C00  }
0xc1: {  	[tilespmem:s6], [sflag:$0x1] =	stream.indirect_vreg.gather [hbm4b:s3+s1], $0x80, v6, vm0, $0xb8;
	[tilespmem:$0x17C00] =	vst v63  }
0xc2: {  	s7 =	simm.s32 $0x5400  }
0xc3: {  	[tilespmem:s7], [sflag:$0x1] =	stream.indirect_vreg.gather [hbm4b:s3+s1], $0x80, v5, vm0, $0xb8;
	[tilespmem:$0x17C00] =	vst v63  }
0xc4: {  	v5 =	vld [tilespmem:$0x20];
	_ =	sdelay $0x4  }
0xc5: {  	v6 =	vshll.u32 v5, $0x1  }
0xc6: {  	v5 =	vand.u32 $0x7, v5;
	v6 =	vand.u32 $0xFFFFFFF0, v6  }
0xc7: {  	v5 =	vor.u32 v5, v6  }
0xc8: {  	v6 =	vperm.xlane v5, v2;
	_ =	sdelay $0x1  }
0xc9: {  	v5 =	vperm.xlane v5, v4;
	v6 =	vadd.s32 v3, v6;
	_ =	sdelay $0x1  }
0xca: {  	v5 =	vadd.s32 v3, v5;
	_ =	sdelay $0x1  }
0xcb: {  	s8 =	simm.s32 $0x5C00  }
0xcc: {  	[tilespmem:s8], [sflag:$0x1] =	stream.indirect_vreg.gather [hbm4b:s3+s1], $0x80, v6, vm0, $0xb8;
	[tilespmem:$0x17C00] =	vst v63  }
0xcd: {  	s13 =	simm.s32 $0x6400  }
0xce: {  	[tilespmem:s13], [sflag:$0x1] =	stream.indirect_vreg.gather [hbm4b:s3+s1], $0x80, v5, vm0, $0xb8;
	[tilespmem:$0x17C00] =	vst v63  }
0xcf: {  	v5 =	vld [tilespmem:$0x30];
	_ =	sdelay $0x4  }
0xd0: {  	v6 =	vshll.u32 v5, $0x1  }
0xd1: {  	v5 =	vand.u32 $0x7, v5;
	v6 =	vand.u32 $0xFFFFFFF0, v6  }
0xd2: {  	v5 =	vor.u32 v5, v6  }
0xd3: {  	v6 =	vperm.xlane v5, v2;
	_ =	sdelay $0x1  }
0xd4: {  	v5 =	vperm.xlane v5, v4;
	v6 =	vadd.s32 v3, v6;
	_ =	sdelay $0x1  }
0xd5: {  	v5 =	vadd.s32 v3, v5;
	_ =	sdelay $0x1  }
0xd6: {  	s21 =	simm.s32 $0x6C00  }
0xd7: {  	[tilespmem:s21], [sflag:$0x1] =	stream.indirect_vreg.gather [hbm4b:s3+s1], $0x80, v6, vm0, $0xb8;
	[tilespmem:$0x17C00] =	vst v63  }
0xd8: {  	_ = 	snop  }
0xd9: {  	[tilespmem:s14], [sflag:$0x1] =	stream.indirect_vreg.gather [hbm4b:s3+s1], $0x80, v5, vm0, $0xb8;
	[tilespmem:$0x17C00] =	vst v63  }
0xda: {  	v5 =	vld [tilespmem:$0x40];
	_ =	sdelay $0x4  }
0xdb: {  	v6 =	vshll.u32 v5, $0x1  }
0xdc: {  	v5 =	vand.u32 $0x7, v5;
	v6 =	vand.u32 $0xFFFFFFF0, v6  }
0xdd: {  	v5 =	vor.u32 v5, v6  }
0xde: {  	v6 =	vperm.xlane v5, v2;
	_ =	sdelay $0x1  }
0xdf: {  	v5 =	vperm.xlane v5, v4;
	v6 =	vadd.s32 v3, v6;
	_ =	sdelay $0x1  }
0xe0: {  	v5 =	vadd.s32 v3, v5;
	_ =	sdelay $0x2  }
0xe1: {  	[tilespmem:s15], [sflag:$0x1] =	stream.indirect_vreg.gather [hbm4b:s3+s1], $0x80, v6, vm0, $0xb8;
	[tilespmem:$0x17C00] =	vst v63  }
0xe2: {  	_ = 	snop  }
0xe3: {  	[tilespmem:s16], [sflag:$0x1] =	stream.indirect_vreg.gather [hbm4b:s3+s1], $0x80, v5, vm0, $0xb8;
	[tilespmem:$0x17C00] =	vst v63  }
0xe4: {  	v5 =	vld [tilespmem:$0x50];
	_ =	sdelay $0x4  }
0xe5: {  	v6 =	vshll.u32 v5, $0x1  }
0xe6: {  	v5 =	vand.u32 $0x7, v5;
	v6 =	vand.u32 $0xFFFFFFF0, v6  }
0xe7: {  	v5 =	vor.u32 v5, v6  }
0xe8: {  	v6 =	vperm.xlane v5, v2;
	_ =	sdelay $0x1  }
0xe9: {  	v5 =	vperm.xlane v5, v4;
	v6 =	vadd.s32 v3, v6;
	_ =	sdelay $0x1  }
0xea: {  	v5 =	vadd.s32 v3, v5;
	_ =	sdelay $0x2  }
0xeb: {  	[tilespmem:s17], [sflag:$0x1] =	stream.indirect_vreg.gather [hbm4b:s3+s1], $0x80, v6, vm0, $0xb8;
	[tilespmem:$0x17C00] =	vst v63  }
0xec: {  	_ = 	snop  }
0xed: {  	[tilespmem:s18], [sflag:$0x1] =	stream.indirect_vreg.gather [hbm4b:s3+s1], $0x80, v5, vm0, $0xb8;
	[tilespmem:$0x17C00] =	vst v63  }
0xee: {  	v5 =	vld [tilespmem:$0x60];
	_ =	sdelay $0x4  }
0xef: {  	v6 =	vshll.u32 v5, $0x1  }
0xf0: {  	v5 =	vand.u32 $0x7, v5;
	v6 =	vand.u32 $0xFFFFFFF0, v6  }
0xf1: {  	v5 =	vor.u32 v5, v6  }
0xf2: {  	v6 =	vperm.xlane v5, v2;
	_ =	sdelay $0x1  }
0xf3: {  	v5 =	vperm.xlane v5, v4;
	v6 =	vadd.s32 v3, v6;
	_ =	sdelay $0x1  }
0xf4: {  	v5 =	vadd.s32 v3, v5;
	_ =	sdelay $0x2  }
0xf5: {  	[tilespmem:s19], [sflag:$0x1] =	stream.indirect_vreg.gather [hbm4b:s3+s1], $0x80, v6, vm0, $0xb8;
	[tilespmem:$0x17C00] =	vst v63  }
0xf6: {  	s5 =	simm.s32 $0xA400  }
0xf7: {  	[tilespmem:s5], [sflag:$0x1] =	stream.indirect_vreg.gather [hbm4b:s3+s1], $0x80, v5, vm0, $0xb8;
	[tilespmem:$0x17C00] =	vst v63  }
0xf8: {  	v5 =	vld [tilespmem:$0x70];
	_ =	sdelay $0x4  }
0xf9: {  	v6 =	vshll.u32 v5, $0x1  }
0xfa: {  	v5 =	vand.u32 $0x7, v5;
	v6 =	vand.u32 $0xFFFFFFF0, v6  }
0xfb: {  	v5 =	vor.u32 v5, v6  }
0xfc: {  	v6 =	vperm.xlane v5, v2;
	_ =	sdelay $0x1  }
0xfd: {  	v5 =	vperm.xlane v5, v4;
	v6 =	vadd.s32 v3, v6;
	_ =	sdelay $0x1  }
0xfe: {  	v5 =	vadd.s32 v3, v5;
	_ =	sdelay $0x1  }
0xff: {  	s6 =	simm.s32 $0xAC00  }
0x100: {  	[tilespmem:s6], [sflag:$0x1] =	stream.indirect_vreg.gather [hbm4b:s3+s1], $0x80, v6, vm0, $0xb8;
	[tilespmem:$0x17C00] =	vst v63  }
0x101: {  	_ = 	snop  }
0x102: {  	[tilespmem:s9], [sflag:$0x1] =	stream.indirect_vreg.gather [hbm4b:s3+s1], $0x80, v5, vm0, $0xb8;
	[tilespmem:$0x17C00] =	vst v63  }
0x103: {  	v5 =	vld [tilespmem:$0x80];
	_ =	sdelay $0x4  }
0x104: {  	v6 =	vshll.u32 v5, $0x1  }
0x105: {  	v5 =	vand.u32 $0x7, v5;
	v6 =	vand.u32 $0xFFFFFFF0, v6  }
0x106: {  	v5 =	vor.u32 v5, v6  }
0x107: {  	v6 =	vperm.xlane v5, v2;
	_ =	sdelay $0x1  }
0x108: {  	v5 =	vperm.xlane v5, v4;
	v6 =	vadd.s32 v3, v6;
	_ =	sdelay $0x1  }
0x109: {  	v5 =	vadd.s32 v3, v5;
	_ =	sdelay $0x2  }
0x10a: {  	[tilespmem:s22], [sflag:$0x2] =	stream.indirect_vreg.gather [hbm4b:s3+s1], $0x80, v6, vm0, $0xb8;
	[tilespmem:$0x17C00] =	vst v63  }
0x10b: {  	_ = 	snop  }
0x10c: {  	[tilespmem:s20], [sflag:$0x2] =	stream.indirect_vreg.gather [hbm4b:s3+s1], $0x80, v5, vm0, $0xb8;
	[tilespmem:$0x17C00] =	vst v63  }
0x10d: {  	v5 =	vld [tilespmem:$0x90];
	_ =	sdelay $0x4  }
0x10e: {  	v6 =	vshll.u32 v5, $0x1  }
0x10f: {  	v5 =	vand.u32 $0x7, v5;
	v6 =	vand.u32 $0xFFFFFFF0, v6  }
0x110: {  	v5 =	vor.u32 v5, v6  }
0x111: {  	v6 =	vperm.xlane v5, v2;
	_ =	sdelay $0x1  }
0x112: {  	v5 =	vperm.xlane v5, v4;
	v6 =	vadd.s32 v3, v6;
	_ =	sdelay $0x1  }
0x113: {  	v5 =	vadd.s32 v3, v5;
	_ =	sdelay $0x2  }
0x114: {  	[tilespmem:s23], [sflag:$0x2] =	stream.indirect_vreg.gather [hbm4b:s3+s1], $0x80, v6, vm0, $0xb8;
	[tilespmem:$0x17C00] =	vst v63  }
0x115: {  	_ = 	snop  }
0x116: {  	[tilespmem:s24], [sflag:$0x2] =	stream.indirect_vreg.gather [hbm4b:s3+s1], $0x80, v5, vm0, $0xb8;
	[tilespmem:$0x17C00] =	vst v63  }
0x117: {  	v5 =	vld [tilespmem:$0xA0];
	_ =	sdelay $0x4  }
0x118: {  	v6 =	vshll.u32 v5, $0x1  }
0x119: {  	v5 =	vand.u32 $0x7, v5;
	v6 =	vand.u32 $0xFFFFFFF0, v6  }
0x11a: {  	v5 =	vor.u32 v5, v6  }
0x11b: {  	v6 =	vperm.xlane v5, v2;
	_ =	sdelay $0x1  }
0x11c: {  	v5 =	vperm.xlane v5, v4;
	v6 =	vadd.s32 v3, v6;
	_ =	sdelay $0x1  }
0x11d: {  	v5 =	vadd.s32 v3, v5;
	_ =	sdelay $0x2  }
0x11e: {  	[tilespmem:s25], [sflag:$0x2] =	stream.indirect_vreg.gather [hbm4b:s3+s1], $0x80, v6, vm0, $0xb8;
	[tilespmem:$0x17C00] =	vst v63  }
0x11f: {  	_ = 	snop  }
0x120: {  	[tilespmem:s26], [sflag:$0x2] =	stream.indirect_vreg.gather [hbm4b:s3+s1], $0x80, v5, vm0, $0xb8;
	[tilespmem:$0x17C00] =	vst v63  }
0x121: {  	v5 =	vld [tilespmem:$0xB0];
	_ =	sdelay $0x4  }
0x122: {  	v6 =	vshll.u32 v5, $0x1  }
0x123: {  	v5 =	vand.u32 $0x7, v5;
	v6 =	vand.u32 $0xFFFFFFF0, v6  }
0x124: {  	v5 =	vor.u32 v5, v6  }
0x125: {  	v6 =	vperm.xlane v5, v2;
	_ =	sdelay $0x1  }
0x126: {  	v5 =	vperm.xlane v5, v4;
	v6 =	vadd.s32 v3, v6;
	_ =	sdelay $0x1  }
0x127: {  	v5 =	vadd.s32 v3, v5;
	_ =	sdelay $0x1  }
0x128: {  	s7 =	simm.s32 $0xEC00  }
0x129: {  	[tilespmem:s7], [sflag:$0x2] =	stream.indirect_vreg.gather [hbm4b:s3+s1], $0x80, v6, vm0, $0xb8;
	[tilespmem:$0x17C00] =	vst v63  }
0x12a: {  	s8 =	simm.s32 $0xF400  }
0x12b: {  	[tilespmem:s8], [sflag:$0x2] =	stream.indirect_vreg.gather [hbm4b:s3+s1], $0x80, v5, vm0, $0xb8;
	[tilespmem:$0x17C00] =	vst v63  }
0x12c: {  	v5 =	vld [tilespmem:$0xC0];
	_ =	sdelay $0x4  }
0x12d: {  	v6 =	vshll.u32 v5, $0x1  }
0x12e: {  	v5 =	vand.u32 $0x7, v5;
	v6 =	vand.u32 $0xFFFFFFF0, v6  }
0x12f: {  	v5 =	vor.u32 v5, v6  }
0x130: {  	v6 =	vperm.xlane v5, v2;
	_ =	sdelay $0x1  }
0x131: {  	v5 =	vperm.xlane v5, v4;
	v6 =	vadd.s32 v3, v6;
	_ =	sdelay $0x1  }
0x132: {  	v5 =	vadd.s32 v3, v5;
	_ =	sdelay $0x2  }
0x133: {  	[tilespmem:s28], [sflag:$0x2] =	stream.indirect_vreg.gather [hbm4b:s3+s1], $0x80, v6, vm0, $0xb8;
	[tilespmem:$0x17C00] =	vst v63  }
0x134: {  	_ = 	snop  }
0x135: {  	[tilespmem:s29], [sflag:$0x2] =	stream.indirect_vreg.gather [hbm4b:s3+s1], $0x80, v5, vm0, $0xb8;
	[tilespmem:$0x17C00] =	vst v63  }
0x136: {  	v5 =	vld [tilespmem:$0xD0];
	_ =	sdelay $0x4  }
0x137: {  	v6 =	vshll.u32 v5, $0x1  }
0x138: {  	v5 =	vand.u32 $0x7, v5;
	v6 =	vand.u32 $0xFFFFFFF0, v6  }
0x139: {  	v5 =	vor.u32 v5, v6  }
0x13a: {  	v6 =	vperm.xlane v5, v2;
	_ =	sdelay $0x1  }
0x13b: {  	v5 =	vperm.xlane v5, v4;
	v6 =	vadd.s32 v3, v6;
	_ =	sdelay $0x1  }
0x13c: {  	v5 =	vadd.s32 v3, v5;
	_ =	sdelay $0x2  }
0x13d: {  	[tilespmem:s30], [sflag:$0x2] =	stream.indirect_vreg.gather [hbm4b:s3+s1], $0x80, v6, vm0, $0xb8;
	[tilespmem:$0x17C00] =	vst v63  }
0x13e: {  	_ = 	snop  }
0x13f: {  	[tilespmem:s31], [sflag:$0x2] =	stream.indirect_vreg.gather [hbm4b:s3+s1], $0x80, v5, vm0, $0xb8;
	[tilespmem:$0x17C00] =	vst v63  }
0x140: {  	v5 =	vld [tilespmem:$0xE0];
	_ =	sdelay $0x4  }
0x141: {  	v6 =	vshll.u32 v5, $0x1  }
0x142: {  	v5 =	vand.u32 $0x7, v5;
	v6 =	vand.u32 $0xFFFFFFF0, v6  }
0x143: {  	v5 =	vor.u32 v5, v6  }
0x144: {  	v6 =	vperm.xlane v5, v2;
	_ =	sdelay $0x1  }
0x145: {  	v5 =	vperm.xlane v5, v4;
	v6 =	vadd.s32 v3, v6;
	_ =	sdelay $0x1  }
0x146: {  	v5 =	vadd.s32 v3, v5;
	_ =	sdelay $0x1  }
0x147: {  	s21 =	simm.s32 $0x11C00  }
0x148: {  	[tilespmem:s21], [sflag:$0x2] =	stream.indirect_vreg.gather [hbm4b:s3+s1], $0x80, v6, vm0, $0xb8;
	[tilespmem:$0x17C00] =	vst v63  }
0x149: {  	_ = 	snop  }
0x14a: {  	[tilespmem:s10], [sflag:$0x2] =	stream.indirect_vreg.gather [hbm4b:s3+s1], $0x80, v5, vm0, $0xb8;
	[tilespmem:$0x17C00] =	vst v63  }
0x14b: {  	v5 =	vld [tilespmem:$0xF0];
	_ =	sdelay $0x4  }
0x14c: {  	v6 =	vshll.u32 v5, $0x1  }
0x14d: {  	v5 =	vand.u32 $0x7, v5;
	v6 =	vand.u32 $0xFFFFFFF0, v6  }
0x14e: {  	v5 =	vor.u32 v5, v6  }
0x14f: {  	v6 =	vperm.xlane v5, v2;
	_ =	sdelay $0x1  }
0x150: {  	v5 =	vperm.xlane v5, v4;
	v6 =	vadd.s32 v3, v6;
	_ =	sdelay $0x1  }
0x151: {  	v5 =	vadd.s32 v3, v5;
	_ =	sdelay $0x2  }
0x152: {  	[tilespmem:s11], [sflag:$0x2] =	stream.indirect_vreg.gather [hbm4b:s3+s1], $0x80, v6, vm0, $0xb8;
	[tilespmem:$0x17C00] =	vst v63  }
0x153: {  	_ = 	snop  }
0x154: {  	[tilespmem:s12], [sflag:$0x2] =	stream.indirect_vreg.gather [hbm4b:s3+s1], $0x80, v5, vm0, $0xb8;
	[tilespmem:$0x17C00] =	vst v63  }
.LBB2_9:
0x155: {  	s0 =	simm.s32 $0x1  }
0x156: {  	_ =	swait.ge [sflag:s0], $0x8000  }
0x157: {  	[sflag:s0] =	ssyncset.done $0x0  }
0x158: {  	[sflag:s0] =	ssyncadd.s32 $0xFFFF8000;
	s0 =	sshra.s32 s1, $0x2  }
0x159: {  	v5 =	vld [tilespmem:s0+$0x2800];
	_ =	sdelay $0x4  }
0x15a: {  	v6 =	vshll.u32 v5, $0x1  }
0x15b: {  	v5 =	vand.u32 $0x7, v5;
	v6 =	vand.u32 $0xFFFFFFF0, v6  }
0x15c: {  	v5 =	vor.u32 v5, v6  }
0x15d: {  	v6 =	vperm.xlane v5, v2;
	_ =	sdelay $0x1  }
0x15e: {  	v5 =	vperm.xlane v5, v4;
	v6 =	vadd.s32 v3, v6;
	_ =	sdelay $0x1  }
0x15f: {  	v5 =	vadd.s32 v3, v5;
	_ =	sdelay $0x1  }
0x160: {  	s13 =	simm.s32 $0x3C00  }
0x161: {  	[hbm4b:s4+s2] =	stream.indirect_vreg.scatter [tilespmem:s13], [sflag:$0x3], $0x80, v6, vm0, $0xb8;
	[tilespmem:$0x17C00] =	vst v63  }
0x162: {  	s13 =	simm.s32 $0x4400  }
0x163: {  	[hbm4b:s4+s2] =	stream.indirect_vreg.scatter [tilespmem:s13], [sflag:$0x3], $0x80, v5, vm0, $0xb8;
	[tilespmem:$0x17C00] =	vst v63  }
0x164: {  	v5 =	vld [tilespmem:s0+$0x2810];
	_ =	sdelay $0x4  }
0x165: {  	v6 =	vshll.u32 v5, $0x1  }
0x166: {  	v5 =	vand.u32 $0x7, v5;
	v6 =	vand.u32 $0xFFFFFFF0, v6  }
0x167: {  	v5 =	vor.u32 v5, v6  }
0x168: {  	v6 =	vperm.xlane v5, v2;
	_ =	sdelay $0x1  }
0x169: {  	v5 =	vperm.xlane v5, v4;
	v6 =	vadd.s32 v3, v6;
	_ =	sdelay $0x1  }
0x16a: {  	v5 =	vadd.s32 v3, v5;
	_ =	sdelay $0x1  }
0x16b: {  	s13 =	simm.s32 $0x4C00  }
0x16c: {  	[hbm4b:s4+s2] =	stream.indirect_vreg.scatter [tilespmem:s13], [sflag:$0x3], $0x80, v6, vm0, $0xb8;
	[tilespmem:$0x17C00] =	vst v63  }
0x16d: {  	s13 =	simm.s32 $0x5400  }
0x16e: {  	[hbm4b:s4+s2] =	stream.indirect_vreg.scatter [tilespmem:s13], [sflag:$0x3], $0x80, v5, vm0, $0xb8;
	[tilespmem:$0x17C00] =	vst v63  }
0x16f: {  	v5 =	vld [tilespmem:s0+$0x2820];
	_ =	sdelay $0x4  }
0x170: {  	v6 =	vshll.u32 v5, $0x1  }
0x171: {  	v5 =	vand.u32 $0x7, v5;
	v6 =	vand.u32 $0xFFFFFFF0, v6  }
0x172: {  	v5 =	vor.u32 v5, v6  }
0x173: {  	v6 =	vperm.xlane v5, v2;
	_ =	sdelay $0x1  }
0x174: {  	v5 =	vperm.xlane v5, v4;
	v6 =	vadd.s32 v3, v6;
	_ =	sdelay $0x1  }
0x175: {  	v5 =	vadd.s32 v3, v5;
	_ =	sdelay $0x1  }
0x176: {  	s13 =	simm.s32 $0x5C00  }
0x177: {  	[hbm4b:s4+s2] =	stream.indirect_vreg.scatter [tilespmem:s13], [sflag:$0x3], $0x80, v6, vm0, $0xb8;
	[tilespmem:$0x17C00] =	vst v63  }
0x178: {  	s13 =	simm.s32 $0x6400  }
0x179: {  	[hbm4b:s4+s2] =	stream.indirect_vreg.scatter [tilespmem:s13], [sflag:$0x3], $0x80, v5, vm0, $0xb8;
	[tilespmem:$0x17C00] =	vst v63  }
0x17a: {  	v5 =	vld [tilespmem:s0+$0x2830];
	_ =	sdelay $0x4  }
0x17b: {  	v6 =	vshll.u32 v5, $0x1  }
0x17c: {  	v5 =	vand.u32 $0x7, v5;
	v6 =	vand.u32 $0xFFFFFFF0, v6  }
0x17d: {  	v5 =	vor.u32 v5, v6  }
0x17e: {  	v6 =	vperm.xlane v5, v2;
	_ =	sdelay $0x1  }
0x17f: {  	v5 =	vperm.xlane v5, v4;
	v6 =	vadd.s32 v3, v6;
	_ =	sdelay $0x1  }
0x180: {  	v5 =	vadd.s32 v3, v5;
	_ =	sdelay $0x1  }
0x181: {  	s13 =	simm.s32 $0x6C00  }
0x182: {  	[hbm4b:s4+s2] =	stream.indirect_vreg.scatter [tilespmem:s13], [sflag:$0x3], $0x80, v6, vm0, $0xb8;
	[tilespmem:$0x17C00] =	vst v63  }
0x183: {  	_ = 	snop  }
0x184: {  	[hbm4b:s4+s2] =	stream.indirect_vreg.scatter [tilespmem:s14], [sflag:$0x3], $0x80, v5, vm0, $0xb8;
	[tilespmem:$0x17C00] =	vst v63  }
0x185: {  	v5 =	vld [tilespmem:s0+$0x2840];
	_ =	sdelay $0x4  }
0x186: {  	v6 =	vshll.u32 v5, $0x1  }
0x187: {  	v5 =	vand.u32 $0x7, v5;
	v6 =	vand.u32 $0xFFFFFFF0, v6  }
0x188: {  	v5 =	vor.u32 v5, v6  }
0x189: {  	v6 =	vperm.xlane v5, v2;
	_ =	sdelay $0x1  }
0x18a: {  	v5 =	vperm.xlane v5, v4;
	v6 =	vadd.s32 v3, v6;
	_ =	sdelay $0x1  }
0x18b: {  	v5 =	vadd.s32 v3, v5;
	_ =	sdelay $0x2  }
0x18c: {  	[hbm4b:s4+s2] =	stream.indirect_vreg.scatter [tilespmem:s15], [sflag:$0x3], $0x80, v6, vm0, $0xb8;
	[tilespmem:$0x17C00] =	vst v63  }
0x18d: {  	_ = 	snop  }
0x18e: {  	[hbm4b:s4+s2] =	stream.indirect_vreg.scatter [tilespmem:s16], [sflag:$0x3], $0x80, v5, vm0, $0xb8;
	[tilespmem:$0x17C00] =	vst v63  }
0x18f: {  	v5 =	vld [tilespmem:s0+$0x2850];
	_ =	sdelay $0x4  }
0x190: {  	v6 =	vshll.u32 v5, $0x1  }
0x191: {  	v5 =	vand.u32 $0x7, v5;
	v6 =	vand.u32 $0xFFFFFFF0, v6  }
0x192: {  	v5 =	vor.u32 v5, v6  }
0x193: {  	v6 =	vperm.xlane v5, v2;
	_ =	sdelay $0x1  }
0x194: {  	v5 =	vperm.xlane v5, v4;
	v6 =	vadd.s32 v3, v6;
	_ =	sdelay $0x1  }
0x195: {  	v5 =	vadd.s32 v3, v5;
	_ =	sdelay $0x2  }
0x196: {  	[hbm4b:s4+s2] =	stream.indirect_vreg.scatter [tilespmem:s17], [sflag:$0x3], $0x80, v6, vm0, $0xb8;
	[tilespmem:$0x17C00] =	vst v63  }
0x197: {  	_ = 	snop  }
0x198: {  	[hbm4b:s4+s2] =	stream.indirect_vreg.scatter [tilespmem:s18], [sflag:$0x3], $0x80, v5, vm0, $0xb8;
	[tilespmem:$0x17C00] =	vst v63  }
0x199: {  	v5 =	vld [tilespmem:s0+$0x2860];
	_ =	sdelay $0x4  }
0x19a: {  	v6 =	vshll.u32 v5, $0x1  }
0x19b: {  	v5 =	vand.u32 $0x7, v5;
	v6 =	vand.u32 $0xFFFFFFF0, v6  }
0x19c: {  	v5 =	vor.u32 v5, v6  }
0x19d: {  	v6 =	vperm.xlane v5, v2;
	_ =	sdelay $0x1  }
0x19e: {  	v5 =	vperm.xlane v5, v4;
	v6 =	vadd.s32 v3, v6;
	_ =	sdelay $0x1  }
0x19f: {  	v5 =	vadd.s32 v3, v5;
	_ =	sdelay $0x2  }
0x1a0: {  	[hbm4b:s4+s2] =	stream.indirect_vreg.scatter [tilespmem:s19], [sflag:$0x3], $0x80, v6, vm0, $0xb8;
	[tilespmem:$0x17C00] =	vst v63  }
0x1a1: {  	_ = 	snop  }
0x1a2: {  	[hbm4b:s4+s2] =	stream.indirect_vreg.scatter [tilespmem:s5], [sflag:$0x3], $0x80, v5, vm0, $0xb8;
	[tilespmem:$0x17C00] =	vst v63  }
0x1a3: {  	v5 =	vld [tilespmem:s0+$0x2870];
	_ =	sdelay $0x4  }
0x1a4: {  	v6 =	vshll.u32 v5, $0x1  }
0x1a5: {  	v5 =	vand.u32 $0x7, v5;
	v6 =	vand.u32 $0xFFFFFFF0, v6  }
0x1a6: {  	v5 =	vor.u32 v5, v6  }
0x1a7: {  	v6 =	vperm.xlane v5, v2;
	_ =	sdelay $0x1  }
0x1a8: {  	v5 =	vperm.xlane v5, v4;
	v6 =	vadd.s32 v3, v6;
	_ =	sdelay $0x1  }
0x1a9: {  	v5 =	vadd.s32 v3, v5;
	_ =	sdelay $0x2  }
0x1aa: {  	[hbm4b:s4+s2] =	stream.indirect_vreg.scatter [tilespmem:s6], [sflag:$0x3], $0x80, v6, vm0, $0xb8;
	[tilespmem:$0x17C00] =	vst v63  }
0x1ab: {  	s13 =	simm.s32 $0x2  }
0x1ac: {  	[hbm4b:s4+s2] =	stream.indirect_vreg.scatter [tilespmem:s9], [sflag:$0x3], $0x80, v5, vm0, $0xb8;
	[tilespmem:$0x17C00] =	vst v63  }
0x1ad: {  	_ =	swait.ge [sflag:s13], $0x8000  }
0x1ae: {  	[sflag:s13] =	ssyncset.done $0x0  }
0x1af: {  	[sflag:s13] =	ssyncadd.s32 $0xFFFF8000  }
0x1b0: {  	v5 =	vld [tilespmem:s0+$0x2880];
	_ =	sdelay $0x4  }
0x1b1: {  	v6 =	vshll.u32 v5, $0x1  }
0x1b2: {  	v5 =	vand.u32 $0x7, v5;
	v6 =	vand.u32 $0xFFFFFFF0, v6  }
0x1b3: {  	v5 =	vor.u32 v5, v6  }
0x1b4: {  	v6 =	vperm.xlane v5, v2;
	_ =	sdelay $0x1  }
0x1b5: {  	v5 =	vperm.xlane v5, v4;
	v6 =	vadd.s32 v3, v6;
	_ =	sdelay $0x1  }
0x1b6: {  	v5 =	vadd.s32 v3, v5;
	_ =	sdelay $0x2  }
0x1b7: {  	[hbm4b:s4+s2] =	stream.indirect_vreg.scatter [tilespmem:s22], [sflag:$0x4], $0x80, v6, vm0, $0xb8;
	[tilespmem:$0x17C00] =	vst v63  }
0x1b8: {  	_ = 	snop  }
0x1b9: {  	[hbm4b:s4+s2] =	stream.indirect_vreg.scatter [tilespmem:s20], [sflag:$0x4], $0x80, v5, vm0, $0xb8;
	[tilespmem:$0x17C00] =	vst v63  }
0x1ba: {  	v5 =	vld [tilespmem:s0+$0x2890];
	_ =	sdelay $0x4  }
0x1bb: {  	v6 =	vshll.u32 v5, $0x1  }
0x1bc: {  	v5 =	vand.u32 $0x7, v5;
	v6 =	vand.u32 $0xFFFFFFF0, v6  }
0x1bd: {  	v5 =	vor.u32 v5, v6  }
0x1be: {  	v6 =	vperm.xlane v5, v2;
	_ =	sdelay $0x1  }
0x1bf: {  	v5 =	vperm.xlane v5, v4;
	v6 =	vadd.s32 v3, v6;
	_ =	sdelay $0x1  }
0x1c0: {  	v5 =	vadd.s32 v3, v5;
	_ =	sdelay $0x2  }
0x1c1: {  	[hbm4b:s4+s2] =	stream.indirect_vreg.scatter [tilespmem:s23], [sflag:$0x4], $0x80, v6, vm0, $0xb8;
	[tilespmem:$0x17C00] =	vst v63  }
0x1c2: {  	_ = 	snop  }
0x1c3: {  	[hbm4b:s4+s2] =	stream.indirect_vreg.scatter [tilespmem:s24], [sflag:$0x4], $0x80, v5, vm0, $0xb8;
	[tilespmem:$0x17C00] =	vst v63  }
0x1c4: {  	v5 =	vld [tilespmem:s0+$0x28A0];
	_ =	sdelay $0x4  }
0x1c5: {  	v6 =	vshll.u32 v5, $0x1  }
0x1c6: {  	v5 =	vand.u32 $0x7, v5;
	v6 =	vand.u32 $0xFFFFFFF0, v6  }
0x1c7: {  	v5 =	vor.u32 v5, v6  }
0x1c8: {  	v6 =	vperm.xlane v5, v2;
	_ =	sdelay $0x1  }
0x1c9: {  	v5 =	vperm.xlane v5, v4;
	v6 =	vadd.s32 v3, v6;
	_ =	sdelay $0x1  }
0x1ca: {  	v5 =	vadd.s32 v3, v5;
	_ =	sdelay $0x2  }
0x1cb: {  	[hbm4b:s4+s2] =	stream.indirect_vreg.scatter [tilespmem:s25], [sflag:$0x4], $0x80, v6, vm0, $0xb8;
	[tilespmem:$0x17C00] =	vst v63  }
0x1cc: {  	_ = 	snop  }
0x1cd: {  	[hbm4b:s4+s2] =	stream.indirect_vreg.scatter [tilespmem:s26], [sflag:$0x4], $0x80, v5, vm0, $0xb8;
	[tilespmem:$0x17C00] =	vst v63  }
0x1ce: {  	v5 =	vld [tilespmem:s0+$0x28B0];
	_ =	sdelay $0x4  }
0x1cf: {  	v6 =	vshll.u32 v5, $0x1  }
0x1d0: {  	v5 =	vand.u32 $0x7, v5;
	v6 =	vand.u32 $0xFFFFFFF0, v6  }
0x1d1: {  	v5 =	vor.u32 v5, v6  }
0x1d2: {  	v6 =	vperm.xlane v5, v2;
	_ =	sdelay $0x1  }
0x1d3: {  	v5 =	vperm.xlane v5, v4;
	v6 =	vadd.s32 v3, v6;
	_ =	sdelay $0x1  }
0x1d4: {  	v5 =	vadd.s32 v3, v5;
	_ =	sdelay $0x2  }
0x1d5: {  	[hbm4b:s4+s2] =	stream.indirect_vreg.scatter [tilespmem:s7], [sflag:$0x4], $0x80, v6, vm0, $0xb8;
	[tilespmem:$0x17C00] =	vst v63  }
0x1d6: {  	_ = 	snop  }
0x1d7: {  	[hbm4b:s4+s2] =	stream.indirect_vreg.scatter [tilespmem:s8], [sflag:$0x4], $0x80, v5, vm0, $0xb8;
	[tilespmem:$0x17C00] =	vst v63  }
0x1d8: {  	v5 =	vld [tilespmem:s0+$0x28C0];
	_ =	sdelay $0x4  }
0x1d9: {  	v6 =	vshll.u32 v5, $0x1  }
0x1da: {  	v5 =	vand.u32 $0x7, v5;
	v6 =	vand.u32 $0xFFFFFFF0, v6  }
0x1db: {  	v5 =	vor.u32 v5, v6  }
0x1dc: {  	v6 =	vperm.xlane v5, v2;
	_ =	sdelay $0x1  }
0x1dd: {  	v5 =	vperm.xlane v5, v4;
	v6 =	vadd.s32 v3, v6;
	_ =	sdelay $0x1  }
0x1de: {  	v5 =	vadd.s32 v3, v5;
	_ =	sdelay $0x2  }
0x1df: {  	[hbm4b:s4+s2] =	stream.indirect_vreg.scatter [tilespmem:s28], [sflag:$0x4], $0x80, v6, vm0, $0xb8;
	[tilespmem:$0x17C00] =	vst v63  }
0x1e0: {  	_ = 	snop  }
0x1e1: {  	[hbm4b:s4+s2] =	stream.indirect_vreg.scatter [tilespmem:s29], [sflag:$0x4], $0x80, v5, vm0, $0xb8;
	[tilespmem:$0x17C00] =	vst v63  }
0x1e2: {  	v5 =	vld [tilespmem:s0+$0x28D0];
	_ =	sdelay $0x4  }
0x1e3: {  	v6 =	vshll.u32 v5, $0x1  }
0x1e4: {  	v5 =	vand.u32 $0x7, v5;
	v6 =	vand.u32 $0xFFFFFFF0, v6  }
0x1e5: {  	v5 =	vor.u32 v5, v6  }
0x1e6: {  	v6 =	vperm.xlane v5, v2;
	_ =	sdelay $0x1  }
0x1e7: {  	v5 =	vperm.xlane v5, v4;
	v6 =	vadd.s32 v3, v6;
	_ =	sdelay $0x1  }
0x1e8: {  	v5 =	vadd.s32 v3, v5;
	_ =	sdelay $0x2  }
0x1e9: {  	[hbm4b:s4+s2] =	stream.indirect_vreg.scatter [tilespmem:s30], [sflag:$0x4], $0x80, v6, vm0, $0xb8;
	[tilespmem:$0x17C00] =	vst v63  }
0x1ea: {  	_ = 	snop  }
0x1eb: {  	[hbm4b:s4+s2] =	stream.indirect_vreg.scatter [tilespmem:s31], [sflag:$0x4], $0x80, v5, vm0, $0xb8;
	[tilespmem:$0x17C00] =	vst v63  }
0x1ec: {  	v5 =	vld [tilespmem:s0+$0x28E0];
	_ =	sdelay $0x4  }
0x1ed: {  	v6 =	vshll.u32 v5, $0x1  }
0x1ee: {  	v5 =	vand.u32 $0x7, v5;
	v6 =	vand.u32 $0xFFFFFFF0, v6  }
0x1ef: {  	v5 =	vor.u32 v5, v6  }
0x1f0: {  	v6 =	vperm.xlane v5, v2;
	_ =	sdelay $0x1  }
0x1f1: {  	v5 =	vperm.xlane v5, v4;
	v6 =	vadd.s32 v3, v6;
	_ =	sdelay $0x1  }
0x1f2: {  	v5 =	vadd.s32 v3, v5;
	_ =	sdelay $0x2  }
0x1f3: {  	[hbm4b:s4+s2] =	stream.indirect_vreg.scatter [tilespmem:s21], [sflag:$0x4], $0x80, v6, vm0, $0xb8;
	[tilespmem:$0x17C00] =	vst v63  }
0x1f4: {  	_ = 	snop  }
0x1f5: {  	[hbm4b:s4+s2] =	stream.indirect_vreg.scatter [tilespmem:s10], [sflag:$0x4], $0x80, v5, vm0, $0xb8;
	[tilespmem:$0x17C00] =	vst v63  }
0x1f6: {  	v5 =	vld [tilespmem:s0+$0x28F0];
	_ =	sdelay $0x4  }
0x1f7: {  	v6 =	vshll.u32 v5, $0x1  }
0x1f8: {  	v5 =	vand.u32 $0x7, v5;
	v6 =	vand.u32 $0xFFFFFFF0, v6  }
0x1f9: {  	v5 =	vor.u32 v5, v6  }
0x1fa: {  	v6 =	vperm.xlane v5, v2;
	_ =	sdelay $0x1  }
0x1fb: {  	v5 =	vperm.xlane v5, v4;
	v6 =	vadd.s32 v3, v6;
	_ =	sdelay $0x1  }
0x1fc: {  	v5 =	vadd.s32 v3, v5;
	_ =	sdelay $0x1  }
0x1fd: {  	p1 =	seq.s32 s1, $0x4C00  }
0x1fe: {  	[hbm4b:s4+s2] =	stream.indirect_vreg.scatter [tilespmem:s11], [sflag:$0x4], $0x80, v6, vm0, $0xb8;
	[tilespmem:$0x17C00] =	vst v63  }
.Ltmp6:
0x1ff: {  	s13 =	simm.s32 $0x3;
	(pc) =	sbr.rel @p1 .LBB2_11-.Ltmp6, $4  }
0x200: {  	[hbm4b:s4+s2] =	stream.indirect_vreg.scatter [tilespmem:s12], [sflag:$0x4], $0x80, v5, vm0, $0xb8;
	[tilespmem:$0x17C00] =	vst v63  }
0x201: {  	_ =	swait.ge [sflag:s13], $0x8000  }
0x202: {  	[sflag:s13] =	ssyncset.done $0x0  }
0x203: {  	[sflag:s13] =	ssyncadd.s32 $0xFFFF8000  }
0x204: {  	v5 =	vld [tilespmem:s0+$0x100];
	_ =	sdelay $0x4  }
0x205: {  	v6 =	vshll.u32 v5, $0x1  }
0x206: {  	v5 =	vand.u32 $0x7, v5;
	v6 =	vand.u32 $0xFFFFFFF0, v6  }
0x207: {  	v5 =	vor.u32 v5, v6  }
0x208: {  	v6 =	vperm.xlane v5, v2;
	_ =	sdelay $0x1  }
0x209: {  	v5 =	vperm.xlane v5, v4;
	v6 =	vadd.s32 v3, v6;
	_ =	sdelay $0x1  }
0x20a: {  	v5 =	vadd.s32 v3, v5;
	_ =	sdelay $0x1  }
0x20b: {  	s13 =	simm.s32 $0x3C00  }
0x20c: {  	[tilespmem:s13], [sflag:$0x1] =	stream.indirect_vreg.gather [hbm4b:s3+s2], $0x80, v6, vm0, $0xb8;
	[tilespmem:$0x17C00] =	vst v63  }
0x20d: {  	s13 =	simm.s32 $0x4400  }
0x20e: {  	[tilespmem:s13], [sflag:$0x1] =	stream.indirect_vreg.gather [hbm4b:s3+s2], $0x80, v5, vm0, $0xb8;
	[tilespmem:$0x17C00] =	vst v63  }
0x20f: {  	v5 =	vld [tilespmem:s0+$0x110];
	_ =	sdelay $0x4  }
0x210: {  	v6 =	vshll.u32 v5, $0x1  }
0x211: {  	v5 =	vand.u32 $0x7, v5;
	v6 =	vand.u32 $0xFFFFFFF0, v6  }
0x212: {  	v5 =	vor.u32 v5, v6  }
0x213: {  	v6 =	vperm.xlane v5, v2;
	_ =	sdelay $0x1  }
0x214: {  	v5 =	vperm.xlane v5, v4;
	v6 =	vadd.s32 v3, v6;
	_ =	sdelay $0x1  }
0x215: {  	v5 =	vadd.s32 v3, v5;
	_ =	sdelay $0x1  }
0x216: {  	s13 =	simm.s32 $0x4C00  }
0x217: {  	[tilespmem:s13], [sflag:$0x1] =	stream.indirect_vreg.gather [hbm4b:s3+s2], $0x80, v6, vm0, $0xb8;
	[tilespmem:$0x17C00] =	vst v63  }
0x218: {  	s13 =	simm.s32 $0x5400  }
0x219: {  	[tilespmem:s13], [sflag:$0x1] =	stream.indirect_vreg.gather [hbm4b:s3+s2], $0x80, v5, vm0, $0xb8;
	[tilespmem:$0x17C00] =	vst v63  }
0x21a: {  	v5 =	vld [tilespmem:s0+$0x120];
	_ =	sdelay $0x4  }
0x21b: {  	v6 =	vshll.u32 v5, $0x1  }
0x21c: {  	v5 =	vand.u32 $0x7, v5;
	v6 =	vand.u32 $0xFFFFFFF0, v6  }
0x21d: {  	v5 =	vor.u32 v5, v6  }
0x21e: {  	v6 =	vperm.xlane v5, v2;
	_ =	sdelay $0x1  }
0x21f: {  	v5 =	vperm.xlane v5, v4;
	v6 =	vadd.s32 v3, v6;
	_ =	sdelay $0x1  }
0x220: {  	v5 =	vadd.s32 v3, v5;
	_ =	sdelay $0x1  }
0x221: {  	s13 =	simm.s32 $0x5C00  }
0x222: {  	[tilespmem:s13], [sflag:$0x1] =	stream.indirect_vreg.gather [hbm4b:s3+s2], $0x80, v6, vm0, $0xb8;
	[tilespmem:$0x17C00] =	vst v63  }
0x223: {  	s13 =	simm.s32 $0x6400  }
0x224: {  	[tilespmem:s13], [sflag:$0x1] =	stream.indirect_vreg.gather [hbm4b:s3+s2], $0x80, v5, vm0, $0xb8;
	[tilespmem:$0x17C00] =	vst v63  }
0x225: {  	v5 =	vld [tilespmem:s0+$0x130];
	_ =	sdelay $0x4  }
0x226: {  	v6 =	vshll.u32 v5, $0x1  }
0x227: {  	v5 =	vand.u32 $0x7, v5;
	v6 =	vand.u32 $0xFFFFFFF0, v6  }
0x228: {  	v5 =	vor.u32 v5, v6  }
0x229: {  	v6 =	vperm.xlane v5, v2;
	_ =	sdelay $0x1  }
0x22a: {  	v5 =	vperm.xlane v5, v4;
	v6 =	vadd.s32 v3, v6;
	_ =	sdelay $0x1  }
0x22b: {  	v5 =	vadd.s32 v3, v5;
	_ =	sdelay $0x1  }
0x22c: {  	s13 =	simm.s32 $0x6C00  }
0x22d: {  	[tilespmem:s13], [sflag:$0x1] =	stream.indirect_vreg.gather [hbm4b:s3+s2], $0x80, v6, vm0, $0xb8;
	[tilespmem:$0x17C00] =	vst v63  }
0x22e: {  	_ = 	snop  }
0x22f: {  	[tilespmem:s14], [sflag:$0x1] =	stream.indirect_vreg.gather [hbm4b:s3+s2], $0x80, v5, vm0, $0xb8;
	[tilespmem:$0x17C00] =	vst v63  }
0x230: {  	v5 =	vld [tilespmem:s0+$0x140];
	_ =	sdelay $0x4  }
0x231: {  	v6 =	vshll.u32 v5, $0x1  }
0x232: {  	v5 =	vand.u32 $0x7, v5;
	v6 =	vand.u32 $0xFFFFFFF0, v6  }
0x233: {  	v5 =	vor.u32 v5, v6  }
0x234: {  	v6 =	vperm.xlane v5, v2;
	_ =	sdelay $0x1  }
0x235: {  	v5 =	vperm.xlane v5, v4;
	v6 =	vadd.s32 v3, v6;
	_ =	sdelay $0x1  }
0x236: {  	v5 =	vadd.s32 v3, v5;
	_ =	sdelay $0x2  }
0x237: {  	[tilespmem:s15], [sflag:$0x1] =	stream.indirect_vreg.gather [hbm4b:s3+s2], $0x80, v6, vm0, $0xb8;
	[tilespmem:$0x17C00] =	vst v63  }
0x238: {  	_ = 	snop  }
0x239: {  	[tilespmem:s16], [sflag:$0x1] =	stream.indirect_vreg.gather [hbm4b:s3+s2], $0x80, v5, vm0, $0xb8;
	[tilespmem:$0x17C00] =	vst v63  }
0x23a: {  	v5 =	vld [tilespmem:s0+$0x150];
	_ =	sdelay $0x4  }
0x23b: {  	v6 =	vshll.u32 v5, $0x1  }
0x23c: {  	v5 =	vand.u32 $0x7, v5;
	v6 =	vand.u32 $0xFFFFFFF0, v6  }
0x23d: {  	v5 =	vor.u32 v5, v6  }
0x23e: {  	v6 =	vperm.xlane v5, v2;
	_ =	sdelay $0x1  }
0x23f: {  	v5 =	vperm.xlane v5, v4;
	v6 =	vadd.s32 v3, v6;
	_ =	sdelay $0x1  }
0x240: {  	v5 =	vadd.s32 v3, v5;
	_ =	sdelay $0x2  }
0x241: {  	[tilespmem:s17], [sflag:$0x1] =	stream.indirect_vreg.gather [hbm4b:s3+s2], $0x80, v6, vm0, $0xb8;
	[tilespmem:$0x17C00] =	vst v63  }
0x242: {  	_ = 	snop  }
0x243: {  	[tilespmem:s18], [sflag:$0x1] =	stream.indirect_vreg.gather [hbm4b:s3+s2], $0x80, v5, vm0, $0xb8;
	[tilespmem:$0x17C00] =	vst v63  }
0x244: {  	v5 =	vld [tilespmem:s0+$0x160];
	_ =	sdelay $0x4  }
0x245: {  	v6 =	vshll.u32 v5, $0x1  }
0x246: {  	v5 =	vand.u32 $0x7, v5;
	v6 =	vand.u32 $0xFFFFFFF0, v6  }
0x247: {  	v5 =	vor.u32 v5, v6  }
0x248: {  	v6 =	vperm.xlane v5, v2;
	_ =	sdelay $0x1  }
0x249: {  	v5 =	vperm.xlane v5, v4;
	v6 =	vadd.s32 v3, v6;
	_ =	sdelay $0x1  }
0x24a: {  	v5 =	vadd.s32 v3, v5;
	_ =	sdelay $0x2  }
0x24b: {  	[tilespmem:s19], [sflag:$0x1] =	stream.indirect_vreg.gather [hbm4b:s3+s2], $0x80, v6, vm0, $0xb8;
	[tilespmem:$0x17C00] =	vst v63  }
0x24c: {  	_ = 	snop  }
0x24d: {  	[tilespmem:s5], [sflag:$0x1] =	stream.indirect_vreg.gather [hbm4b:s3+s2], $0x80, v5, vm0, $0xb8;
	[tilespmem:$0x17C00] =	vst v63  }
0x24e: {  	v5 =	vld [tilespmem:s0+$0x170];
	_ =	sdelay $0x4  }
0x24f: {  	v6 =	vshll.u32 v5, $0x1  }
0x250: {  	v5 =	vand.u32 $0x7, v5;
	v6 =	vand.u32 $0xFFFFFFF0, v6  }
0x251: {  	v5 =	vor.u32 v5, v6  }
0x252: {  	v6 =	vperm.xlane v5, v2;
	_ =	sdelay $0x1  }
0x253: {  	v5 =	vperm.xlane v5, v4;
	v6 =	vadd.s32 v3, v6;
	_ =	sdelay $0x1  }
0x254: {  	v5 =	vadd.s32 v3, v5;
	_ =	sdelay $0x2  }
0x255: {  	[tilespmem:s6], [sflag:$0x1] =	stream.indirect_vreg.gather [hbm4b:s3+s2], $0x80, v6, vm0, $0xb8;
	[tilespmem:$0x17C00] =	vst v63  }
0x256: {  	s13 =	simm.s32 $0x4  }
0x257: {  	[tilespmem:s9], [sflag:$0x1] =	stream.indirect_vreg.gather [hbm4b:s3+s2], $0x80, v5, vm0, $0xb8;
	[tilespmem:$0x17C00] =	vst v63  }
0x258: {  	_ =	swait.ge [sflag:s13], $0x8000  }
0x259: {  	[sflag:s13] =	ssyncset.done $0x0  }
0x25a: {  	[sflag:s13] =	ssyncadd.s32 $0xFFFF8000  }
0x25b: {  	v5 =	vld [tilespmem:s0+$0x180];
	_ =	sdelay $0x4  }
0x25c: {  	v6 =	vshll.u32 v5, $0x1  }
0x25d: {  	v5 =	vand.u32 $0x7, v5;
	v6 =	vand.u32 $0xFFFFFFF0, v6  }
0x25e: {  	v5 =	vor.u32 v5, v6  }
0x25f: {  	v6 =	vperm.xlane v5, v2;
	_ =	sdelay $0x1  }
0x260: {  	v5 =	vperm.xlane v5, v4;
	v6 =	vadd.s32 v3, v6;
	_ =	sdelay $0x1  }
0x261: {  	v5 =	vadd.s32 v3, v5;
	_ =	sdelay $0x2  }
0x262: {  	[tilespmem:s22], [sflag:$0x2] =	stream.indirect_vreg.gather [hbm4b:s3+s2], $0x80, v6, vm0, $0xb8;
	[tilespmem:$0x17C00] =	vst v63  }
0x263: {  	_ = 	snop  }
0x264: {  	[tilespmem:s20], [sflag:$0x2] =	stream.indirect_vreg.gather [hbm4b:s3+s2], $0x80, v5, vm0, $0xb8;
	[tilespmem:$0x17C00] =	vst v63  }
0x265: {  	v5 =	vld [tilespmem:s0+$0x190];
	_ =	sdelay $0x4  }
0x266: {  	v6 =	vshll.u32 v5, $0x1  }
0x267: {  	v5 =	vand.u32 $0x7, v5;
	v6 =	vand.u32 $0xFFFFFFF0, v6  }
0x268: {  	v5 =	vor.u32 v5, v6  }
0x269: {  	v6 =	vperm.xlane v5, v2;
	_ =	sdelay $0x1  }
0x26a: {  	v5 =	vperm.xlane v5, v4;
	v6 =	vadd.s32 v3, v6;
	_ =	sdelay $0x1  }
0x26b: {  	v5 =	vadd.s32 v3, v5;
	_ =	sdelay $0x2  }
0x26c: {  	[tilespmem:s23], [sflag:$0x2] =	stream.indirect_vreg.gather [hbm4b:s3+s2], $0x80, v6, vm0, $0xb8;
	[tilespmem:$0x17C00] =	vst v63  }
0x26d: {  	_ = 	snop  }
0x26e: {  	[tilespmem:s24], [sflag:$0x2] =	stream.indirect_vreg.gather [hbm4b:s3+s2], $0x80, v5, vm0, $0xb8;
	[tilespmem:$0x17C00] =	vst v63  }
0x26f: {  	v5 =	vld [tilespmem:s0+$0x1A0];
	_ =	sdelay $0x4  }
0x270: {  	v6 =	vshll.u32 v5, $0x1  }
0x271: {  	v5 =	vand.u32 $0x7, v5;
	v6 =	vand.u32 $0xFFFFFFF0, v6  }
0x272: {  	v5 =	vor.u32 v5, v6  }
0x273: {  	v6 =	vperm.xlane v5, v2;
	_ =	sdelay $0x1  }
0x274: {  	v5 =	vperm.xlane v5, v4;
	v6 =	vadd.s32 v3, v6;
	_ =	sdelay $0x1  }
0x275: {  	v5 =	vadd.s32 v3, v5;
	_ =	sdelay $0x2  }
0x276: {  	[tilespmem:s25], [sflag:$0x2] =	stream.indirect_vreg.gather [hbm4b:s3+s2], $0x80, v6, vm0, $0xb8;
	[tilespmem:$0x17C00] =	vst v63  }
0x277: {  	_ = 	snop  }
0x278: {  	[tilespmem:s26], [sflag:$0x2] =	stream.indirect_vreg.gather [hbm4b:s3+s2], $0x80, v5, vm0, $0xb8;
	[tilespmem:$0x17C00] =	vst v63  }
0x279: {  	v5 =	vld [tilespmem:s0+$0x1B0];
	_ =	sdelay $0x4  }
0x27a: {  	v6 =	vshll.u32 v5, $0x1  }
0x27b: {  	v5 =	vand.u32 $0x7, v5;
	v6 =	vand.u32 $0xFFFFFFF0, v6  }
0x27c: {  	v5 =	vor.u32 v5, v6  }
0x27d: {  	v6 =	vperm.xlane v5, v2;
	_ =	sdelay $0x1  }
0x27e: {  	v5 =	vperm.xlane v5, v4;
	v6 =	vadd.s32 v3, v6;
	_ =	sdelay $0x1  }
0x27f: {  	v5 =	vadd.s32 v3, v5;
	_ =	sdelay $0x2  }
0x280: {  	[tilespmem:s7], [sflag:$0x2] =	stream.indirect_vreg.gather [hbm4b:s3+s2], $0x80, v6, vm0, $0xb8;
	[tilespmem:$0x17C00] =	vst v63  }
0x281: {  	_ = 	snop  }
0x282: {  	[tilespmem:s8], [sflag:$0x2] =	stream.indirect_vreg.gather [hbm4b:s3+s2], $0x80, v5, vm0, $0xb8;
	[tilespmem:$0x17C00] =	vst v63  }
0x283: {  	v5 =	vld [tilespmem:s0+$0x1C0];
	_ =	sdelay $0x4  }
0x284: {  	v6 =	vshll.u32 v5, $0x1  }
0x285: {  	v5 =	vand.u32 $0x7, v5;
	v6 =	vand.u32 $0xFFFFFFF0, v6  }
0x286: {  	v5 =	vor.u32 v5, v6  }
0x287: {  	v6 =	vperm.xlane v5, v2;
	_ =	sdelay $0x1  }
0x288: {  	v5 =	vperm.xlane v5, v4;
	v6 =	vadd.s32 v3, v6;
	_ =	sdelay $0x1  }
0x289: {  	v5 =	vadd.s32 v3, v5;
	_ =	sdelay $0x2  }
0x28a: {  	[tilespmem:s28], [sflag:$0x2] =	stream.indirect_vreg.gather [hbm4b:s3+s2], $0x80, v6, vm0, $0xb8;
	[tilespmem:$0x17C00] =	vst v63  }
0x28b: {  	_ = 	snop  }
0x28c: {  	[tilespmem:s29], [sflag:$0x2] =	stream.indirect_vreg.gather [hbm4b:s3+s2], $0x80, v5, vm0, $0xb8;
	[tilespmem:$0x17C00] =	vst v63  }
0x28d: {  	v5 =	vld [tilespmem:s0+$0x1D0];
	_ =	sdelay $0x4  }
0x28e: {  	v6 =	vshll.u32 v5, $0x1  }
0x28f: {  	v5 =	vand.u32 $0x7, v5;
	v6 =	vand.u32 $0xFFFFFFF0, v6  }
0x290: {  	v5 =	vor.u32 v5, v6  }
0x291: {  	v6 =	vperm.xlane v5, v2;
	_ =	sdelay $0x1  }
0x292: {  	v5 =	vperm.xlane v5, v4;
	v6 =	vadd.s32 v3, v6;
	_ =	sdelay $0x1  }
0x293: {  	v5 =	vadd.s32 v3, v5;
	_ =	sdelay $0x2  }
0x294: {  	[tilespmem:s30], [sflag:$0x2] =	stream.indirect_vreg.gather [hbm4b:s3+s2], $0x80, v6, vm0, $0xb8;
	[tilespmem:$0x17C00] =	vst v63  }
0x295: {  	_ = 	snop  }
0x296: {  	[tilespmem:s31], [sflag:$0x2] =	stream.indirect_vreg.gather [hbm4b:s3+s2], $0x80, v5, vm0, $0xb8;
	[tilespmem:$0x17C00] =	vst v63  }
0x297: {  	v5 =	vld [tilespmem:s0+$0x1E0];
	_ =	sdelay $0x4  }
0x298: {  	v6 =	vshll.u32 v5, $0x1  }
0x299: {  	v5 =	vand.u32 $0x7, v5;
	v6 =	vand.u32 $0xFFFFFFF0, v6  }
0x29a: {  	v5 =	vor.u32 v5, v6  }
0x29b: {  	v6 =	vperm.xlane v5, v2;
	_ =	sdelay $0x1  }
0x29c: {  	v5 =	vperm.xlane v5, v4;
	v6 =	vadd.s32 v3, v6;
	_ =	sdelay $0x1  }
0x29d: {  	v5 =	vadd.s32 v3, v5;
	_ =	sdelay $0x2  }
0x29e: {  	[tilespmem:s21], [sflag:$0x2] =	stream.indirect_vreg.gather [hbm4b:s3+s2], $0x80, v6, vm0, $0xb8;
	[tilespmem:$0x17C00] =	vst v63  }
0x29f: {  	_ = 	snop  }
0x2a0: {  	[tilespmem:s10], [sflag:$0x2] =	stream.indirect_vreg.gather [hbm4b:s3+s2], $0x80, v5, vm0, $0xb8;
	[tilespmem:$0x17C00] =	vst v63  }
0x2a1: {  	v5 =	vld [tilespmem:s0+$0x1F0];
	_ =	sdelay $0x4  }
0x2a2: {  	v6 =	vshll.u32 v5, $0x1  }
0x2a3: {  	v5 =	vand.u32 $0x7, v5;
	v6 =	vand.u32 $0xFFFFFFF0, v6  }
0x2a4: {  	v5 =	vor.u32 v5, v6  }
0x2a5: {  	v6 =	vperm.xlane v5, v2;
	_ =	sdelay $0x1  }
0x2a6: {  	v5 =	vperm.xlane v5, v4;
	v6 =	vadd.s32 v3, v6;
	_ =	sdelay $0x1  }
0x2a7: {  	v5 =	vadd.s32 v3, v5  }
.Ltmp7:
0x2a8: {  	_ = 	snop;
	(pc) =	sbr.rel .LBB2_9-.Ltmp7, $4  }
0x2a9: {  	_ = 	snop  }
0x2aa: {  	[tilespmem:s11], [sflag:$0x2] =	stream.indirect_vreg.gather [hbm4b:s3+s2], $0x80, v6, vm0, $0xb8;
	[tilespmem:$0x17C00] =	vst v63  }
0x2ab: {  	s1 =	sadd.s32 $0x400, s1  }
0x2ac: {  	[tilespmem:s12], [sflag:$0x2] =	stream.indirect_vreg.gather [hbm4b:s3+s2], $0x80, v5, vm0, $0xb8;
	[tilespmem:$0x17C00] =	vst v63  }
.LBB2_12:
0x2ad: {  	_ =	sfence.sel $0x180000  }
0x2ae: {  	[bflag:$0x0] =	sbarrier.arrive $0xFFFF  }
0x2af: {  	_ =	strace $0x9000004A  }
0x2b0: {  	s0 =	stileid.u32;
	[bflag:$0x2] =	sbarrier.arrive $0xFFFF  }
0x2b1: {  	p0 =	sne.s32 s0, $0x0;
	s0 =	rddreg [dreg:$0x1]  }
0x2b2: {  	s0 =	sadd.s32 @!p0 $0x100000, s0  }
0x2b3: {  	[sflag:s0] =	ssyncadd.tile.s32 @!p0 $0x1;
	_ =	shalt  }
.Lfunc_end2:
_tile_overlayer_lowered:
.L_overlay_start_2:
0x2b4: {  	(tag) =	ssettag $0x2  }
0x2b5: {  	s0 =	rddreg [dreg:$0x0];
	s2 =	stileid.u32  }
0x2b6: {  	s1 =	rddreg [dreg:$0x1];
	p0 =	sne.s32 s2, $0x0  }
0x2b7: {  	s3 =	rddreg [dreg:$0x2];
	[bflag:$0x3] =	sbarrier.arrive $0xFFFF;
	s2 =	simm.s32 @!p0 $0x1C05  }
0x2b8: {  	[timem:s3], [sflag:s2] =	dma.local @!p0 [hbm:s0], s1  }
0x2b9: {  	s0 =	simm.s32 @!p0 $0x5  }
0x2ba: {  	_ =	swait.ge @!p0 [sflag:s0], s1  }
0x2bb: {  	s1 =	ssub.s32 @!p0 $0x0, s1;
	[sflag:s0] =	ssyncset.done @!p0 $0x0  }
0x2bc: {  	[sflag:s0] =	ssyncadd.s32 @!p0 s1  }
0x2bd: {  	[bflag:$0x3] =	sbarrier.arrive $0xFFFF  }
0x2be: {  	_ =	shalt  }

// kernel: kernel.16.cloned.1.call-start
scs
__scs_entry_jumppad:
0x0: {  	(pc) =	sbr.rel $0x88, $3  }
0x1: {  	(tag) =	ssettag $0x0;
	lr =	simm.s32 $0x1  }
0x2: {  	[smem:$0x3F99] =	sst lr;
	_ =	strace $0xD0000000  }
0x3: {  	_ = 	snop  }
0x4: {  	_ = 	snop  }
0x5: {  	_ = 	snop  }
0x6: {  	_ = 	snop  }
0x7: {  	_ = 	snop  }
__scs_overlays_trampoline_lowered:
0x8: {  	[smem:$0x3FA8] =	sst s0  }
0x9: {  	[smem:$0x3FA9] =	sst s1  }
0xa: {  	[smem:$0x3FAA] =	sst s2  }
0xb: {  	[smem:$0x3FAB] =	sst s3  }
0xc: {  	[smem:$0x3FAC] =	sst s4  }
0xd: {  	[smem:$0x3FAD] =	sst s5  }
0xe: {  	[smem:$0x3FAE] =	sst s6  }
0xf: {  	[smem:$0x3FAF] =	sst s7  }
0x10: {  	[smem:$0x3FB0] =	sst s8  }
0x11: {  	[smem:$0x3FB1] =	sst s9;
	s0 =	simm.s32 @!p0 $0x0  }
0x12: {  	s1 =	sld [smem:$0x3F97];
	s0 =	simm.s32 @p0 $0x1  }
0x13: {  	[smem:$0x3FB2] =	sst s0;
	s0 =	simm.s32 @!p1 $0x0  }
0x14: {  	s2 =	sld [smem:$0x3F96];
	s0 =	simm.s32 @p1 $0x1  }
0x15: {  	[smem:$0x3FB3] =	sst s0;
	s0 =	simm.s32 @!p2 $0x0  }
0x16: {  	s3 =	sld [smem:$0x3FDB];
	s0 =	simm.s32 @p2 $0x1  }
0x17: {  	s4 =	simm.s32 $0x1BF5;
	[smem:$0x3FB5] =	sst s0  }
0x18: {  	s0 =	sld [smem:$0x3F98];
	_ =	swait.ge [sflag:s4], $0x0  }
0x19: {  	s7 =	sld [smem:$0x3F99]  }
0x1a: {  	s8 =	sadd.s32 $0xFFFFE003, lr  }
0x1b: {  	s9 =	sadd.s32 $0xFFFFFEF7, lr;
	s5 =	simm.s32 $0xFFFFFFFF;
	p2 =	slt.u32 s8, $0xFFFFF086  }
0x1c: {  	p1 =	slt.u32 s9, $0xF7A;
	s5 =	simm.s32 @!p2 $0x0  }
0x1d: {  	s5 =	simm.s32 @p1 $0x1;
	p0 =	seq.s32 s7, s2  }
0x1e: {  	s7 =	smul.u32 @!p0 $0xF7A, s2;
	p2 =	seq.s32 @!p0 s5, $0x0  }
0x1f: {  	s9 =	smul.u32 $0xF7A, s1;
	s8 =	simm.s32 @!p0 $0x1BF5;
	p2 =	por !p2, p0  }
0x20: {  	[sflag:s8] =	ssyncset.s32 @!p0 $0xFFFFF086;
	s6 =	sadd.s32 @!p0 s3, s7;
	s7 =	simm.s32 @!p0 $0x108  }
0x21: {  	s3 =	sadd.s32 s3, s9;
	s6 =	sadd.s32 @!p0 $0x88, s6;
	s7 =	simm.s32 @p2 $0x1082  }
0x22: {  	[simem:s7], [sflag:s8] =	dma.local @!p0 [hbm:s6], $0xF7A  }
0x23: {  	s9 =	sor.u32 $0xD0000000, s2;
	s6 =	simm.s32 $0x108;
	_ =	swait.ge @!p0 [sflag:s8], $0x0  }
0x24: {  	s3 =	sadd.s32 $0x88, s3;
	s6 =	simm.s32 @!p1 $0x1082;
	[sflag:s4] =	ssyncset.s32 $0xFFFFF086  }
0x25: {  	[simem:s6], [sflag:s4] =	dma.local [hbm:s3], $0xF7A  }
0x26: {  	[smem:$0x3F99] =	sst s1;
	(tag) =	ssettag s2;
	_ =	strace s9  }
0x27: {  	s1 =	sld [smem:$0x3FA9]  }
0x28: {  	s2 =	sld [smem:$0x3FAA]  }
0x29: {  	s4 =	sld [smem:$0x3FAC]  }
0x2a: {  	p0 =	seq.s32 s5, $0x0;
	s5 =	sld [smem:$0x3FAD]  }
0x2b: {  	s6 =	sld [smem:$0x3FAE]  }
0x2c: {  	s7 =	sld [smem:$0x3FAF]  }
0x2d: {  	s3 =	simm.s32 $0x108;
	s8 =	sld [smem:$0x3FB0]  }
0x2e: {  	s3 =	simm.s32 @!p0 $0x1082;
	s9 =	sld [smem:$0x3FB1]  }
0x2f: {  	lr =	sadd.s32 s0, s3;
	s0 =	sld [smem:$0x3FA8]  }
0x30: {  	s3 =	sld [smem:$0x3FAB]  }
0x31: {  	[smem:$0x3FB4] =	sst s10  }
0x32: {  	s10 =	sld [smem:$0x3FB2];
	_ =	sdelay $0x3  }
0x33: {  	p0 =	seq.s32 s10, $0x1;
	s10 =	sld [smem:$0x3FB4];
	_ =	sdelay $0x3  }
0x34: {  	[smem:$0x3FB4] =	sst s10  }
0x35: {  	s10 =	sld [smem:$0x3FB3];
	_ =	sdelay $0x3  }
0x36: {  	p1 =	seq.s32 s10, $0x1;
	s10 =	sld [smem:$0x3FB4];
	_ =	sdelay $0x3  }
0x37: {  	[smem:$0x3FB4] =	sst s10  }
0x38: {  	s10 =	sld [smem:$0x3FB5]  }
0x39: {  	_ = 	snop;
	(pc) =	sbr.ind lr, $3  }
0x3a: {  	_ = 	snop  }
0x3b: {  	_ = 	snop  }
0x3c: {  	p2 =	seq.s32 s10, $0x1;
	s10 =	sld [smem:$0x3FB4]  }
0x3d: {  	_ =	shalt  }
0x3e: {  	_ =	shalt  }
0x3f: {  	_ =	shalt  }
0x40: {  	_ =	shalt  }
0x41: {  	_ =	shalt  }
0x42: {  	_ =	shalt  }
0x43: {  	_ =	shalt  }
0x44: {  	_ =	shalt  }
0x45: {  	_ =	shalt  }
0x46: {  	_ =	shalt  }
0x47: {  	_ =	shalt  }
0x48: {  	_ =	shalt  }
0x49: {  	_ =	shalt  }
0x4a: {  	_ =	shalt  }
0x4b: {  	_ =	shalt  }
0x4c: {  	_ =	shalt  }
0x4d: {  	_ =	shalt  }
0x4e: {  	_ =	shalt  }
0x4f: {  	_ =	shalt  }
0x50: {  	_ =	shalt  }
0x51: {  	_ =	shalt  }
0x52: {  	_ =	shalt  }
0x53: {  	_ =	shalt  }
0x54: {  	_ =	shalt  }
0x55: {  	_ =	shalt  }
0x56: {  	_ =	shalt  }
0x57: {  	_ =	shalt  }
0x58: {  	_ =	shalt  }
0x59: {  	_ =	shalt  }
0x5a: {  	_ =	shalt  }
0x5b: {  	_ =	shalt  }
0x5c: {  	_ =	shalt  }
0x5d: {  	_ =	shalt  }
0x5e: {  	_ =	shalt  }
0x5f: {  	_ =	shalt  }
0x60: {  	_ =	shalt  }
0x61: {  	_ =	shalt  }
0x62: {  	_ =	shalt  }
0x63: {  	_ =	shalt  }
0x64: {  	_ =	shalt  }
0x65: {  	_ =	shalt  }
0x66: {  	_ =	shalt  }
0x67: {  	_ =	shalt  }
0x68: {  	_ =	shalt  }
0x69: {  	_ =	shalt  }
0x6a: {  	_ =	shalt  }
0x6b: {  	_ =	shalt  }
0x6c: {  	_ =	shalt  }
0x6d: {  	_ =	shalt  }
0x6e: {  	_ =	shalt  }
0x6f: {  	_ =	shalt  }
0x70: {  	_ =	shalt  }
0x71: {  	_ =	shalt  }
0x72: {  	_ =	shalt  }
0x73: {  	_ =	shalt  }
0x74: {  	_ =	shalt  }
0x75: {  	_ =	shalt  }
0x76: {  	_ =	shalt  }
0x77: {  	_ =	shalt  }
0x78: {  	_ =	shalt  }
0x79: {  	_ =	shalt  }
0x7a: {  	_ =	shalt  }
0x7b: {  	_ =	shalt  }
0x7c: {  	_ =	shalt  }
0x7d: {  	_ =	shalt  }
0x7e: {  	_ =	shalt  }
0x7f: {  	_ =	shalt  }
0x80: {  	_ =	shalt  }
0x81: {  	_ =	shalt  }
0x82: {  	_ =	shalt  }
0x83: {  	_ =	shalt  }
0x84: {  	_ =	shalt  }
0x85: {  	_ =	shalt  }
0x86: {  	_ =	shalt  }
0x87: {  	_ =	shalt  }
.Lfunc_end0:
.L_simem_size_0:
called_computation.2_lowered:
.L_overlay_start_0:
0x88: {  	s2 =	sld [smem:$0x3FD9]  }
0x89: {  	s3 =	sld [smem:$0x3FFE];
	_ =	sdelay $0x1  }
0x8a: {  	s1 =	srdreg.scid  }
0x8b: {  	s0 =	sand.u32 $0x1, s1  }
0x8c: {  	s16 =	sshll.u32 s0, $0xA;
	s2 =	sadd.s32 s3, s2  }
0x8d: {  	s2 =	sadd.s32 s2, s16  }
0x8e: {  	[smem:$0x3FC0] =	sst s2  }
0x8f: {  	_ = 	snop  }
0x90: {  	(tm) =	ssettm $0x1  }
0x91: {  	s17 =	sld [smem:$0x3FFB];
	_ =	sdelay $0x3  }
0x92: {  	_ =	strace s17  }
0x93: {  	s2 =	sld [smem:$0x3FFC];
	_ =	sdelay $0x3  }
0x94: {  	_ =	strace s2  }
0x95: {  	s2 =	sld [smem:$0x3FFD];
	_ =	sdelay $0x3  }
0x96: {  	_ =	strace s2  }
0x97: {  	_ =	strace $0x8FFFFFFF  }
0x98: {  	s18 =	sld [smem:$0x3FDB];
	_ =	sdelay $0x1  }
0x99: {  	s19 =	simm.s32 $_scs_section_size  }
0x9a: {  	s4 =	simm.s32 $_size__tile_overlayer_lowered;
	s5 =	simm.s32 $_tile_overlayer_lowered  }
0x9b: {  	s22 =	simm.s32 $0x1BFF;
	s21 =	sshll.u32 s5, $0x1;
	s2 =	sadd.s32 s19, s18  }
0x9c: {  	s6 =	simm.s32 $0x0;
	s20 =	sshll.u32 s4, $0x1;
	s4 =	sadd.s32 s21, s2  }
0x9d: {  	[timem:s6], [sflag:s22] =	dma.local [hbm:s4], s20  }
0x9e: {  	_ =	swait.ge [sflag:s22], s20  }
0x9f: {  	s3 =	ssub.s32 $0x0, s20;
	[sflag:s22] =	ssyncset.done $0x0  }
0xa0: {  	[sflag:s22] =	ssyncadd.s32 s3;
	_ =	sdelay $0x1  }
0xa1: {  	s23 =	simm.s32 $0x1B8B  }
0xa2: {  	_ =	swait.ge [sflag:s23], $0x1  }
0xa3: {  	[sflag:s23] =	ssyncset.done $0x0  }
0xa4: {  	s25 =	simm.s32 $0x1B8E;
	s24 =	sld [smem:$0x3FFE];
	[sflag:s23] =	ssyncadd.s32 $0xFFFFFFFF  }
0xa5: {  	s26 =	simm.s32 $execute0_lowered;
	[smem:$0x3FD2] =	sst s25  }
0xa6: {  	s4 =	sshll.u32 s26, $0x1;
	_ =	strace $0x8000004C;
	[dreg:$0x1] =	wrdreg $0xFFFFFFFF  }
0xa7: {  	s28 =	simm.s32 $_size_execute0_lowered;
	s2 =	sadd.s32 s2, s4;
	[dreg:$0x0] =	wrdreg $0x0  }
0xa8: {  	s4 =	sshll.u32 s28, $0x1;
	[dreg:$0x2] =	wrdreg s2  }
0xa9: {  	[dreg:$0x3] =	wrdreg s4  }
0xaa: {  	[dreg:$0x4] =	wrdreg $0xC0  }
0xab: {  	_ =	task [dreg:s6], $0x5FFFF  }
0xac: {  	[dreg:$0x1] =	wrdreg $0xFFFFFFFF  }
0xad: {  	[dreg:$0x0] =	wrdreg $0x60  }
0xae: {  	[dreg:$0x2] =	wrdreg s24  }
0xaf: {  	[dreg:$0x3] =	wrdreg $0x9  }
0xb0: {  	_ =	task.clear_ibuf [dreg:s6], $0x4FFFF;
	_ =	strace $0x9000004C  }
0xb1: {  	s29 =	simm.s32 $0x9;
	_ =	strace $0x8000004E  }
0xb2: {  	_ =	swait.ge [sflag:s29], $0x1  }
0xb3: {  	[sflag:s29] =	ssyncadd.s32 $0xFFFFFFFF  }
0xb4: {  	_ =	strace $0x9000004E  }
0xb5: {  	_ =	sfence  }
0xb6: {  	s30 =	sld [smem:$0x0];
	_ =	sdelay $0x2  }
0xb7: {  	s31 =	sshll.u32 s1, $0xD;
	s1 =	sshrl.u32 s1, $0x2  }
0xb8: {  	s3 =	sand.u32 $0x4000, s31;
	s1 =	sadd.s32 s1, s30  }
0xb9: {  	s0 =	sor.u32 s3, s0;
	s1 =	sshll.u32 s1, $0x11  }
0xba: {  	s0 =	sor.u32 s1, s0  }
0xbb: {  	s0 =	sadd.s32 $0x8F2B, s0  }
0xbc: {  	[sflag:s0] =	ssyncadd.remote.s32 $0x1  }
0xbd: {  	_ =	sfence.sel $0xFFFF  }
0xbe: {  	[dreg:$0x0] =	wrdreg $0xFFFFFFFF;
	(pc) =	sbr.abs _section_cstart, $3  }
0xbf: {  	[dreg:$0x1] =	wrdreg $0xFFFFFFFF  }
0xc0: {  	_ =	task.clear_ibuf [dreg:s6], $0x2FFFF;
	_ =	strace $0x9FFFFFFF  }
0xc1: {  	(tm) =	ssettm $0x7FFFFFFF  }
tec
execute0_lowered:
.L_overlay_start_1:
0x0: {  	(tag) =	ssettag $0x1  }
0x1: {  	s0 =	srdreg.scid  }
0x2: {  	s9 =	stileid.u32;
	s4 =	rddreg [dreg:$0x0];
	s2 =	simm.s32 $0x0  }
0x3: {  	s28 =	simm.s32 $0xFC00;
	s29 =	simm.s32 $0x10400;
	s3 =	smul.u32 $0x1400, s9  }
0x4: {  	s30 =	simm.s32 $0x10C00;
	s31 =	simm.s32 $0x11400;
	s8 =	smul.u32 $0x28000, s9  }
0x5: {  	s0 =	sand.u32 $0x1, s0;
	[smem:$0x7FF] =	sst s2;
	s14 =	smul.u32 $0x5000, s9  }
0x6: {  	s10 =	simm.s32 $0x12400;
	s1 =	smul.u32 $0x14000, s0;
	_ =	strace $0x8000004D  }
0x7: {  	s5 =	ssub.s32 $0x2, s0;
	s7 =	smul.u32 $0x2900, s0;
	p0 =	seq.s32 s0, $0x1  }
0x8: {  	s6 =	sshrl.u32 s5, $0x1;
	s1 =	sadd.s32 s3, s1;
	s3 =	sadd.s32 $0xC800, s4  }
0x9: {  	s5 =	ssub.s32 s5, s6;
	s1 =	sshrl.u32 s1, $0x3;
	s16 =	sadd.s32 s3, s14  }
0xa: {  	s5 =	smax.u32 s5, $0x1;
	s1 =	sadd.s32 s1, s4;
	[dreg:$0x4] =	wrdreg s16  }
0xb: {  	s15 =	sshrl.u32 s8, $0x3;
	[dreg:$0x6] =	wrdreg s5;
	s13 =	sadd.s32 $0x7800, s1  }
0xc: {  	s4 =	sadd.s32 $0x5C800, s4;
	s1 =	sadd.s32 $0x2800, s1;
	[dreg:$0x2] =	wrdreg s13  }
0xd: {  	s17 =	sadd.s32 s4, s14;
	s0 =	sadd.s32 s4, s15;
	[dreg:$0x3] =	wrdreg s1  }
0xe: {  	s11 =	simm.s32 $0x12C00;
	[dreg:$0x5] =	wrdreg s17;
	s18 =	sadd.s32 $0x52000, s0  }
0xf: {  	s12 =	simm.s32 $0x13400;
	s19 =	sadd.s32 $0x52800, s0;
	[dreg:$0x7] =	wrdreg s18  }
0x10: {  	s9 =	simm.s32 $0xB400;
	s20 =	sadd.s32 $0x53000, s0;
	[dreg:$0x8] =	wrdreg s19  }
0x11: {  	s6 =	simm.s32 $0x5;
	s21 =	sadd.s32 $0x53800, s0;
	[dreg:$0x9] =	wrdreg s20  }
0x12: {  	s16 =	simm.s32 $0x8400;
	s22 =	sadd.s32 $0x54000, s0;
	[dreg:$0xa] =	wrdreg s21  }
0x13: {  	s14 =	simm.s32 $0x7400;
	s23 =	sadd.s32 $0x54800, s0;
	[dreg:$0xb] =	wrdreg s22  }
0x14: {  	s15 =	simm.s32 $0x7C00;
	s24 =	sadd.s32 $0x55000, s0;
	[dreg:$0xc] =	wrdreg s23  }
0x15: {  	s25 =	sadd.s32 $0x55800, s0;
	s26 =	sadd.s32 $0x56000, s0;
	[dreg:$0xd] =	wrdreg s24  }
.Ltmp0:
0x16: {  	s0 =	sadd.s32 $0x56800, s0;
	[dreg:$0xe] =	wrdreg s25;
	(pc) =	sbr.rel .LBB2_1-.Ltmp0, $4  }
0x17: {  	s1 =	simm.s32 $0x0;
	s17 =	simm.s32 $0x8C00;
	[dreg:$0xf] =	wrdreg s26  }
0x18: {  	v4 =	vlaneseq.u32;
	v1 =	vimm.f32 $0.0e+00;
	[dreg:$0x10] =	wrdreg s0;
	s18 =	simm.s32 $0x9400;
	s19 =	simm.s32 $0x9C00  }
0x19: {  	vm0 =	vmmov $0xffff;
	v2 =	vand.u32 $0x7, v4;
	v3 =	vshrl.u32 v4, $0x3;
	s22 =	simm.s32 $0xBC00;
	s20 =	simm.s32 $0xC400;
	s23 =	simm.s32 $0xCC00  }
0x1a: {  	v4 =	vor.u32 $0x8, v4;
	v3 =	vmul.u32 $0x8, v3;
	v0 =	vmov s7;
	s24 =	simm.s32 $0xD400;
	s25 =	simm.s32 $0xDC00;
	s26 =	simm.s32 $0xE400  }
.LBB2_11:
0x1b: {  	s0 =	simm.s32 $0x4  }
0x1c: {  	_ =	swait.ge [sflag:s0], $0x8000  }
0x1d: {  	s1 =	rddreg [dreg:$0x11]  }
0x1e: {  	s5 =	rddreg [dreg:$0x6];
	s1 =	sadd.s32 $0x1, s1  }
0x1f: {  	p1 =	sne.s32 s1, s5  }
.Ltmp1:
0x20: {  	_ = 	snop;
	(pc) =	sbr.rel @!p1 .LBB2_12-.Ltmp1, $3  }
0x21: {  	_ =	sdelay $0x1  }
0x22: {  	[sflag:s0] =	ssyncset.done $0x0  }
0x23: {  	s6 =	simm.s32 $0x5;
	[sflag:s0] =	ssyncadd.s32 $0xFFFF8000  }
.LBB2_1:
0x24: {  	[dreg:$0x11] =	wrdreg s1  }
0x25: {  	s0 =	rddreg [dreg:$0x2]  }
0x26: {  	[tilespmem:s2], [sflag:$0x5] =	stream.linear.gather [hbm4b:s0+s2], $0x1400, $0x38;
	[tilespmem:$0x17C00] =	vst v63  }
0x27: {  	_ =	swait.ge [sflag:s6], $0x1400  }
0x28: {  	[sflag:s6] =	ssyncset.done $0x0  }
0x29: {  	s21 =	simm.s32 $0x1400;
	s13 =	rddreg [dreg:$0x3];
	[sflag:s6] =	ssyncadd.s32 $0xFFFFEC00  }
0x2a: {  	[tilespmem:s21], [sflag:$0x5] =	stream.linear.gather [hbm4b:s13+s2], $0x1400, $0x38;
	[tilespmem:$0x17C00] =	vst v63  }
0x2b: {  	_ =	swait.ge [sflag:s6], $0x1400  }
0x2c: {  	[sflag:s6] =	ssyncset.done $0x0  }
0x2d: {  	s1 =	simm.s32 $0x0;
	[sflag:s6] =	ssyncadd.s32 $0xFFFFEC00  }
0x2e: {  	v6 =	vld [tilespmem:s1+$0x1470]  }
0x2f: {  	v9 =	vld [tilespmem:s1+$0x1400]  }
0x30: {  	v10 =	vld [tilespmem:s1+$0x1410]  }
0x31: {  	v8 =	vld [tilespmem:s1+$0x1420]  }
0x32: {  	v7 =	vld [tilespmem:s1+$0x1430]  }
0x33: {  	v5 =	vld [tilespmem:s1+$0x1440];
	v11 =	vadd.s32 v0, v6  }
0x34: {  	v6 =	vld [tilespmem:s1+$0x1450];
	v9 =	vadd.s32 v0, v9;
	[tilespmem:s1+$0x2870] =	vst v11  }
0x35: {  	s0 =	simm.s32 $0x80;
	s21 =	simm.s32 $0x400;
	v10 =	vadd.s32 v0, v10;
	[tilespmem:s1+$0x2800] =	vst v9;
	v9 =	vld [tilespmem:s1+$0x1460]  }
.LBB2_2:
0x36: {  	p1 =	sne.s32 s21, $0x4E00;
	v11 =	vld [tilespmem:s0+$0x1470];
	[tilespmem:s1+$0x2810] =	vst v10;
	v8 =	vadd.s32 v0, v8  }
0x37: {  	v10 =	vld [tilespmem:s0+$0x1400];
	[tilespmem:s1+$0x2820] =	vst v8;
	v7 =	vadd.s32 v0, v7  }
0x38: {  	v12 =	vld [tilespmem:s0+$0x1410];
	[tilespmem:s1+$0x2830] =	vst v7;
	v5 =	vadd.s32 v0, v5  }
.Ltmp2:
0x39: {  	v8 =	vld [tilespmem:s0+$0x1420];
	[tilespmem:s1+$0x2840] =	vst v5;
	v5 =	vadd.s32 v0, v6;
	(pc) =	sbr.rel @p1 .LBB2_2-.Ltmp2, $4  }
0x3a: {  	v7 =	vld [tilespmem:s0+$0x1430];
	[tilespmem:s1+$0x2850] =	vst v5;
	v6 =	vadd.s32 v0, v9  }
0x3b: {  	v5 =	vld [tilespmem:s0+$0x1440];
	v9 =	vadd.s32 v0, v11;
	[tilespmem:s1+$0x2860] =	vst v6;
	s1 =	smov.u32 s0  }
0x3c: {  	v10 =	vadd.s32 v0, v10;
	v6 =	vld [tilespmem:s1+$0x1450];
	[tilespmem:s1+$0x2870] =	vst v9  }
0x3d: {  	s0 =	sshra.s32 s21, $0x2;
	s21 =	sadd.s32 $0x200, s21;
	[tilespmem:s1+$0x2800] =	vst v10;
	v10 =	vadd.s32 v0, v12;
	v9 =	vld [tilespmem:s1+$0x1460]  }
0x3e: {  	v11 =	vld [tilespmem:s0+$0x1470];
	[tilespmem:s1+$0x2810] =	vst v10;
	v8 =	vadd.s32 v0, v8  }
0x3f: {  	v10 =	vld [tilespmem:s0+$0x1400];
	[tilespmem:s1+$0x2820] =	vst v8;
	v7 =	vadd.s32 v0, v7  }
0x40: {  	v8 =	vld [tilespmem:s0+$0x1410];
	[tilespmem:s1+$0x2830] =	vst v7;
	v5 =	vadd.s32 v0, v5  }
0x41: {  	v7 =	vld [tilespmem:s0+$0x1420];
	[tilespmem:s1+$0x2840] =	vst v5;
	v5 =	vadd.s32 v0, v6  }
0x42: {  	v6 =	vld [tilespmem:s0+$0x1430];
	[tilespmem:s1+$0x2850] =	vst v5;
	v5 =	vadd.s32 v0, v9  }
0x43: {  	v61 =	vld [tilespmem:s0+$0x1440];
	[tilespmem:s1+$0x2860] =	vst v5;
	v5 =	vadd.s32 v0, v11  }
0x44: {  	v62 =	vld [tilespmem:s0+$0x1450];
	v10 =	vadd.s32 v0, v10;
	[tilespmem:s0+$0x2870] =	vst v5  }
0x45: {  	v63 =	vld [tilespmem:s0+$0x1460];
	[tilespmem:s0+$0x2800] =	vst v10;
	v5 =	vadd.s32 v0, v8  }
0x46: {  	[tilespmem:s0+$0x2810] =	vst v5;
	v5 =	vadd.s32 v0, v7  }
.Ltmp3:
0x47: {  	[tilespmem:s0+$0x2820] =	vst v5;
	v5 =	vadd.s32 v0, v6;
	(pc) =	sbr.rel @!p0 .LBB2_4-.Ltmp3, $4  }
0x48: {  	[tilespmem:s0+$0x2830] =	vst v5;
	v5 =	vadd.s32 v0, v61  }
0x49: {  	[tilespmem:s0+$0x2840] =	vst v5;
	v5 =	vadd.s32 v0, v62  }
0x4a: {  	[tilespmem:s0+$0x2850] =	vst v5;
	v5 =	vadd.s32 v0, v63  }
0x4b: {  	s1 =	simm.s32 $0x0;
	[tilespmem:s0+$0x2860] =	vst v5  }
0x4c: {  	s0 =	sand.u32 $0x3800, s1;
	s7 =	sand.u32 $0x380, s1  }
0x4d: {  	s7 =	sor.u32 s7, s0  }
0x4e: {  	s0 =	sadd.s32 $0x13C00, s7;
	[tilespmem:s7+$0x13C00] =	vst v1  }
0x4f: {  	[tilespmem:s0+$0x10] =	vst v1  }
0x50: {  	[tilespmem:s0+$0x20] =	vst v1  }
0x51: {  	[tilespmem:s0+$0x30] =	vst v1  }
0x52: {  	[tilespmem:s0+$0x40] =	vst v1  }
0x53: {  	[tilespmem:s0+$0x50] =	vst v1  }
0x54: {  	[tilespmem:s0+$0x60] =	vst v1  }
0x55: {  	[tilespmem:s0+$0x70] =	vst v1  }
0x56: {  	[tilespmem:s0+$0x400] =	vst v1  }
0x57: {  	[tilespmem:s0+$0x410] =	vst v1  }
0x58: {  	[tilespmem:s0+$0x420] =	vst v1  }
0x59: {  	[tilespmem:s0+$0x430] =	vst v1  }
0x5a: {  	[tilespmem:s0+$0x440] =	vst v1  }
0x5b: {  	s21 =	sadd.s32 $0x100, s1;
	s1 =	sadd.s32 $0x80, s1;
	[tilespmem:s0+$0x450] =	vst v1  }
0x5c: {  	s8 =	sand.u32 $0x380, s1;
	s7 =	sand.u32 $0x3800, s21;
	s21 =	sadd.s32 $0x100, s21;
	[tilespmem:s0+$0x460] =	vst v1  }
.LBB2_6:
0x5d: {  	p1 =	sne.s32 s21, $0x3F00;
	s7 =	sor.u32 s8, s7;
	[tilespmem:s0+$0x470] =	vst v1  }
0x5e: {  	s0 =	sadd.s32 $0x13C00, s7;
	[tilespmem:s7+$0x13C00] =	vst v1  }
0x5f: {  	[tilespmem:s0+$0x10] =	vst v1  }
0x60: {  	[tilespmem:s0+$0x20] =	vst v1  }
0x61: {  	[tilespmem:s0+$0x30] =	vst v1  }
0x62: {  	[tilespmem:s0+$0x40] =	vst v1  }
0x63: {  	[tilespmem:s0+$0x50] =	vst v1  }
0x64: {  	[tilespmem:s0+$0x60] =	vst v1  }
0x65: {  	[tilespmem:s0+$0x70] =	vst v1  }
0x66: {  	[tilespmem:s0+$0x400] =	vst v1  }
0x67: {  	[tilespmem:s0+$0x410] =	vst v1  }
.Ltmp4:
0x68: {  	[tilespmem:s0+$0x420] =	vst v1;
	(pc) =	sbr.rel @p1 .LBB2_6-.Ltmp4, $4  }
0x69: {  	[tilespmem:s0+$0x430] =	vst v1  }
0x6a: {  	[tilespmem:s0+$0x440] =	vst v1  }
0x6b: {  	s1 =	sadd.s32 $0x80, s1;
	[tilespmem:s0+$0x450] =	vst v1  }
0x6c: {  	s7 =	sand.u32 $0x3800, s21;
	s8 =	sand.u32 $0x380, s1;
	s21 =	sadd.s32 $0x100, s21;
	[tilespmem:s0+$0x460] =	vst v1  }
0x6d: {  	s1 =	sor.u32 s8, s7;
	[tilespmem:s0+$0x470] =	vst v1  }
0x6e: {  	s5 =	sadd.s32 $0x13C00, s1;
	[tilespmem:s1+$0x13C00] =	vst v1  }
0x6f: {  	[tilespmem:s5+$0x10] =	vst v1  }
0x70: {  	[tilespmem:s5+$0x20] =	vst v1  }
0x71: {  	[tilespmem:s5+$0x30] =	vst v1  }
0x72: {  	[tilespmem:s5+$0x40] =	vst v1  }
0x73: {  	[tilespmem:s5+$0x50] =	vst v1  }
0x74: {  	[tilespmem:s5+$0x60] =	vst v1  }
0x75: {  	[tilespmem:s5+$0x70] =	vst v1  }
0x76: {  	[tilespmem:s5+$0x400] =	vst v1  }
0x77: {  	[tilespmem:s5+$0x410] =	vst v1  }
0x78: {  	[tilespmem:s5+$0x420] =	vst v1  }
0x79: {  	[tilespmem:s5+$0x430] =	vst v1  }
0x7a: {  	[tilespmem:s5+$0x440] =	vst v1  }
0x7b: {  	[tilespmem:s5+$0x450] =	vst v1  }
0x7c: {  	[tilespmem:s5+$0x460] =	vst v1  }
0x7d: {  	s6 =	rddreg [dreg:$0x7];
	s1 =	simm.s32 $0x13C00;
	[tilespmem:s5+$0x470] =	vst v1;
	s5 =	simm.s32 $0x5  }
0x7e: {  	[hbm4b:s6+s2] =	stream.linear.scatter [tilespmem:s1], [sflag:$0x5], $0x4000, $0x38;
	[tilespmem:$0x17C00] =	vst v63  }
0x7f: {  	_ =	swait.ge [sflag:s5], $0x4000  }
0x80: {  	[sflag:s5] =	ssyncset.done $0x0  }
0x81: {  	s7 =	rddreg [dreg:$0x8];
	[sflag:s5] =	ssyncadd.s32 $0xFFFFC000  }
0x82: {  	[hbm4b:s7+s2] =	stream.linear.scatter [tilespmem:s1], [sflag:$0x5], $0x4000, $0x38;
	[tilespmem:$0x17C00] =	vst v63  }
0x83: {  	_ =	swait.ge [sflag:s5], $0x4000  }
0x84: {  	[sflag:s5] =	ssyncset.done $0x0  }
0x85: {  	s8 =	rddreg [dreg:$0x9];
	[sflag:s5] =	ssyncadd.s32 $0xFFFFC000  }
0x86: {  	[hbm4b:s8+s2] =	stream.linear.scatter [tilespmem:s1], [sflag:$0x5], $0x4000, $0x38;
	[tilespmem:$0x17C00] =	vst v63  }
0x87: {  	_ =	swait.ge [sflag:s5], $0x4000  }
0x88: {  	[sflag:s5] =	ssyncset.done $0x0  }
0x89: {  	s13 =	rddreg [dreg:$0xa];
	[sflag:s5] =	ssyncadd.s32 $0xFFFFC000  }
0x8a: {  	[hbm4b:s13+s2] =	stream.linear.scatter [tilespmem:s1], [sflag:$0x5], $0x4000, $0x38;
	[tilespmem:$0x17C00] =	vst v63  }
0x8b: {  	_ =	swait.ge [sflag:s5], $0x4000  }
0x8c: {  	[sflag:s5] =	ssyncset.done $0x0  }
0x8d: {  	s21 =	rddreg [dreg:$0xb];
	[sflag:s5] =	ssyncadd.s32 $0xFFFFC000  }
0x8e: {  	[hbm4b:s21+s2] =	stream.linear.scatter [tilespmem:s1], [sflag:$0x5], $0x4000, $0x38;
	[tilespmem:$0x17C00] =	vst v63  }
0x8f: {  	_ =	swait.ge [sflag:s5], $0x4000  }
0x90: {  	[sflag:s5] =	ssyncset.done $0x0  }
0x91: {  	s6 =	rddreg [dreg:$0xc];
	[sflag:s5] =	ssyncadd.s32 $0xFFFFC000  }
0x92: {  	[hbm4b:s6+s2] =	stream.linear.scatter [tilespmem:s1], [sflag:$0x5], $0x4000, $0x38;
	[tilespmem:$0x17C00] =	vst v63  }
0x93: {  	_ =	swait.ge [sflag:s5], $0x4000  }
0x94: {  	[sflag:s5] =	ssyncset.done $0x0  }
0x95: {  	s7 =	rddreg [dreg:$0xd];
	[sflag:s5] =	ssyncadd.s32 $0xFFFFC000  }
0x96: {  	[hbm4b:s7+s2] =	stream.linear.scatter [tilespmem:s1], [sflag:$0x5], $0x4000, $0x38;
	[tilespmem:$0x17C00] =	vst v63  }
0x97: {  	_ =	swait.ge [sflag:s5], $0x4000  }
0x98: {  	[sflag:s5] =	ssyncset.done $0x0  }
0x99: {  	s8 =	rddreg [dreg:$0xe];
	[sflag:s5] =	ssyncadd.s32 $0xFFFFC000  }
0x9a: {  	[hbm4b:s8+s2] =	stream.linear.scatter [tilespmem:s1], [sflag:$0x5], $0x4000, $0x38;
	[tilespmem:$0x17C00] =	vst v63  }
0x9b: {  	_ =	swait.ge [sflag:s5], $0x4000  }
0x9c: {  	[sflag:s5] =	ssyncset.done $0x0  }
0x9d: {  	s13 =	rddreg [dreg:$0xf];
	[sflag:s5] =	ssyncadd.s32 $0xFFFFC000  }
0x9e: {  	[hbm4b:s13+s2] =	stream.linear.scatter [tilespmem:s1], [sflag:$0x5], $0x4000, $0x38;
	[tilespmem:$0x17C00] =	vst v63  }
0x9f: {  	_ =	swait.ge [sflag:s5], $0x4000  }
0xa0: {  	[sflag:s5] =	ssyncset.done $0x0  }
.Ltmp5:
0xa1: {  	s21 =	rddreg [dreg:$0x10];
	[sflag:s5] =	ssyncadd.s32 $0xFFFFC000;
	(pc) =	sbr.rel .LBB2_8-.Ltmp5, $4  }
0xa2: {  	[hbm4b:s21+s2] =	stream.linear.scatter [tilespmem:s1], [sflag:$0x5], $0x4000, $0x38;
	[tilespmem:$0x17C00] =	vst v63  }
0xa3: {  	_ =	swait.ge [sflag:s5], $0x4000  }
0xa4: {  	[sflag:s5] =	ssyncset.done $0x0  }
0xa5: {  	[sflag:s5] =	ssyncadd.s32 $0xFFFFC000  }
.LBB2_4:
0xa6: {  	s0 =	stileid.u32  }
0xa7: {  	s1 =	rddreg [dreg:$0x4];
	s0 =	sshll.u32 s0, $0x6  }
0xa8: {  	s7 =	rddreg [dreg:$0x5];
	s21 =	simm.s32 $0x5;
	s0 =	sor.u32 $0x1C05, s0  }
0xa9: {  	[hbm:s7], [sflag:s0] =	dma.local [hbm:s1], $0x5000  }
0xaa: {  	_ =	swait.ge [sflag:s21], $0x5000  }
0xab: {  	[sflag:s21] =	ssyncset.done $0x0  }
0xac: {  	[sflag:s21] =	ssyncadd.s32 $0xFFFFB000  }
.LBB2_8:
0xad: {  	[bflag:$0x0] =	sbarrier.arrive $0xFFFF  }
0xae: {  	v5 =	vld [tilespmem:$0x0];
	_ =	sdelay $0x4  }
0xaf: {  	v6 =	vshll.u32 v5, $0x1  }
0xb0: {  	v5 =	vand.u32 $0x7, v5;
	v6 =	vand.u32 $0xFFFFFFF0, v6  }
0xb1: {  	v5 =	vor.u32 v5, v6  }
0xb2: {  	v6 =	vperm.xlane v5, v2;
	_ =	sdelay $0x1  }
0xb3: {  	v5 =	vperm.xlane v5, v4;
	v6 =	vadd.s32 v3, v6;
	_ =	sdelay $0x1  }
0xb4: {  	v5 =	vadd.s32 v3, v5;
	_ =	sdelay $0x1  }
0xb5: {  	s1 =	simm.s32 $0x0;
	s0 =	simm.s32 $0x3C00  }
0xb6: {  	[tilespmem:s0], [sflag:$0x1] =	stream.indirect_vreg.gather [hbm4b:s3+s1], $0x80, v6, vm0, $0xb8;
	[tilespmem:$0x17C00] =	vst v63  }
0xb7: {  	s5 =	simm.s32 $0x4400  }
0xb8: {  	[tilespmem:s5], [sflag:$0x1] =	stream.indirect_vreg.gather [hbm4b:s3+s1], $0x80, v5, vm0, $0xb8;
	[tilespmem:$0x17C00] =	vst v63  }
0xb9: {  	v5 =	vld [tilespmem:$0x10];
	_ =	sdelay $0x4  }
0xba: {  	v6 =	vshll.u32 v5, $0x1  }
0xbb: {  	v5 =	vand.u32 $0x7, v5;
	v6 =	vand.u32 $0xFFFFFFF0, v6  }
0xbc: {  	v5 =	vor.u32 v5, v6  }
0xbd: {  	v6 =	vperm.xlane v5, v2;
	_ =	sdelay $0x1  }
0xbe: {  	v5 =	vperm.xlane v5, v4;
	v6 =	vadd.s32 v3, v6;
	_ =	sdelay $0x1  }
0xbf: {  	v5 =	vadd.s32 v3, v5;
	_ =	sdelay $0x1  }
0xc0: {  	s6 =	simm.s32 $0x4C00  }
0xc1: {  	[tilespmem:s6], [sflag:$0x1] =	stream.indirect_vreg.gather [hbm4b:s3+s1], $0x80, v6, vm0, $0xb8;
	[tilespmem:$0x17C00] =	vst v63  }
0xc2: {  	s7 =	simm.s32 $0x5400  }
0xc3: {  	[tilespmem:s7], [sflag:$0x1] =	stream.indirect_vreg.gather [hbm4b:s3+s1], $0x80, v5, vm0, $0xb8;
	[tilespmem:$0x17C00] =	vst v63  }
0xc4: {  	v5 =	vld [tilespmem:$0x20];
	_ =	sdelay $0x4  }
0xc5: {  	v6 =	vshll.u32 v5, $0x1  }
0xc6: {  	v5 =	vand.u32 $0x7, v5;
	v6 =	vand.u32 $0xFFFFFFF0, v6  }
0xc7: {  	v5 =	vor.u32 v5, v6  }
0xc8: {  	v6 =	vperm.xlane v5, v2;
	_ =	sdelay $0x1  }
0xc9: {  	v5 =	vperm.xlane v5, v4;
	v6 =	vadd.s32 v3, v6;
	_ =	sdelay $0x1  }
0xca: {  	v5 =	vadd.s32 v3, v5;
	_ =	sdelay $0x1  }
0xcb: {  	s8 =	simm.s32 $0x5C00  }
0xcc: {  	[tilespmem:s8], [sflag:$0x1] =	stream.indirect_vreg.gather [hbm4b:s3+s1], $0x80, v6, vm0, $0xb8;
	[tilespmem:$0x17C00] =	vst v63  }
0xcd: {  	s13 =	simm.s32 $0x6400  }
0xce: {  	[tilespmem:s13], [sflag:$0x1] =	stream.indirect_vreg.gather [hbm4b:s3+s1], $0x80, v5, vm0, $0xb8;
	[tilespmem:$0x17C00] =	vst v63  }
0xcf: {  	v5 =	vld [tilespmem:$0x30];
	_ =	sdelay $0x4  }
0xd0: {  	v6 =	vshll.u32 v5, $0x1  }
0xd1: {  	v5 =	vand.u32 $0x7, v5;
	v6 =	vand.u32 $0xFFFFFFF0, v6  }
0xd2: {  	v5 =	vor.u32 v5, v6  }
0xd3: {  	v6 =	vperm.xlane v5, v2;
	_ =	sdelay $0x1  }
0xd4: {  	v5 =	vperm.xlane v5, v4;
	v6 =	vadd.s32 v3, v6;
	_ =	sdelay $0x1  }
0xd5: {  	v5 =	vadd.s32 v3, v5;
	_ =	sdelay $0x1  }
0xd6: {  	s21 =	simm.s32 $0x6C00  }
0xd7: {  	[tilespmem:s21], [sflag:$0x1] =	stream.indirect_vreg.gather [hbm4b:s3+s1], $0x80, v6, vm0, $0xb8;
	[tilespmem:$0x17C00] =	vst v63  }
0xd8: {  	_ = 	snop  }
0xd9: {  	[tilespmem:s14], [sflag:$0x1] =	stream.indirect_vreg.gather [hbm4b:s3+s1], $0x80, v5, vm0, $0xb8;
	[tilespmem:$0x17C00] =	vst v63  }
0xda: {  	v5 =	vld [tilespmem:$0x40];
	_ =	sdelay $0x4  }
0xdb: {  	v6 =	vshll.u32 v5, $0x1  }
0xdc: {  	v5 =	vand.u32 $0x7, v5;
	v6 =	vand.u32 $0xFFFFFFF0, v6  }
0xdd: {  	v5 =	vor.u32 v5, v6  }
0xde: {  	v6 =	vperm.xlane v5, v2;
	_ =	sdelay $0x1  }
0xdf: {  	v5 =	vperm.xlane v5, v4;
	v6 =	vadd.s32 v3, v6;
	_ =	sdelay $0x1  }
0xe0: {  	v5 =	vadd.s32 v3, v5;
	_ =	sdelay $0x2  }
0xe1: {  	[tilespmem:s15], [sflag:$0x1] =	stream.indirect_vreg.gather [hbm4b:s3+s1], $0x80, v6, vm0, $0xb8;
	[tilespmem:$0x17C00] =	vst v63  }
0xe2: {  	_ = 	snop  }
0xe3: {  	[tilespmem:s16], [sflag:$0x1] =	stream.indirect_vreg.gather [hbm4b:s3+s1], $0x80, v5, vm0, $0xb8;
	[tilespmem:$0x17C00] =	vst v63  }
0xe4: {  	v5 =	vld [tilespmem:$0x50];
	_ =	sdelay $0x4  }
0xe5: {  	v6 =	vshll.u32 v5, $0x1  }
0xe6: {  	v5 =	vand.u32 $0x7, v5;
	v6 =	vand.u32 $0xFFFFFFF0, v6  }
0xe7: {  	v5 =	vor.u32 v5, v6  }
0xe8: {  	v6 =	vperm.xlane v5, v2;
	_ =	sdelay $0x1  }
0xe9: {  	v5 =	vperm.xlane v5, v4;
	v6 =	vadd.s32 v3, v6;
	_ =	sdelay $0x1  }
0xea: {  	v5 =	vadd.s32 v3, v5;
	_ =	sdelay $0x2  }
0xeb: {  	[tilespmem:s17], [sflag:$0x1] =	stream.indirect_vreg.gather [hbm4b:s3+s1], $0x80, v6, vm0, $0xb8;
	[tilespmem:$0x17C00] =	vst v63  }
0xec: {  	_ = 	snop  }
0xed: {  	[tilespmem:s18], [sflag:$0x1] =	stream.indirect_vreg.gather [hbm4b:s3+s1], $0x80, v5, vm0, $0xb8;
	[tilespmem:$0x17C00] =	vst v63  }
0xee: {  	v5 =	vld [tilespmem:$0x60];
	_ =	sdelay $0x4  }
0xef: {  	v6 =	vshll.u32 v5, $0x1  }
0xf0: {  	v5 =	vand.u32 $0x7, v5;
	v6 =	vand.u32 $0xFFFFFFF0, v6  }
0xf1: {  	v5 =	vor.u32 v5, v6  }
0xf2: {  	v6 =	vperm.xlane v5, v2;
	_ =	sdelay $0x1  }
0xf3: {  	v5 =	vperm.xlane v5, v4;
	v6 =	vadd.s32 v3, v6;
	_ =	sdelay $0x1  }
0xf4: {  	v5 =	vadd.s32 v3, v5;
	_ =	sdelay $0x2  }
0xf5: {  	[tilespmem:s19], [sflag:$0x1] =	stream.indirect_vreg.gather [hbm4b:s3+s1], $0x80, v6, vm0, $0xb8;
	[tilespmem:$0x17C00] =	vst v63  }
0xf6: {  	s5 =	simm.s32 $0xA400  }
0xf7: {  	[tilespmem:s5], [sflag:$0x1] =	stream.indirect_vreg.gather [hbm4b:s3+s1], $0x80, v5, vm0, $0xb8;
	[tilespmem:$0x17C00] =	vst v63  }
0xf8: {  	v5 =	vld [tilespmem:$0x70];
	_ =	sdelay $0x4  }
0xf9: {  	v6 =	vshll.u32 v5, $0x1  }
0xfa: {  	v5 =	vand.u32 $0x7, v5;
	v6 =	vand.u32 $0xFFFFFFF0, v6  }
0xfb: {  	v5 =	vor.u32 v5, v6  }
0xfc: {  	v6 =	vperm.xlane v5, v2;
	_ =	sdelay $0x1  }
0xfd: {  	v5 =	vperm.xlane v5, v4;
	v6 =	vadd.s32 v3, v6;
	_ =	sdelay $0x1  }
0xfe: {  	v5 =	vadd.s32 v3, v5;
	_ =	sdelay $0x1  }
0xff: {  	s6 =	simm.s32 $0xAC00  }
0x100: {  	[tilespmem:s6], [sflag:$0x1] =	stream.indirect_vreg.gather [hbm4b:s3+s1], $0x80, v6, vm0, $0xb8;
	[tilespmem:$0x17C00] =	vst v63  }
0x101: {  	_ = 	snop  }
0x102: {  	[tilespmem:s9], [sflag:$0x1] =	stream.indirect_vreg.gather [hbm4b:s3+s1], $0x80, v5, vm0, $0xb8;
	[tilespmem:$0x17C00] =	vst v63  }
0x103: {  	v5 =	vld [tilespmem:$0x80];
	_ =	sdelay $0x4  }
0x104: {  	v6 =	vshll.u32 v5, $0x1  }
0x105: {  	v5 =	vand.u32 $0x7, v5;
	v6 =	vand.u32 $0xFFFFFFF0, v6  }
0x106: {  	v5 =	vor.u32 v5, v6  }
0x107: {  	v6 =	vperm.xlane v5, v2;
	_ =	sdelay $0x1  }
0x108: {  	v5 =	vperm.xlane v5, v4;
	v6 =	vadd.s32 v3, v6;
	_ =	sdelay $0x1  }
0x109: {  	v5 =	vadd.s32 v3, v5;
	_ =	sdelay $0x2  }
0x10a: {  	[tilespmem:s22], [sflag:$0x2] =	stream.indirect_vreg.gather [hbm4b:s3+s1], $0x80, v6, vm0, $0xb8;
	[tilespmem:$0x17C00] =	vst v63  }
0x10b: {  	_ = 	snop  }
0x10c: {  	[tilespmem:s20], [sflag:$0x2] =	stream.indirect_vreg.gather [hbm4b:s3+s1], $0x80, v5, vm0, $0xb8;
	[tilespmem:$0x17C00] =	vst v63  }
0x10d: {  	v5 =	vld [tilespmem:$0x90];
	_ =	sdelay $0x4  }
0x10e: {  	v6 =	vshll.u32 v5, $0x1  }
0x10f: {  	v5 =	vand.u32 $0x7, v5;
	v6 =	vand.u32 $0xFFFFFFF0, v6  }
0x110: {  	v5 =	vor.u32 v5, v6  }
0x111: {  	v6 =	vperm.xlane v5, v2;
	_ =	sdelay $0x1  }
0x112: {  	v5 =	vperm.xlane v5, v4;
	v6 =	vadd.s32 v3, v6;
	_ =	sdelay $0x1  }
0x113: {  	v5 =	vadd.s32 v3, v5;
	_ =	sdelay $0x2  }
0x114: {  	[tilespmem:s23], [sflag:$0x2] =	stream.indirect_vreg.gather [hbm4b:s3+s1], $0x80, v6, vm0, $0xb8;
	[tilespmem:$0x17C00] =	vst v63  }
0x115: {  	_ = 	snop  }
0x116: {  	[tilespmem:s24], [sflag:$0x2] =	stream.indirect_vreg.gather [hbm4b:s3+s1], $0x80, v5, vm0, $0xb8;
	[tilespmem:$0x17C00] =	vst v63  }
0x117: {  	v5 =	vld [tilespmem:$0xA0];
	_ =	sdelay $0x4  }
0x118: {  	v6 =	vshll.u32 v5, $0x1  }
0x119: {  	v5 =	vand.u32 $0x7, v5;
	v6 =	vand.u32 $0xFFFFFFF0, v6  }
0x11a: {  	v5 =	vor.u32 v5, v6  }
0x11b: {  	v6 =	vperm.xlane v5, v2;
	_ =	sdelay $0x1  }
0x11c: {  	v5 =	vperm.xlane v5, v4;
	v6 =	vadd.s32 v3, v6;
	_ =	sdelay $0x1  }
0x11d: {  	v5 =	vadd.s32 v3, v5;
	_ =	sdelay $0x2  }
0x11e: {  	[tilespmem:s25], [sflag:$0x2] =	stream.indirect_vreg.gather [hbm4b:s3+s1], $0x80, v6, vm0, $0xb8;
	[tilespmem:$0x17C00] =	vst v63  }
0x11f: {  	_ = 	snop  }
0x120: {  	[tilespmem:s26], [sflag:$0x2] =	stream.indirect_vreg.gather [hbm4b:s3+s1], $0x80, v5, vm0, $0xb8;
	[tilespmem:$0x17C00] =	vst v63  }
0x121: {  	v5 =	vld [tilespmem:$0xB0];
	_ =	sdelay $0x4  }
0x122: {  	v6 =	vshll.u32 v5, $0x1  }
0x123: {  	v5 =	vand.u32 $0x7, v5;
	v6 =	vand.u32 $0xFFFFFFF0, v6  }
0x124: {  	v5 =	vor.u32 v5, v6  }
0x125: {  	v6 =	vperm.xlane v5, v2;
	_ =	sdelay $0x1  }
0x126: {  	v5 =	vperm.xlane v5, v4;
	v6 =	vadd.s32 v3, v6;
	_ =	sdelay $0x1  }
0x127: {  	v5 =	vadd.s32 v3, v5;
	_ =	sdelay $0x1  }
0x128: {  	s7 =	simm.s32 $0xEC00  }
0x129: {  	[tilespmem:s7], [sflag:$0x2] =	stream.indirect_vreg.gather [hbm4b:s3+s1], $0x80, v6, vm0, $0xb8;
	[tilespmem:$0x17C00] =	vst v63  }
0x12a: {  	s8 =	simm.s32 $0xF400  }
0x12b: {  	[tilespmem:s8], [sflag:$0x2] =	stream.indirect_vreg.gather [hbm4b:s3+s1], $0x80, v5, vm0, $0xb8;
	[tilespmem:$0x17C00] =	vst v63  }
0x12c: {  	v5 =	vld [tilespmem:$0xC0];
	_ =	sdelay $0x4  }
0x12d: {  	v6 =	vshll.u32 v5, $0x1  }
0x12e: {  	v5 =	vand.u32 $0x7, v5;
	v6 =	vand.u32 $0xFFFFFFF0, v6  }
0x12f: {  	v5 =	vor.u32 v5, v6  }
0x130: {  	v6 =	vperm.xlane v5, v2;
	_ =	sdelay $0x1  }
0x131: {  	v5 =	vperm.xlane v5, v4;
	v6 =	vadd.s32 v3, v6;
	_ =	sdelay $0x1  }
0x132: {  	v5 =	vadd.s32 v3, v5;
	_ =	sdelay $0x2  }
0x133: {  	[tilespmem:s28], [sflag:$0x2] =	stream.indirect_vreg.gather [hbm4b:s3+s1], $0x80, v6, vm0, $0xb8;
	[tilespmem:$0x17C00] =	vst v63  }
0x134: {  	_ = 	snop  }
0x135: {  	[tilespmem:s29], [sflag:$0x2] =	stream.indirect_vreg.gather [hbm4b:s3+s1], $0x80, v5, vm0, $0xb8;
	[tilespmem:$0x17C00] =	vst v63  }
0x136: {  	v5 =	vld [tilespmem:$0xD0];
	_ =	sdelay $0x4  }
0x137: {  	v6 =	vshll.u32 v5, $0x1  }
0x138: {  	v5 =	vand.u32 $0x7, v5;
	v6 =	vand.u32 $0xFFFFFFF0, v6  }
0x139: {  	v5 =	vor.u32 v5, v6  }
0x13a: {  	v6 =	vperm.xlane v5, v2;
	_ =	sdelay $0x1  }
0x13b: {  	v5 =	vperm.xlane v5, v4;
	v6 =	vadd.s32 v3, v6;
	_ =	sdelay $0x1  }
0x13c: {  	v5 =	vadd.s32 v3, v5;
	_ =	sdelay $0x2  }
0x13d: {  	[tilespmem:s30], [sflag:$0x2] =	stream.indirect_vreg.gather [hbm4b:s3+s1], $0x80, v6, vm0, $0xb8;
	[tilespmem:$0x17C00] =	vst v63  }
0x13e: {  	_ = 	snop  }
0x13f: {  	[tilespmem:s31], [sflag:$0x2] =	stream.indirect_vreg.gather [hbm4b:s3+s1], $0x80, v5, vm0, $0xb8;
	[tilespmem:$0x17C00] =	vst v63  }
0x140: {  	v5 =	vld [tilespmem:$0xE0];
	_ =	sdelay $0x4  }
0x141: {  	v6 =	vshll.u32 v5, $0x1  }
0x142: {  	v5 =	vand.u32 $0x7, v5;
	v6 =	vand.u32 $0xFFFFFFF0, v6  }
0x143: {  	v5 =	vor.u32 v5, v6  }
0x144: {  	v6 =	vperm.xlane v5, v2;
	_ =	sdelay $0x1  }
0x145: {  	v5 =	vperm.xlane v5, v4;
	v6 =	vadd.s32 v3, v6;
	_ =	sdelay $0x1  }
0x146: {  	v5 =	vadd.s32 v3, v5;
	_ =	sdelay $0x1  }
0x147: {  	s21 =	simm.s32 $0x11C00  }
0x148: {  	[tilespmem:s21], [sflag:$0x2] =	stream.indirect_vreg.gather [hbm4b:s3+s1], $0x80, v6, vm0, $0xb8;
	[tilespmem:$0x17C00] =	vst v63  }
0x149: {  	_ = 	snop  }
0x14a: {  	[tilespmem:s10], [sflag:$0x2] =	stream.indirect_vreg.gather [hbm4b:s3+s1], $0x80, v5, vm0, $0xb8;
	[tilespmem:$0x17C00] =	vst v63  }
0x14b: {  	v5 =	vld [tilespmem:$0xF0];
	_ =	sdelay $0x4  }
0x14c: {  	v6 =	vshll.u32 v5, $0x1  }
0x14d: {  	v5 =	vand.u32 $0x7, v5;
	v6 =	vand.u32 $0xFFFFFFF0, v6  }
0x14e: {  	v5 =	vor.u32 v5, v6  }
0x14f: {  	v6 =	vperm.xlane v5, v2;
	_ =	sdelay $0x1  }
0x150: {  	v5 =	vperm.xlane v5, v4;
	v6 =	vadd.s32 v3, v6;
	_ =	sdelay $0x1  }
0x151: {  	v5 =	vadd.s32 v3, v5;
	_ =	sdelay $0x2  }
0x152: {  	[tilespmem:s11], [sflag:$0x2] =	stream.indirect_vreg.gather [hbm4b:s3+s1], $0x80, v6, vm0, $0xb8;
	[tilespmem:$0x17C00] =	vst v63  }
0x153: {  	_ = 	snop  }
0x154: {  	[tilespmem:s12], [sflag:$0x2] =	stream.indirect_vreg.gather [hbm4b:s3+s1], $0x80, v5, vm0, $0xb8;
	[tilespmem:$0x17C00] =	vst v63  }
.LBB2_9:
0x155: {  	s0 =	simm.s32 $0x1  }
0x156: {  	_ =	swait.ge [sflag:s0], $0x8000  }
0x157: {  	[sflag:s0] =	ssyncset.done $0x0  }
0x158: {  	[sflag:s0] =	ssyncadd.s32 $0xFFFF8000;
	s0 =	sshra.s32 s1, $0x2  }
0x159: {  	v5 =	vld [tilespmem:s0+$0x2800];
	_ =	sdelay $0x4  }
0x15a: {  	v6 =	vshll.u32 v5, $0x1  }
0x15b: {  	v5 =	vand.u32 $0x7, v5;
	v6 =	vand.u32 $0xFFFFFFF0, v6  }
0x15c: {  	v5 =	vor.u32 v5, v6  }
0x15d: {  	v6 =	vperm.xlane v5, v2;
	_ =	sdelay $0x1  }
0x15e: {  	v5 =	vperm.xlane v5, v4;
	v6 =	vadd.s32 v3, v6;
	_ =	sdelay $0x1  }
0x15f: {  	v5 =	vadd.s32 v3, v5;
	_ =	sdelay $0x1  }
0x160: {  	s13 =	simm.s32 $0x3C00  }
0x161: {  	[hbm4b:s4+s2] =	stream.indirect_vreg.scatter [tilespmem:s13], [sflag:$0x3], $0x80, v6, vm0, $0xb8;
	[tilespmem:$0x17C00] =	vst v63  }
0x162: {  	s13 =	simm.s32 $0x4400  }
0x163: {  	[hbm4b:s4+s2] =	stream.indirect_vreg.scatter [tilespmem:s13], [sflag:$0x3], $0x80, v5, vm0, $0xb8;
	[tilespmem:$0x17C00] =	vst v63  }
0x164: {  	v5 =	vld [tilespmem:s0+$0x2810];
	_ =	sdelay $0x4  }
0x165: {  	v6 =	vshll.u32 v5, $0x1  }
0x166: {  	v5 =	vand.u32 $0x7, v5;
	v6 =	vand.u32 $0xFFFFFFF0, v6  }
0x167: {  	v5 =	vor.u32 v5, v6  }
0x168: {  	v6 =	vperm.xlane v5, v2;
	_ =	sdelay $0x1  }
0x169: {  	v5 =	vperm.xlane v5, v4;
	v6 =	vadd.s32 v3, v6;
	_ =	sdelay $0x1  }
0x16a: {  	v5 =	vadd.s32 v3, v5;
	_ =	sdelay $0x1  }
0x16b: {  	s13 =	simm.s32 $0x4C00  }
0x16c: {  	[hbm4b:s4+s2] =	stream.indirect_vreg.scatter [tilespmem:s13], [sflag:$0x3], $0x80, v6, vm0, $0xb8;
	[tilespmem:$0x17C00] =	vst v63  }
0x16d: {  	s13 =	simm.s32 $0x5400  }
0x16e: {  	[hbm4b:s4+s2] =	stream.indirect_vreg.scatter [tilespmem:s13], [sflag:$0x3], $0x80, v5, vm0, $0xb8;
	[tilespmem:$0x17C00] =	vst v63  }
0x16f: {  	v5 =	vld [tilespmem:s0+$0x2820];
	_ =	sdelay $0x4  }
0x170: {  	v6 =	vshll.u32 v5, $0x1  }
0x171: {  	v5 =	vand.u32 $0x7, v5;
	v6 =	vand.u32 $0xFFFFFFF0, v6  }
0x172: {  	v5 =	vor.u32 v5, v6  }
0x173: {  	v6 =	vperm.xlane v5, v2;
	_ =	sdelay $0x1  }
0x174: {  	v5 =	vperm.xlane v5, v4;
	v6 =	vadd.s32 v3, v6;
	_ =	sdelay $0x1  }
0x175: {  	v5 =	vadd.s32 v3, v5;
	_ =	sdelay $0x1  }
0x176: {  	s13 =	simm.s32 $0x5C00  }
0x177: {  	[hbm4b:s4+s2] =	stream.indirect_vreg.scatter [tilespmem:s13], [sflag:$0x3], $0x80, v6, vm0, $0xb8;
	[tilespmem:$0x17C00] =	vst v63  }
0x178: {  	s13 =	simm.s32 $0x6400  }
0x179: {  	[hbm4b:s4+s2] =	stream.indirect_vreg.scatter [tilespmem:s13], [sflag:$0x3], $0x80, v5, vm0, $0xb8;
	[tilespmem:$0x17C00] =	vst v63  }
0x17a: {  	v5 =	vld [tilespmem:s0+$0x2830];
	_ =	sdelay $0x4  }
0x17b: {  	v6 =	vshll.u32 v5, $0x1  }
0x17c: {  	v5 =	vand.u32 $0x7, v5;
	v6 =	vand.u32 $0xFFFFFFF0, v6  }
0x17d: {  	v5 =	vor.u32 v5, v6  }
0x17e: {  	v6 =	vperm.xlane v5, v2;
	_ =	sdelay $0x1  }
0x17f: {  	v5 =	vperm.xlane v5, v4;
	v6 =	vadd.s32 v3, v6;
	_ =	sdelay $0x1  }
0x180: {  	v5 =	vadd.s32 v3, v5;
	_ =	sdelay $0x1  }
0x181: {  	s13 =	simm.s32 $0x6C00  }
0x182: {  	[hbm4b:s4+s2] =	stream.indirect_vreg.scatter [tilespmem:s13], [sflag:$0x3], $0x80, v6, vm0, $0xb8;
	[tilespmem:$0x17C00] =	vst v63  }
0x183: {  	_ = 	snop  }
0x184: {  	[hbm4b:s4+s2] =	stream.indirect_vreg.scatter [tilespmem:s14], [sflag:$0x3], $0x80, v5, vm0, $0xb8;
	[tilespmem:$0x17C00] =	vst v63  }
0x185: {  	v5 =	vld [tilespmem:s0+$0x2840];
	_ =	sdelay $0x4  }
0x186: {  	v6 =	vshll.u32 v5, $0x1  }
0x187: {  	v5 =	vand.u32 $0x7, v5;
	v6 =	vand.u32 $0xFFFFFFF0, v6  }
0x188: {  	v5 =	vor.u32 v5, v6  }
0x189: {  	v6 =	vperm.xlane v5, v2;
	_ =	sdelay $0x1  }
0x18a: {  	v5 =	vperm.xlane v5, v4;
	v6 =	vadd.s32 v3, v6;
	_ =	sdelay $0x1  }
0x18b: {  	v5 =	vadd.s32 v3, v5;
	_ =	sdelay $0x2  }
0x18c: {  	[hbm4b:s4+s2] =	stream.indirect_vreg.scatter [tilespmem:s15], [sflag:$0x3], $0x80, v6, vm0, $0xb8;
	[tilespmem:$0x17C00] =	vst v63  }
0x18d: {  	_ = 	snop  }
0x18e: {  	[hbm4b:s4+s2] =	stream.indirect_vreg.scatter [tilespmem:s16], [sflag:$0x3], $0x80, v5, vm0, $0xb8;
	[tilespmem:$0x17C00] =	vst v63  }
0x18f: {  	v5 =	vld [tilespmem:s0+$0x2850];
	_ =	sdelay $0x4  }
0x190: {  	v6 =	vshll.u32 v5, $0x1  }
0x191: {  	v5 =	vand.u32 $0x7, v5;
	v6 =	vand.u32 $0xFFFFFFF0, v6  }
0x192: {  	v5 =	vor.u32 v5, v6  }
0x193: {  	v6 =	vperm.xlane v5, v2;
	_ =	sdelay $0x1  }
0x194: {  	v5 =	vperm.xlane v5, v4;
	v6 =	vadd.s32 v3, v6;
	_ =	sdelay $0x1  }
0x195: {  	v5 =	vadd.s32 v3, v5;
	_ =	sdelay $0x2  }
0x196: {  	[hbm4b:s4+s2] =	stream.indirect_vreg.scatter [tilespmem:s17], [sflag:$0x3], $0x80, v6, vm0, $0xb8;
	[tilespmem:$0x17C00] =	vst v63  }
0x197: {  	_ = 	snop  }
0x198: {  	[hbm4b:s4+s2] =	stream.indirect_vreg.scatter [tilespmem:s18], [sflag:$0x3], $0x80, v5, vm0, $0xb8;
	[tilespmem:$0x17C00] =	vst v63  }
0x199: {  	v5 =	vld [tilespmem:s0+$0x2860];
	_ =	sdelay $0x4  }
0x19a: {  	v6 =	vshll.u32 v5, $0x1  }
0x19b: {  	v5 =	vand.u32 $0x7, v5;
	v6 =	vand.u32 $0xFFFFFFF0, v6  }
0x19c: {  	v5 =	vor.u32 v5, v6  }
0x19d: {  	v6 =	vperm.xlane v5, v2;
	_ =	sdelay $0x1  }
0x19e: {  	v5 =	vperm.xlane v5, v4;
	v6 =	vadd.s32 v3, v6;
	_ =	sdelay $0x1  }
0x19f: {  	v5 =	vadd.s32 v3, v5;
	_ =	sdelay $0x2  }
0x1a0: {  	[hbm4b:s4+s2] =	stream.indirect_vreg.scatter [tilespmem:s19], [sflag:$0x3], $0x80, v6, vm0, $0xb8;
	[tilespmem:$0x17C00] =	vst v63  }
0x1a1: {  	_ = 	snop  }
0x1a2: {  	[hbm4b:s4+s2] =	stream.indirect_vreg.scatter [tilespmem:s5], [sflag:$0x3], $0x80, v5, vm0, $0xb8;
	[tilespmem:$0x17C00] =	vst v63  }
0x1a3: {  	v5 =	vld [tilespmem:s0+$0x2870];
	_ =	sdelay $0x4  }
0x1a4: {  	v6 =	vshll.u32 v5, $0x1  }
0x1a5: {  	v5 =	vand.u32 $0x7, v5;
	v6 =	vand.u32 $0xFFFFFFF0, v6  }
0x1a6: {  	v5 =	vor.u32 v5, v6  }
0x1a7: {  	v6 =	vperm.xlane v5, v2;
	_ =	sdelay $0x1  }
0x1a8: {  	v5 =	vperm.xlane v5, v4;
	v6 =	vadd.s32 v3, v6;
	_ =	sdelay $0x1  }
0x1a9: {  	v5 =	vadd.s32 v3, v5;
	_ =	sdelay $0x2  }
0x1aa: {  	[hbm4b:s4+s2] =	stream.indirect_vreg.scatter [tilespmem:s6], [sflag:$0x3], $0x80, v6, vm0, $0xb8;
	[tilespmem:$0x17C00] =	vst v63  }
0x1ab: {  	s13 =	simm.s32 $0x2  }
0x1ac: {  	[hbm4b:s4+s2] =	stream.indirect_vreg.scatter [tilespmem:s9], [sflag:$0x3], $0x80, v5, vm0, $0xb8;
	[tilespmem:$0x17C00] =	vst v63  }
0x1ad: {  	_ =	swait.ge [sflag:s13], $0x8000  }
0x1ae: {  	[sflag:s13] =	ssyncset.done $0x0  }
0x1af: {  	[sflag:s13] =	ssyncadd.s32 $0xFFFF8000  }
0x1b0: {  	v5 =	vld [tilespmem:s0+$0x2880];
	_ =	sdelay $0x4  }
0x1b1: {  	v6 =	vshll.u32 v5, $0x1  }
0x1b2: {  	v5 =	vand.u32 $0x7, v5;
	v6 =	vand.u32 $0xFFFFFFF0, v6  }
0x1b3: {  	v5 =	vor.u32 v5, v6  }
0x1b4: {  	v6 =	vperm.xlane v5, v2;
	_ =	sdelay $0x1  }
0x1b5: {  	v5 =	vperm.xlane v5, v4;
	v6 =	vadd.s32 v3, v6;
	_ =	sdelay $0x1  }
0x1b6: {  	v5 =	vadd.s32 v3, v5;
	_ =	sdelay $0x2  }
0x1b7: {  	[hbm4b:s4+s2] =	stream.indirect_vreg.scatter [tilespmem:s22], [sflag:$0x4], $0x80, v6, vm0, $0xb8;
	[tilespmem:$0x17C00] =	vst v63  }
0x1b8: {  	_ = 	snop  }
0x1b9: {  	[hbm4b:s4+s2] =	stream.indirect_vreg.scatter [tilespmem:s20], [sflag:$0x4], $0x80, v5, vm0, $0xb8;
	[tilespmem:$0x17C00] =	vst v63  }
0x1ba: {  	v5 =	vld [tilespmem:s0+$0x2890];
	_ =	sdelay $0x4  }
0x1bb: {  	v6 =	vshll.u32 v5, $0x1  }
0x1bc: {  	v5 =	vand.u32 $0x7, v5;
	v6 =	vand.u32 $0xFFFFFFF0, v6  }
0x1bd: {  	v5 =	vor.u32 v5, v6  }
0x1be: {  	v6 =	vperm.xlane v5, v2;
	_ =	sdelay $0x1  }
0x1bf: {  	v5 =	vperm.xlane v5, v4;
	v6 =	vadd.s32 v3, v6;
	_ =	sdelay $0x1  }
0x1c0: {  	v5 =	vadd.s32 v3, v5;
	_ =	sdelay $0x2  }
0x1c1: {  	[hbm4b:s4+s2] =	stream.indirect_vreg.scatter [tilespmem:s23], [sflag:$0x4], $0x80, v6, vm0, $0xb8;
	[tilespmem:$0x17C00] =	vst v63  }
0x1c2: {  	_ = 	snop  }
0x1c3: {  	[hbm4b:s4+s2] =	stream.indirect_vreg.scatter [tilespmem:s24], [sflag:$0x4], $0x80, v5, vm0, $0xb8;
	[tilespmem:$0x17C00] =	vst v63  }
0x1c4: {  	v5 =	vld [tilespmem:s0+$0x28A0];
	_ =	sdelay $0x4  }
0x1c5: {  	v6 =	vshll.u32 v5, $0x1  }
0x1c6: {  	v5 =	vand.u32 $0x7, v5;
	v6 =	vand.u32 $0xFFFFFFF0, v6  }
0x1c7: {  	v5 =	vor.u32 v5, v6  }
0x1c8: {  	v6 =	vperm.xlane v5, v2;
	_ =	sdelay $0x1  }
0x1c9: {  	v5 =	vperm.xlane v5, v4;
	v6 =	vadd.s32 v3, v6;
	_ =	sdelay $0x1  }
0x1ca: {  	v5 =	vadd.s32 v3, v5;
	_ =	sdelay $0x2  }
0x1cb: {  	[hbm4b:s4+s2] =	stream.indirect_vreg.scatter [tilespmem:s25], [sflag:$0x4], $0x80, v6, vm0, $0xb8;
	[tilespmem:$0x17C00] =	vst v63  }
0x1cc: {  	_ = 	snop  }
0x1cd: {  	[hbm4b:s4+s2] =	stream.indirect_vreg.scatter [tilespmem:s26], [sflag:$0x4], $0x80, v5, vm0, $0xb8;
	[tilespmem:$0x17C00] =	vst v63  }
0x1ce: {  	v5 =	vld [tilespmem:s0+$0x28B0];
	_ =	sdelay $0x4  }
0x1cf: {  	v6 =	vshll.u32 v5, $0x1  }
0x1d0: {  	v5 =	vand.u32 $0x7, v5;
	v6 =	vand.u32 $0xFFFFFFF0, v6  }
0x1d1: {  	v5 =	vor.u32 v5, v6  }
0x1d2: {  	v6 =	vperm.xlane v5, v2;
	_ =	sdelay $0x1  }
0x1d3: {  	v5 =	vperm.xlane v5, v4;
	v6 =	vadd.s32 v3, v6;
	_ =	sdelay $0x1  }
0x1d4: {  	v5 =	vadd.s32 v3, v5;
	_ =	sdelay $0x2  }
0x1d5: {  	[hbm4b:s4+s2] =	stream.indirect_vreg.scatter [tilespmem:s7], [sflag:$0x4], $0x80, v6, vm0, $0xb8;
	[tilespmem:$0x17C00] =	vst v63  }
0x1d6: {  	_ = 	snop  }
0x1d7: {  	[hbm4b:s4+s2] =	stream.indirect_vreg.scatter [tilespmem:s8], [sflag:$0x4], $0x80, v5, vm0, $0xb8;
	[tilespmem:$0x17C00] =	vst v63  }
0x1d8: {  	v5 =	vld [tilespmem:s0+$0x28C0];
	_ =	sdelay $0x4  }
0x1d9: {  	v6 =	vshll.u32 v5, $0x1  }
0x1da: {  	v5 =	vand.u32 $0x7, v5;
	v6 =	vand.u32 $0xFFFFFFF0, v6  }
0x1db: {  	v5 =	vor.u32 v5, v6  }
0x1dc: {  	v6 =	vperm.xlane v5, v2;
	_ =	sdelay $0x1  }
0x1dd: {  	v5 =	vperm.xlane v5, v4;
	v6 =	vadd.s32 v3, v6;
	_ =	sdelay $0x1  }
0x1de: {  	v5 =	vadd.s32 v3, v5;
	_ =	sdelay $0x2  }
0x1df: {  	[hbm4b:s4+s2] =	stream.indirect_vreg.scatter [tilespmem:s28], [sflag:$0x4], $0x80, v6, vm0, $0xb8;
	[tilespmem:$0x17C00] =	vst v63  }
0x1e0: {  	_ = 	snop  }
0x1e1: {  	[hbm4b:s4+s2] =	stream.indirect_vreg.scatter [tilespmem:s29], [sflag:$0x4], $0x80, v5, vm0, $0xb8;
	[tilespmem:$0x17C00] =	vst v63  }
0x1e2: {  	v5 =	vld [tilespmem:s0+$0x28D0];
	_ =	sdelay $0x4  }
0x1e3: {  	v6 =	vshll.u32 v5, $0x1  }
0x1e4: {  	v5 =	vand.u32 $0x7, v5;
	v6 =	vand.u32 $0xFFFFFFF0, v6  }
0x1e5: {  	v5 =	vor.u32 v5, v6  }
0x1e6: {  	v6 =	vperm.xlane v5, v2;
	_ =	sdelay $0x1  }
0x1e7: {  	v5 =	vperm.xlane v5, v4;
	v6 =	vadd.s32 v3, v6;
	_ =	sdelay $0x1  }
0x1e8: {  	v5 =	vadd.s32 v3, v5;
	_ =	sdelay $0x2  }
0x1e9: {  	[hbm4b:s4+s2] =	stream.indirect_vreg.scatter [tilespmem:s30], [sflag:$0x4], $0x80, v6, vm0, $0xb8;
	[tilespmem:$0x17C00] =	vst v63  }
0x1ea: {  	_ = 	snop  }
0x1eb: {  	[hbm4b:s4+s2] =	stream.indirect_vreg.scatter [tilespmem:s31], [sflag:$0x4], $0x80, v5, vm0, $0xb8;
	[tilespmem:$0x17C00] =	vst v63  }
0x1ec: {  	v5 =	vld [tilespmem:s0+$0x28E0];
	_ =	sdelay $0x4  }
0x1ed: {  	v6 =	vshll.u32 v5, $0x1  }
0x1ee: {  	v5 =	vand.u32 $0x7, v5;
	v6 =	vand.u32 $0xFFFFFFF0, v6  }
0x1ef: {  	v5 =	vor.u32 v5, v6  }
0x1f0: {  	v6 =	vperm.xlane v5, v2;
	_ =	sdelay $0x1  }
0x1f1: {  	v5 =	vperm.xlane v5, v4;
	v6 =	vadd.s32 v3, v6;
	_ =	sdelay $0x1  }
0x1f2: {  	v5 =	vadd.s32 v3, v5;
	_ =	sdelay $0x2  }
0x1f3: {  	[hbm4b:s4+s2] =	stream.indirect_vreg.scatter [tilespmem:s21], [sflag:$0x4], $0x80, v6, vm0, $0xb8;
	[tilespmem:$0x17C00] =	vst v63  }
0x1f4: {  	_ = 	snop  }
0x1f5: {  	[hbm4b:s4+s2] =	stream.indirect_vreg.scatter [tilespmem:s10], [sflag:$0x4], $0x80, v5, vm0, $0xb8;
	[tilespmem:$0x17C00] =	vst v63  }
0x1f6: {  	v5 =	vld [tilespmem:s0+$0x28F0];
	_ =	sdelay $0x4  }
0x1f7: {  	v6 =	vshll.u32 v5, $0x1  }
0x1f8: {  	v5 =	vand.u32 $0x7, v5;
	v6 =	vand.u32 $0xFFFFFFF0, v6  }
0x1f9: {  	v5 =	vor.u32 v5, v6  }
0x1fa: {  	v6 =	vperm.xlane v5, v2;
	_ =	sdelay $0x1  }
0x1fb: {  	v5 =	vperm.xlane v5, v4;
	v6 =	vadd.s32 v3, v6;
	_ =	sdelay $0x1  }
0x1fc: {  	v5 =	vadd.s32 v3, v5;
	_ =	sdelay $0x1  }
0x1fd: {  	p1 =	seq.s32 s1, $0x4C00  }
0x1fe: {  	[hbm4b:s4+s2] =	stream.indirect_vreg.scatter [tilespmem:s11], [sflag:$0x4], $0x80, v6, vm0, $0xb8;
	[tilespmem:$0x17C00] =	vst v63  }
.Ltmp6:
0x1ff: {  	s13 =	simm.s32 $0x3;
	(pc) =	sbr.rel @p1 .LBB2_11-.Ltmp6, $4  }
0x200: {  	[hbm4b:s4+s2] =	stream.indirect_vreg.scatter [tilespmem:s12], [sflag:$0x4], $0x80, v5, vm0, $0xb8;
	[tilespmem:$0x17C00] =	vst v63  }
0x201: {  	_ =	swait.ge [sflag:s13], $0x8000  }
0x202: {  	[sflag:s13] =	ssyncset.done $0x0  }
0x203: {  	[sflag:s13] =	ssyncadd.s32 $0xFFFF8000  }
0x204: {  	v5 =	vld [tilespmem:s0+$0x100];
	_ =	sdelay $0x4  }
0x205: {  	v6 =	vshll.u32 v5, $0x1  }
0x206: {  	v5 =	vand.u32 $0x7, v5;
	v6 =	vand.u32 $0xFFFFFFF0, v6  }
0x207: {  	v5 =	vor.u32 v5, v6  }
0x208: {  	v6 =	vperm.xlane v5, v2;
	_ =	sdelay $0x1  }
0x209: {  	v5 =	vperm.xlane v5, v4;
	v6 =	vadd.s32 v3, v6;
	_ =	sdelay $0x1  }
0x20a: {  	v5 =	vadd.s32 v3, v5;
	_ =	sdelay $0x1  }
0x20b: {  	s13 =	simm.s32 $0x3C00  }
0x20c: {  	[tilespmem:s13], [sflag:$0x1] =	stream.indirect_vreg.gather [hbm4b:s3+s2], $0x80, v6, vm0, $0xb8;
	[tilespmem:$0x17C00] =	vst v63  }
0x20d: {  	s13 =	simm.s32 $0x4400  }
0x20e: {  	[tilespmem:s13], [sflag:$0x1] =	stream.indirect_vreg.gather [hbm4b:s3+s2], $0x80, v5, vm0, $0xb8;
	[tilespmem:$0x17C00] =	vst v63  }
0x20f: {  	v5 =	vld [tilespmem:s0+$0x110];
	_ =	sdelay $0x4  }
0x210: {  	v6 =	vshll.u32 v5, $0x1  }
0x211: {  	v5 =	vand.u32 $0x7, v5;
	v6 =	vand.u32 $0xFFFFFFF0, v6  }
0x212: {  	v5 =	vor.u32 v5, v6  }
0x213: {  	v6 =	vperm.xlane v5, v2;
	_ =	sdelay $0x1  }
0x214: {  	v5 =	vperm.xlane v5, v4;
	v6 =	vadd.s32 v3, v6;
	_ =	sdelay $0x1  }
0x215: {  	v5 =	vadd.s32 v3, v5;
	_ =	sdelay $0x1  }
0x216: {  	s13 =	simm.s32 $0x4C00  }
0x217: {  	[tilespmem:s13], [sflag:$0x1] =	stream.indirect_vreg.gather [hbm4b:s3+s2], $0x80, v6, vm0, $0xb8;
	[tilespmem:$0x17C00] =	vst v63  }
0x218: {  	s13 =	simm.s32 $0x5400  }
0x219: {  	[tilespmem:s13], [sflag:$0x1] =	stream.indirect_vreg.gather [hbm4b:s3+s2], $0x80, v5, vm0, $0xb8;
	[tilespmem:$0x17C00] =	vst v63  }
0x21a: {  	v5 =	vld [tilespmem:s0+$0x120];
	_ =	sdelay $0x4  }
0x21b: {  	v6 =	vshll.u32 v5, $0x1  }
0x21c: {  	v5 =	vand.u32 $0x7, v5;
	v6 =	vand.u32 $0xFFFFFFF0, v6  }
0x21d: {  	v5 =	vor.u32 v5, v6  }
0x21e: {  	v6 =	vperm.xlane v5, v2;
	_ =	sdelay $0x1  }
0x21f: {  	v5 =	vperm.xlane v5, v4;
	v6 =	vadd.s32 v3, v6;
	_ =	sdelay $0x1  }
0x220: {  	v5 =	vadd.s32 v3, v5;
	_ =	sdelay $0x1  }
0x221: {  	s13 =	simm.s32 $0x5C00  }
0x222: {  	[tilespmem:s13], [sflag:$0x1] =	stream.indirect_vreg.gather [hbm4b:s3+s2], $0x80, v6, vm0, $0xb8;
	[tilespmem:$0x17C00] =	vst v63  }
0x223: {  	s13 =	simm.s32 $0x6400  }
0x224: {  	[tilespmem:s13], [sflag:$0x1] =	stream.indirect_vreg.gather [hbm4b:s3+s2], $0x80, v5, vm0, $0xb8;
	[tilespmem:$0x17C00] =	vst v63  }
0x225: {  	v5 =	vld [tilespmem:s0+$0x130];
	_ =	sdelay $0x4  }
0x226: {  	v6 =	vshll.u32 v5, $0x1  }
0x227: {  	v5 =	vand.u32 $0x7, v5;
	v6 =	vand.u32 $0xFFFFFFF0, v6  }
0x228: {  	v5 =	vor.u32 v5, v6  }
0x229: {  	v6 =	vperm.xlane v5, v2;
	_ =	sdelay $0x1  }
0x22a: {  	v5 =	vperm.xlane v5, v4;
	v6 =	vadd.s32 v3, v6;
	_ =	sdelay $0x1  }
0x22b: {  	v5 =	vadd.s32 v3, v5;
	_ =	sdelay $0x1  }
0x22c: {  	s13 =	simm.s32 $0x6C00  }
0x22d: {  	[tilespmem:s13], [sflag:$0x1] =	stream.indirect_vreg.gather [hbm4b:s3+s2], $0x80, v6, vm0, $0xb8;
	[tilespmem:$0x17C00] =	vst v63  }
0x22e: {  	_ = 	snop  }
0x22f: {  	[tilespmem:s14], [sflag:$0x1] =	stream.indirect_vreg.gather [hbm4b:s3+s2], $0x80, v5, vm0, $0xb8;
	[tilespmem:$0x17C00] =	vst v63  }
0x230: {  	v5 =	vld [tilespmem:s0+$0x140];
	_ =	sdelay $0x4  }
0x231: {  	v6 =	vshll.u32 v5, $0x1  }
0x232: {  	v5 =	vand.u32 $0x7, v5;
	v6 =	vand.u32 $0xFFFFFFF0, v6  }
0x233: {  	v5 =	vor.u32 v5, v6  }
0x234: {  	v6 =	vperm.xlane v5, v2;
	_ =	sdelay $0x1  }
0x235: {  	v5 =	vperm.xlane v5, v4;
	v6 =	vadd.s32 v3, v6;
	_ =	sdelay $0x1  }
0x236: {  	v5 =	vadd.s32 v3, v5;
	_ =	sdelay $0x2  }
0x237: {  	[tilespmem:s15], [sflag:$0x1] =	stream.indirect_vreg.gather [hbm4b:s3+s2], $0x80, v6, vm0, $0xb8;
	[tilespmem:$0x17C00] =	vst v63  }
0x238: {  	_ = 	snop  }
0x239: {  	[tilespmem:s16], [sflag:$0x1] =	stream.indirect_vreg.gather [hbm4b:s3+s2], $0x80, v5, vm0, $0xb8;
	[tilespmem:$0x17C00] =	vst v63  }
0x23a: {  	v5 =	vld [tilespmem:s0+$0x150];
	_ =	sdelay $0x4  }
0x23b: {  	v6 =	vshll.u32 v5, $0x1  }
0x23c: {  	v5 =	vand.u32 $0x7, v5;
	v6 =	vand.u32 $0xFFFFFFF0, v6  }
0x23d: {  	v5 =	vor.u32 v5, v6  }
0x23e: {  	v6 =	vperm.xlane v5, v2;
	_ =	sdelay $0x1  }
0x23f: {  	v5 =	vperm.xlane v5, v4;
	v6 =	vadd.s32 v3, v6;
	_ =	sdelay $0x1  }
0x240: {  	v5 =	vadd.s32 v3, v5;
	_ =	sdelay $0x2  }
0x241: {  	[tilespmem:s17], [sflag:$0x1] =	stream.indirect_vreg.gather [hbm4b:s3+s2], $0x80, v6, vm0, $0xb8;
	[tilespmem:$0x17C00] =	vst v63  }
0x242: {  	_ = 	snop  }
0x243: {  	[tilespmem:s18], [sflag:$0x1] =	stream.indirect_vreg.gather [hbm4b:s3+s2], $0x80, v5, vm0, $0xb8;
	[tilespmem:$0x17C00] =	vst v63  }
0x244: {  	v5 =	vld [tilespmem:s0+$0x160];
	_ =	sdelay $0x4  }
0x245: {  	v6 =	vshll.u32 v5, $0x1  }
0x246: {  	v5 =	vand.u32 $0x7, v5;
	v6 =	vand.u32 $0xFFFFFFF0, v6  }
0x247: {  	v5 =	vor.u32 v5, v6  }
0x248: {  	v6 =	vperm.xlane v5, v2;
	_ =	sdelay $0x1  }
0x249: {  	v5 =	vperm.xlane v5, v4;
	v6 =	vadd.s32 v3, v6;
	_ =	sdelay $0x1  }
0x24a: {  	v5 =	vadd.s32 v3, v5;
	_ =	sdelay $0x2  }
0x24b: {  	[tilespmem:s19], [sflag:$0x1] =	stream.indirect_vreg.gather [hbm4b:s3+s2], $0x80, v6, vm0, $0xb8;
	[tilespmem:$0x17C00] =	vst v63  }
0x24c: {  	_ = 	snop  }
0x24d: {  	[tilespmem:s5], [sflag:$0x1] =	stream.indirect_vreg.gather [hbm4b:s3+s2], $0x80, v5, vm0, $0xb8;
	[tilespmem:$0x17C00] =	vst v63  }
0x24e: {  	v5 =	vld [tilespmem:s0+$0x170];
	_ =	sdelay $0x4  }
0x24f: {  	v6 =	vshll.u32 v5, $0x1  }
0x250: {  	v5 =	vand.u32 $0x7, v5;
	v6 =	vand.u32 $0xFFFFFFF0, v6  }
0x251: {  	v5 =	vor.u32 v5, v6  }
0x252: {  	v6 =	vperm.xlane v5, v2;
	_ =	sdelay $0x1  }
0x253: {  	v5 =	vperm.xlane v5, v4;
	v6 =	vadd.s32 v3, v6;
	_ =	sdelay $0x1  }
0x254: {  	v5 =	vadd.s32 v3, v5;
	_ =	sdelay $0x2  }
0x255: {  	[tilespmem:s6], [sflag:$0x1] =	stream.indirect_vreg.gather [hbm4b:s3+s2], $0x80, v6, vm0, $0xb8;
	[tilespmem:$0x17C00] =	vst v63  }
0x256: {  	s13 =	simm.s32 $0x4  }
0x257: {  	[tilespmem:s9], [sflag:$0x1] =	stream.indirect_vreg.gather [hbm4b:s3+s2], $0x80, v5, vm0, $0xb8;
	[tilespmem:$0x17C00] =	vst v63  }
0x258: {  	_ =	swait.ge [sflag:s13], $0x8000  }
0x259: {  	[sflag:s13] =	ssyncset.done $0x0  }
0x25a: {  	[sflag:s13] =	ssyncadd.s32 $0xFFFF8000  }
0x25b: {  	v5 =	vld [tilespmem:s0+$0x180];
	_ =	sdelay $0x4  }
0x25c: {  	v6 =	vshll.u32 v5, $0x1  }
0x25d: {  	v5 =	vand.u32 $0x7, v5;
	v6 =	vand.u32 $0xFFFFFFF0, v6  }
0x25e: {  	v5 =	vor.u32 v5, v6  }
0x25f: {  	v6 =	vperm.xlane v5, v2;
	_ =	sdelay $0x1  }
0x260: {  	v5 =	vperm.xlane v5, v4;
	v6 =	vadd.s32 v3, v6;
	_ =	sdelay $0x1  }
0x261: {  	v5 =	vadd.s32 v3, v5;
	_ =	sdelay $0x2  }
0x262: {  	[tilespmem:s22], [sflag:$0x2] =	stream.indirect_vreg.gather [hbm4b:s3+s2], $0x80, v6, vm0, $0xb8;
	[tilespmem:$0x17C00] =	vst v63  }
0x263: {  	_ = 	snop  }
0x264: {  	[tilespmem:s20], [sflag:$0x2] =	stream.indirect_vreg.gather [hbm4b:s3+s2], $0x80, v5, vm0, $0xb8;
	[tilespmem:$0x17C00] =	vst v63  }
0x265: {  	v5 =	vld [tilespmem:s0+$0x190];
	_ =	sdelay $0x4  }
0x266: {  	v6 =	vshll.u32 v5, $0x1  }
0x267: {  	v5 =	vand.u32 $0x7, v5;
	v6 =	vand.u32 $0xFFFFFFF0, v6  }
0x268: {  	v5 =	vor.u32 v5, v6  }
0x269: {  	v6 =	vperm.xlane v5, v2;
	_ =	sdelay $0x1  }
0x26a: {  	v5 =	vperm.xlane v5, v4;
	v6 =	vadd.s32 v3, v6;
	_ =	sdelay $0x1  }
0x26b: {  	v5 =	vadd.s32 v3, v5;
	_ =	sdelay $0x2  }
0x26c: {  	[tilespmem:s23], [sflag:$0x2] =	stream.indirect_vreg.gather [hbm4b:s3+s2], $0x80, v6, vm0, $0xb8;
	[tilespmem:$0x17C00] =	vst v63  }
0x26d: {  	_ = 	snop  }
0x26e: {  	[tilespmem:s24], [sflag:$0x2] =	stream.indirect_vreg.gather [hbm4b:s3+s2], $0x80, v5, vm0, $0xb8;
	[tilespmem:$0x17C00] =	vst v63  }
0x26f: {  	v5 =	vld [tilespmem:s0+$0x1A0];
	_ =	sdelay $0x4  }
0x270: {  	v6 =	vshll.u32 v5, $0x1  }
0x271: {  	v5 =	vand.u32 $0x7, v5;
	v6 =	vand.u32 $0xFFFFFFF0, v6  }
0x272: {  	v5 =	vor.u32 v5, v6  }
0x273: {  	v6 =	vperm.xlane v5, v2;
	_ =	sdelay $0x1  }
0x274: {  	v5 =	vperm.xlane v5, v4;
	v6 =	vadd.s32 v3, v6;
	_ =	sdelay $0x1  }
0x275: {  	v5 =	vadd.s32 v3, v5;
	_ =	sdelay $0x2  }
0x276: {  	[tilespmem:s25], [sflag:$0x2] =	stream.indirect_vreg.gather [hbm4b:s3+s2], $0x80, v6, vm0, $0xb8;
	[tilespmem:$0x17C00] =	vst v63  }
0x277: {  	_ = 	snop  }
0x278: {  	[tilespmem:s26], [sflag:$0x2] =	stream.indirect_vreg.gather [hbm4b:s3+s2], $0x80, v5, vm0, $0xb8;
	[tilespmem:$0x17C00] =	vst v63  }
0x279: {  	v5 =	vld [tilespmem:s0+$0x1B0];
	_ =	sdelay $0x4  }
0x27a: {  	v6 =	vshll.u32 v5, $0x1  }
0x27b: {  	v5 =	vand.u32 $0x7, v5;
	v6 =	vand.u32 $0xFFFFFFF0, v6  }
0x27c: {  	v5 =	vor.u32 v5, v6  }
0x27d: {  	v6 =	vperm.xlane v5, v2;
	_ =	sdelay $0x1  }
0x27e: {  	v5 =	vperm.xlane v5, v4;
	v6 =	vadd.s32 v3, v6;
	_ =	sdelay $0x1  }
0x27f: {  	v5 =	vadd.s32 v3, v5;
	_ =	sdelay $0x2  }
0x280: {  	[tilespmem:s7], [sflag:$0x2] =	stream.indirect_vreg.gather [hbm4b:s3+s2], $0x80, v6, vm0, $0xb8;
	[tilespmem:$0x17C00] =	vst v63  }
0x281: {  	_ = 	snop  }
0x282: {  	[tilespmem:s8], [sflag:$0x2] =	stream.indirect_vreg.gather [hbm4b:s3+s2], $0x80, v5, vm0, $0xb8;
	[tilespmem:$0x17C00] =	vst v63  }
0x283: {  	v5 =	vld [tilespmem:s0+$0x1C0];
	_ =	sdelay $0x4  }
0x284: {  	v6 =	vshll.u32 v5, $0x1  }
0x285: {  	v5 =	vand.u32 $0x7, v5;
	v6 =	vand.u32 $0xFFFFFFF0, v6  }
0x286: {  	v5 =	vor.u32 v5, v6  }
0x287: {  	v6 =	vperm.xlane v5, v2;
	_ =	sdelay $0x1  }
0x288: {  	v5 =	vperm.xlane v5, v4;
	v6 =	vadd.s32 v3, v6;
	_ =	sdelay $0x1  }
0x289: {  	v5 =	vadd.s32 v3, v5;
	_ =	sdelay $0x2  }
0x28a: {  	[tilespmem:s28], [sflag:$0x2] =	stream.indirect_vreg.gather [hbm4b:s3+s2], $0x80, v6, vm0, $0xb8;
	[tilespmem:$0x17C00] =	vst v63  }
0x28b: {  	_ = 	snop  }
0x28c: {  	[tilespmem:s29], [sflag:$0x2] =	stream.indirect_vreg.gather [hbm4b:s3+s2], $0x80, v5, vm0, $0xb8;
	[tilespmem:$0x17C00] =	vst v63  }
0x28d: {  	v5 =	vld [tilespmem:s0+$0x1D0];
	_ =	sdelay $0x4  }
0x28e: {  	v6 =	vshll.u32 v5, $0x1  }
0x28f: {  	v5 =	vand.u32 $0x7, v5;
	v6 =	vand.u32 $0xFFFFFFF0, v6  }
0x290: {  	v5 =	vor.u32 v5, v6  }
0x291: {  	v6 =	vperm.xlane v5, v2;
	_ =	sdelay $0x1  }
0x292: {  	v5 =	vperm.xlane v5, v4;
	v6 =	vadd.s32 v3, v6;
	_ =	sdelay $0x1  }
0x293: {  	v5 =	vadd.s32 v3, v5;
	_ =	sdelay $0x2  }
0x294: {  	[tilespmem:s30], [sflag:$0x2] =	stream.indirect_vreg.gather [hbm4b:s3+s2], $0x80, v6, vm0, $0xb8;
	[tilespmem:$0x17C00] =	vst v63  }
0x295: {  	_ = 	snop  }
0x296: {  	[tilespmem:s31], [sflag:$0x2] =	stream.indirect_vreg.gather [hbm4b:s3+s2], $0x80, v5, vm0, $0xb8;
	[tilespmem:$0x17C00] =	vst v63  }
0x297: {  	v5 =	vld [tilespmem:s0+$0x1E0];
	_ =	sdelay $0x4  }
0x298: {  	v6 =	vshll.u32 v5, $0x1  }
0x299: {  	v5 =	vand.u32 $0x7, v5;
	v6 =	vand.u32 $0xFFFFFFF0, v6  }
0x29a: {  	v5 =	vor.u32 v5, v6  }
0x29b: {  	v6 =	vperm.xlane v5, v2;
	_ =	sdelay $0x1  }
0x29c: {  	v5 =	vperm.xlane v5, v4;
	v6 =	vadd.s32 v3, v6;
	_ =	sdelay $0x1  }
0x29d: {  	v5 =	vadd.s32 v3, v5;
	_ =	sdelay $0x2  }
0x29e: {  	[tilespmem:s21], [sflag:$0x2] =	stream.indirect_vreg.gather [hbm4b:s3+s2], $0x80, v6, vm0, $0xb8;
	[tilespmem:$0x17C00] =	vst v63  }
0x29f: {  	_ = 	snop  }
0x2a0: {  	[tilespmem:s10], [sflag:$0x2] =	stream.indirect_vreg.gather [hbm4b:s3+s2], $0x80, v5, vm0, $0xb8;
	[tilespmem:$0x17C00] =	vst v63  }
0x2a1: {  	v5 =	vld [tilespmem:s0+$0x1F0];
	_ =	sdelay $0x4  }
0x2a2: {  	v6 =	vshll.u32 v5, $0x1  }
0x2a3: {  	v5 =	vand.u32 $0x7, v5;
	v6 =	vand.u32 $0xFFFFFFF0, v6  }
0x2a4: {  	v5 =	vor.u32 v5, v6  }
0x2a5: {  	v6 =	vperm.xlane v5, v2;
	_ =	sdelay $0x1  }
0x2a6: {  	v5 =	vperm.xlane v5, v4;
	v6 =	vadd.s32 v3, v6;
	_ =	sdelay $0x1  }
0x2a7: {  	v5 =	vadd.s32 v3, v5  }
.Ltmp7:
0x2a8: {  	_ = 	snop;
	(pc) =	sbr.rel .LBB2_9-.Ltmp7, $4  }
0x2a9: {  	_ = 	snop  }
0x2aa: {  	[tilespmem:s11], [sflag:$0x2] =	stream.indirect_vreg.gather [hbm4b:s3+s2], $0x80, v6, vm0, $0xb8;
	[tilespmem:$0x17C00] =	vst v63  }
0x2ab: {  	s1 =	sadd.s32 $0x400, s1  }
0x2ac: {  	[tilespmem:s12], [sflag:$0x2] =	stream.indirect_vreg.gather [hbm4b:s3+s2], $0x80, v5, vm0, $0xb8;
	[tilespmem:$0x17C00] =	vst v63  }
.LBB2_12:
0x2ad: {  	_ =	sfence.sel $0x180000  }
0x2ae: {  	[bflag:$0x0] =	sbarrier.arrive $0xFFFF  }
0x2af: {  	_ =	strace $0x9000004D  }
0x2b0: {  	s0 =	stileid.u32;
	[bflag:$0x2] =	sbarrier.arrive $0xFFFF  }
0x2b1: {  	p0 =	sne.s32 s0, $0x0;
	s0 =	rddreg [dreg:$0x1]  }
0x2b2: {  	s0 =	sadd.s32 @!p0 $0x100000, s0  }
0x2b3: {  	[sflag:s0] =	ssyncadd.tile.s32 @!p0 $0x1;
	_ =	shalt  }
.Lfunc_end2:
_tile_overlayer_lowered:
.L_overlay_start_2:
0x2b4: {  	(tag) =	ssettag $0x2  }
0x2b5: {  	s0 =	rddreg [dreg:$0x0];
	s2 =	stileid.u32  }
0x2b6: {  	s1 =	rddreg [dreg:$0x1];
	p0 =	sne.s32 s2, $0x0  }
0x2b7: {  	s3 =	rddreg [dreg:$0x2];
	[bflag:$0x3] =	sbarrier.arrive $0xFFFF;
	s2 =	simm.s32 @!p0 $0x1C05  }
0x2b8: {  	[timem:s3], [sflag:s2] =	dma.local @!p0 [hbm:s0], s1  }
0x2b9: {  	s0 =	simm.s32 @!p0 $0x5  }
0x2ba: {  	_ =	swait.ge @!p0 [sflag:s0], s1  }
0x2bb: {  	s1 =	ssub.s32 @!p0 $0x0, s1;
	[sflag:s0] =	ssyncset.done @!p0 $0x0  }
0x2bc: {  	[sflag:s0] =	ssyncadd.s32 @!p0 s1  }
0x2bd: {  	[bflag:$0x3] =	sbarrier.arrive $0xFFFF  }
0x2be: {  	_ =	shalt  }

// kernel: kernel.19.cloned.1.call-start
scs
__scs_entry_jumppad:
0x0: {  	(pc) =	sbr.rel $0x88, $3  }
0x1: {  	(tag) =	ssettag $0x0;
	lr =	simm.s32 $0x1  }
0x2: {  	[smem:$0x3F99] =	sst lr;
	_ =	strace $0xD0000000  }
0x3: {  	_ = 	snop  }
0x4: {  	_ = 	snop  }
0x5: {  	_ = 	snop  }
0x6: {  	_ = 	snop  }
0x7: {  	_ = 	snop  }
__scs_overlays_trampoline_lowered:
0x8: {  	[smem:$0x3FA8] =	sst s0  }
0x9: {  	[smem:$0x3FA9] =	sst s1  }
0xa: {  	[smem:$0x3FAA] =	sst s2  }
0xb: {  	[smem:$0x3FAB] =	sst s3  }
0xc: {  	[smem:$0x3FAC] =	sst s4  }
0xd: {  	[smem:$0x3FAD] =	sst s5  }
0xe: {  	[smem:$0x3FAE] =	sst s6  }
0xf: {  	[smem:$0x3FAF] =	sst s7  }
0x10: {  	[smem:$0x3FB0] =	sst s8  }
0x11: {  	[smem:$0x3FB1] =	sst s9;
	s0 =	simm.s32 @!p0 $0x0  }
0x12: {  	s1 =	sld [smem:$0x3F97];
	s0 =	simm.s32 @p0 $0x1  }
0x13: {  	[smem:$0x3FB2] =	sst s0;
	s0 =	simm.s32 @!p1 $0x0  }
0x14: {  	s2 =	sld [smem:$0x3F96];
	s0 =	simm.s32 @p1 $0x1  }
0x15: {  	[smem:$0x3FB3] =	sst s0;
	s0 =	simm.s32 @!p2 $0x0  }
0x16: {  	s3 =	sld [smem:$0x3FDB];
	s0 =	simm.s32 @p2 $0x1  }
0x17: {  	s4 =	simm.s32 $0x1BF5;
	[smem:$0x3FB5] =	sst s0  }
0x18: {  	s0 =	sld [smem:$0x3F98];
	_ =	swait.ge [sflag:s4], $0x0  }
0x19: {  	s7 =	sld [smem:$0x3F99]  }
0x1a: {  	s8 =	sadd.s32 $0xFFFFE003, lr  }
0x1b: {  	s9 =	sadd.s32 $0xFFFFFEF7, lr;
	s5 =	simm.s32 $0xFFFFFFFF;
	p2 =	slt.u32 s8, $0xFFFFF086  }
0x1c: {  	p1 =	slt.u32 s9, $0xF7A;
	s5 =	simm.s32 @!p2 $0x0  }
0x1d: {  	s5 =	simm.s32 @p1 $0x1;
	p0 =	seq.s32 s7, s2  }
0x1e: {  	s7 =	smul.u32 @!p0 $0xF7A, s2;
	p2 =	seq.s32 @!p0 s5, $0x0  }
0x1f: {  	s9 =	smul.u32 $0xF7A, s1;
	s8 =	simm.s32 @!p0 $0x1BF5;
	p2 =	por !p2, p0  }
0x20: {  	[sflag:s8] =	ssyncset.s32 @!p0 $0xFFFFF086;
	s6 =	sadd.s32 @!p0 s3, s7;
	s7 =	simm.s32 @!p0 $0x108  }
0x21: {  	s3 =	sadd.s32 s3, s9;
	s6 =	sadd.s32 @!p0 $0x88, s6;
	s7 =	simm.s32 @p2 $0x1082  }
0x22: {  	[simem:s7], [sflag:s8] =	dma.local @!p0 [hbm:s6], $0xF7A  }
0x23: {  	s9 =	sor.u32 $0xD0000000, s2;
	s6 =	simm.s32 $0x108;
	_ =	swait.ge @!p0 [sflag:s8], $0x0  }
0x24: {  	s3 =	sadd.s32 $0x88, s3;
	s6 =	simm.s32 @!p1 $0x1082;
	[sflag:s4] =	ssyncset.s32 $0xFFFFF086  }
0x25: {  	[simem:s6], [sflag:s4] =	dma.local [hbm:s3], $0xF7A  }
0x26: {  	[smem:$0x3F99] =	sst s1;
	(tag) =	ssettag s2;
	_ =	strace s9  }
0x27: {  	s1 =	sld [smem:$0x3FA9]  }
0x28: {  	s2 =	sld [smem:$0x3FAA]  }
0x29: {  	s4 =	sld [smem:$0x3FAC]  }
0x2a: {  	p0 =	seq.s32 s5, $0x0;
	s5 =	sld [smem:$0x3FAD]  }
0x2b: {  	s6 =	sld [smem:$0x3FAE]  }
0x2c: {  	s7 =	sld [smem:$0x3FAF]  }
0x2d: {  	s3 =	simm.s32 $0x108;
	s8 =	sld [smem:$0x3FB0]  }
0x2e: {  	s3 =	simm.s32 @!p0 $0x1082;
	s9 =	sld [smem:$0x3FB1]  }
0x2f: {  	lr =	sadd.s32 s0, s3;
	s0 =	sld [smem:$0x3FA8]  }
0x30: {  	s3 =	sld [smem:$0x3FAB]  }
0x31: {  	[smem:$0x3FB4] =	sst s10  }
0x32: {  	s10 =	sld [smem:$0x3FB2];
	_ =	sdelay $0x3  }
0x33: {  	p0 =	seq.s32 s10, $0x1;
	s10 =	sld [smem:$0x3FB4];
	_ =	sdelay $0x3  }
0x34: {  	[smem:$0x3FB4] =	sst s10  }
0x35: {  	s10 =	sld [smem:$0x3FB3];
	_ =	sdelay $0x3  }
0x36: {  	p1 =	seq.s32 s10, $0x1;
	s10 =	sld [smem:$0x3FB4];
	_ =	sdelay $0x3  }
0x37: {  	[smem:$0x3FB4] =	sst s10  }
0x38: {  	s10 =	sld [smem:$0x3FB5]  }
0x39: {  	_ = 	snop;
	(pc) =	sbr.ind lr, $3  }
0x3a: {  	_ = 	snop  }
0x3b: {  	_ = 	snop  }
0x3c: {  	p2 =	seq.s32 s10, $0x1;
	s10 =	sld [smem:$0x3FB4]  }
0x3d: {  	_ =	shalt  }
0x3e: {  	_ =	shalt  }
0x3f: {  	_ =	shalt  }
0x40: {  	_ =	shalt  }
0x41: {  	_ =	shalt  }
0x42: {  	_ =	shalt  }
0x43: {  	_ =	shalt  }
0x44: {  	_ =	shalt  }
0x45: {  	_ =	shalt  }
0x46: {  	_ =	shalt  }
0x47: {  	_ =	shalt  }
0x48: {  	_ =	shalt  }
0x49: {  	_ =	shalt  }
0x4a: {  	_ =	shalt  }
0x4b: {  	_ =	shalt  }
0x4c: {  	_ =	shalt  }
0x4d: {  	_ =	shalt  }
0x4e: {  	_ =	shalt  }
0x4f: {  	_ =	shalt  }
0x50: {  	_ =	shalt  }
0x51: {  	_ =	shalt  }
0x52: {  	_ =	shalt  }
0x53: {  	_ =	shalt  }
0x54: {  	_ =	shalt  }
0x55: {  	_ =	shalt  }
0x56: {  	_ =	shalt  }
0x57: {  	_ =	shalt  }
0x58: {  	_ =	shalt  }
0x59: {  	_ =	shalt  }
0x5a: {  	_ =	shalt  }
0x5b: {  	_ =	shalt  }
0x5c: {  	_ =	shalt  }
0x5d: {  	_ =	shalt  }
0x5e: {  	_ =	shalt  }
0x5f: {  	_ =	shalt  }
0x60: {  	_ =	shalt  }
0x61: {  	_ =	shalt  }
0x62: {  	_ =	shalt  }
0x63: {  	_ =	shalt  }
0x64: {  	_ =	shalt  }
0x65: {  	_ =	shalt  }
0x66: {  	_ =	shalt  }
0x67: {  	_ =	shalt  }
0x68: {  	_ =	shalt  }
0x69: {  	_ =	shalt  }
0x6a: {  	_ =	shalt  }
0x6b: {  	_ =	shalt  }
0x6c: {  	_ =	shalt  }
0x6d: {  	_ =	shalt  }
0x6e: {  	_ =	shalt  }
0x6f: {  	_ =	shalt  }
0x70: {  	_ =	shalt  }
0x71: {  	_ =	shalt  }
0x72: {  	_ =	shalt  }
0x73: {  	_ =	shalt  }
0x74: {  	_ =	shalt  }
0x75: {  	_ =	shalt  }
0x76: {  	_ =	shalt  }
0x77: {  	_ =	shalt  }
0x78: {  	_ =	shalt  }
0x79: {  	_ =	shalt  }
0x7a: {  	_ =	shalt  }
0x7b: {  	_ =	shalt  }
0x7c: {  	_ =	shalt  }
0x7d: {  	_ =	shalt  }
0x7e: {  	_ =	shalt  }
0x7f: {  	_ =	shalt  }
0x80: {  	_ =	shalt  }
0x81: {  	_ =	shalt  }
0x82: {  	_ =	shalt  }
0x83: {  	_ =	shalt  }
0x84: {  	_ =	shalt  }
0x85: {  	_ =	shalt  }
0x86: {  	_ =	shalt  }
0x87: {  	_ =	shalt  }
.Lfunc_end0:
.L_simem_size_0:
called_computation.3_lowered:
.L_overlay_start_0:
0x88: {  	s2 =	sld [smem:$0x3FD9]  }
0x89: {  	s3 =	sld [smem:$0x3FFE];
	_ =	sdelay $0x1  }
0x8a: {  	s1 =	srdreg.scid  }
0x8b: {  	s0 =	sand.u32 $0x1, s1  }
0x8c: {  	s16 =	sshll.u32 s0, $0xA;
	s2 =	sadd.s32 s3, s2  }
0x8d: {  	s2 =	sadd.s32 s2, s16  }
0x8e: {  	[smem:$0x3FC0] =	sst s2  }
0x8f: {  	_ = 	snop  }
0x90: {  	(tm) =	ssettm $0x1  }
0x91: {  	s17 =	sld [smem:$0x3FFB];
	_ =	sdelay $0x3  }
0x92: {  	_ =	strace s17  }
0x93: {  	s2 =	sld [smem:$0x3FFC];
	_ =	sdelay $0x3  }
0x94: {  	_ =	strace s2  }
0x95: {  	s2 =	sld [smem:$0x3FFD];
	_ =	sdelay $0x3  }
0x96: {  	_ =	strace s2  }
0x97: {  	_ =	strace $0x8FFFFFFF  }
0x98: {  	s18 =	sld [smem:$0x3FDB];
	_ =	sdelay $0x1  }
0x99: {  	s19 =	simm.s32 $_scs_section_size  }
0x9a: {  	s4 =	simm.s32 $_size__tile_overlayer_lowered;
	s5 =	simm.s32 $_tile_overlayer_lowered  }
0x9b: {  	s22 =	simm.s32 $0x1BFF;
	s21 =	sshll.u32 s5, $0x1;
	s2 =	sadd.s32 s19, s18  }
0x9c: {  	s6 =	simm.s32 $0x0;
	s20 =	sshll.u32 s4, $0x1;
	s4 =	sadd.s32 s21, s2  }
0x9d: {  	[timem:s6], [sflag:s22] =	dma.local [hbm:s4], s20  }
0x9e: {  	_ =	swait.ge [sflag:s22], s20  }
0x9f: {  	s3 =	ssub.s32 $0x0, s20;
	[sflag:s22] =	ssyncset.done $0x0  }
0xa0: {  	[sflag:s22] =	ssyncadd.s32 s3;
	_ =	sdelay $0x1  }
0xa1: {  	s23 =	simm.s32 $0x1B8B  }
0xa2: {  	_ =	swait.ge [sflag:s23], $0x1  }
0xa3: {  	[sflag:s23] =	ssyncset.done $0x0  }
0xa4: {  	s25 =	simm.s32 $0x1B8E;
	s24 =	sld [smem:$0x3FFE];
	[sflag:s23] =	ssyncadd.s32 $0xFFFFFFFF  }
0xa5: {  	s26 =	simm.s32 $execute0_lowered;
	[smem:$0x3FD2] =	sst s25  }
0xa6: {  	s4 =	sshll.u32 s26, $0x1;
	_ =	strace $0x8000004F;
	[dreg:$0x1] =	wrdreg $0xFFFFFFFF  }
0xa7: {  	s28 =	simm.s32 $_size_execute0_lowered;
	s2 =	sadd.s32 s2, s4;
	[dreg:$0x0] =	wrdreg $0x0  }
0xa8: {  	s4 =	sshll.u32 s28, $0x1;
	[dreg:$0x2] =	wrdreg s2  }
0xa9: {  	[dreg:$0x3] =	wrdreg s4  }
0xaa: {  	[dreg:$0x4] =	wrdreg $0xC0  }
0xab: {  	_ =	task [dreg:s6], $0x5FFFF  }
0xac: {  	[dreg:$0x1] =	wrdreg $0xFFFFFFFF  }
0xad: {  	[dreg:$0x0] =	wrdreg $0x60  }
0xae: {  	[dreg:$0x2] =	wrdreg s24  }
0xaf: {  	[dreg:$0x3] =	wrdreg $0x9  }
0xb0: {  	_ =	task.clear_ibuf [dreg:s6], $0x4FFFF;
	_ =	strace $0x9000004F  }
0xb1: {  	s29 =	simm.s32 $0x9;
	_ =	strace $0x80000051  }
0xb2: {  	_ =	swait.ge [sflag:s29], $0x1  }
0xb3: {  	[sflag:s29] =	ssyncadd.s32 $0xFFFFFFFF  }
0xb4: {  	_ =	strace $0x90000051  }
0xb5: {  	_ =	sfence  }
0xb6: {  	s30 =	sld [smem:$0x0];
	_ =	sdelay $0x2  }
0xb7: {  	s31 =	sshll.u32 s1, $0xD;
	s1 =	sshrl.u32 s1, $0x2  }
0xb8: {  	s3 =	sand.u32 $0x4000, s31;
	s1 =	sadd.s32 s1, s30  }
0xb9: {  	s0 =	sor.u32 s3, s0;
	s1 =	sshll.u32 s1, $0x11  }
0xba: {  	s0 =	sor.u32 s1, s0  }
0xbb: {  	s0 =	sadd.s32 $0x8F2B, s0  }
0xbc: {  	[sflag:s0] =	ssyncadd.remote.s32 $0x1  }
0xbd: {  	_ =	sfence.sel $0xFFFF  }
0xbe: {  	[dreg:$0x0] =	wrdreg $0xFFFFFFFF;
	(pc) =	sbr.abs _section_cstart, $3  }
0xbf: {  	[dreg:$0x1] =	wrdreg $0xFFFFFFFF  }
0xc0: {  	_ =	task.clear_ibuf [dreg:s6], $0x2FFFF;
	_ =	strace $0x9FFFFFFF  }
0xc1: {  	(tm) =	ssettm $0x7FFFFFFF  }
tec
execute0_lowered:
.L_overlay_start_1:
0x0: {  	(tag) =	ssettag $0x1  }
0x1: {  	s0 =	srdreg.scid  }
0x2: {  	s9 =	stileid.u32;
	s4 =	rddreg [dreg:$0x0];
	s2 =	simm.s32 $0x0  }
0x3: {  	s28 =	simm.s32 $0xFC00;
	s29 =	simm.s32 $0x10400;
	s3 =	smul.u32 $0x1400, s9  }
0x4: {  	s30 =	simm.s32 $0x10C00;
	s31 =	simm.s32 $0x11400;
	s8 =	smul.u32 $0x28000, s9  }
0x5: {  	s0 =	sand.u32 $0x1, s0;
	[smem:$0x7FF] =	sst s2;
	s14 =	smul.u32 $0x5000, s9  }
0x6: {  	s10 =	simm.s32 $0x12400;
	s1 =	smul.u32 $0x14000, s0;
	_ =	strace $0x80000050  }
0x7: {  	s5 =	ssub.s32 $0x2, s0;
	s7 =	smul.u32 $0x2900, s0;
	p0 =	seq.s32 s0, $0x1  }
0x8: {  	s6 =	sshrl.u32 s5, $0x1;
	s1 =	sadd.s32 s3, s1;
	s3 =	sadd.s32 $0xC800, s4  }
0x9: {  	s5 =	ssub.s32 s5, s6;
	s1 =	sshrl.u32 s1, $0x3;
	s16 =	sadd.s32 s3, s14  }
0xa: {  	s5 =	smax.u32 s5, $0x1;
	s1 =	sadd.s32 s1, s4;
	[dreg:$0x4] =	wrdreg s16  }
0xb: {  	s15 =	sshrl.u32 s8, $0x3;
	[dreg:$0x6] =	wrdreg s5;
	s13 =	sadd.s32 $0x7800, s1  }
0xc: {  	s4 =	sadd.s32 $0x5C800, s4;
	s1 =	sadd.s32 $0x2800, s1;
	[dreg:$0x2] =	wrdreg s13  }
0xd: {  	s17 =	sadd.s32 s4, s14;
	s0 =	sadd.s32 s4, s15;
	[dreg:$0x3] =	wrdreg s1  }
0xe: {  	s11 =	simm.s32 $0x12C00;
	[dreg:$0x5] =	wrdreg s17;
	s18 =	sadd.s32 $0x52000, s0  }
0xf: {  	s12 =	simm.s32 $0x13400;
	s19 =	sadd.s32 $0x52800, s0;
	[dreg:$0x7] =	wrdreg s18  }
0x10: {  	s9 =	simm.s32 $0xB400;
	s20 =	sadd.s32 $0x53000, s0;
	[dreg:$0x8] =	wrdreg s19  }
0x11: {  	s6 =	simm.s32 $0x5;
	s21 =	sadd.s32 $0x53800, s0;
	[dreg:$0x9] =	wrdreg s20  }
0x12: {  	s16 =	simm.s32 $0x8400;
	s22 =	sadd.s32 $0x54000, s0;
	[dreg:$0xa] =	wrdreg s21  }
0x13: {  	s14 =	simm.s32 $0x7400;
	s23 =	sadd.s32 $0x54800, s0;
	[dreg:$0xb] =	wrdreg s22  }
0x14: {  	s15 =	simm.s32 $0x7C00;
	s24 =	sadd.s32 $0x55000, s0;
	[dreg:$0xc] =	wrdreg s23  }
0x15: {  	s25 =	sadd.s32 $0x55800, s0;
	s26 =	sadd.s32 $0x56000, s0;
	[dreg:$0xd] =	wrdreg s24  }
.Ltmp0:
0x16: {  	s0 =	sadd.s32 $0x56800, s0;
	[dreg:$0xe] =	wrdreg s25;
	(pc) =	sbr.rel .LBB2_1-.Ltmp0, $4  }
0x17: {  	s1 =	simm.s32 $0x0;
	s17 =	simm.s32 $0x8C00;
	[dreg:$0xf] =	wrdreg s26  }
0x18: {  	v4 =	vlaneseq.u32;
	v1 =	vimm.f32 $0.0e+00;
	[dreg:$0x10] =	wrdreg s0;
	s18 =	simm.s32 $0x9400;
	s19 =	simm.s32 $0x9C00  }
0x19: {  	vm0 =	vmmov $0xffff;
	v2 =	vand.u32 $0x7, v4;
	v3 =	vshrl.u32 v4, $0x3;
	s22 =	simm.s32 $0xBC00;
	s20 =	simm.s32 $0xC400;
	s23 =	simm.s32 $0xCC00  }
0x1a: {  	v4 =	vor.u32 $0x8, v4;
	v3 =	vmul.u32 $0x8, v3;
	v0 =	vmov s7;
	s24 =	simm.s32 $0xD400;
	s25 =	simm.s32 $0xDC00;
	s26 =	simm.s32 $0xE400  }
.LBB2_11:
0x1b: {  	s0 =	simm.s32 $0x4  }
0x1c: {  	_ =	swait.ge [sflag:s0], $0x8000  }
0x1d: {  	s1 =	rddreg [dreg:$0x11]  }
0x1e: {  	s5 =	rddreg [dreg:$0x6];
	s1 =	sadd.s32 $0x1, s1  }
0x1f: {  	p1 =	sne.s32 s1, s5  }
.Ltmp1:
0x20: {  	_ = 	snop;
	(pc) =	sbr.rel @!p1 .LBB2_12-.Ltmp1, $3  }
0x21: {  	_ =	sdelay $0x1  }
0x22: {  	[sflag:s0] =	ssyncset.done $0x0  }
0x23: {  	s6 =	simm.s32 $0x5;
	[sflag:s0] =	ssyncadd.s32 $0xFFFF8000  }
.LBB2_1:
0x24: {  	[dreg:$0x11] =	wrdreg s1  }
0x25: {  	s0 =	rddreg [dreg:$0x2]  }
0x26: {  	[tilespmem:s2], [sflag:$0x5] =	stream.linear.gather [hbm4b:s0+s2], $0x1400, $0x38;
	[tilespmem:$0x17C00] =	vst v63  }
0x27: {  	_ =	swait.ge [sflag:s6], $0x1400  }
0x28: {  	[sflag:s6] =	ssyncset.done $0x0  }
0x29: {  	s21 =	simm.s32 $0x1400;
	s13 =	rddreg [dreg:$0x3];
	[sflag:s6] =	ssyncadd.s32 $0xFFFFEC00  }
0x2a: {  	[tilespmem:s21], [sflag:$0x5] =	stream.linear.gather [hbm4b:s13+s2], $0x1400, $0x38;
	[tilespmem:$0x17C00] =	vst v63  }
0x2b: {  	_ =	swait.ge [sflag:s6], $0x1400  }
0x2c: {  	[sflag:s6] =	ssyncset.done $0x0  }
0x2d: {  	s1 =	simm.s32 $0x0;
	[sflag:s6] =	ssyncadd.s32 $0xFFFFEC00  }
0x2e: {  	v6 =	vld [tilespmem:s1+$0x1470]  }
0x2f: {  	v9 =	vld [tilespmem:s1+$0x1400]  }
0x30: {  	v10 =	vld [tilespmem:s1+$0x1410]  }
0x31: {  	v8 =	vld [tilespmem:s1+$0x1420]  }
0x32: {  	v7 =	vld [tilespmem:s1+$0x1430]  }
0x33: {  	v5 =	vld [tilespmem:s1+$0x1440];
	v11 =	vadd.s32 v0, v6  }
0x34: {  	v6 =	vld [tilespmem:s1+$0x1450];
	v9 =	vadd.s32 v0, v9;
	[tilespmem:s1+$0x2870] =	vst v11  }
0x35: {  	s0 =	simm.s32 $0x80;
	s21 =	simm.s32 $0x400;
	v10 =	vadd.s32 v0, v10;
	[tilespmem:s1+$0x2800] =	vst v9;
	v9 =	vld [tilespmem:s1+$0x1460]  }
.LBB2_2:
0x36: {  	p1 =	sne.s32 s21, $0x4E00;
	v11 =	vld [tilespmem:s0+$0x1470];
	[tilespmem:s1+$0x2810] =	vst v10;
	v8 =	vadd.s32 v0, v8  }
0x37: {  	v10 =	vld [tilespmem:s0+$0x1400];
	[tilespmem:s1+$0x2820] =	vst v8;
	v7 =	vadd.s32 v0, v7  }
0x38: {  	v12 =	vld [tilespmem:s0+$0x1410];
	[tilespmem:s1+$0x2830] =	vst v7;
	v5 =	vadd.s32 v0, v5  }
.Ltmp2:
0x39: {  	v8 =	vld [tilespmem:s0+$0x1420];
	[tilespmem:s1+$0x2840] =	vst v5;
	v5 =	vadd.s32 v0, v6;
	(pc) =	sbr.rel @p1 .LBB2_2-.Ltmp2, $4  }
0x3a: {  	v7 =	vld [tilespmem:s0+$0x1430];
	[tilespmem:s1+$0x2850] =	vst v5;
	v6 =	vadd.s32 v0, v9  }
0x3b: {  	v5 =	vld [tilespmem:s0+$0x1440];
	v9 =	vadd.s32 v0, v11;
	[tilespmem:s1+$0x2860] =	vst v6;
	s1 =	smov.u32 s0  }
0x3c: {  	v10 =	vadd.s32 v0, v10;
	v6 =	vld [tilespmem:s1+$0x1450];
	[tilespmem:s1+$0x2870] =	vst v9  }
0x3d: {  	s0 =	sshra.s32 s21, $0x2;
	s21 =	sadd.s32 $0x200, s21;
	[tilespmem:s1+$0x2800] =	vst v10;
	v10 =	vadd.s32 v0, v12;
	v9 =	vld [tilespmem:s1+$0x1460]  }
0x3e: {  	v11 =	vld [tilespmem:s0+$0x1470];
	[tilespmem:s1+$0x2810] =	vst v10;
	v8 =	vadd.s32 v0, v8  }
0x3f: {  	v10 =	vld [tilespmem:s0+$0x1400];
	[tilespmem:s1+$0x2820] =	vst v8;
	v7 =	vadd.s32 v0, v7  }
0x40: {  	v8 =	vld [tilespmem:s0+$0x1410];
	[tilespmem:s1+$0x2830] =	vst v7;
	v5 =	vadd.s32 v0, v5  }
0x41: {  	v7 =	vld [tilespmem:s0+$0x1420];
	[tilespmem:s1+$0x2840] =	vst v5;
	v5 =	vadd.s32 v0, v6  }
0x42: {  	v6 =	vld [tilespmem:s0+$0x1430];
	[tilespmem:s1+$0x2850] =	vst v5;
	v5 =	vadd.s32 v0, v9  }
0x43: {  	v61 =	vld [tilespmem:s0+$0x1440];
	[tilespmem:s1+$0x2860] =	vst v5;
	v5 =	vadd.s32 v0, v11  }
0x44: {  	v62 =	vld [tilespmem:s0+$0x1450];
	v10 =	vadd.s32 v0, v10;
	[tilespmem:s0+$0x2870] =	vst v5  }
0x45: {  	v63 =	vld [tilespmem:s0+$0x1460];
	[tilespmem:s0+$0x2800] =	vst v10;
	v5 =	vadd.s32 v0, v8  }
0x46: {  	[tilespmem:s0+$0x2810] =	vst v5;
	v5 =	vadd.s32 v0, v7  }
.Ltmp3:
0x47: {  	[tilespmem:s0+$0x2820] =	vst v5;
	v5 =	vadd.s32 v0, v6;
	(pc) =	sbr.rel @!p0 .LBB2_4-.Ltmp3, $4  }
0x48: {  	[tilespmem:s0+$0x2830] =	vst v5;
	v5 =	vadd.s32 v0, v61  }
0x49: {  	[tilespmem:s0+$0x2840] =	vst v5;
	v5 =	vadd.s32 v0, v62  }
0x4a: {  	[tilespmem:s0+$0x2850] =	vst v5;
	v5 =	vadd.s32 v0, v63  }
0x4b: {  	s1 =	simm.s32 $0x0;
	[tilespmem:s0+$0x2860] =	vst v5  }
0x4c: {  	s0 =	sand.u32 $0x3800, s1;
	s7 =	sand.u32 $0x380, s1  }
0x4d: {  	s7 =	sor.u32 s7, s0  }
0x4e: {  	s0 =	sadd.s32 $0x13C00, s7;
	[tilespmem:s7+$0x13C00] =	vst v1  }
0x4f: {  	[tilespmem:s0+$0x10] =	vst v1  }
0x50: {  	[tilespmem:s0+$0x20] =	vst v1  }
0x51: {  	[tilespmem:s0+$0x30] =	vst v1  }
0x52: {  	[tilespmem:s0+$0x40] =	vst v1  }
0x53: {  	[tilespmem:s0+$0x50] =	vst v1  }
0x54: {  	[tilespmem:s0+$0x60] =	vst v1  }
0x55: {  	[tilespmem:s0+$0x70] =	vst v1  }
0x56: {  	[tilespmem:s0+$0x400] =	vst v1  }
0x57: {  	[tilespmem:s0+$0x410] =	vst v1  }
0x58: {  	[tilespmem:s0+$0x420] =	vst v1  }
0x59: {  	[tilespmem:s0+$0x430] =	vst v1  }
0x5a: {  	[tilespmem:s0+$0x440] =	vst v1  }
0x5b: {  	s21 =	sadd.s32 $0x100, s1;
	s1 =	sadd.s32 $0x80, s1;
	[tilespmem:s0+$0x450] =	vst v1  }
0x5c: {  	s8 =	sand.u32 $0x380, s1;
	s7 =	sand.u32 $0x3800, s21;
	s21 =	sadd.s32 $0x100, s21;
	[tilespmem:s0+$0x460] =	vst v1  }
.LBB2_6:
0x5d: {  	p1 =	sne.s32 s21, $0x3F00;
	s7 =	sor.u32 s8, s7;
	[tilespmem:s0+$0x470] =	vst v1  }
0x5e: {  	s0 =	sadd.s32 $0x13C00, s7;
	[tilespmem:s7+$0x13C00] =	vst v1  }
0x5f: {  	[tilespmem:s0+$0x10] =	vst v1  }
0x60: {  	[tilespmem:s0+$0x20] =	vst v1  }
0x61: {  	[tilespmem:s0+$0x30] =	vst v1  }
0x62: {  	[tilespmem:s0+$0x40] =	vst v1  }
0x63: {  	[tilespmem:s0+$0x50] =	vst v1  }
0x64: {  	[tilespmem:s0+$0x60] =	vst v1  }
0x65: {  	[tilespmem:s0+$0x70] =	vst v1  }
0x66: {  	[tilespmem:s0+$0x400] =	vst v1  }
0x67: {  	[tilespmem:s0+$0x410] =	vst v1  }
.Ltmp4:
0x68: {  	[tilespmem:s0+$0x420] =	vst v1;
	(pc) =	sbr.rel @p1 .LBB2_6-.Ltmp4, $4  }
0x69: {  	[tilespmem:s0+$0x430] =	vst v1  }
0x6a: {  	[tilespmem:s0+$0x440] =	vst v1  }
0x6b: {  	s1 =	sadd.s32 $0x80, s1;
	[tilespmem:s0+$0x450] =	vst v1  }
0x6c: {  	s7 =	sand.u32 $0x3800, s21;
	s8 =	sand.u32 $0x380, s1;
	s21 =	sadd.s32 $0x100, s21;
	[tilespmem:s0+$0x460] =	vst v1  }
0x6d: {  	s1 =	sor.u32 s8, s7;
	[tilespmem:s0+$0x470] =	vst v1  }
0x6e: {  	s5 =	sadd.s32 $0x13C00, s1;
	[tilespmem:s1+$0x13C00] =	vst v1  }
0x6f: {  	[tilespmem:s5+$0x10] =	vst v1  }
0x70: {  	[tilespmem:s5+$0x20] =	vst v1  }
0x71: {  	[tilespmem:s5+$0x30] =	vst v1  }
0x72: {  	[tilespmem:s5+$0x40] =	vst v1  }
0x73: {  	[tilespmem:s5+$0x50] =	vst v1  }
0x74: {  	[tilespmem:s5+$0x60] =	vst v1  }
0x75: {  	[tilespmem:s5+$0x70] =	vst v1  }
0x76: {  	[tilespmem:s5+$0x400] =	vst v1  }
0x77: {  	[tilespmem:s5+$0x410] =	vst v1  }
0x78: {  	[tilespmem:s5+$0x420] =	vst v1  }
0x79: {  	[tilespmem:s5+$0x430] =	vst v1  }
0x7a: {  	[tilespmem:s5+$0x440] =	vst v1  }
0x7b: {  	[tilespmem:s5+$0x450] =	vst v1  }
0x7c: {  	[tilespmem:s5+$0x460] =	vst v1  }
0x7d: {  	s6 =	rddreg [dreg:$0x7];
	s1 =	simm.s32 $0x13C00;
	[tilespmem:s5+$0x470] =	vst v1;
	s5 =	simm.s32 $0x5  }
0x7e: {  	[hbm4b:s6+s2] =	stream.linear.scatter [tilespmem:s1], [sflag:$0x5], $0x4000, $0x38;
	[tilespmem:$0x17C00] =	vst v63  }
0x7f: {  	_ =	swait.ge [sflag:s5], $0x4000  }
0x80: {  	[sflag:s5] =	ssyncset.done $0x0  }
0x81: {  	s7 =	rddreg [dreg:$0x8];
	[sflag:s5] =	ssyncadd.s32 $0xFFFFC000  }
0x82: {  	[hbm4b:s7+s2] =	stream.linear.scatter [tilespmem:s1], [sflag:$0x5], $0x4000, $0x38;
	[tilespmem:$0x17C00] =	vst v63  }
0x83: {  	_ =	swait.ge [sflag:s5], $0x4000  }
0x84: {  	[sflag:s5] =	ssyncset.done $0x0  }
0x85: {  	s8 =	rddreg [dreg:$0x9];
	[sflag:s5] =	ssyncadd.s32 $0xFFFFC000  }
0x86: {  	[hbm4b:s8+s2] =	stream.linear.scatter [tilespmem:s1], [sflag:$0x5], $0x4000, $0x38;
	[tilespmem:$0x17C00] =	vst v63  }
0x87: {  	_ =	swait.ge [sflag:s5], $0x4000  }
0x88: {  	[sflag:s5] =	ssyncset.done $0x0  }
0x89: {  	s13 =	rddreg [dreg:$0xa];
	[sflag:s5] =	ssyncadd.s32 $0xFFFFC000  }
0x8a: {  	[hbm4b:s13+s2] =	stream.linear.scatter [tilespmem:s1], [sflag:$0x5], $0x4000, $0x38;
	[tilespmem:$0x17C00] =	vst v63  }
0x8b: {  	_ =	swait.ge [sflag:s5], $0x4000  }
0x8c: {  	[sflag:s5] =	ssyncset.done $0x0  }
0x8d: {  	s21 =	rddreg [dreg:$0xb];
	[sflag:s5] =	ssyncadd.s32 $0xFFFFC000  }
0x8e: {  	[hbm4b:s21+s2] =	stream.linear.scatter [tilespmem:s1], [sflag:$0x5], $0x4000, $0x38;
	[tilespmem:$0x17C00] =	vst v63  }
0x8f: {  	_ =	swait.ge [sflag:s5], $0x4000  }
0x90: {  	[sflag:s5] =	ssyncset.done $0x0  }
0x91: {  	s6 =	rddreg [dreg:$0xc];
	[sflag:s5] =	ssyncadd.s32 $0xFFFFC000  }
0x92: {  	[hbm4b:s6+s2] =	stream.linear.scatter [tilespmem:s1], [sflag:$0x5], $0x4000, $0x38;
	[tilespmem:$0x17C00] =	vst v63  }
0x93: {  	_ =	swait.ge [sflag:s5], $0x4000  }
0x94: {  	[sflag:s5] =	ssyncset.done $0x0  }
0x95: {  	s7 =	rddreg [dreg:$0xd];
	[sflag:s5] =	ssyncadd.s32 $0xFFFFC000  }
0x96: {  	[hbm4b:s7+s2] =	stream.linear.scatter [tilespmem:s1], [sflag:$0x5], $0x4000, $0x38;
	[tilespmem:$0x17C00] =	vst v63  }
0x97: {  	_ =	swait.ge [sflag:s5], $0x4000  }
0x98: {  	[sflag:s5] =	ssyncset.done $0x0  }
0x99: {  	s8 =	rddreg [dreg:$0xe];
	[sflag:s5] =	ssyncadd.s32 $0xFFFFC000  }
0x9a: {  	[hbm4b:s8+s2] =	stream.linear.scatter [tilespmem:s1], [sflag:$0x5], $0x4000, $0x38;
	[tilespmem:$0x17C00] =	vst v63  }
0x9b: {  	_ =	swait.ge [sflag:s5], $0x4000  }
0x9c: {  	[sflag:s5] =	ssyncset.done $0x0  }
0x9d: {  	s13 =	rddreg [dreg:$0xf];
	[sflag:s5] =	ssyncadd.s32 $0xFFFFC000  }
0x9e: {  	[hbm4b:s13+s2] =	stream.linear.scatter [tilespmem:s1], [sflag:$0x5], $0x4000, $0x38;
	[tilespmem:$0x17C00] =	vst v63  }
0x9f: {  	_ =	swait.ge [sflag:s5], $0x4000  }
0xa0: {  	[sflag:s5] =	ssyncset.done $0x0  }
.Ltmp5:
0xa1: {  	s21 =	rddreg [dreg:$0x10];
	[sflag:s5] =	ssyncadd.s32 $0xFFFFC000;
	(pc) =	sbr.rel .LBB2_8-.Ltmp5, $4  }
0xa2: {  	[hbm4b:s21+s2] =	stream.linear.scatter [tilespmem:s1], [sflag:$0x5], $0x4000, $0x38;
	[tilespmem:$0x17C00] =	vst v63  }
0xa3: {  	_ =	swait.ge [sflag:s5], $0x4000  }
0xa4: {  	[sflag:s5] =	ssyncset.done $0x0  }
0xa5: {  	[sflag:s5] =	ssyncadd.s32 $0xFFFFC000  }
.LBB2_4:
0xa6: {  	s0 =	stileid.u32  }
0xa7: {  	s1 =	rddreg [dreg:$0x4];
	s0 =	sshll.u32 s0, $0x6  }
0xa8: {  	s7 =	rddreg [dreg:$0x5];
	s21 =	simm.s32 $0x5;
	s0 =	sor.u32 $0x1C05, s0  }
0xa9: {  	[hbm:s7], [sflag:s0] =	dma.local [hbm:s1], $0x5000  }
0xaa: {  	_ =	swait.ge [sflag:s21], $0x5000  }
0xab: {  	[sflag:s21] =	ssyncset.done $0x0  }
0xac: {  	[sflag:s21] =	ssyncadd.s32 $0xFFFFB000  }
.LBB2_8:
0xad: {  	[bflag:$0x0] =	sbarrier.arrive $0xFFFF  }
0xae: {  	v5 =	vld [tilespmem:$0x0];
	_ =	sdelay $0x4  }
0xaf: {  	v6 =	vshll.u32 v5, $0x1  }
0xb0: {  	v5 =	vand.u32 $0x7, v5;
	v6 =	vand.u32 $0xFFFFFFF0, v6  }
0xb1: {  	v5 =	vor.u32 v5, v6  }
0xb2: {  	v6 =	vperm.xlane v5, v2;
	_ =	sdelay $0x1  }
0xb3: {  	v5 =	vperm.xlane v5, v4;
	v6 =	vadd.s32 v3, v6;
	_ =	sdelay $0x1  }
0xb4: {  	v5 =	vadd.s32 v3, v5;
	_ =	sdelay $0x1  }
0xb5: {  	s1 =	simm.s32 $0x0;
	s0 =	simm.s32 $0x3C00  }
0xb6: {  	[tilespmem:s0], [sflag:$0x1] =	stream.indirect_vreg.gather [hbm4b:s3+s1], $0x80, v6, vm0, $0xb8;
	[tilespmem:$0x17C00] =	vst v63  }
0xb7: {  	s5 =	simm.s32 $0x4400  }
0xb8: {  	[tilespmem:s5], [sflag:$0x1] =	stream.indirect_vreg.gather [hbm4b:s3+s1], $0x80, v5, vm0, $0xb8;
	[tilespmem:$0x17C00] =	vst v63  }
0xb9: {  	v5 =	vld [tilespmem:$0x10];
	_ =	sdelay $0x4  }
0xba: {  	v6 =	vshll.u32 v5, $0x1  }
0xbb: {  	v5 =	vand.u32 $0x7, v5;
	v6 =	vand.u32 $0xFFFFFFF0, v6  }
0xbc: {  	v5 =	vor.u32 v5, v6  }
0xbd: {  	v6 =	vperm.xlane v5, v2;
	_ =	sdelay $0x1  }
0xbe: {  	v5 =	vperm.xlane v5, v4;
	v6 =	vadd.s32 v3, v6;
	_ =	sdelay $0x1  }
0xbf: {  	v5 =	vadd.s32 v3, v5;
	_ =	sdelay $0x1  }
0xc0: {  	s6 =	simm.s32 $0x4C00  }
0xc1: {  	[tilespmem:s6], [sflag:$0x1] =	stream.indirect_vreg.gather [hbm4b:s3+s1], $0x80, v6, vm0, $0xb8;
	[tilespmem:$0x17C00] =	vst v63  }
0xc2: {  	s7 =	simm.s32 $0x5400  }
0xc3: {  	[tilespmem:s7], [sflag:$0x1] =	stream.indirect_vreg.gather [hbm4b:s3+s1], $0x80, v5, vm0, $0xb8;
	[tilespmem:$0x17C00] =	vst v63  }
0xc4: {  	v5 =	vld [tilespmem:$0x20];
	_ =	sdelay $0x4  }
0xc5: {  	v6 =	vshll.u32 v5, $0x1  }
0xc6: {  	v5 =	vand.u32 $0x7, v5;
	v6 =	vand.u32 $0xFFFFFFF0, v6  }
0xc7: {  	v5 =	vor.u32 v5, v6  }
0xc8: {  	v6 =	vperm.xlane v5, v2;
	_ =	sdelay $0x1  }
0xc9: {  	v5 =	vperm.xlane v5, v4;
	v6 =	vadd.s32 v3, v6;
	_ =	sdelay $0x1  }
0xca: {  	v5 =	vadd.s32 v3, v5;
	_ =	sdelay $0x1  }
0xcb: {  	s8 =	simm.s32 $0x5C00  }
0xcc: {  	[tilespmem:s8], [sflag:$0x1] =	stream.indirect_vreg.gather [hbm4b:s3+s1], $0x80, v6, vm0, $0xb8;
	[tilespmem:$0x17C00] =	vst v63  }
0xcd: {  	s13 =	simm.s32 $0x6400  }
0xce: {  	[tilespmem:s13], [sflag:$0x1] =	stream.indirect_vreg.gather [hbm4b:s3+s1], $0x80, v5, vm0, $0xb8;
	[tilespmem:$0x17C00] =	vst v63  }
0xcf: {  	v5 =	vld [tilespmem:$0x30];
	_ =	sdelay $0x4  }
0xd0: {  	v6 =	vshll.u32 v5, $0x1  }
0xd1: {  	v5 =	vand.u32 $0x7, v5;
	v6 =	vand.u32 $0xFFFFFFF0, v6  }
0xd2: {  	v5 =	vor.u32 v5, v6  }
0xd3: {  	v6 =	vperm.xlane v5, v2;
	_ =	sdelay $0x1  }
0xd4: {  	v5 =	vperm.xlane v5, v4;
	v6 =	vadd.s32 v3, v6;
	_ =	sdelay $0x1  }
0xd5: {  	v5 =	vadd.s32 v3, v5;
	_ =	sdelay $0x1  }
0xd6: {  	s21 =	simm.s32 $0x6C00  }
0xd7: {  	[tilespmem:s21], [sflag:$0x1] =	stream.indirect_vreg.gather [hbm4b:s3+s1], $0x80, v6, vm0, $0xb8;
	[tilespmem:$0x17C00] =	vst v63  }
0xd8: {  	_ = 	snop  }
0xd9: {  	[tilespmem:s14], [sflag:$0x1] =	stream.indirect_vreg.gather [hbm4b:s3+s1], $0x80, v5, vm0, $0xb8;
	[tilespmem:$0x17C00] =	vst v63  }
0xda: {  	v5 =	vld [tilespmem:$0x40];
	_ =	sdelay $0x4  }
0xdb: {  	v6 =	vshll.u32 v5, $0x1  }
0xdc: {  	v5 =	vand.u32 $0x7, v5;
	v6 =	vand.u32 $0xFFFFFFF0, v6  }
0xdd: {  	v5 =	vor.u32 v5, v6  }
0xde: {  	v6 =	vperm.xlane v5, v2;
	_ =	sdelay $0x1  }
0xdf: {  	v5 =	vperm.xlane v5, v4;
	v6 =	vadd.s32 v3, v6;
	_ =	sdelay $0x1  }
0xe0: {  	v5 =	vadd.s32 v3, v5;
	_ =	sdelay $0x2  }
0xe1: {  	[tilespmem:s15], [sflag:$0x1] =	stream.indirect_vreg.gather [hbm4b:s3+s1], $0x80, v6, vm0, $0xb8;
	[tilespmem:$0x17C00] =	vst v63  }
0xe2: {  	_ = 	snop  }
0xe3: {  	[tilespmem:s16], [sflag:$0x1] =	stream.indirect_vreg.gather [hbm4b:s3+s1], $0x80, v5, vm0, $0xb8;
	[tilespmem:$0x17C00] =	vst v63  }
0xe4: {  	v5 =	vld [tilespmem:$0x50];
	_ =	sdelay $0x4  }
0xe5: {  	v6 =	vshll.u32 v5, $0x1  }
0xe6: {  	v5 =	vand.u32 $0x7, v5;
	v6 =	vand.u32 $0xFFFFFFF0, v6  }
0xe7: {  	v5 =	vor.u32 v5, v6  }
0xe8: {  	v6 =	vperm.xlane v5, v2;
	_ =	sdelay $0x1  }
0xe9: {  	v5 =	vperm.xlane v5, v4;
	v6 =	vadd.s32 v3, v6;
	_ =	sdelay $0x1  }
0xea: {  	v5 =	vadd.s32 v3, v5;
	_ =	sdelay $0x2  }
0xeb: {  	[tilespmem:s17], [sflag:$0x1] =	stream.indirect_vreg.gather [hbm4b:s3+s1], $0x80, v6, vm0, $0xb8;
	[tilespmem:$0x17C00] =	vst v63  }
0xec: {  	_ = 	snop  }
0xed: {  	[tilespmem:s18], [sflag:$0x1] =	stream.indirect_vreg.gather [hbm4b:s3+s1], $0x80, v5, vm0, $0xb8;
	[tilespmem:$0x17C00] =	vst v63  }
0xee: {  	v5 =	vld [tilespmem:$0x60];
	_ =	sdelay $0x4  }
0xef: {  	v6 =	vshll.u32 v5, $0x1  }
0xf0: {  	v5 =	vand.u32 $0x7, v5;
	v6 =	vand.u32 $0xFFFFFFF0, v6  }
0xf1: {  	v5 =	vor.u32 v5, v6  }
0xf2: {  	v6 =	vperm.xlane v5, v2;
	_ =	sdelay $0x1  }
0xf3: {  	v5 =	vperm.xlane v5, v4;
	v6 =	vadd.s32 v3, v6;
	_ =	sdelay $0x1  }
0xf4: {  	v5 =	vadd.s32 v3, v5;
	_ =	sdelay $0x2  }
0xf5: {  	[tilespmem:s19], [sflag:$0x1] =	stream.indirect_vreg.gather [hbm4b:s3+s1], $0x80, v6, vm0, $0xb8;
	[tilespmem:$0x17C00] =	vst v63  }
0xf6: {  	s5 =	simm.s32 $0xA400  }
0xf7: {  	[tilespmem:s5], [sflag:$0x1] =	stream.indirect_vreg.gather [hbm4b:s3+s1], $0x80, v5, vm0, $0xb8;
	[tilespmem:$0x17C00] =	vst v63  }
0xf8: {  	v5 =	vld [tilespmem:$0x70];
	_ =	sdelay $0x4  }
0xf9: {  	v6 =	vshll.u32 v5, $0x1  }
0xfa: {  	v5 =	vand.u32 $0x7, v5;
	v6 =	vand.u32 $0xFFFFFFF0, v6  }
0xfb: {  	v5 =	vor.u32 v5, v6  }
0xfc: {  	v6 =	vperm.xlane v5, v2;
	_ =	sdelay $0x1  }
0xfd: {  	v5 =	vperm.xlane v5, v4;
	v6 =	vadd.s32 v3, v6;
	_ =	sdelay $0x1  }
0xfe: {  	v5 =	vadd.s32 v3, v5;
	_ =	sdelay $0x1  }
0xff: {  	s6 =	simm.s32 $0xAC00  }
0x100: {  	[tilespmem:s6], [sflag:$0x1] =	stream.indirect_vreg.gather [hbm4b:s3+s1], $0x80, v6, vm0, $0xb8;
	[tilespmem:$0x17C00] =	vst v63  }
0x101: {  	_ = 	snop  }
0x102: {  	[tilespmem:s9], [sflag:$0x1] =	stream.indirect_vreg.gather [hbm4b:s3+s1], $0x80, v5, vm0, $0xb8;
	[tilespmem:$0x17C00] =	vst v63  }
0x103: {  	v5 =	vld [tilespmem:$0x80];
	_ =	sdelay $0x4  }
0x104: {  	v6 =	vshll.u32 v5, $0x1  }
0x105: {  	v5 =	vand.u32 $0x7, v5;
	v6 =	vand.u32 $0xFFFFFFF0, v6  }
0x106: {  	v5 =	vor.u32 v5, v6  }
0x107: {  	v6 =	vperm.xlane v5, v2;
	_ =	sdelay $0x1  }
0x108: {  	v5 =	vperm.xlane v5, v4;
	v6 =	vadd.s32 v3, v6;
	_ =	sdelay $0x1  }
0x109: {  	v5 =	vadd.s32 v3, v5;
	_ =	sdelay $0x2  }
0x10a: {  	[tilespmem:s22], [sflag:$0x2] =	stream.indirect_vreg.gather [hbm4b:s3+s1], $0x80, v6, vm0, $0xb8;
	[tilespmem:$0x17C00] =	vst v63  }
0x10b: {  	_ = 	snop  }
0x10c: {  	[tilespmem:s20], [sflag:$0x2] =	stream.indirect_vreg.gather [hbm4b:s3+s1], $0x80, v5, vm0, $0xb8;
	[tilespmem:$0x17C00] =	vst v63  }
0x10d: {  	v5 =	vld [tilespmem:$0x90];
	_ =	sdelay $0x4  }
0x10e: {  	v6 =	vshll.u32 v5, $0x1  }
0x10f: {  	v5 =	vand.u32 $0x7, v5;
	v6 =	vand.u32 $0xFFFFFFF0, v6  }
0x110: {  	v5 =	vor.u32 v5, v6  }
0x111: {  	v6 =	vperm.xlane v5, v2;
	_ =	sdelay $0x1  }
0x112: {  	v5 =	vperm.xlane v5, v4;
	v6 =	vadd.s32 v3, v6;
	_ =	sdelay $0x1  }
0x113: {  	v5 =	vadd.s32 v3, v5;
	_ =	sdelay $0x2  }
0x114: {  	[tilespmem:s23], [sflag:$0x2] =	stream.indirect_vreg.gather [hbm4b:s3+s1], $0x80, v6, vm0, $0xb8;
	[tilespmem:$0x17C00] =	vst v63  }
0x115: {  	_ = 	snop  }
0x116: {  	[tilespmem:s24], [sflag:$0x2] =	stream.indirect_vreg.gather [hbm4b:s3+s1], $0x80, v5, vm0, $0xb8;
	[tilespmem:$0x17C00] =	vst v63  }
0x117: {  	v5 =	vld [tilespmem:$0xA0];
	_ =	sdelay $0x4  }
0x118: {  	v6 =	vshll.u32 v5, $0x1  }
0x119: {  	v5 =	vand.u32 $0x7, v5;
	v6 =	vand.u32 $0xFFFFFFF0, v6  }
0x11a: {  	v5 =	vor.u32 v5, v6  }
0x11b: {  	v6 =	vperm.xlane v5, v2;
	_ =	sdelay $0x1  }
0x11c: {  	v5 =	vperm.xlane v5, v4;
	v6 =	vadd.s32 v3, v6;
	_ =	sdelay $0x1  }
0x11d: {  	v5 =	vadd.s32 v3, v5;
	_ =	sdelay $0x2  }
0x11e: {  	[tilespmem:s25], [sflag:$0x2] =	stream.indirect_vreg.gather [hbm4b:s3+s1], $0x80, v6, vm0, $0xb8;
	[tilespmem:$0x17C00] =	vst v63  }
0x11f: {  	_ = 	snop  }
0x120: {  	[tilespmem:s26], [sflag:$0x2] =	stream.indirect_vreg.gather [hbm4b:s3+s1], $0x80, v5, vm0, $0xb8;
	[tilespmem:$0x17C00] =	vst v63  }
0x121: {  	v5 =	vld [tilespmem:$0xB0];
	_ =	sdelay $0x4  }
0x122: {  	v6 =	vshll.u32 v5, $0x1  }
0x123: {  	v5 =	vand.u32 $0x7, v5;
	v6 =	vand.u32 $0xFFFFFFF0, v6  }
0x124: {  	v5 =	vor.u32 v5, v6  }
0x125: {  	v6 =	vperm.xlane v5, v2;
	_ =	sdelay $0x1  }
0x126: {  	v5 =	vperm.xlane v5, v4;
	v6 =	vadd.s32 v3, v6;
	_ =	sdelay $0x1  }
0x127: {  	v5 =	vadd.s32 v3, v5;
	_ =	sdelay $0x1  }
0x128: {  	s7 =	simm.s32 $0xEC00  }
0x129: {  	[tilespmem:s7], [sflag:$0x2] =	stream.indirect_vreg.gather [hbm4b:s3+s1], $0x80, v6, vm0, $0xb8;
	[tilespmem:$0x17C00] =	vst v63  }
0x12a: {  	s8 =	simm.s32 $0xF400  }
0x12b: {  	[tilespmem:s8], [sflag:$0x2] =	stream.indirect_vreg.gather [hbm4b:s3+s1], $0x80, v5, vm0, $0xb8;
	[tilespmem:$0x17C00] =	vst v63  }
0x12c: {  	v5 =	vld [tilespmem:$0xC0];
	_ =	sdelay $0x4  }
0x12d: {  	v6 =	vshll.u32 v5, $0x1  }
0x12e: {  	v5 =	vand.u32 $0x7, v5;
	v6 =	vand.u32 $0xFFFFFFF0, v6  }
0x12f: {  	v5 =	vor.u32 v5, v6  }
0x130: {  	v6 =	vperm.xlane v5, v2;
	_ =	sdelay $0x1  }
0x131: {  	v5 =	vperm.xlane v5, v4;
	v6 =	vadd.s32 v3, v6;
	_ =	sdelay $0x1  }
0x132: {  	v5 =	vadd.s32 v3, v5;
	_ =	sdelay $0x2  }
0x133: {  	[tilespmem:s28], [sflag:$0x2] =	stream.indirect_vreg.gather [hbm4b:s3+s1], $0x80, v6, vm0, $0xb8;
	[tilespmem:$0x17C00] =	vst v63  }
0x134: {  	_ = 	snop  }
0x135: {  	[tilespmem:s29], [sflag:$0x2] =	stream.indirect_vreg.gather [hbm4b:s3+s1], $0x80, v5, vm0, $0xb8;
	[tilespmem:$0x17C00] =	vst v63  }
0x136: {  	v5 =	vld [tilespmem:$0xD0];
	_ =	sdelay $0x4  }
0x137: {  	v6 =	vshll.u32 v5, $0x1  }
0x138: {  	v5 =	vand.u32 $0x7, v5;
	v6 =	vand.u32 $0xFFFFFFF0, v6  }
0x139: {  	v5 =	vor.u32 v5, v6  }
0x13a: {  	v6 =	vperm.xlane v5, v2;
	_ =	sdelay $0x1  }
0x13b: {  	v5 =	vperm.xlane v5, v4;
	v6 =	vadd.s32 v3, v6;
	_ =	sdelay $0x1  }
0x13c: {  	v5 =	vadd.s32 v3, v5;
	_ =	sdelay $0x2  }
0x13d: {  	[tilespmem:s30], [sflag:$0x2] =	stream.indirect_vreg.gather [hbm4b:s3+s1], $0x80, v6, vm0, $0xb8;
	[tilespmem:$0x17C00] =	vst v63  }
0x13e: {  	_ = 	snop  }
0x13f: {  	[tilespmem:s31], [sflag:$0x2] =	stream.indirect_vreg.gather [hbm4b:s3+s1], $0x80, v5, vm0, $0xb8;
	[tilespmem:$0x17C00] =	vst v63  }
0x140: {  	v5 =	vld [tilespmem:$0xE0];
	_ =	sdelay $0x4  }
0x141: {  	v6 =	vshll.u32 v5, $0x1  }
0x142: {  	v5 =	vand.u32 $0x7, v5;
	v6 =	vand.u32 $0xFFFFFFF0, v6  }
0x143: {  	v5 =	vor.u32 v5, v6  }
0x144: {  	v6 =	vperm.xlane v5, v2;
	_ =	sdelay $0x1  }
0x145: {  	v5 =	vperm.xlane v5, v4;
	v6 =	vadd.s32 v3, v6;
	_ =	sdelay $0x1  }
0x146: {  	v5 =	vadd.s32 v3, v5;
	_ =	sdelay $0x1  }
0x147: {  	s21 =	simm.s32 $0x11C00  }
0x148: {  	[tilespmem:s21], [sflag:$0x2] =	stream.indirect_vreg.gather [hbm4b:s3+s1], $0x80, v6, vm0, $0xb8;
	[tilespmem:$0x17C00] =	vst v63  }
0x149: {  	_ = 	snop  }
0x14a: {  	[tilespmem:s10], [sflag:$0x2] =	stream.indirect_vreg.gather [hbm4b:s3+s1], $0x80, v5, vm0, $0xb8;
	[tilespmem:$0x17C00] =	vst v63  }
0x14b: {  	v5 =	vld [tilespmem:$0xF0];
	_ =	sdelay $0x4  }
0x14c: {  	v6 =	vshll.u32 v5, $0x1  }
0x14d: {  	v5 =	vand.u32 $0x7, v5;
	v6 =	vand.u32 $0xFFFFFFF0, v6  }
0x14e: {  	v5 =	vor.u32 v5, v6  }
0x14f: {  	v6 =	vperm.xlane v5, v2;
	_ =	sdelay $0x1  }
0x150: {  	v5 =	vperm.xlane v5, v4;
	v6 =	vadd.s32 v3, v6;
	_ =	sdelay $0x1  }
0x151: {  	v5 =	vadd.s32 v3, v5;
	_ =	sdelay $0x2  }
0x152: {  	[tilespmem:s11], [sflag:$0x2] =	stream.indirect_vreg.gather [hbm4b:s3+s1], $0x80, v6, vm0, $0xb8;
	[tilespmem:$0x17C00] =	vst v63  }
0x153: {  	_ = 	snop  }
0x154: {  	[tilespmem:s12], [sflag:$0x2] =	stream.indirect_vreg.gather [hbm4b:s3+s1], $0x80, v5, vm0, $0xb8;
	[tilespmem:$0x17C00] =	vst v63  }
.LBB2_9:
0x155: {  	s0 =	simm.s32 $0x1  }
0x156: {  	_ =	swait.ge [sflag:s0], $0x8000  }
0x157: {  	[sflag:s0] =	ssyncset.done $0x0  }
0x158: {  	[sflag:s0] =	ssyncadd.s32 $0xFFFF8000;
	s0 =	sshra.s32 s1, $0x2  }
0x159: {  	v5 =	vld [tilespmem:s0+$0x2800];
	_ =	sdelay $0x4  }
0x15a: {  	v6 =	vshll.u32 v5, $0x1  }
0x15b: {  	v5 =	vand.u32 $0x7, v5;
	v6 =	vand.u32 $0xFFFFFFF0, v6  }
0x15c: {  	v5 =	vor.u32 v5, v6  }
0x15d: {  	v6 =	vperm.xlane v5, v2;
	_ =	sdelay $0x1  }
0x15e: {  	v5 =	vperm.xlane v5, v4;
	v6 =	vadd.s32 v3, v6;
	_ =	sdelay $0x1  }
0x15f: {  	v5 =	vadd.s32 v3, v5;
	_ =	sdelay $0x1  }
0x160: {  	s13 =	simm.s32 $0x3C00  }
0x161: {  	[hbm4b:s4+s2] =	stream.indirect_vreg.scatter [tilespmem:s13], [sflag:$0x3], $0x80, v6, vm0, $0xb8;
	[tilespmem:$0x17C00] =	vst v63  }
0x162: {  	s13 =	simm.s32 $0x4400  }
0x163: {  	[hbm4b:s4+s2] =	stream.indirect_vreg.scatter [tilespmem:s13], [sflag:$0x3], $0x80, v5, vm0, $0xb8;
	[tilespmem:$0x17C00] =	vst v63  }
0x164: {  	v5 =	vld [tilespmem:s0+$0x2810];
	_ =	sdelay $0x4  }
0x165: {  	v6 =	vshll.u32 v5, $0x1  }
0x166: {  	v5 =	vand.u32 $0x7, v5;
	v6 =	vand.u32 $0xFFFFFFF0, v6  }
0x167: {  	v5 =	vor.u32 v5, v6  }
0x168: {  	v6 =	vperm.xlane v5, v2;
	_ =	sdelay $0x1  }
0x169: {  	v5 =	vperm.xlane v5, v4;
	v6 =	vadd.s32 v3, v6;
	_ =	sdelay $0x1  }
0x16a: {  	v5 =	vadd.s32 v3, v5;
	_ =	sdelay $0x1  }
0x16b: {  	s13 =	simm.s32 $0x4C00  }
0x16c: {  	[hbm4b:s4+s2] =	stream.indirect_vreg.scatter [tilespmem:s13], [sflag:$0x3], $0x80, v6, vm0, $0xb8;
	[tilespmem:$0x17C00] =	vst v63  }
0x16d: {  	s13 =	simm.s32 $0x5400  }
0x16e: {  	[hbm4b:s4+s2] =	stream.indirect_vreg.scatter [tilespmem:s13], [sflag:$0x3], $0x80, v5, vm0, $0xb8;
	[tilespmem:$0x17C00] =	vst v63  }
0x16f: {  	v5 =	vld [tilespmem:s0+$0x2820];
	_ =	sdelay $0x4  }
0x170: {  	v6 =	vshll.u32 v5, $0x1  }
0x171: {  	v5 =	vand.u32 $0x7, v5;
	v6 =	vand.u32 $0xFFFFFFF0, v6  }
0x172: {  	v5 =	vor.u32 v5, v6  }
0x173: {  	v6 =	vperm.xlane v5, v2;
	_ =	sdelay $0x1  }
0x174: {  	v5 =	vperm.xlane v5, v4;
	v6 =	vadd.s32 v3, v6;
	_ =	sdelay $0x1  }
0x175: {  	v5 =	vadd.s32 v3, v5;
	_ =	sdelay $0x1  }
0x176: {  	s13 =	simm.s32 $0x5C00  }
0x177: {  	[hbm4b:s4+s2] =	stream.indirect_vreg.scatter [tilespmem:s13], [sflag:$0x3], $0x80, v6, vm0, $0xb8;
	[tilespmem:$0x17C00] =	vst v63  }
0x178: {  	s13 =	simm.s32 $0x6400  }
0x179: {  	[hbm4b:s4+s2] =	stream.indirect_vreg.scatter [tilespmem:s13], [sflag:$0x3], $0x80, v5, vm0, $0xb8;
	[tilespmem:$0x17C00] =	vst v63  }
0x17a: {  	v5 =	vld [tilespmem:s0+$0x2830];
	_ =	sdelay $0x4  }
0x17b: {  	v6 =	vshll.u32 v5, $0x1  }
0x17c: {  	v5 =	vand.u32 $0x7, v5;
	v6 =	vand.u32 $0xFFFFFFF0, v6  }
0x17d: {  	v5 =	vor.u32 v5, v6  }
0x17e: {  	v6 =	vperm.xlane v5, v2;
	_ =	sdelay $0x1  }
0x17f: {  	v5 =	vperm.xlane v5, v4;
	v6 =	vadd.s32 v3, v6;
	_ =	sdelay $0x1  }
0x180: {  	v5 =	vadd.s32 v3, v5;
	_ =	sdelay $0x1  }
0x181: {  	s13 =	simm.s32 $0x6C00  }
0x182: {  	[hbm4b:s4+s2] =	stream.indirect_vreg.scatter [tilespmem:s13], [sflag:$0x3], $0x80, v6, vm0, $0xb8;
	[tilespmem:$0x17C00] =	vst v63  }
0x183: {  	_ = 	snop  }
0x184: {  	[hbm4b:s4+s2] =	stream.indirect_vreg.scatter [tilespmem:s14], [sflag:$0x3], $0x80, v5, vm0, $0xb8;
	[tilespmem:$0x17C00] =	vst v63  }
0x185: {  	v5 =	vld [tilespmem:s0+$0x2840];
	_ =	sdelay $0x4  }
0x186: {  	v6 =	vshll.u32 v5, $0x1  }
0x187: {  	v5 =	vand.u32 $0x7, v5;
	v6 =	vand.u32 $0xFFFFFFF0, v6  }
0x188: {  	v5 =	vor.u32 v5, v6  }
0x189: {  	v6 =	vperm.xlane v5, v2;
	_ =	sdelay $0x1  }
0x18a: {  	v5 =	vperm.xlane v5, v4;
	v6 =	vadd.s32 v3, v6;
	_ =	sdelay $0x1  }
0x18b: {  	v5 =	vadd.s32 v3, v5;
	_ =	sdelay $0x2  }
0x18c: {  	[hbm4b:s4+s2] =	stream.indirect_vreg.scatter [tilespmem:s15], [sflag:$0x3], $0x80, v6, vm0, $0xb8;
	[tilespmem:$0x17C00] =	vst v63  }
0x18d: {  	_ = 	snop  }
0x18e: {  	[hbm4b:s4+s2] =	stream.indirect_vreg.scatter [tilespmem:s16], [sflag:$0x3], $0x80, v5, vm0, $0xb8;
	[tilespmem:$0x17C00] =	vst v63  }
0x18f: {  	v5 =	vld [tilespmem:s0+$0x2850];
	_ =	sdelay $0x4  }
0x190: {  	v6 =	vshll.u32 v5, $0x1  }
0x191: {  	v5 =	vand.u32 $0x7, v5;
	v6 =	vand.u32 $0xFFFFFFF0, v6  }
0x192: {  	v5 =	vor.u32 v5, v6  }
0x193: {  	v6 =	vperm.xlane v5, v2;
	_ =	sdelay $0x1  }
0x194: {  	v5 =	vperm.xlane v5, v4;
	v6 =	vadd.s32 v3, v6;
	_ =	sdelay $0x1  }
0x195: {  	v5 =	vadd.s32 v3, v5;
	_ =	sdelay $0x2  }
0x196: {  	[hbm4b:s4+s2] =	stream.indirect_vreg.scatter [tilespmem:s17], [sflag:$0x3], $0x80, v6, vm0, $0xb8;
	[tilespmem:$0x17C00] =	vst v63  }
0x197: {  	_ = 	snop  }
0x198: {  	[hbm4b:s4+s2] =	stream.indirect_vreg.scatter [tilespmem:s18], [sflag:$0x3], $0x80, v5, vm0, $0xb8;
	[tilespmem:$0x17C00] =	vst v63  }
0x199: {  	v5 =	vld [tilespmem:s0+$0x2860];
	_ =	sdelay $0x4  }
0x19a: {  	v6 =	vshll.u32 v5, $0x1  }
0x19b: {  	v5 =	vand.u32 $0x7, v5;
	v6 =	vand.u32 $0xFFFFFFF0, v6  }
0x19c: {  	v5 =	vor.u32 v5, v6  }
0x19d: {  	v6 =	vperm.xlane v5, v2;
	_ =	sdelay $0x1  }
0x19e: {  	v5 =	vperm.xlane v5, v4;
	v6 =	vadd.s32 v3, v6;
	_ =	sdelay $0x1  }
0x19f: {  	v5 =	vadd.s32 v3, v5;
	_ =	sdelay $0x2  }
0x1a0: {  	[hbm4b:s4+s2] =	stream.indirect_vreg.scatter [tilespmem:s19], [sflag:$0x3], $0x80, v6, vm0, $0xb8;
	[tilespmem:$0x17C00] =	vst v63  }
0x1a1: {  	_ = 	snop  }
0x1a2: {  	[hbm4b:s4+s2] =	stream.indirect_vreg.scatter [tilespmem:s5], [sflag:$0x3], $0x80, v5, vm0, $0xb8;
	[tilespmem:$0x17C00] =	vst v63  }
0x1a3: {  	v5 =	vld [tilespmem:s0+$0x2870];
	_ =	sdelay $0x4  }
0x1a4: {  	v6 =	vshll.u32 v5, $0x1  }
0x1a5: {  	v5 =	vand.u32 $0x7, v5;
	v6 =	vand.u32 $0xFFFFFFF0, v6  }
0x1a6: {  	v5 =	vor.u32 v5, v6  }
0x1a7: {  	v6 =	vperm.xlane v5, v2;
	_ =	sdelay $0x1  }
0x1a8: {  	v5 =	vperm.xlane v5, v4;
	v6 =	vadd.s32 v3, v6;
	_ =	sdelay $0x1  }
0x1a9: {  	v5 =	vadd.s32 v3, v5;
	_ =	sdelay $0x2  }
0x1aa: {  	[hbm4b:s4+s2] =	stream.indirect_vreg.scatter [tilespmem:s6], [sflag:$0x3], $0x80, v6, vm0, $0xb8;
	[tilespmem:$0x17C00] =	vst v63  }
0x1ab: {  	s13 =	simm.s32 $0x2  }
0x1ac: {  	[hbm4b:s4+s2] =	stream.indirect_vreg.scatter [tilespmem:s9], [sflag:$0x3], $0x80, v5, vm0, $0xb8;
	[tilespmem:$0x17C00] =	vst v63  }
0x1ad: {  	_ =	swait.ge [sflag:s13], $0x8000  }
0x1ae: {  	[sflag:s13] =	ssyncset.done $0x0  }
0x1af: {  	[sflag:s13] =	ssyncadd.s32 $0xFFFF8000  }
0x1b0: {  	v5 =	vld [tilespmem:s0+$0x2880];
	_ =	sdelay $0x4  }
0x1b1: {  	v6 =	vshll.u32 v5, $0x1  }
0x1b2: {  	v5 =	vand.u32 $0x7, v5;
	v6 =	vand.u32 $0xFFFFFFF0, v6  }
0x1b3: {  	v5 =	vor.u32 v5, v6  }
0x1b4: {  	v6 =	vperm.xlane v5, v2;
	_ =	sdelay $0x1  }
0x1b5: {  	v5 =	vperm.xlane v5, v4;
	v6 =	vadd.s32 v3, v6;
	_ =	sdelay $0x1  }
0x1b6: {  	v5 =	vadd.s32 v3, v5;
	_ =	sdelay $0x2  }
0x1b7: {  	[hbm4b:s4+s2] =	stream.indirect_vreg.scatter [tilespmem:s22], [sflag:$0x4], $0x80, v6, vm0, $0xb8;
	[tilespmem:$0x17C00] =	vst v63  }
0x1b8: {  	_ = 	snop  }
0x1b9: {  	[hbm4b:s4+s2] =	stream.indirect_vreg.scatter [tilespmem:s20], [sflag:$0x4], $0x80, v5, vm0, $0xb8;
	[tilespmem:$0x17C00] =	vst v63  }
0x1ba: {  	v5 =	vld [tilespmem:s0+$0x2890];
	_ =	sdelay $0x4  }
0x1bb: {  	v6 =	vshll.u32 v5, $0x1  }
0x1bc: {  	v5 =	vand.u32 $0x7, v5;
	v6 =	vand.u32 $0xFFFFFFF0, v6  }
0x1bd: {  	v5 =	vor.u32 v5, v6  }
0x1be: {  	v6 =	vperm.xlane v5, v2;
	_ =	sdelay $0x1  }
0x1bf: {  	v5 =	vperm.xlane v5, v4;
	v6 =	vadd.s32 v3, v6;
	_ =	sdelay $0x1  }
0x1c0: {  	v5 =	vadd.s32 v3, v5;
	_ =	sdelay $0x2  }
0x1c1: {  	[hbm4b:s4+s2] =	stream.indirect_vreg.scatter [tilespmem:s23], [sflag:$0x4], $0x80, v6, vm0, $0xb8;
	[tilespmem:$0x17C00] =	vst v63  }
0x1c2: {  	_ = 	snop  }
0x1c3: {  	[hbm4b:s4+s2] =	stream.indirect_vreg.scatter [tilespmem:s24], [sflag:$0x4], $0x80, v5, vm0, $0xb8;
	[tilespmem:$0x17C00] =	vst v63  }
0x1c4: {  	v5 =	vld [tilespmem:s0+$0x28A0];
	_ =	sdelay $0x4  }
0x1c5: {  	v6 =	vshll.u32 v5, $0x1  }
0x1c6: {  	v5 =	vand.u32 $0x7, v5;
	v6 =	vand.u32 $0xFFFFFFF0, v6  }
0x1c7: {  	v5 =	vor.u32 v5, v6  }
0x1c8: {  	v6 =	vperm.xlane v5, v2;
	_ =	sdelay $0x1  }
0x1c9: {  	v5 =	vperm.xlane v5, v4;
	v6 =	vadd.s32 v3, v6;
	_ =	sdelay $0x1  }
0x1ca: {  	v5 =	vadd.s32 v3, v5;
	_ =	sdelay $0x2  }
0x1cb: {  	[hbm4b:s4+s2] =	stream.indirect_vreg.scatter [tilespmem:s25], [sflag:$0x4], $0x80, v6, vm0, $0xb8;
	[tilespmem:$0x17C00] =	vst v63  }
0x1cc: {  	_ = 	snop  }
0x1cd: {  	[hbm4b:s4+s2] =	stream.indirect_vreg.scatter [tilespmem:s26], [sflag:$0x4], $0x80, v5, vm0, $0xb8;
	[tilespmem:$0x17C00] =	vst v63  }
0x1ce: {  	v5 =	vld [tilespmem:s0+$0x28B0];
	_ =	sdelay $0x4  }
0x1cf: {  	v6 =	vshll.u32 v5, $0x1  }
0x1d0: {  	v5 =	vand.u32 $0x7, v5;
	v6 =	vand.u32 $0xFFFFFFF0, v6  }
0x1d1: {  	v5 =	vor.u32 v5, v6  }
0x1d2: {  	v6 =	vperm.xlane v5, v2;
	_ =	sdelay $0x1  }
0x1d3: {  	v5 =	vperm.xlane v5, v4;
	v6 =	vadd.s32 v3, v6;
	_ =	sdelay $0x1  }
0x1d4: {  	v5 =	vadd.s32 v3, v5;
	_ =	sdelay $0x2  }
0x1d5: {  	[hbm4b:s4+s2] =	stream.indirect_vreg.scatter [tilespmem:s7], [sflag:$0x4], $0x80, v6, vm0, $0xb8;
	[tilespmem:$0x17C00] =	vst v63  }
0x1d6: {  	_ = 	snop  }
0x1d7: {  	[hbm4b:s4+s2] =	stream.indirect_vreg.scatter [tilespmem:s8], [sflag:$0x4], $0x80, v5, vm0, $0xb8;
	[tilespmem:$0x17C00] =	vst v63  }
0x1d8: {  	v5 =	vld [tilespmem:s0+$0x28C0];
	_ =	sdelay $0x4  }
0x1d9: {  	v6 =	vshll.u32 v5, $0x1  }
0x1da: {  	v5 =	vand.u32 $0x7, v5;
	v6 =	vand.u32 $0xFFFFFFF0, v6  }
0x1db: {  	v5 =	vor.u32 v5, v6  }
0x1dc: {  	v6 =	vperm.xlane v5, v2;
	_ =	sdelay $0x1  }
0x1dd: {  	v5 =	vperm.xlane v5, v4;
	v6 =	vadd.s32 v3, v6;
	_ =	sdelay $0x1  }
0x1de: {  	v5 =	vadd.s32 v3, v5;
	_ =	sdelay $0x2  }
0x1df: {  	[hbm4b:s4+s2] =	stream.indirect_vreg.scatter [tilespmem:s28], [sflag:$0x4], $0x80, v6, vm0, $0xb8;
	[tilespmem:$0x17C00] =	vst v63  }
0x1e0: {  	_ = 	snop  }
0x1e1: {  	[hbm4b:s4+s2] =	stream.indirect_vreg.scatter [tilespmem:s29], [sflag:$0x4], $0x80, v5, vm0, $0xb8;
	[tilespmem:$0x17C00] =	vst v63  }
0x1e2: {  	v5 =	vld [tilespmem:s0+$0x28D0];
	_ =	sdelay $0x4  }
0x1e3: {  	v6 =	vshll.u32 v5, $0x1  }
0x1e4: {  	v5 =	vand.u32 $0x7, v5;
	v6 =	vand.u32 $0xFFFFFFF0, v6  }
0x1e5: {  	v5 =	vor.u32 v5, v6  }
0x1e6: {  	v6 =	vperm.xlane v5, v2;
	_ =	sdelay $0x1  }
0x1e7: {  	v5 =	vperm.xlane v5, v4;
	v6 =	vadd.s32 v3, v6;
	_ =	sdelay $0x1  }
0x1e8: {  	v5 =	vadd.s32 v3, v5;
	_ =	sdelay $0x2  }
0x1e9: {  	[hbm4b:s4+s2] =	stream.indirect_vreg.scatter [tilespmem:s30], [sflag:$0x4], $0x80, v6, vm0, $0xb8;
	[tilespmem:$0x17C00] =	vst v63  }
0x1ea: {  	_ = 	snop  }
0x1eb: {  	[hbm4b:s4+s2] =	stream.indirect_vreg.scatter [tilespmem:s31], [sflag:$0x4], $0x80, v5, vm0, $0xb8;
	[tilespmem:$0x17C00] =	vst v63  }
0x1ec: {  	v5 =	vld [tilespmem:s0+$0x28E0];
	_ =	sdelay $0x4  }
0x1ed: {  	v6 =	vshll.u32 v5, $0x1  }
0x1ee: {  	v5 =	vand.u32 $0x7, v5;
	v6 =	vand.u32 $0xFFFFFFF0, v6  }
0x1ef: {  	v5 =	vor.u32 v5, v6  }
0x1f0: {  	v6 =	vperm.xlane v5, v2;
	_ =	sdelay $0x1  }
0x1f1: {  	v5 =	vperm.xlane v5, v4;
	v6 =	vadd.s32 v3, v6;
	_ =	sdelay $0x1  }
0x1f2: {  	v5 =	vadd.s32 v3, v5;
	_ =	sdelay $0x2  }
0x1f3: {  	[hbm4b:s4+s2] =	stream.indirect_vreg.scatter [tilespmem:s21], [sflag:$0x4], $0x80, v6, vm0, $0xb8;
	[tilespmem:$0x17C00] =	vst v63  }
0x1f4: {  	_ = 	snop  }
0x1f5: {  	[hbm4b:s4+s2] =	stream.indirect_vreg.scatter [tilespmem:s10], [sflag:$0x4], $0x80, v5, vm0, $0xb8;
	[tilespmem:$0x17C00] =	vst v63  }
0x1f6: {  	v5 =	vld [tilespmem:s0+$0x28F0];
	_ =	sdelay $0x4  }
0x1f7: {  	v6 =	vshll.u32 v5, $0x1  }
0x1f8: {  	v5 =	vand.u32 $0x7, v5;
	v6 =	vand.u32 $0xFFFFFFF0, v6  }
0x1f9: {  	v5 =	vor.u32 v5, v6  }
0x1fa: {  	v6 =	vperm.xlane v5, v2;
	_ =	sdelay $0x1  }
0x1fb: {  	v5 =	vperm.xlane v5, v4;
	v6 =	vadd.s32 v3, v6;
	_ =	sdelay $0x1  }
0x1fc: {  	v5 =	vadd.s32 v3, v5;
	_ =	sdelay $0x1  }
0x1fd: {  	p1 =	seq.s32 s1, $0x4C00  }
0x1fe: {  	[hbm4b:s4+s2] =	stream.indirect_vreg.scatter [tilespmem:s11], [sflag:$0x4], $0x80, v6, vm0, $0xb8;
	[tilespmem:$0x17C00] =	vst v63  }
.Ltmp6:
0x1ff: {  	s13 =	simm.s32 $0x3;
	(pc) =	sbr.rel @p1 .LBB2_11-.Ltmp6, $4  }
0x200: {  	[hbm4b:s4+s2] =	stream.indirect_vreg.scatter [tilespmem:s12], [sflag:$0x4], $0x80, v5, vm0, $0xb8;
	[tilespmem:$0x17C00] =	vst v63  }
0x201: {  	_ =	swait.ge [sflag:s13], $0x8000  }
0x202: {  	[sflag:s13] =	ssyncset.done $0x0  }
0x203: {  	[sflag:s13] =	ssyncadd.s32 $0xFFFF8000  }
0x204: {  	v5 =	vld [tilespmem:s0+$0x100];
	_ =	sdelay $0x4  }
0x205: {  	v6 =	vshll.u32 v5, $0x1  }
0x206: {  	v5 =	vand.u32 $0x7, v5;
	v6 =	vand.u32 $0xFFFFFFF0, v6  }
0x207: {  	v5 =	vor.u32 v5, v6  }
0x208: {  	v6 =	vperm.xlane v5, v2;
	_ =	sdelay $0x1  }
0x209: {  	v5 =	vperm.xlane v5, v4;
	v6 =	vadd.s32 v3, v6;
	_ =	sdelay $0x1  }
0x20a: {  	v5 =	vadd.s32 v3, v5;
	_ =	sdelay $0x1  }
0x20b: {  	s13 =	simm.s32 $0x3C00  }
0x20c: {  	[tilespmem:s13], [sflag:$0x1] =	stream.indirect_vreg.gather [hbm4b:s3+s2], $0x80, v6, vm0, $0xb8;
	[tilespmem:$0x17C00] =	vst v63  }
0x20d: {  	s13 =	simm.s32 $0x4400  }
0x20e: {  	[tilespmem:s13], [sflag:$0x1] =	stream.indirect_vreg.gather [hbm4b:s3+s2], $0x80, v5, vm0, $0xb8;
	[tilespmem:$0x17C00] =	vst v63  }
0x20f: {  	v5 =	vld [tilespmem:s0+$0x110];
	_ =	sdelay $0x4  }
0x210: {  	v6 =	vshll.u32 v5, $0x1  }
0x211: {  	v5 =	vand.u32 $0x7, v5;
	v6 =	vand.u32 $0xFFFFFFF0, v6  }
0x212: {  	v5 =	vor.u32 v5, v6  }
0x213: {  	v6 =	vperm.xlane v5, v2;
	_ =	sdelay $0x1  }
0x214: {  	v5 =	vperm.xlane v5, v4;
	v6 =	vadd.s32 v3, v6;
	_ =	sdelay $0x1  }
0x215: {  	v5 =	vadd.s32 v3, v5;
	_ =	sdelay $0x1  }
0x216: {  	s13 =	simm.s32 $0x4C00  }
0x217: {  	[tilespmem:s13], [sflag:$0x1] =	stream.indirect_vreg.gather [hbm4b:s3+s2], $0x80, v6, vm0, $0xb8;
	[tilespmem:$0x17C00] =	vst v63  }
0x218: {  	s13 =	simm.s32 $0x5400  }
0x219: {  	[tilespmem:s13], [sflag:$0x1] =	stream.indirect_vreg.gather [hbm4b:s3+s2], $0x80, v5, vm0, $0xb8;
	[tilespmem:$0x17C00] =	vst v63  }
0x21a: {  	v5 =	vld [tilespmem:s0+$0x120];
	_ =	sdelay $0x4  }
0x21b: {  	v6 =	vshll.u32 v5, $0x1  }
0x21c: {  	v5 =	vand.u32 $0x7, v5;
	v6 =	vand.u32 $0xFFFFFFF0, v6  }
0x21d: {  	v5 =	vor.u32 v5, v6  }
0x21e: {  	v6 =	vperm.xlane v5, v2;
	_ =	sdelay $0x1  }
0x21f: {  	v5 =	vperm.xlane v5, v4;
	v6 =	vadd.s32 v3, v6;
	_ =	sdelay $0x1  }
0x220: {  	v5 =	vadd.s32 v3, v5;
	_ =	sdelay $0x1  }
0x221: {  	s13 =	simm.s32 $0x5C00  }
0x222: {  	[tilespmem:s13], [sflag:$0x1] =	stream.indirect_vreg.gather [hbm4b:s3+s2], $0x80, v6, vm0, $0xb8;
	[tilespmem:$0x17C00] =	vst v63  }
0x223: {  	s13 =	simm.s32 $0x6400  }
0x224: {  	[tilespmem:s13], [sflag:$0x1] =	stream.indirect_vreg.gather [hbm4b:s3+s2], $0x80, v5, vm0, $0xb8;
	[tilespmem:$0x17C00] =	vst v63  }
0x225: {  	v5 =	vld [tilespmem:s0+$0x130];
	_ =	sdelay $0x4  }
0x226: {  	v6 =	vshll.u32 v5, $0x1  }
0x227: {  	v5 =	vand.u32 $0x7, v5;
	v6 =	vand.u32 $0xFFFFFFF0, v6  }
0x228: {  	v5 =	vor.u32 v5, v6  }
0x229: {  	v6 =	vperm.xlane v5, v2;
	_ =	sdelay $0x1  }
0x22a: {  	v5 =	vperm.xlane v5, v4;
	v6 =	vadd.s32 v3, v6;
	_ =	sdelay $0x1  }
0x22b: {  	v5 =	vadd.s32 v3, v5;
	_ =	sdelay $0x1  }
0x22c: {  	s13 =	simm.s32 $0x6C00  }
0x22d: {  	[tilespmem:s13], [sflag:$0x1] =	stream.indirect_vreg.gather [hbm4b:s3+s2], $0x80, v6, vm0, $0xb8;
	[tilespmem:$0x17C00] =	vst v63  }
0x22e: {  	_ = 	snop  }
0x22f: {  	[tilespmem:s14], [sflag:$0x1] =	stream.indirect_vreg.gather [hbm4b:s3+s2], $0x80, v5, vm0, $0xb8;
	[tilespmem:$0x17C00] =	vst v63  }
0x230: {  	v5 =	vld [tilespmem:s0+$0x140];
	_ =	sdelay $0x4  }
0x231: {  	v6 =	vshll.u32 v5, $0x1  }
0x232: {  	v5 =	vand.u32 $0x7, v5;
	v6 =	vand.u32 $0xFFFFFFF0, v6  }
0x233: {  	v5 =	vor.u32 v5, v6  }
0x234: {  	v6 =	vperm.xlane v5, v2;
	_ =	sdelay $0x1  }
0x235: {  	v5 =	vperm.xlane v5, v4;
	v6 =	vadd.s32 v3, v6;
	_ =	sdelay $0x1  }
0x236: {  	v5 =	vadd.s32 v3, v5;
	_ =	sdelay $0x2  }
0x237: {  	[tilespmem:s15], [sflag:$0x1] =	stream.indirect_vreg.gather [hbm4b:s3+s2], $0x80, v6, vm0, $0xb8;
	[tilespmem:$0x17C00] =	vst v63  }
0x238: {  	_ = 	snop  }
0x239: {  	[tilespmem:s16], [sflag:$0x1] =	stream.indirect_vreg.gather [hbm4b:s3+s2], $0x80, v5, vm0, $0xb8;
	[tilespmem:$0x17C00] =	vst v63  }
0x23a: {  	v5 =	vld [tilespmem:s0+$0x150];
	_ =	sdelay $0x4  }
0x23b: {  	v6 =	vshll.u32 v5, $0x1  }
0x23c: {  	v5 =	vand.u32 $0x7, v5;
	v6 =	vand.u32 $0xFFFFFFF0, v6  }
0x23d: {  	v5 =	vor.u32 v5, v6  }
0x23e: {  	v6 =	vperm.xlane v5, v2;
	_ =	sdelay $0x1  }
0x23f: {  	v5 =	vperm.xlane v5, v4;
	v6 =	vadd.s32 v3, v6;
	_ =	sdelay $0x1  }
0x240: {  	v5 =	vadd.s32 v3, v5;
	_ =	sdelay $0x2  }
0x241: {  	[tilespmem:s17], [sflag:$0x1] =	stream.indirect_vreg.gather [hbm4b:s3+s2], $0x80, v6, vm0, $0xb8;
	[tilespmem:$0x17C00] =	vst v63  }
0x242: {  	_ = 	snop  }
0x243: {  	[tilespmem:s18], [sflag:$0x1] =	stream.indirect_vreg.gather [hbm4b:s3+s2], $0x80, v5, vm0, $0xb8;
	[tilespmem:$0x17C00] =	vst v63  }
0x244: {  	v5 =	vld [tilespmem:s0+$0x160];
	_ =	sdelay $0x4  }
0x245: {  	v6 =	vshll.u32 v5, $0x1  }
0x246: {  	v5 =	vand.u32 $0x7, v5;
	v6 =	vand.u32 $0xFFFFFFF0, v6  }
0x247: {  	v5 =	vor.u32 v5, v6  }
0x248: {  	v6 =	vperm.xlane v5, v2;
	_ =	sdelay $0x1  }
0x249: {  	v5 =	vperm.xlane v5, v4;
	v6 =	vadd.s32 v3, v6;
	_ =	sdelay $0x1  }
0x24a: {  	v5 =	vadd.s32 v3, v5;
	_ =	sdelay $0x2  }
0x24b: {  	[tilespmem:s19], [sflag:$0x1] =	stream.indirect_vreg.gather [hbm4b:s3+s2], $0x80, v6, vm0, $0xb8;
	[tilespmem:$0x17C00] =	vst v63  }
0x24c: {  	_ = 	snop  }
0x24d: {  	[tilespmem:s5], [sflag:$0x1] =	stream.indirect_vreg.gather [hbm4b:s3+s2], $0x80, v5, vm0, $0xb8;
	[tilespmem:$0x17C00] =	vst v63  }
0x24e: {  	v5 =	vld [tilespmem:s0+$0x170];
	_ =	sdelay $0x4  }
0x24f: {  	v6 =	vshll.u32 v5, $0x1  }
0x250: {  	v5 =	vand.u32 $0x7, v5;
	v6 =	vand.u32 $0xFFFFFFF0, v6  }
0x251: {  	v5 =	vor.u32 v5, v6  }
0x252: {  	v6 =	vperm.xlane v5, v2;
	_ =	sdelay $0x1  }
0x253: {  	v5 =	vperm.xlane v5, v4;
	v6 =	vadd.s32 v3, v6;
	_ =	sdelay $0x1  }
0x254: {  	v5 =	vadd.s32 v3, v5;
	_ =	sdelay $0x2  }
0x255: {  	[tilespmem:s6], [sflag:$0x1] =	stream.indirect_vreg.gather [hbm4b:s3+s2], $0x80, v6, vm0, $0xb8;
	[tilespmem:$0x17C00] =	vst v63  }
0x256: {  	s13 =	simm.s32 $0x4  }
0x257: {  	[tilespmem:s9], [sflag:$0x1] =	stream.indirect_vreg.gather [hbm4b:s3+s2], $0x80, v5, vm0, $0xb8;
	[tilespmem:$0x17C00] =	vst v63  }
0x258: {  	_ =	swait.ge [sflag:s13], $0x8000  }
0x259: {  	[sflag:s13] =	ssyncset.done $0x0  }
0x25a: {  	[sflag:s13] =	ssyncadd.s32 $0xFFFF8000  }
0x25b: {  	v5 =	vld [tilespmem:s0+$0x180];
	_ =	sdelay $0x4  }
0x25c: {  	v6 =	vshll.u32 v5, $0x1  }
0x25d: {  	v5 =	vand.u32 $0x7, v5;
	v6 =	vand.u32 $0xFFFFFFF0, v6  }
0x25e: {  	v5 =	vor.u32 v5, v6  }
0x25f: {  	v6 =	vperm.xlane v5, v2;
	_ =	sdelay $0x1  }
0x260: {  	v5 =	vperm.xlane v5, v4;
	v6 =	vadd.s32 v3, v6;
	_ =	sdelay $0x1  }
0x261: {  	v5 =	vadd.s32 v3, v5;
	_ =	sdelay $0x2  }
0x262: {  	[tilespmem:s22], [sflag:$0x2] =	stream.indirect_vreg.gather [hbm4b:s3+s2], $0x80, v6, vm0, $0xb8;
	[tilespmem:$0x17C00] =	vst v63  }
0x263: {  	_ = 	snop  }
0x264: {  	[tilespmem:s20], [sflag:$0x2] =	stream.indirect_vreg.gather [hbm4b:s3+s2], $0x80, v5, vm0, $0xb8;
	[tilespmem:$0x17C00] =	vst v63  }
0x265: {  	v5 =	vld [tilespmem:s0+$0x190];
	_ =	sdelay $0x4  }
0x266: {  	v6 =	vshll.u32 v5, $0x1  }
0x267: {  	v5 =	vand.u32 $0x7, v5;
	v6 =	vand.u32 $0xFFFFFFF0, v6  }
0x268: {  	v5 =	vor.u32 v5, v6  }
0x269: {  	v6 =	vperm.xlane v5, v2;
	_ =	sdelay $0x1  }
0x26a: {  	v5 =	vperm.xlane v5, v4;
	v6 =	vadd.s32 v3, v6;
	_ =	sdelay $0x1  }
0x26b: {  	v5 =	vadd.s32 v3, v5;
	_ =	sdelay $0x2  }
0x26c: {  	[tilespmem:s23], [sflag:$0x2] =	stream.indirect_vreg.gather [hbm4b:s3+s2], $0x80, v6, vm0, $0xb8;
	[tilespmem:$0x17C00] =	vst v63  }
0x26d: {  	_ = 	snop  }
0x26e: {  	[tilespmem:s24], [sflag:$0x2] =	stream.indirect_vreg.gather [hbm4b:s3+s2], $0x80, v5, vm0, $0xb8;
	[tilespmem:$0x17C00] =	vst v63  }
0x26f: {  	v5 =	vld [tilespmem:s0+$0x1A0];
	_ =	sdelay $0x4  }
0x270: {  	v6 =	vshll.u32 v5, $0x1  }
0x271: {  	v5 =	vand.u32 $0x7, v5;
	v6 =	vand.u32 $0xFFFFFFF0, v6  }
0x272: {  	v5 =	vor.u32 v5, v6  }
0x273: {  	v6 =	vperm.xlane v5, v2;
	_ =	sdelay $0x1  }
0x274: {  	v5 =	vperm.xlane v5, v4;
	v6 =	vadd.s32 v3, v6;
	_ =	sdelay $0x1  }
0x275: {  	v5 =	vadd.s32 v3, v5;
	_ =	sdelay $0x2  }
0x276: {  	[tilespmem:s25], [sflag:$0x2] =	stream.indirect_vreg.gather [hbm4b:s3+s2], $0x80, v6, vm0, $0xb8;
	[tilespmem:$0x17C00] =	vst v63  }
0x277: {  	_ = 	snop  }
0x278: {  	[tilespmem:s26], [sflag:$0x2] =	stream.indirect_vreg.gather [hbm4b:s3+s2], $0x80, v5, vm0, $0xb8;
	[tilespmem:$0x17C00] =	vst v63  }
0x279: {  	v5 =	vld [tilespmem:s0+$0x1B0];
	_ =	sdelay $0x4  }
0x27a: {  	v6 =	vshll.u32 v5, $0x1  }
0x27b: {  	v5 =	vand.u32 $0x7, v5;
	v6 =	vand.u32 $0xFFFFFFF0, v6  }
0x27c: {  	v5 =	vor.u32 v5, v6  }
0x27d: {  	v6 =	vperm.xlane v5, v2;
	_ =	sdelay $0x1  }
0x27e: {  	v5 =	vperm.xlane v5, v4;
	v6 =	vadd.s32 v3, v6;
	_ =	sdelay $0x1  }
0x27f: {  	v5 =	vadd.s32 v3, v5;
	_ =	sdelay $0x2  }
0x280: {  	[tilespmem:s7], [sflag:$0x2] =	stream.indirect_vreg.gather [hbm4b:s3+s2], $0x80, v6, vm0, $0xb8;
	[tilespmem:$0x17C00] =	vst v63  }
0x281: {  	_ = 	snop  }
0x282: {  	[tilespmem:s8], [sflag:$0x2] =	stream.indirect_vreg.gather [hbm4b:s3+s2], $0x80, v5, vm0, $0xb8;
	[tilespmem:$0x17C00] =	vst v63  }
0x283: {  	v5 =	vld [tilespmem:s0+$0x1C0];
	_ =	sdelay $0x4  }
0x284: {  	v6 =	vshll.u32 v5, $0x1  }
0x285: {  	v5 =	vand.u32 $0x7, v5;
	v6 =	vand.u32 $0xFFFFFFF0, v6  }
0x286: {  	v5 =	vor.u32 v5, v6  }
0x287: {  	v6 =	vperm.xlane v5, v2;
	_ =	sdelay $0x1  }
0x288: {  	v5 =	vperm.xlane v5, v4;
	v6 =	vadd.s32 v3, v6;
	_ =	sdelay $0x1  }
0x289: {  	v5 =	vadd.s32 v3, v5;
	_ =	sdelay $0x2  }
0x28a: {  	[tilespmem:s28], [sflag:$0x2] =	stream.indirect_vreg.gather [hbm4b:s3+s2], $0x80, v6, vm0, $0xb8;
	[tilespmem:$0x17C00] =	vst v63  }
0x28b: {  	_ = 	snop  }
0x28c: {  	[tilespmem:s29], [sflag:$0x2] =	stream.indirect_vreg.gather [hbm4b:s3+s2], $0x80, v5, vm0, $0xb8;
	[tilespmem:$0x17C00] =	vst v63  }
0x28d: {  	v5 =	vld [tilespmem:s0+$0x1D0];
	_ =	sdelay $0x4  }
0x28e: {  	v6 =	vshll.u32 v5, $0x1  }
0x28f: {  	v5 =	vand.u32 $0x7, v5;
	v6 =	vand.u32 $0xFFFFFFF0, v6  }
0x290: {  	v5 =	vor.u32 v5, v6  }
0x291: {  	v6 =	vperm.xlane v5, v2;
	_ =	sdelay $0x1  }
0x292: {  	v5 =	vperm.xlane v5, v4;
	v6 =	vadd.s32 v3, v6;
	_ =	sdelay $0x1  }
0x293: {  	v5 =	vadd.s32 v3, v5;
	_ =	sdelay $0x2  }
0x294: {  	[tilespmem:s30], [sflag:$0x2] =	stream.indirect_vreg.gather [hbm4b:s3+s2], $0x80, v6, vm0, $0xb8;
	[tilespmem:$0x17C00] =	vst v63  }
0x295: {  	_ = 	snop  }
0x296: {  	[tilespmem:s31], [sflag:$0x2] =	stream.indirect_vreg.gather [hbm4b:s3+s2], $0x80, v5, vm0, $0xb8;
	[tilespmem:$0x17C00] =	vst v63  }
0x297: {  	v5 =	vld [tilespmem:s0+$0x1E0];
	_ =	sdelay $0x4  }
0x298: {  	v6 =	vshll.u32 v5, $0x1  }
0x299: {  	v5 =	vand.u32 $0x7, v5;
	v6 =	vand.u32 $0xFFFFFFF0, v6  }
0x29a: {  	v5 =	vor.u32 v5, v6  }
0x29b: {  	v6 =	vperm.xlane v5, v2;
	_ =	sdelay $0x1  }
0x29c: {  	v5 =	vperm.xlane v5, v4;
	v6 =	vadd.s32 v3, v6;
	_ =	sdelay $0x1  }
0x29d: {  	v5 =	vadd.s32 v3, v5;
	_ =	sdelay $0x2  }
0x29e: {  	[tilespmem:s21], [sflag:$0x2] =	stream.indirect_vreg.gather [hbm4b:s3+s2], $0x80, v6, vm0, $0xb8;
	[tilespmem:$0x17C00] =	vst v63  }
0x29f: {  	_ = 	snop  }
0x2a0: {  	[tilespmem:s10], [sflag:$0x2] =	stream.indirect_vreg.gather [hbm4b:s3+s2], $0x80, v5, vm0, $0xb8;
	[tilespmem:$0x17C00] =	vst v63  }
0x2a1: {  	v5 =	vld [tilespmem:s0+$0x1F0];
	_ =	sdelay $0x4  }
0x2a2: {  	v6 =	vshll.u32 v5, $0x1  }
0x2a3: {  	v5 =	vand.u32 $0x7, v5;
	v6 =	vand.u32 $0xFFFFFFF0, v6  }
0x2a4: {  	v5 =	vor.u32 v5, v6  }
0x2a5: {  	v6 =	vperm.xlane v5, v2;
	_ =	sdelay $0x1  }
0x2a6: {  	v5 =	vperm.xlane v5, v4;
	v6 =	vadd.s32 v3, v6;
	_ =	sdelay $0x1  }
0x2a7: {  	v5 =	vadd.s32 v3, v5  }
.Ltmp7:
0x2a8: {  	_ = 	snop;
	(pc) =	sbr.rel .LBB2_9-.Ltmp7, $4  }
0x2a9: {  	_ = 	snop  }
0x2aa: {  	[tilespmem:s11], [sflag:$0x2] =	stream.indirect_vreg.gather [hbm4b:s3+s2], $0x80, v6, vm0, $0xb8;
	[tilespmem:$0x17C00] =	vst v63  }
0x2ab: {  	s1 =	sadd.s32 $0x400, s1  }
0x2ac: {  	[tilespmem:s12], [sflag:$0x2] =	stream.indirect_vreg.gather [hbm4b:s3+s2], $0x80, v5, vm0, $0xb8;
	[tilespmem:$0x17C00] =	vst v63  }
.LBB2_12:
0x2ad: {  	_ =	sfence.sel $0x180000  }
0x2ae: {  	[bflag:$0x0] =	sbarrier.arrive $0xFFFF  }
0x2af: {  	_ =	strace $0x90000050  }
0x2b0: {  	s0 =	stileid.u32;
	[bflag:$0x2] =	sbarrier.arrive $0xFFFF  }
0x2b1: {  	p0 =	sne.s32 s0, $0x0;
	s0 =	rddreg [dreg:$0x1]  }
0x2b2: {  	s0 =	sadd.s32 @!p0 $0x100000, s0  }
0x2b3: {  	[sflag:s0] =	ssyncadd.tile.s32 @!p0 $0x1;
	_ =	shalt  }
.Lfunc_end2:
_tile_overlayer_lowered:
.L_overlay_start_2:
0x2b4: {  	(tag) =	ssettag $0x2  }
0x2b5: {  	s0 =	rddreg [dreg:$0x0];
	s2 =	stileid.u32  }
0x2b6: {  	s1 =	rddreg [dreg:$0x1];
	p0 =	sne.s32 s2, $0x0  }
0x2b7: {  	s3 =	rddreg [dreg:$0x2];
	[bflag:$0x3] =	sbarrier.arrive $0xFFFF;
	s2 =	simm.s32 @!p0 $0x1C05  }
0x2b8: {  	[timem:s3], [sflag:s2] =	dma.local @!p0 [hbm:s0], s1  }
0x2b9: {  	s0 =	simm.s32 @!p0 $0x5  }
0x2ba: {  	_ =	swait.ge @!p0 [sflag:s0], s1  }
0x2bb: {  	s1 =	ssub.s32 @!p0 $0x0, s1;
	[sflag:s0] =	ssyncset.done @!p0 $0x0  }
0x2bc: {  	[sflag:s0] =	ssyncadd.s32 @!p0 s1  }
0x2bd: {  	[bflag:$0x3] =	sbarrier.arrive $0xFFFF  }
0x2be: {  	_ =	shalt  }

</sc_bundles>
